<compile_context>
chip_gen: v7x
topology: tpu7x:2x2x1
jax: 0.10.2.dev20260603
libtpu: 0.0.44.dev20260713+nightly
codegen_flags: <defaults>
</compile_context>

<pallas_src>
import jax
import jax.numpy as jnp
from jax import lax
from jax.experimental import pallas as pl
from jax.experimental.pallas import tpu as pltpu
from jax.experimental.pallas import tpu_sc as plsc

N = 10000
NC = 2
NS = 16
NW = NC * NS
CB = 128
NP = 10112
ZROWS = NP // NS
KG = 8
DEGW = 32


def _make_agg(K, D):
  mesh = plsc.VectorSubcoreMesh(core_axis_name="c", subcore_axis_name="s")
  out_type = [jax.ShapeDtypeStruct((NC, NP, D), jnp.float32)]
  scratch = [
      pltpu.VMEM((KG, CB), jnp.int32),
      pltpu.VMEM((KG, CB), jnp.int32),
      pltpu.VMEM((CB, D), jnp.float32),
      pltpu.VMEM((CB, D), jnp.float32),
      pltpu.VMEM_SHARED((NP, D), jnp.float32),
      pltpu.SemaphoreType.DMA,
      pltpu.SemaphoreType.DMA,
      pltpu.SemaphoreType.DMA,
      pltpu.SemaphoreType.DMA,
  ]

  def body(h_hbm, srcs_hbm, dsts_hbm, zeros_hbm, part_hbm,
           src_v, dst_v, rows_v, rows2_v, acc_sh, gsa, gsb, ssa, ssb):
    c = lax.axis_index("c")
    s = lax.axis_index("s")
    wid = c * NS + s

    zbase = s * ZROWS
    nfull, rem = ZROWS // CB, ZROWS % CB
    pltpu.sync_copy(zeros_hbm, rows_v)
    for i in range(nfull):
      pltpu.sync_copy(rows_v, acc_sh.at[pl.ds(zbase + i * CB, CB)])
    if rem:
      off = zbase + nfull * CB
      pltpu.sync_copy(rows_v.at[pl.ds(0, rem)], acc_sh.at[pl.ds(off, rem)])

    plsc.subcore_barrier()

    bufs = (rows_v, rows2_v)
    gsems = (gsa, gsb)
    ssems = (ssa, ssb)

    def group(g, _):
      pltpu.sync_copy(srcs_hbm.at[wid, pl.ds(g * KG, KG)], src_v)
      pltpu.sync_copy(dsts_hbm.at[wid, pl.ds(g * KG, KG)], dst_v)
      gd = [None] * KG
      sd = [None] * KG
      gd[0] = pltpu.make_async_copy(h_hbm.at[src_v.at[0]], bufs[0], gsems[0])
      gd[0].start()
      for j in range(KG):
        gd[j].wait()
        sd[j] = pltpu.make_async_copy(bufs[j % 2], acc_sh.at[dst_v.at[j]],
                                      ssems[j % 2])
        sd[j].start(add=True)
        if j + 1 < KG:
          if j >= 1:
            sd[j - 1].wait()
          nb = (j + 1) % 2
          gd[j + 1] = pltpu.make_async_copy(h_hbm.at[src_v.at[j + 1]],
                                            bufs[nb], gsems[nb])
          gd[j + 1].start()
      if KG >= 2:
        sd[KG - 2].wait()
      sd[KG - 1].wait()
      return 0
    lax.fori_loop(0, K // KG, group, 0)

    plsc.subcore_barrier()

    for i in range(nfull):
      off = zbase + i * CB
      pltpu.sync_copy(acc_sh.at[pl.ds(off, CB)], rows_v)
      pltpu.sync_copy(rows_v, part_hbm.at[c, pl.ds(off, CB)])
    if rem:
      off = zbase + nfull * CB
      pltpu.sync_copy(acc_sh.at[pl.ds(off, rem)], rows_v.at[pl.ds(0, rem)])
      pltpu.sync_copy(rows_v.at[pl.ds(0, rem)], part_hbm.at[c, pl.ds(off, rem)])

  return pl.kernel(body, out_type=out_type, mesh=mesh, scratch_types=scratch)


def _make_deg(K, D):
  mesh = plsc.VectorSubcoreMesh(core_axis_name="c", subcore_axis_name="s")
  out_type = [jax.ShapeDtypeStruct((NC, NP, D), jnp.float32)]
  scratch = [
      pltpu.VMEM((KG, CB), jnp.int32),
      pltpu.VMEM((CB, D), jnp.float32),
      pltpu.VMEM_SHARED((NP, D), jnp.float32),
      pltpu.SemaphoreType.DMA,
  ]

  def body(dsts_hbm, onez_hbm, deg_hbm, dst_v, rows_v, acc_sh, ssem):
    c = lax.axis_index("c")
    s = lax.axis_index("s")
    wid = c * NS + s

    zbase = s * ZROWS
    nfull, rem = ZROWS // CB, ZROWS % CB
    pltpu.sync_copy(onez_hbm.at[pl.ds(CB, CB)], rows_v)
    for i in range(nfull):
      pltpu.sync_copy(rows_v, acc_sh.at[pl.ds(zbase + i * CB, CB)])
    if rem:
      off = zbase + nfull * CB
      pltpu.sync_copy(rows_v.at[pl.ds(0, rem)], acc_sh.at[pl.ds(off, rem)])
    pltpu.sync_copy(onez_hbm.at[pl.ds(0, CB)], rows_v)

    plsc.subcore_barrier()

    def group(g, _):
      pltpu.sync_copy(dsts_hbm.at[wid, pl.ds(g * KG, KG)], dst_v)
      sd = []
      for j in range(KG):
        d = pltpu.make_async_copy(rows_v, acc_sh.at[dst_v.at[j]], ssem)
        d.start(add=True)
        sd.append(d)
      for d in sd:
        d.wait()
      return 0
    lax.fori_loop(0, K // KG, group, 0)

    plsc.subcore_barrier()

    for i in range(nfull):
      off = zbase + i * CB
      pltpu.sync_copy(acc_sh.at[pl.ds(off, CB)], rows_v)
      pltpu.sync_copy(rows_v, deg_hbm.at[c, pl.ds(off, CB)])
    if rem:
      off = zbase + nfull * CB
      pltpu.sync_copy(acc_sh.at[pl.ds(off, rem)], rows_v.at[pl.ds(0, rem)])
      pltpu.sync_copy(rows_v.at[pl.ds(0, rem)], deg_hbm.at[c, pl.ds(off, rem)])

  return pl.kernel(body, out_type=out_type, mesh=mesh, scratch_types=scratch)


def _tc_layer1(x, parts, degs, W_self, W_neigh, b):
  Nn, Din = x.shape
  Dout = W_self.shape[1]
  R = 400
  grid = (Nn // R,)

  def body(x_ref, p_ref, d_ref, ws_ref, wn_ref, b_ref, h_ref, dinv_ref):
    p = p_ref[0] + p_ref[1]
    deg = d_ref[0, :, 0:1] + d_ref[1, :, 0:1]
    dinv = 1.0 / jnp.maximum(deg, 1.0)
    mean = p * dinv
    h = (jnp.dot(x_ref[...], ws_ref[...], preferred_element_type=jnp.float32)
         + jnp.dot(mean, wn_ref[...], preferred_element_type=jnp.float32)
         + b_ref[...])
    h_ref[...] = jnp.maximum(h, 0.0)
    dinv_ref[...] = jnp.broadcast_to(dinv, (R, 8))

  return pl.pallas_call(
      body,
      grid=grid,
      in_specs=[
          pl.BlockSpec((R, Din), lambda i: (i, 0)),
          pl.BlockSpec((NC, R, Din), lambda i: (0, i, 0)),
          pl.BlockSpec((NC, R, DEGW), lambda i: (0, i, 0)),
          pl.BlockSpec((Din, Dout), lambda i: (0, 0)),
          pl.BlockSpec((Din, Dout), lambda i: (0, 0)),
          pl.BlockSpec((1, Dout), lambda i: (0, 0)),
      ],
      out_specs=[
          pl.BlockSpec((R, Dout), lambda i: (i, 0)),
          pl.BlockSpec((R, 8), lambda i: (i, 0)),
      ],
      out_shape=[
          jax.ShapeDtypeStruct((Nn, Dout), jnp.float32),
          jax.ShapeDtypeStruct((Nn, 8), jnp.float32),
      ],
  )(x, parts, degs, W_self, W_neigh, b.reshape(1, Dout))


def _tc_layer2(h, parts, dinv, W_self, W_neigh, b):
  Nn, Din = h.shape
  Dout = W_self.shape[1]
  R = 400
  grid = (Nn // R,)

  def body(h_ref, p_ref, d_ref, ws_ref, wn_ref, b_ref, o_ref):
    mean = (p_ref[0] + p_ref[1]) * d_ref[:, 0:1]
    o_ref[...] = (
        jnp.dot(h_ref[...], ws_ref[...], preferred_element_type=jnp.float32)
        + jnp.dot(mean, wn_ref[...], preferred_element_type=jnp.float32)
        + b_ref[...])

  return pl.pallas_call(
      body,
      grid=grid,
      in_specs=[
          pl.BlockSpec((R, Din), lambda i: (i, 0)),
          pl.BlockSpec((NC, R, Din), lambda i: (0, i, 0)),
          pl.BlockSpec((R, 8), lambda i: (i, 0)),
          pl.BlockSpec((Din, Dout), lambda i: (0, 0)),
          pl.BlockSpec((Din, Dout), lambda i: (0, 0)),
          pl.BlockSpec((1, Dout), lambda i: (0, 0)),
      ],
      out_specs=pl.BlockSpec((R, Dout), lambda i: (i, 0)),
      out_shape=jax.ShapeDtypeStruct((Nn, Dout), jnp.float32),
  )(h, parts, dinv, W_self, W_neigh, b.reshape(1, Dout))


def kernel(x, edge_index, W_self0, W_neigh0, b0, W_self1, W_neigh1, b1):
  src = edge_index[0]
  dst = edge_index[1]
  E = src.shape[0]
  K = -(-E // (NW * CB * KG)) * KG
  pad = NW * K * CB - E
  it = jnp.arange(pad, dtype=jnp.int32)
  src_p = jnp.concatenate([src, it % jnp.int32(x.shape[0])])
  dst_p = jnp.concatenate([dst, N + it % jnp.int32(NP - N)])
  srcs = src_p.reshape(NW, K, CB)
  dsts = dst_p.reshape(NW, K, CB)

  D = x.shape[1]
  zeros = jnp.zeros((CB, D), jnp.float32)
  onez = jnp.concatenate([jnp.ones((CB, DEGW), jnp.float32),
                          jnp.zeros((CB, DEGW), jnp.float32)])
  (degs,) = _make_deg(K, DEGW)(dsts, onez)
  (parts0,) = _make_agg(K, D)(x, srcs, dsts, zeros)
  h, dinv = _tc_layer1(x, parts0, degs, W_self0, W_neigh0, b0)
  (parts1,) = _make_agg(K, D)(h, srcs, dsts, zeros)
  out = _tc_layer2(h, parts1, dinv, W_self1, W_neigh1, b1)
  return out

# --- scband reference (transcript-rebuilt; emitter-appended) ---
"""Pipeline reference for scband-my-graph-sage-46222438039798 (READ-ONLY COPY).

The authoritative reference and input builder live on the scoring server;
editing this copy changes nothing except your own understanding.
"""

import jax, jax.numpy as jnp
import numpy as np

N = 10000
E = 320000
D_IN = 128
D_H = 128
D_OUT = 64


def setup_inputs(seed: int = 0) -> dict:
    key = jax.random.key(seed)
    ks = jax.random.split(key, 9)
    x = jax.random.normal(ks[0], (N, D_IN), dtype=jnp.float32)
    edge_index = jax.random.randint(ks[1], (2, E), 0, N, dtype=jnp.int32)
    W_self0 = jax.random.normal(ks[2], (D_IN, D_H), dtype=jnp.float32) * (1.0 / np.sqrt(D_IN))
    W_neigh0 = jax.random.normal(ks[3], (D_IN, D_H), dtype=jnp.float32) * (1.0 / np.sqrt(D_IN))
    b0 = jnp.zeros((D_H,), dtype=jnp.float32)
    W_self1 = jax.random.normal(ks[4], (D_H, D_OUT), dtype=jnp.float32) * (1.0 / np.sqrt(D_H))
    W_neigh1 = jax.random.normal(ks[5], (D_H, D_OUT), dtype=jnp.float32) * (1.0 / np.sqrt(D_H))
    b1 = jnp.zeros((D_OUT,), dtype=jnp.float32)
    return {"x": x, "edge_index": edge_index, "W_self0": W_self0, "W_neigh0": W_neigh0, "b0": b0, "W_self1": W_self1, "W_neigh1": W_neigh1, "b1": b1}


def _sage_layer(h, src, dst, W_self, W_neigh, b):
    # GraphSAGE mean aggregator: gather neighbor features along edges,
    # scatter-add into destination nodes, normalize by in-degree.
    msgs = h[src]  # gather [E, d]
    agg = jax.ops.segment_sum(msgs, dst, num_segments=N)
    deg = jax.ops.segment_sum(jnp.ones((src.shape[0],), dtype=h.dtype), dst, num_segments=N)
    mean = agg / jnp.clip(deg, 1.0)[:, None]
    return h @ W_self + mean @ W_neigh + b


def reference(x, edge_index, W_self0, W_neigh0, b0, W_self1, W_neigh1, b1):
    src = edge_index[0]
    dst = edge_index[1]
    h = _sage_layer(x, src, dst, W_self0, W_neigh0, b0)
    h = jax.nn.relu(h)
    # dropout is identity in eval mode
    out = _sage_layer(h, src, dst, W_self1, W_neigh1, b1)
    return out

if __name__ == "__main__":
    import jax
    _d = setup_inputs()
    print(jax.jit(kernel)(*tuple(_d.values())))

</pallas_src>

<mosaic_0001>
#map = affine_map<(d0, d1) -> (0, 0)>
#map1 = affine_map<(d0, d1) -> (0, 0, 0)>
module attributes {stable_mosaic.version = 14 : i64} {
  func.func @body(%arg0: i32, %arg1: i32, %arg2: memref<10000x128xf32, #tpu.memory_space<hbm>>, %arg3: memref<32x80x128xi32, #tpu.memory_space<hbm>>, %arg4: memref<32x80x128xi32, #tpu.memory_space<hbm>>, %arg5: memref<128x128xf32, #tpu.memory_space<hbm>>, %arg6: memref<2x10112x128xf32, #tpu.memory_space<hbm>>, %arg7: memref<8x128xi32, #tpu.memory_space<vmem>>, %arg8: memref<8x128xi32, #tpu.memory_space<vmem>>, %arg9: memref<128x128xf32, #tpu.memory_space<vmem>>, %arg10: memref<128x128xf32, #tpu.memory_space<vmem>>, %arg11: memref<10112x128xf32, #tpu.memory_space<vmem_shared>>, %arg12: memref<!tpu.dma_semaphore, #tpu.memory_space<semaphore_mem>>, %arg13: memref<!tpu.dma_semaphore, #tpu.memory_space<semaphore_mem>>, %arg14: memref<!tpu.dma_semaphore, #tpu.memory_space<semaphore_mem>>, %arg15: memref<!tpu.dma_semaphore, #tpu.memory_space<semaphore_mem>>) attributes {dimension_semantics = [#tpu.dimension_semantics<core_parallel>, #tpu.dimension_semantics<subcore_parallel>], iteration_bounds = array<i64: 2, 16>, scalar_prefetch = 0 : i64, scratch_operands = 9 : i64, tpu.core_type = #tpu.core_type<sc_vector_subcore>, window_params = [{transform_indices = #map}, {transform_indices = #map1}, {transform_indices = #map1}, {transform_indices = #map}, {transform_indices = #map1}]} {
    %mul3A = arith.constant 16 : i32
    %mul3A_0 = arith.muli %arg0, %mul3A : i32
    %add3A = arith.addi %mul3A_0, %arg1 : i32
    %mul3A_1 = arith.constant 632 : i32
    %mul3A_2 = arith.muli %arg1, %mul3A_1 : i32
    "tpu.region"() ({
      %run_scoped3A = tpu.sem_alloc : memref<!tpu.dma_semaphore, #tpu.memory_space<semaphore_mem>>
      tpu.enqueue_dma source(%arg5 : memref<128x128xf32, #tpu.memory_space<hbm>>) target(%arg9 : memref<128x128xf32, #tpu.memory_space<vmem>>) target_semaphore(%run_scoped3A : memref<!tpu.dma_semaphore, #tpu.memory_space<semaphore_mem>>)
      tpu.wait_dma2 semaphore(%run_scoped3A : memref<!tpu.dma_semaphore, #tpu.memory_space<semaphore_mem>>) src(%arg5 : memref<128x128xf32, #tpu.memory_space<hbm>>) dst(%arg9 : memref<128x128xf32, #tpu.memory_space<vmem>>)
      tpu.yield
    }) : () -> ()
    %add3A_3 = arith.constant 0 : i32
    %add3A_4 = arith.addi %mul3A_2, %add3A_3 : i32
    "tpu.region"() ({
      %run_scoped3A = tpu.sem_alloc : memref<!tpu.dma_semaphore, #tpu.memory_space<semaphore_mem>>
      %dma_start3A = arith.constant 0 : i32
      %dma_start3A_30 = tpu.memref_slice %arg11[%add3A_4, %dma_start3A] : memref<10112x128xf32, #tpu.memory_space<vmem_shared>> -> memref<128x128xf32, #tpu.memory_space<vmem_shared>>
      %dma_start3A_31 = arith.constant 0 : i32
      %dma_start3A_32 = tpu.memref_slice %arg11[%add3A_4, %dma_start3A_31] : memref<10112x128xf32, #tpu.memory_space<vmem_shared>> -> memref<128x128xf32, #tpu.memory_space<vmem_shared>>
      tpu.enqueue_dma source(%arg9 : memref<128x128xf32, #tpu.memory_space<vmem>>) target(%dma_start3A_32 : memref<128x128xf32, #tpu.memory_space<vmem_shared>>) target_semaphore(%run_scoped3A : memref<!tpu.dma_semaphore, #tpu.memory_space<semaphore_mem>>)
      %dma_wait3A = arith.constant 0 : i32
      %dma_wait3A_33 = tpu.memref_slice %arg11[%add3A_4, %dma_wait3A] : memref<10112x128xf32, #tpu.memory_space<vmem_shared>> -> memref<128x128xf32, #tpu.memory_space<vmem_shared>>
      %dma_wait3A_34 = arith.constant 0 : i32
      %dma_wait3A_35 = tpu.memref_slice %arg11[%add3A_4, %dma_wait3A_34] : memref<10112x128xf32, #tpu.memory_space<vmem_shared>> -> memref<128x128xf32, #tpu.memory_space<vmem_shared>>
      tpu.wait_dma2 semaphore(%run_scoped3A : memref<!tpu.dma_semaphore, #tpu.memory_space<semaphore_mem>>) src(%arg9 : memref<128x128xf32, #tpu.memory_space<vmem>>) dst(%dma_wait3A_35 : memref<128x128xf32, #tpu.memory_space<vmem_shared>>)
      tpu.yield
    }) : () -> ()
    %add3A_5 = arith.constant 128 : i32
    %add3A_6 = arith.addi %mul3A_2, %add3A_5 : i32
    "tpu.region"() ({
      %run_scoped3A = tpu.sem_alloc : memref<!tpu.dma_semaphore, #tpu.memory_space<semaphore_mem>>
      %dma_start3A = arith.constant 0 : i32
      %dma_start3A_30 = tpu.memref_slice %arg11[%add3A_6, %dma_start3A] : memref<10112x128xf32, #tpu.memory_space<vmem_shared>> -> memref<128x128xf32, #tpu.memory_space<vmem_shared>>
      %dma_start3A_31 = arith.constant 0 : i32
      %dma_start3A_32 = tpu.memref_slice %arg11[%add3A_6, %dma_start3A_31] : memref<10112x128xf32, #tpu.memory_space<vmem_shared>> -> memref<128x128xf32, #tpu.memory_space<vmem_shared>>
      tpu.enqueue_dma source(%arg9 : memref<128x128xf32, #tpu.memory_space<vmem>>) target(%dma_start3A_32 : memref<128x128xf32, #tpu.memory_space<vmem_shared>>) target_semaphore(%run_scoped3A : memref<!tpu.dma_semaphore, #tpu.memory_space<semaphore_mem>>)
      %dma_wait3A = arith.constant 0 : i32
      %dma_wait3A_33 = tpu.memref_slice %arg11[%add3A_6, %dma_wait3A] : memref<10112x128xf32, #tpu.memory_space<vmem_shared>> -> memref<128x128xf32, #tpu.memory_space<vmem_shared>>
      %dma_wait3A_34 = arith.constant 0 : i32
      %dma_wait3A_35 = tpu.memref_slice %arg11[%add3A_6, %dma_wait3A_34] : memref<10112x128xf32, #tpu.memory_space<vmem_shared>> -> memref<128x128xf32, #tpu.memory_space<vmem_shared>>
      tpu.wait_dma2 semaphore(%run_scoped3A : memref<!tpu.dma_semaphore, #tpu.memory_space<semaphore_mem>>) src(%arg9 : memref<128x128xf32, #tpu.memory_space<vmem>>) dst(%dma_wait3A_35 : memref<128x128xf32, #tpu.memory_space<vmem_shared>>)
      tpu.yield
    }) : () -> ()
    %add3A_7 = arith.constant 256 : i32
    %add3A_8 = arith.addi %mul3A_2, %add3A_7 : i32
    "tpu.region"() ({
      %run_scoped3A = tpu.sem_alloc : memref<!tpu.dma_semaphore, #tpu.memory_space<semaphore_mem>>
      %dma_start3A = arith.constant 0 : i32
      %dma_start3A_30 = tpu.memref_slice %arg11[%add3A_8, %dma_start3A] : memref<10112x128xf32, #tpu.memory_space<vmem_shared>> -> memref<128x128xf32, #tpu.memory_space<vmem_shared>>
      %dma_start3A_31 = arith.constant 0 : i32
      %dma_start3A_32 = tpu.memref_slice %arg11[%add3A_8, %dma_start3A_31] : memref<10112x128xf32, #tpu.memory_space<vmem_shared>> -> memref<128x128xf32, #tpu.memory_space<vmem_shared>>
      tpu.enqueue_dma source(%arg9 : memref<128x128xf32, #tpu.memory_space<vmem>>) target(%dma_start3A_32 : memref<128x128xf32, #tpu.memory_space<vmem_shared>>) target_semaphore(%run_scoped3A : memref<!tpu.dma_semaphore, #tpu.memory_space<semaphore_mem>>)
      %dma_wait3A = arith.constant 0 : i32
      %dma_wait3A_33 = tpu.memref_slice %arg11[%add3A_8, %dma_wait3A] : memref<10112x128xf32, #tpu.memory_space<vmem_shared>> -> memref<128x128xf32, #tpu.memory_space<vmem_shared>>
      %dma_wait3A_34 = arith.constant 0 : i32
      %dma_wait3A_35 = tpu.memref_slice %arg11[%add3A_8, %dma_wait3A_34] : memref<10112x128xf32, #tpu.memory_space<vmem_shared>> -> memref<128x128xf32, #tpu.memory_space<vmem_shared>>
      tpu.wait_dma2 semaphore(%run_scoped3A : memref<!tpu.dma_semaphore, #tpu.memory_space<semaphore_mem>>) src(%arg9 : memref<128x128xf32, #tpu.memory_space<vmem>>) dst(%dma_wait3A_35 : memref<128x128xf32, #tpu.memory_space<vmem_shared>>)
      tpu.yield
    }) : () -> ()
    %add3A_9 = arith.constant 384 : i32
    %add3A_10 = arith.addi %mul3A_2, %add3A_9 : i32
    "tpu.region"() ({
      %run_scoped3A = tpu.sem_alloc : memref<!tpu.dma_semaphore, #tpu.memory_space<semaphore_mem>>
      %dma_start3A = arith.constant 0 : i32
      %dma_start3A_30 = tpu.memref_slice %arg11[%add3A_10, %dma_start3A] : memref<10112x128xf32, #tpu.memory_space<vmem_shared>> -> memref<128x128xf32, #tpu.memory_space<vmem_shared>>
      %dma_start3A_31 = arith.constant 0 : i32
      %dma_start3A_32 = tpu.memref_slice %arg11[%add3A_10, %dma_start3A_31] : memref<10112x128xf32, #tpu.memory_space<vmem_shared>> -> memref<128x128xf32, #tpu.memory_space<vmem_shared>>
      tpu.enqueue_dma source(%arg9 : memref<128x128xf32, #tpu.memory_space<vmem>>) target(%dma_start3A_32 : memref<128x128xf32, #tpu.memory_space<vmem_shared>>) target_semaphore(%run_scoped3A : memref<!tpu.dma_semaphore, #tpu.memory_space<semaphore_mem>>)
      %dma_wait3A = arith.constant 0 : i32
      %dma_wait3A_33 = tpu.memref_slice %arg11[%add3A_10, %dma_wait3A] : memref<10112x128xf32, #tpu.memory_space<vmem_shared>> -> memref<128x128xf32, #tpu.memory_space<vmem_shared>>
      %dma_wait3A_34 = arith.constant 0 : i32
      %dma_wait3A_35 = tpu.memref_slice %arg11[%add3A_10, %dma_wait3A_34] : memref<10112x128xf32, #tpu.memory_space<vmem_shared>> -> memref<128x128xf32, #tpu.memory_space<vmem_shared>>
      tpu.wait_dma2 semaphore(%run_scoped3A : memref<!tpu.dma_semaphore, #tpu.memory_space<semaphore_mem>>) src(%arg9 : memref<128x128xf32, #tpu.memory_space<vmem>>) dst(%dma_wait3A_35 : memref<128x128xf32, #tpu.memory_space<vmem_shared>>)
      tpu.yield
    }) : () -> ()
    %add3A_11 = arith.constant 512 : i32
    %add3A_12 = arith.addi %mul3A_2, %add3A_11 : i32
    "tpu.region"() ({
      %run_scoped3A = tpu.sem_alloc : memref<!tpu.dma_semaphore, #tpu.memory_space<semaphore_mem>>
      %dma_start3A = arith.constant 0 : i32
      %dma_start3A_30 = arith.constant 0 : i32
      %dma_start3A_31 = tpu.memref_slice %arg9[%dma_start3A, %dma_start3A_30] : memref<128x128xf32, #tpu.memory_space<vmem>> -> memref<120x128xf32, #tpu.memory_space<vmem>>
      %dma_start3A_32 = arith.constant 0 : i32
      %dma_start3A_33 = tpu.memref_slice %arg11[%add3A_12, %dma_start3A_32] : memref<10112x128xf32, #tpu.memory_space<vmem_shared>> -> memref<120x128xf32, #tpu.memory_space<vmem_shared>>
      %dma_start3A_34 = arith.constant 0 : i32
      %dma_start3A_35 = tpu.memref_slice %arg11[%add3A_12, %dma_start3A_34] : memref<10112x128xf32, #tpu.memory_space<vmem_shared>> -> memref<120x128xf32, #tpu.memory_space<vmem_shared>>
      %dma_start3A_36 = arith.constant 0 : i32
      %dma_start3A_37 = arith.constant 0 : i32
      %dma_start3A_38 = tpu.memref_slice %arg9[%dma_start3A_36, %dma_start3A_37] : memref<128x128xf32, #tpu.memory_space<vmem>> -> memref<120x128xf32, #tpu.memory_space<vmem>>
      tpu.enqueue_dma source(%dma_start3A_38 : memref<120x128xf32, #tpu.memory_space<vmem>>) target(%dma_start3A_35 : memref<120x128xf32, #tpu.memory_space<vmem_shared>>) target_semaphore(%run_scoped3A : memref<!tpu.dma_semaphore, #tpu.memory_space<semaphore_mem>>)
      %dma_wait3A = arith.constant 0 : i32
      %dma_wait3A_39 = arith.constant 0 : i32
      %dma_wait3A_40 = tpu.memref_slice %arg9[%dma_wait3A, %dma_wait3A_39] : memref<128x128xf32, #tpu.memory_space<vmem>> -> memref<120x128xf32, #tpu.memory_space<vmem>>
      %dma_wait3A_41 = arith.constant 0 : i32
      %dma_wait3A_42 = tpu.memref_slice %arg11[%add3A_12, %dma_wait3A_41] : memref<10112x128xf32, #tpu.memory_space<vmem_shared>> -> memref<120x128xf32, #tpu.memory_space<vmem_shared>>
      %dma_wait3A_43 = arith.constant 0 : i32
      %dma_wait3A_44 = tpu.memref_slice %arg11[%add3A_12, %dma_wait3A_43] : memref<10112x128xf32, #tpu.memory_space<vmem_shared>> -> memref<120x128xf32, #tpu.memory_space<vmem_shared>>
      %dma_wait3A_45 = arith.constant 0 : i32
      %dma_wait3A_46 = arith.constant 0 : i32
      %dma_wait3A_47 = tpu.memref_slice %arg9[%dma_wait3A_45, %dma_wait3A_46] : memref<128x128xf32, #tpu.memory_space<vmem>> -> memref<120x128xf32, #tpu.memory_space<vmem>>
      tpu.wait_dma2 semaphore(%run_scoped3A : memref<!tpu.dma_semaphore, #tpu.memory_space<semaphore_mem>>) src(%dma_wait3A_47 : memref<120x128xf32, #tpu.memory_space<vmem>>) dst(%dma_wait3A_44 : memref<120x128xf32, #tpu.memory_space<vmem_shared>>)
      tpu.yield
    }) : () -> ()
    %barrier3A = arith.constant 0 : index
    tpu.barrier barrier_id(%barrier3A)
    %scan3A = arith.constant 0 : i32
    %scan3A_13 = arith.constant 0 : i32
    %scan3A_14 = arith.constant 10 : i32
    %scan3A_15 = arith.addi %scan3A_13, %scan3A_14 : i32
    %scan3A_16 = arith.constant 1 : i32
    %scan3A_17 = scf.for %scan3A_30 = %scan3A_13 to %scan3A_15 step %scan3A_16 iter_args(%scan3A_31 = %scan3A) -> (i32)  : i32 {
      %mul3A_32 = arith.constant 8 : i32
      %mul3A_33 = arith.muli %scan3A_30, %mul3A_32 : i32
      "tpu.region"() ({
        %run_scoped3A = tpu.sem_alloc : memref<!tpu.dma_semaphore, #tpu.memory_space<semaphore_mem>>
        %dma_start3A_259 = arith.constant 0 : i32
        %dma_start3A_260 = tpu.memref_slice %arg3[%add3A, %mul3A_33, %dma_start3A_259] : memref<32x80x128xi32, #tpu.memory_space<hbm>> -> memref<1x8x128xi32, #tpu.memory_space<hbm>>
        %dma_start3A_261 = tpu.memref_squeeze %dma_start3A_260 : memref<1x8x128xi32, #tpu.memory_space<hbm>> -> memref<8x128xi32, #tpu.memory_space<hbm>>
        %dma_start3A_262 = arith.constant 0 : i32
        %dma_start3A_263 = tpu.memref_slice %arg3[%add3A, %mul3A_33, %dma_start3A_262] : memref<32x80x128xi32, #tpu.memory_space<hbm>> -> memref<1x8x128xi32, #tpu.memory_space<hbm>>
        %dma_start3A_264 = tpu.memref_squeeze %dma_start3A_263 : memref<1x8x128xi32, #tpu.memory_space<hbm>> -> memref<8x128xi32, #tpu.memory_space<hbm>>
        tpu.enqueue_dma source(%dma_start3A_264 : memref<8x128xi32, #tpu.memory_space<hbm>>) target(%arg7 : memref<8x128xi32, #tpu.memory_space<vmem>>) target_semaphore(%run_scoped3A : memref<!tpu.dma_semaphore, #tpu.memory_space<semaphore_mem>>)
        %dma_wait3A_265 = arith.constant 0 : i32
        %dma_wait3A_266 = tpu.memref_slice %arg3[%add3A, %mul3A_33, %dma_wait3A_265] : memref<32x80x128xi32, #tpu.memory_space<hbm>> -> memref<1x8x128xi32, #tpu.memory_space<hbm>>
        %dma_wait3A_267 = tpu.memref_squeeze %dma_wait3A_266 : memref<1x8x128xi32, #tpu.memory_space<hbm>> -> memref<8x128xi32, #tpu.memory_space<hbm>>
        %dma_wait3A_268 = arith.constant 0 : i32
        %dma_wait3A_269 = tpu.memref_slice %arg3[%add3A, %mul3A_33, %dma_wait3A_268] : memref<32x80x128xi32, #tpu.memory_space<hbm>> -> memref<1x8x128xi32, #tpu.memory_space<hbm>>
        %dma_wait3A_270 = tpu.memref_squeeze %dma_wait3A_269 : memref<1x8x128xi32, #tpu.memory_space<hbm>> -> memref<8x128xi32, #tpu.memory_space<hbm>>
        tpu.wait_dma2 semaphore(%run_scoped3A : memref<!tpu.dma_semaphore, #tpu.memory_space<semaphore_mem>>) src(%dma_wait3A_270 : memref<8x128xi32, #tpu.memory_space<hbm>>) dst(%arg7 : memref<8x128xi32, #tpu.memory_space<vmem>>)
        tpu.yield
      }) : () -> ()
      %mul3A_34 = arith.constant 8 : i32
      %mul3A_35 = arith.muli %scan3A_30, %mul3A_34 : i32
      "tpu.region"() ({
        %run_scoped3A = tpu.sem_alloc : memref<!tpu.dma_semaphore, #tpu.memory_space<semaphore_mem>>
        %dma_start3A_259 = arith.constant 0 : i32
        %dma_start3A_260 = tpu.memref_slice %arg4[%add3A, %mul3A_35, %dma_start3A_259] : memref<32x80x128xi32, #tpu.memory_space<hbm>> -> memref<1x8x128xi32, #tpu.memory_space<hbm>>
        %dma_start3A_261 = tpu.memref_squeeze %dma_start3A_260 : memref<1x8x128xi32, #tpu.memory_space<hbm>> -> memref<8x128xi32, #tpu.memory_space<hbm>>
        %dma_start3A_262 = arith.constant 0 : i32
        %dma_start3A_263 = tpu.memref_slice %arg4[%add3A, %mul3A_35, %dma_start3A_262] : memref<32x80x128xi32, #tpu.memory_space<hbm>> -> memref<1x8x128xi32, #tpu.memory_space<hbm>>
        %dma_start3A_264 = tpu.memref_squeeze %dma_start3A_263 : memref<1x8x128xi32, #tpu.memory_space<hbm>> -> memref<8x128xi32, #tpu.memory_space<hbm>>
        tpu.enqueue_dma source(%dma_start3A_264 : memref<8x128xi32, #tpu.memory_space<hbm>>) target(%arg8 : memref<8x128xi32, #tpu.memory_space<vmem>>) target_semaphore(%run_scoped3A : memref<!tpu.dma_semaphore, #tpu.memory_space<semaphore_mem>>)
        %dma_wait3A_265 = arith.constant 0 : i32
        %dma_wait3A_266 = tpu.memref_slice %arg4[%add3A, %mul3A_35, %dma_wait3A_265] : memref<32x80x128xi32, #tpu.memory_space<hbm>> -> memref<1x8x128xi32, #tpu.memory_space<hbm>>
        %dma_wait3A_267 = tpu.memref_squeeze %dma_wait3A_266 : memref<1x8x128xi32, #tpu.memory_space<hbm>> -> memref<8x128xi32, #tpu.memory_space<hbm>>
        %dma_wait3A_268 = arith.constant 0 : i32
        %dma_wait3A_269 = tpu.memref_slice %arg4[%add3A, %mul3A_35, %dma_wait3A_268] : memref<32x80x128xi32, #tpu.memory_space<hbm>> -> memref<1x8x128xi32, #tpu.memory_space<hbm>>
        %dma_wait3A_270 = tpu.memref_squeeze %dma_wait3A_269 : memref<1x8x128xi32, #tpu.memory_space<hbm>> -> memref<8x128xi32, #tpu.memory_space<hbm>>
        tpu.wait_dma2 semaphore(%run_scoped3A : memref<!tpu.dma_semaphore, #tpu.memory_space<semaphore_mem>>) src(%dma_wait3A_270 : memref<8x128xi32, #tpu.memory_space<hbm>>) dst(%arg8 : memref<8x128xi32, #tpu.memory_space<vmem>>)
        tpu.yield
      }) : () -> ()
      %dma_start3A = arith.constant 0 : i32
      %dma_start3A_36 = arith.constant 0 : i32
      %dma_start3A_37 = tpu.memref_slice %arg7[%dma_start3A, %dma_start3A_36] : memref<8x128xi32, #tpu.memory_space<vmem>> -> memref<1x128xi32, #tpu.memory_space<vmem>>
      %dma_start3A_38 = tpu.memref_squeeze %dma_start3A_37 : memref<1x128xi32, #tpu.memory_space<vmem>> -> memref<128xi32, #tpu.memory_space<vmem>>
      %dma_start3A_39 = arith.constant 0 : i32
      %dma_start3A_40 = arith.constant 0 : i32
      %dma_start3A_41 = tpu.memref_slice %arg2[%dma_start3A_39, %dma_start3A_40] : memref<10000x128xf32, #tpu.memory_space<hbm>> -> memref<10000x128xf32, #tpu.memory_space<hbm>>
      tpu.enqueue_indirect_dma source(%dma_start3A_41 : memref<10000x128xf32, #tpu.memory_space<hbm>>) target(%arg9 : memref<128x128xf32, #tpu.memory_space<vmem>>) offsets(%dma_start3A_38 : memref<128xi32, #tpu.memory_space<vmem>>) semaphore(%arg12 : memref<!tpu.dma_semaphore, #tpu.memory_space<semaphore_mem>>)
      %dma_wait3A = arith.constant 0 : i32
      %dma_wait3A_42 = arith.constant 0 : i32
      %dma_wait3A_43 = tpu.memref_slice %arg7[%dma_wait3A, %dma_wait3A_42] : memref<8x128xi32, #tpu.memory_space<vmem>> -> memref<1x128xi32, #tpu.memory_space<vmem>>
      %dma_wait3A_44 = tpu.memref_squeeze %dma_wait3A_43 : memref<1x128xi32, #tpu.memory_space<vmem>> -> memref<128xi32, #tpu.memory_space<vmem>>
      %dma_wait3A_45 = arith.constant 0 : i32
      %dma_wait3A_46 = arith.constant 0 : i32
      %dma_wait3A_47 = tpu.memref_slice %arg2[%dma_wait3A_45, %dma_wait3A_46] : memref<10000x128xf32, #tpu.memory_space<hbm>> -> memref<10000x128xf32, #tpu.memory_space<hbm>>
      tpu.wait_indirect_dma semaphore(%arg12 : memref<!tpu.dma_semaphore, #tpu.memory_space<semaphore_mem>>) src(%dma_wait3A_47 : memref<10000x128xf32, #tpu.memory_space<hbm>>) dst(%arg9 : memref<128x128xf32, #tpu.memory_space<vmem>>)
      %dma_start3A_48 = arith.constant 0 : i32
      %dma_start3A_49 = arith.constant 0 : i32
      %dma_start3A_50 = tpu.memref_slice %arg8[%dma_start3A_48, %dma_start3A_49] : memref<8x128xi32, #tpu.memory_space<vmem>> -> memref<1x128xi32, #tpu.memory_space<vmem>>
      %dma_start3A_51 = tpu.memref_squeeze %dma_start3A_50 : memref<1x128xi32, #tpu.memory_space<vmem>> -> memref<128xi32, #tpu.memory_space<vmem>>
      %dma_start3A_52 = arith.constant 0 : i32
      %dma_start3A_53 = arith.constant 0 : i32
      %dma_start3A_54 = tpu.memref_slice %arg11[%dma_start3A_52, %dma_start3A_53] : memref<10112x128xf32, #tpu.memory_space<vmem_shared>> -> memref<10112x128xf32, #tpu.memory_space<vmem_shared>>
      tpu.enqueue_indirect_dma source(%arg9 : memref<128x128xf32, #tpu.memory_space<vmem>>) target(%dma_start3A_54 : memref<10112x128xf32, #tpu.memory_space<vmem_shared>>) offsets(%dma_start3A_51 : memref<128xi32, #tpu.memory_space<vmem>>) semaphore(%arg14 : memref<!tpu.dma_semaphore, #tpu.memory_space<semaphore_mem>>) {add = true}
      %dma_start3A_55 = arith.constant 1 : i32
      %dma_start3A_56 = arith.constant 0 : i32
      %dma_start3A_57 = tpu.memref_slice %arg7[%dma_start3A_55, %dma_start3A_56] : memref<8x128xi32, #tpu.memory_space<vmem>> -> memref<1x128xi32, #tpu.memory_space<vmem>>
      %dma_start3A_58 = tpu.memref_squeeze %dma_start3A_57 : memref<1x128xi32, #tpu.memory_space<vmem>> -> memref<128xi32, #tpu.memory_space<vmem>>
      %dma_start3A_59 = arith.constant 0 : i32
      %dma_start3A_60 = arith.constant 0 : i32
      %dma_start3A_61 = tpu.memref_slice %arg2[%dma_start3A_59, %dma_start3A_60] : memref<10000x128xf32, #tpu.memory_space<hbm>> -> memref<10000x128xf32, #tpu.memory_space<hbm>>
      tpu.enqueue_indirect_dma source(%dma_start3A_61 : memref<10000x128xf32, #tpu.memory_space<hbm>>) target(%arg10 : memref<128x128xf32, #tpu.memory_space<vmem>>) offsets(%dma_start3A_58 : memref<128xi32, #tpu.memory_space<vmem>>) semaphore(%arg13 : memref<!tpu.dma_semaphore, #tpu.memory_space<semaphore_mem>>)
      %dma_wait3A_62 = arith.constant 1 : i32
      %dma_wait3A_63 = arith.constant 0 : i32
      %dma_wait3A_64 = tpu.memref_slice %arg7[%dma_wait3A_62, %dma_wait3A_63] : memref<8x128xi32, #tpu.memory_space<vmem>> -> memref<1x128xi32, #tpu.memory_space<vmem>>
      %dma_wait3A_65 = tpu.memref_squeeze %dma_wait3A_64 : memref<1x128xi32, #tpu.memory_space<vmem>> -> memref<128xi32, #tpu.memory_space<vmem>>
      %dma_wait3A_66 = arith.constant 0 : i32
      %dma_wait3A_67 = arith.constant 0 : i32
      %dma_wait3A_68 = tpu.memref_slice %arg2[%dma_wait3A_66, %dma_wait3A_67] : memref<10000x128xf32, #tpu.memory_space<hbm>> -> memref<10000x128xf32, #tpu.memory_space<hbm>>
      tpu.wait_indirect_dma semaphore(%arg13 : memref<!tpu.dma_semaphore, #tpu.memory_space<semaphore_mem>>) src(%dma_wait3A_68 : memref<10000x128xf32, #tpu.memory_space<hbm>>) dst(%arg10 : memref<128x128xf32, #tpu.memory_space<vmem>>)
      %dma_start3A_69 = arith.constant 1 : i32
      %dma_start3A_70 = arith.constant 0 : i32
      %dma_start3A_71 = tpu.memref_slice %arg8[%dma_start3A_69, %dma_start3A_70] : memref<8x128xi32, #tpu.memory_space<vmem>> -> memref<1x128xi32, #tpu.memory_space<vmem>>
      %dma_start3A_72 = tpu.memref_squeeze %dma_start3A_71 : memref<1x128xi32, #tpu.memory_space<vmem>> -> memref<128xi32, #tpu.memory_space<vmem>>
      %dma_start3A_73 = arith.constant 0 : i32
      %dma_start3A_74 = arith.constant 0 : i32
      %dma_start3A_75 = tpu.memref_slice %arg11[%dma_start3A_73, %dma_start3A_74] : memref<10112x128xf32, #tpu.memory_space<vmem_shared>> -> memref<10112x128xf32, #tpu.memory_space<vmem_shared>>
      tpu.enqueue_indirect_dma source(%arg10 : memref<128x128xf32, #tpu.memory_space<vmem>>) target(%dma_start3A_75 : memref<10112x128xf32, #tpu.memory_space<vmem_shared>>) offsets(%dma_start3A_72 : memref<128xi32, #tpu.memory_space<vmem>>) semaphore(%arg15 : memref<!tpu.dma_semaphore, #tpu.memory_space<semaphore_mem>>) {add = true}
      %dma_wait3A_76 = arith.constant 0 : i32
      %dma_wait3A_77 = arith.constant 0 : i32
      %dma_wait3A_78 = tpu.memref_slice %arg8[%dma_wait3A_76, %dma_wait3A_77] : memref<8x128xi32, #tpu.memory_space<vmem>> -> memref<1x128xi32, #tpu.memory_space<vmem>>
      %dma_wait3A_79 = tpu.memref_squeeze %dma_wait3A_78 : memref<1x128xi32, #tpu.memory_space<vmem>> -> memref<128xi32, #tpu.memory_space<vmem>>
      %dma_wait3A_80 = arith.constant 0 : i32
      %dma_wait3A_81 = arith.constant 0 : i32
      %dma_wait3A_82 = tpu.memref_slice %arg11[%dma_wait3A_80, %dma_wait3A_81] : memref<10112x128xf32, #tpu.memory_space<vmem_shared>> -> memref<10112x128xf32, #tpu.memory_space<vmem_shared>>
      tpu.wait_indirect_dma semaphore(%arg14 : memref<!tpu.dma_semaphore, #tpu.memory_space<semaphore_mem>>) src(%arg9 : memref<128x128xf32, #tpu.memory_space<vmem>>) dst(%dma_wait3A_82 : memref<10112x128xf32, #tpu.memory_space<vmem_shared>>)
      %dma_start3A_83 = arith.constant 2 : i32
      %dma_start3A_84 = arith.constant 0 : i32
      %dma_start3A_85 = tpu.memref_slice %arg7[%dma_start3A_83, %dma_start3A_84] : memref<8x128xi32, #tpu.memory_space<vmem>> -> memref<1x128xi32, #tpu.memory_space<vmem>>
      %dma_start3A_86 = tpu.memref_squeeze %dma_start3A_85 : memref<1x128xi32, #tpu.memory_space<vmem>> -> memref<128xi32, #tpu.memory_space<vmem>>
      %dma_start3A_87 = arith.constant 0 : i32
      %dma_start3A_88 = arith.constant 0 : i32
      %dma_start3A_89 = tpu.memref_slice %arg2[%dma_start3A_87, %dma_start3A_88] : memref<10000x128xf32, #tpu.memory_space<hbm>> -> memref<10000x128xf32, #tpu.memory_space<hbm>>
      tpu.enqueue_indirect_dma source(%dma_start3A_89 : memref<10000x128xf32, #tpu.memory_space<hbm>>) target(%arg9 : memref<128x128xf32, #tpu.memory_space<vmem>>) offsets(%dma_start3A_86 : memref<128xi32, #tpu.memory_space<vmem>>) semaphore(%arg12 : memref<!tpu.dma_semaphore, #tpu.memory_space<semaphore_mem>>)
      %dma_wait3A_90 = arith.constant 2 : i32
      %dma_wait3A_91 = arith.constant 0 : i32
      %dma_wait3A_92 = tpu.memref_slice %arg7[%dma_wait3A_90, %dma_wait3A_91] : memref<8x128xi32, #tpu.memory_space<vmem>> -> memref<1x128xi32, #tpu.memory_space<vmem>>
      %dma_wait3A_93 = tpu.memref_squeeze %dma_wait3A_92 : memref<1x128xi32, #tpu.memory_space<vmem>> -> memref<128xi32, #tpu.memory_space<vmem>>
      %dma_wait3A_94 = arith.constant 0 : i32
      %dma_wait3A_95 = arith.constant 0 : i32
      %dma_wait3A_96 = tpu.memref_slice %arg2[%dma_wait3A_94, %dma_wait3A_95] : memref<10000x128xf32, #tpu.memory_space<hbm>> -> memref<10000x128xf32, #tpu.memory_space<hbm>>
      tpu.wait_indirect_dma semaphore(%arg12 : memref<!tpu.dma_semaphore, #tpu.memory_space<semaphore_mem>>) src(%dma_wait3A_96 : memref<10000x128xf32, #tpu.memory_space<hbm>>) dst(%arg9 : memref<128x128xf32, #tpu.memory_space<vmem>>)
      %dma_start3A_97 = arith.constant 2 : i32
      %dma_start3A_98 = arith.constant 0 : i32
      %dma_start3A_99 = tpu.memref_slice %arg8[%dma_start3A_97, %dma_start3A_98] : memref<8x128xi32, #tpu.memory_space<vmem>> -> memref<1x128xi32, #tpu.memory_space<vmem>>
      %dma_start3A_100 = tpu.memref_squeeze %dma_start3A_99 : memref<1x128xi32, #tpu.memory_space<vmem>> -> memref<128xi32, #tpu.memory_space<vmem>>
      %dma_start3A_101 = arith.constant 0 : i32
      %dma_start3A_102 = arith.constant 0 : i32
      %dma_start3A_103 = tpu.memref_slice %arg11[%dma_start3A_101, %dma_start3A_102] : memref<10112x128xf32, #tpu.memory_space<vmem_shared>> -> memref<10112x128xf32, #tpu.memory_space<vmem_shared>>
      tpu.enqueue_indirect_dma source(%arg9 : memref<128x128xf32, #tpu.memory_space<vmem>>) target(%dma_start3A_103 : memref<10112x128xf32, #tpu.memory_space<vmem_shared>>) offsets(%dma_start3A_100 : memref<128xi32, #tpu.memory_space<vmem>>) semaphore(%arg14 : memref<!tpu.dma_semaphore, #tpu.memory_space<semaphore_mem>>) {add = true}
      %dma_wait3A_104 = arith.constant 1 : i32
      %dma_wait3A_105 = arith.constant 0 : i32
      %dma_wait3A_106 = tpu.memref_slice %arg8[%dma_wait3A_104, %dma_wait3A_105] : memref<8x128xi32, #tpu.memory_space<vmem>> -> memref<1x128xi32, #tpu.memory_space<vmem>>
      %dma_wait3A_107 = tpu.memref_squeeze %dma_wait3A_106 : memref<1x128xi32, #tpu.memory_space<vmem>> -> memref<128xi32, #tpu.memory_space<vmem>>
      %dma_wait3A_108 = arith.constant 0 : i32
      %dma_wait3A_109 = arith.constant 0 : i32
      %dma_wait3A_110 = tpu.memref_slice %arg11[%dma_wait3A_108, %dma_wait3A_109] : memref<10112x128xf32, #tpu.memory_space<vmem_shared>> -> memref<10112x128xf32, #tpu.memory_space<vmem_shared>>
      tpu.wait_indirect_dma semaphore(%arg15 : memref<!tpu.dma_semaphore, #tpu.memory_space<semaphore_mem>>) src(%arg10 : memref<128x128xf32, #tpu.memory_space<vmem>>) dst(%dma_wait3A_110 : memref<10112x128xf32, #tpu.memory_space<vmem_shared>>)
      %dma_start3A_111 = arith.constant 3 : i32
      %dma_start3A_112 = arith.constant 0 : i32
      %dma_start3A_113 = tpu.memref_slice %arg7[%dma_start3A_111, %dma_start3A_112] : memref<8x128xi32, #tpu.memory_space<vmem>> -> memref<1x128xi32, #tpu.memory_space<vmem>>
      %dma_start3A_114 = tpu.memref_squeeze %dma_start3A_113 : memref<1x128xi32, #tpu.memory_space<vmem>> -> memref<128xi32, #tpu.memory_space<vmem>>
      %dma_start3A_115 = arith.constant 0 : i32
      %dma_start3A_116 = arith.constant 0 : i32
      %dma_start3A_117 = tpu.memref_slice %arg2[%dma_start3A_115, %dma_start3A_116] : memref<10000x128xf32, #tpu.memory_space<hbm>> -> memref<10000x128xf32, #tpu.memory_space<hbm>>
      tpu.enqueue_indirect_dma source(%dma_start3A_117 : memref<10000x128xf32, #tpu.memory_space<hbm>>) target(%arg10 : memref<128x128xf32, #tpu.memory_space<vmem>>) offsets(%dma_start3A_114 : memref<128xi32, #tpu.memory_space<vmem>>) semaphore(%arg13 : memref<!tpu.dma_semaphore, #tpu.memory_space<semaphore_mem>>)
      %dma_wait3A_118 = arith.constant 3 : i32
      %dma_wait3A_119 = arith.constant 0 : i32
      %dma_wait3A_120 = tpu.memref_slice %arg7[%dma_wait3A_118, %dma_wait3A_119] : memref<8x128xi32, #tpu.memory_space<vmem>> -> memref<1x128xi32, #tpu.memory_space<vmem>>
      %dma_wait3A_121 = tpu.memref_squeeze %dma_wait3A_120 : memref<1x128xi32, #tpu.memory_space<vmem>> -> memref<128xi32, #tpu.memory_space<vmem>>
      %dma_wait3A_122 = arith.constant 0 : i32
      %dma_wait3A_123 = arith.constant 0 : i32
      %dma_wait3A_124 = tpu.memref_slice %arg2[%dma_wait3A_122, %dma_wait3A_123] : memref<10000x128xf32, #tpu.memory_space<hbm>> -> memref<10000x128xf32, #tpu.memory_space<hbm>>
      tpu.wait_indirect_dma semaphore(%arg13 : memref<!tpu.dma_semaphore, #tpu.memory_space<semaphore_mem>>) src(%dma_wait3A_124 : memref<10000x128xf32, #tpu.memory_space<hbm>>) dst(%arg10 : memref<128x128xf32, #tpu.memory_space<vmem>>)
      %dma_start3A_125 = arith.constant 3 : i32
      %dma_start3A_126 = arith.constant 0 : i32
      %dma_start3A_127 = tpu.memref_slice %arg8[%dma_start3A_125, %dma_start3A_126] : memref<8x128xi32, #tpu.memory_space<vmem>> -> memref<1x128xi32, #tpu.memory_space<vmem>>
      %dma_start3A_128 = tpu.memref_squeeze %dma_start3A_127 : memref<1x128xi32, #tpu.memory_space<vmem>> -> memref<128xi32, #tpu.memory_space<vmem>>
      %dma_start3A_129 = arith.constant 0 : i32
      %dma_start3A_130 = arith.constant 0 : i32
      %dma_start3A_131 = tpu.memref_slice %arg11[%dma_start3A_129, %dma_start3A_130] : memref<10112x128xf32, #tpu.memory_space<vmem_shared>> -> memref<10112x128xf32, #tpu.memory_space<vmem_shared>>
      tpu.enqueue_indirect_dma source(%arg10 : memref<128x128xf32, #tpu.memory_space<vmem>>) target(%dma_start3A_131 : memref<10112x128xf32, #tpu.memory_space<vmem_shared>>) offsets(%dma_start3A_128 : memref<128xi32, #tpu.memory_space<vmem>>) semaphore(%arg15 : memref<!tpu.dma_semaphore, #tpu.memory_space<semaphore_mem>>) {add = true}
      %dma_wait3A_132 = arith.constant 2 : i32
      %dma_wait3A_133 = arith.constant 0 : i32
      %dma_wait3A_134 = tpu.memref_slice %arg8[%dma_wait3A_132, %dma_wait3A_133] : memref<8x128xi32, #tpu.memory_space<vmem>> -> memref<1x128xi32, #tpu.memory_space<vmem>>
      %dma_wait3A_135 = tpu.memref_squeeze %dma_wait3A_134 : memref<1x128xi32, #tpu.memory_space<vmem>> -> memref<128xi32, #tpu.memory_space<vmem>>
      %dma_wait3A_136 = arith.constant 0 : i32
      %dma_wait3A_137 = arith.constant 0 : i32
      %dma_wait3A_138 = tpu.memref_slice %arg11[%dma_wait3A_136, %dma_wait3A_137] : memref<10112x128xf32, #tpu.memory_space<vmem_shared>> -> memref<10112x128xf32, #tpu.memory_space<vmem_shared>>
      tpu.wait_indirect_dma semaphore(%arg14 : memref<!tpu.dma_semaphore, #tpu.memory_space<semaphore_mem>>) src(%arg9 : memref<128x128xf32, #tpu.memory_space<vmem>>) dst(%dma_wait3A_138 : memref<10112x128xf32, #tpu.memory_space<vmem_shared>>)
      %dma_start3A_139 = arith.constant 4 : i32
      %dma_start3A_140 = arith.constant 0 : i32
      %dma_start3A_141 = tpu.memref_slice %arg7[%dma_start3A_139, %dma_start3A_140] : memref<8x128xi32, #tpu.memory_space<vmem>> -> memref<1x128xi32, #tpu.memory_space<vmem>>
      %dma_start3A_142 = tpu.memref_squeeze %dma_start3A_141 : memref<1x128xi32, #tpu.memory_space<vmem>> -> memref<128xi32, #tpu.memory_space<vmem>>
      %dma_start3A_143 = arith.constant 0 : i32
      %dma_start3A_144 = arith.constant 0 : i32
      %dma_start3A_145 = tpu.memref_slice %arg2[%dma_start3A_143, %dma_start3A_144] : memref<10000x128xf32, #tpu.memory_space<hbm>> -> memref<10000x128xf32, #tpu.memory_space<hbm>>
      tpu.enqueue_indirect_dma source(%dma_start3A_145 : memref<10000x128xf32, #tpu.memory_space<hbm>>) target(%arg9 : memref<128x128xf32, #tpu.memory_space<vmem>>) offsets(%dma_start3A_142 : memref<128xi32, #tpu.memory_space<vmem>>) semaphore(%arg12 : memref<!tpu.dma_semaphore, #tpu.memory_space<semaphore_mem>>)
      %dma_wait3A_146 = arith.constant 4 : i32
      %dma_wait3A_147 = arith.constant 0 : i32
      %dma_wait3A_148 = tpu.memref_slice %arg7[%dma_wait3A_146, %dma_wait3A_147] : memref<8x128xi32, #tpu.memory_space<vmem>> -> memref<1x128xi32, #tpu.memory_space<vmem>>
      %dma_wait3A_149 = tpu.memref_squeeze %dma_wait3A_148 : memref<1x128xi32, #tpu.memory_space<vmem>> -> memref<128xi32, #tpu.memory_space<vmem>>
      %dma_wait3A_150 = arith.constant 0 : i32
      %dma_wait3A_151 = arith.constant 0 : i32
      %dma_wait3A_152 = tpu.memref_slice %arg2[%dma_wait3A_150, %dma_wait3A_151] : memref<10000x128xf32, #tpu.memory_space<hbm>> -> memref<10000x128xf32, #tpu.memory_space<hbm>>
      tpu.wait_indirect_dma semaphore(%arg12 : memref<!tpu.dma_semaphore, #tpu.memory_space<semaphore_mem>>) src(%dma_wait3A_152 : memref<10000x128xf32, #tpu.memory_space<hbm>>) dst(%arg9 : memref<128x128xf32, #tpu.memory_space<vmem>>)
      %dma_start3A_153 = arith.constant 4 : i32
      %dma_start3A_154 = arith.constant 0 : i32
      %dma_start3A_155 = tpu.memref_slice %arg8[%dma_start3A_153, %dma_start3A_154] : memref<8x128xi32, #tpu.memory_space<vmem>> -> memref<1x128xi32, #tpu.memory_space<vmem>>
      %dma_start3A_156 = tpu.memref_squeeze %dma_start3A_155 : memref<1x128xi32, #tpu.memory_space<vmem>> -> memref<128xi32, #tpu.memory_space<vmem>>
      %dma_start3A_157 = arith.constant 0 : i32
      %dma_start3A_158 = arith.constant 0 : i32
      %dma_start3A_159 = tpu.memref_slice %arg11[%dma_start3A_157, %dma_start3A_158] : memref<10112x128xf32, #tpu.memory_space<vmem_shared>> -> memref<10112x128xf32, #tpu.memory_space<vmem_shared>>
      tpu.enqueue_indirect_dma source(%arg9 : memref<128x128xf32, #tpu.memory_space<vmem>>) target(%dma_start3A_159 : memref<10112x128xf32, #tpu.memory_space<vmem_shared>>) offsets(%dma_start3A_156 : memref<128xi32, #tpu.memory_space<vmem>>) semaphore(%arg14 : memref<!tpu.dma_semaphore, #tpu.memory_space<semaphore_mem>>) {add = true}
      %dma_wait3A_160 = arith.constant 3 : i32
      %dma_wait3A_161 = arith.constant 0 : i32
      %dma_wait3A_162 = tpu.memref_slice %arg8[%dma_wait3A_160, %dma_wait3A_161] : memref<8x128xi32, #tpu.memory_space<vmem>> -> memref<1x128xi32, #tpu.memory_space<vmem>>
      %dma_wait3A_163 = tpu.memref_squeeze %dma_wait3A_162 : memref<1x128xi32, #tpu.memory_space<vmem>> -> memref<128xi32, #tpu.memory_space<vmem>>
      %dma_wait3A_164 = arith.constant 0 : i32
      %dma_wait3A_165 = arith.constant 0 : i32
      %dma_wait3A_166 = tpu.memref_slice %arg11[%dma_wait3A_164, %dma_wait3A_165] : memref<10112x128xf32, #tpu.memory_space<vmem_shared>> -> memref<10112x128xf32, #tpu.memory_space<vmem_shared>>
      tpu.wait_indirect_dma semaphore(%arg15 : memref<!tpu.dma_semaphore, #tpu.memory_space<semaphore_mem>>) src(%arg10 : memref<128x128xf32, #tpu.memory_space<vmem>>) dst(%dma_wait3A_166 : memref<10112x128xf32, #tpu.memory_space<vmem_shared>>)
      %dma_start3A_167 = arith.constant 5 : i32
      %dma_start3A_168 = arith.constant 0 : i32
      %dma_start3A_169 = tpu.memref_slice %arg7[%dma_start3A_167, %dma_start3A_168] : memref<8x128xi32, #tpu.memory_space<vmem>> -> memref<1x128xi32, #tpu.memory_space<vmem>>
      %dma_start3A_170 = tpu.memref_squeeze %dma_start3A_169 : memref<1x128xi32, #tpu.memory_space<vmem>> -> memref<128xi32, #tpu.memory_space<vmem>>
      %dma_start3A_171 = arith.constant 0 : i32
      %dma_start3A_172 = arith.constant 0 : i32
      %dma_start3A_173 = tpu.memref_slice %arg2[%dma_start3A_171, %dma_start3A_172] : memref<10000x128xf32, #tpu.memory_space<hbm>> -> memref<10000x128xf32, #tpu.memory_space<hbm>>
      tpu.enqueue_indirect_dma source(%dma_start3A_173 : memref<10000x128xf32, #tpu.memory_space<hbm>>) target(%arg10 : memref<128x128xf32, #tpu.memory_space<vmem>>) offsets(%dma_start3A_170 : memref<128xi32, #tpu.memory_space<vmem>>) semaphore(%arg13 : memref<!tpu.dma_semaphore, #tpu.memory_space<semaphore_mem>>)
      %dma_wait3A_174 = arith.constant 5 : i32
      %dma_wait3A_175 = arith.constant 0 : i32
      %dma_wait3A_176 = tpu.memref_slice %arg7[%dma_wait3A_174, %dma_wait3A_175] : memref<8x128xi32, #tpu.memory_space<vmem>> -> memref<1x128xi32, #tpu.memory_space<vmem>>
      %dma_wait3A_177 = tpu.memref_squeeze %dma_wait3A_176 : memref<1x128xi32, #tpu.memory_space<vmem>> -> memref<128xi32, #tpu.memory_space<vmem>>
      %dma_wait3A_178 = arith.constant 0 : i32
      %dma_wait3A_179 = arith.constant 0 : i32
      %dma_wait3A_180 = tpu.memref_slice %arg2[%dma_wait3A_178, %dma_wait3A_179] : memref<10000x128xf32, #tpu.memory_space<hbm>> -> memref<10000x128xf32, #tpu.memory_space<hbm>>
      tpu.wait_indirect_dma semaphore(%arg13 : memref<!tpu.dma_semaphore, #tpu.memory_space<semaphore_mem>>) src(%dma_wait3A_180 : memref<10000x128xf32, #tpu.memory_space<hbm>>) dst(%arg10 : memref<128x128xf32, #tpu.memory_space<vmem>>)
      %dma_start3A_181 = arith.constant 5 : i32
      %dma_start3A_182 = arith.constant 0 : i32
      %dma_start3A_183 = tpu.memref_slice %arg8[%dma_start3A_181, %dma_start3A_182] : memref<8x128xi32, #tpu.memory_space<vmem>> -> memref<1x128xi32, #tpu.memory_space<vmem>>
      %dma_start3A_184 = tpu.memref_squeeze %dma_start3A_183 : memref<1x128xi32, #tpu.memory_space<vmem>> -> memref<128xi32, #tpu.memory_space<vmem>>
      %dma_start3A_185 = arith.constant 0 : i32
      %dma_start3A_186 = arith.constant 0 : i32
      %dma_start3A_187 = tpu.memref_slice %arg11[%dma_start3A_185, %dma_start3A_186] : memref<10112x128xf32, #tpu.memory_space<vmem_shared>> -> memref<10112x128xf32, #tpu.memory_space<vmem_shared>>
      tpu.enqueue_indirect_dma source(%arg10 : memref<128x128xf32, #tpu.memory_space<vmem>>) target(%dma_start3A_187 : memref<10112x128xf32, #tpu.memory_space<vmem_shared>>) offsets(%dma_start3A_184 : memref<128xi32, #tpu.memory_space<vmem>>) semaphore(%arg15 : memref<!tpu.dma_semaphore, #tpu.memory_space<semaphore_mem>>) {add = true}
      %dma_wait3A_188 = arith.constant 4 : i32
      %dma_wait3A_189 = arith.constant 0 : i32
      %dma_wait3A_190 = tpu.memref_slice %arg8[%dma_wait3A_188, %dma_wait3A_189] : memref<8x128xi32, #tpu.memory_space<vmem>> -> memref<1x128xi32, #tpu.memory_space<vmem>>
      %dma_wait3A_191 = tpu.memref_squeeze %dma_wait3A_190 : memref<1x128xi32, #tpu.memory_space<vmem>> -> memref<128xi32, #tpu.memory_space<vmem>>
      %dma_wait3A_192 = arith.constant 0 : i32
      %dma_wait3A_193 = arith.constant 0 : i32
      %dma_wait3A_194 = tpu.memref_slice %arg11[%dma_wait3A_192, %dma_wait3A_193] : memref<10112x128xf32, #tpu.memory_space<vmem_shared>> -> memref<10112x128xf32, #tpu.memory_space<vmem_shared>>
      tpu.wait_indirect_dma semaphore(%arg14 : memref<!tpu.dma_semaphore, #tpu.memory_space<semaphore_mem>>) src(%arg9 : memref<128x128xf32, #tpu.memory_space<vmem>>) dst(%dma_wait3A_194 : memref<10112x128xf32, #tpu.memory_space<vmem_shared>>)
      %dma_start3A_195 = arith.constant 6 : i32
      %dma_start3A_196 = arith.constant 0 : i32
      %dma_start3A_197 = tpu.memref_slice %arg7[%dma_start3A_195, %dma_start3A_196] : memref<8x128xi32, #tpu.memory_space<vmem>> -> memref<1x128xi32, #tpu.memory_space<vmem>>
      %dma_start3A_198 = tpu.memref_squeeze %dma_start3A_197 : memref<1x128xi32, #tpu.memory_space<vmem>> -> memref<128xi32, #tpu.memory_space<vmem>>
      %dma_start3A_199 = arith.constant 0 : i32
      %dma_start3A_200 = arith.constant 0 : i32
      %dma_start3A_201 = tpu.memref_slice %arg2[%dma_start3A_199, %dma_start3A_200] : memref<10000x128xf32, #tpu.memory_space<hbm>> -> memref<10000x128xf32, #tpu.memory_space<hbm>>
      tpu.enqueue_indirect_dma source(%dma_start3A_201 : memref<10000x128xf32, #tpu.memory_space<hbm>>) target(%arg9 : memref<128x128xf32, #tpu.memory_space<vmem>>) offsets(%dma_start3A_198 : memref<128xi32, #tpu.memory_space<vmem>>) semaphore(%arg12 : memref<!tpu.dma_semaphore, #tpu.memory_space<semaphore_mem>>)
      %dma_wait3A_202 = arith.constant 6 : i32
      %dma_wait3A_203 = arith.constant 0 : i32
      %dma_wait3A_204 = tpu.memref_slice %arg7[%dma_wait3A_202, %dma_wait3A_203] : memref<8x128xi32, #tpu.memory_space<vmem>> -> memref<1x128xi32, #tpu.memory_space<vmem>>
      %dma_wait3A_205 = tpu.memref_squeeze %dma_wait3A_204 : memref<1x128xi32, #tpu.memory_space<vmem>> -> memref<128xi32, #tpu.memory_space<vmem>>
      %dma_wait3A_206 = arith.constant 0 : i32
      %dma_wait3A_207 = arith.constant 0 : i32
      %dma_wait3A_208 = tpu.memref_slice %arg2[%dma_wait3A_206, %dma_wait3A_207] : memref<10000x128xf32, #tpu.memory_space<hbm>> -> memref<10000x128xf32, #tpu.memory_space<hbm>>
      tpu.wait_indirect_dma semaphore(%arg12 : memref<!tpu.dma_semaphore, #tpu.memory_space<semaphore_mem>>) src(%dma_wait3A_208 : memref<10000x128xf32, #tpu.memory_space<hbm>>) dst(%arg9 : memref<128x128xf32, #tpu.memory_space<vmem>>)
      %dma_start3A_209 = arith.constant 6 : i32
      %dma_start3A_210 = arith.constant 0 : i32
      %dma_start3A_211 = tpu.memref_slice %arg8[%dma_start3A_209, %dma_start3A_210] : memref<8x128xi32, #tpu.memory_space<vmem>> -> memref<1x128xi32, #tpu.memory_space<vmem>>
      %dma_start3A_212 = tpu.memref_squeeze %dma_start3A_211 : memref<1x128xi32, #tpu.memory_space<vmem>> -> memref<128xi32, #tpu.memory_space<vmem>>
      %dma_start3A_213 = arith.constant 0 : i32
      %dma_start3A_214 = arith.constant 0 : i32
      %dma_start3A_215 = tpu.memref_slice %arg11[%dma_start3A_213, %dma_start3A_214] : memref<10112x128xf32, #tpu.memory_space<vmem_shared>> -> memref<10112x128xf32, #tpu.memory_space<vmem_shared>>
      tpu.enqueue_indirect_dma source(%arg9 : memref<128x128xf32, #tpu.memory_space<vmem>>) target(%dma_start3A_215 : memref<10112x128xf32, #tpu.memory_space<vmem_shared>>) offsets(%dma_start3A_212 : memref<128xi32, #tpu.memory_space<vmem>>) semaphore(%arg14 : memref<!tpu.dma_semaphore, #tpu.memory_space<semaphore_mem>>) {add = true}
      %dma_wait3A_216 = arith.constant 5 : i32
      %dma_wait3A_217 = arith.constant 0 : i32
      %dma_wait3A_218 = tpu.memref_slice %arg8[%dma_wait3A_216, %dma_wait3A_217] : memref<8x128xi32, #tpu.memory_space<vmem>> -> memref<1x128xi32, #tpu.memory_space<vmem>>
      %dma_wait3A_219 = tpu.memref_squeeze %dma_wait3A_218 : memref<1x128xi32, #tpu.memory_space<vmem>> -> memref<128xi32, #tpu.memory_space<vmem>>
      %dma_wait3A_220 = arith.constant 0 : i32
      %dma_wait3A_221 = arith.constant 0 : i32
      %dma_wait3A_222 = tpu.memref_slice %arg11[%dma_wait3A_220, %dma_wait3A_221] : memref<10112x128xf32, #tpu.memory_space<vmem_shared>> -> memref<10112x128xf32, #tpu.memory_space<vmem_shared>>
      tpu.wait_indirect_dma semaphore(%arg15 : memref<!tpu.dma_semaphore, #tpu.memory_space<semaphore_mem>>) src(%arg10 : memref<128x128xf32, #tpu.memory_space<vmem>>) dst(%dma_wait3A_222 : memref<10112x128xf32, #tpu.memory_space<vmem_shared>>)
      %dma_start3A_223 = arith.constant 7 : i32
      %dma_start3A_224 = arith.constant 0 : i32
      %dma_start3A_225 = tpu.memref_slice %arg7[%dma_start3A_223, %dma_start3A_224] : memref<8x128xi32, #tpu.memory_space<vmem>> -> memref<1x128xi32, #tpu.memory_space<vmem>>
      %dma_start3A_226 = tpu.memref_squeeze %dma_start3A_225 : memref<1x128xi32, #tpu.memory_space<vmem>> -> memref<128xi32, #tpu.memory_space<vmem>>
      %dma_start3A_227 = arith.constant 0 : i32
      %dma_start3A_228 = arith.constant 0 : i32
      %dma_start3A_229 = tpu.memref_slice %arg2[%dma_start3A_227, %dma_start3A_228] : memref<10000x128xf32, #tpu.memory_space<hbm>> -> memref<10000x128xf32, #tpu.memory_space<hbm>>
      tpu.enqueue_indirect_dma source(%dma_start3A_229 : memref<10000x128xf32, #tpu.memory_space<hbm>>) target(%arg10 : memref<128x128xf32, #tpu.memory_space<vmem>>) offsets(%dma_start3A_226 : memref<128xi32, #tpu.memory_space<vmem>>) semaphore(%arg13 : memref<!tpu.dma_semaphore, #tpu.memory_space<semaphore_mem>>)
      %dma_wait3A_230 = arith.constant 7 : i32
      %dma_wait3A_231 = arith.constant 0 : i32
      %dma_wait3A_232 = tpu.memref_slice %arg7[%dma_wait3A_230, %dma_wait3A_231] : memref<8x128xi32, #tpu.memory_space<vmem>> -> memref<1x128xi32, #tpu.memory_space<vmem>>
      %dma_wait3A_233 = tpu.memref_squeeze %dma_wait3A_232 : memref<1x128xi32, #tpu.memory_space<vmem>> -> memref<128xi32, #tpu.memory_space<vmem>>
      %dma_wait3A_234 = arith.constant 0 : i32
      %dma_wait3A_235 = arith.constant 0 : i32
      %dma_wait3A_236 = tpu.memref_slice %arg2[%dma_wait3A_234, %dma_wait3A_235] : memref<10000x128xf32, #tpu.memory_space<hbm>> -> memref<10000x128xf32, #tpu.memory_space<hbm>>
      tpu.wait_indirect_dma semaphore(%arg13 : memref<!tpu.dma_semaphore, #tpu.memory_space<semaphore_mem>>) src(%dma_wait3A_236 : memref<10000x128xf32, #tpu.memory_space<hbm>>) dst(%arg10 : memref<128x128xf32, #tpu.memory_space<vmem>>)
      %dma_start3A_237 = arith.constant 7 : i32
      %dma_start3A_238 = arith.constant 0 : i32
      %dma_start3A_239 = tpu.memref_slice %arg8[%dma_start3A_237, %dma_start3A_238] : memref<8x128xi32, #tpu.memory_space<vmem>> -> memref<1x128xi32, #tpu.memory_space<vmem>>
      %dma_start3A_240 = tpu.memref_squeeze %dma_start3A_239 : memref<1x128xi32, #tpu.memory_space<vmem>> -> memref<128xi32, #tpu.memory_space<vmem>>
      %dma_start3A_241 = arith.constant 0 : i32
      %dma_start3A_242 = arith.constant 0 : i32
      %dma_start3A_243 = tpu.memref_slice %arg11[%dma_start3A_241, %dma_start3A_242] : memref<10112x128xf32, #tpu.memory_space<vmem_shared>> -> memref<10112x128xf32, #tpu.memory_space<vmem_shared>>
      tpu.enqueue_indirect_dma source(%arg10 : memref<128x128xf32, #tpu.memory_space<vmem>>) target(%dma_start3A_243 : memref<10112x128xf32, #tpu.memory_space<vmem_shared>>) offsets(%dma_start3A_240 : memref<128xi32, #tpu.memory_space<vmem>>) semaphore(%arg15 : memref<!tpu.dma_semaphore, #tpu.memory_space<semaphore_mem>>) {add = true}
      %dma_wait3A_244 = arith.constant 6 : i32
      %dma_wait3A_245 = arith.constant 0 : i32
      %dma_wait3A_246 = tpu.memref_slice %arg8[%dma_wait3A_244, %dma_wait3A_245] : memref<8x128xi32, #tpu.memory_space<vmem>> -> memref<1x128xi32, #tpu.memory_space<vmem>>
      %dma_wait3A_247 = tpu.memref_squeeze %dma_wait3A_246 : memref<1x128xi32, #tpu.memory_space<vmem>> -> memref<128xi32, #tpu.memory_space<vmem>>
      %dma_wait3A_248 = arith.constant 0 : i32
      %dma_wait3A_249 = arith.constant 0 : i32
      %dma_wait3A_250 = tpu.memref_slice %arg11[%dma_wait3A_248, %dma_wait3A_249] : memref<10112x128xf32, #tpu.memory_space<vmem_shared>> -> memref<10112x128xf32, #tpu.memory_space<vmem_shared>>
      tpu.wait_indirect_dma semaphore(%arg14 : memref<!tpu.dma_semaphore, #tpu.memory_space<semaphore_mem>>) src(%arg9 : memref<128x128xf32, #tpu.memory_space<vmem>>) dst(%dma_wait3A_250 : memref<10112x128xf32, #tpu.memory_space<vmem_shared>>)
      %dma_wait3A_251 = arith.constant 7 : i32
      %dma_wait3A_252 = arith.constant 0 : i32
      %dma_wait3A_253 = tpu.memref_slice %arg8[%dma_wait3A_251, %dma_wait3A_252] : memref<8x128xi32, #tpu.memory_space<vmem>> -> memref<1x128xi32, #tpu.memory_space<vmem>>
      %dma_wait3A_254 = tpu.memref_squeeze %dma_wait3A_253 : memref<1x128xi32, #tpu.memory_space<vmem>> -> memref<128xi32, #tpu.memory_space<vmem>>
      %dma_wait3A_255 = arith.constant 0 : i32
      %dma_wait3A_256 = arith.constant 0 : i32
      %dma_wait3A_257 = tpu.memref_slice %arg11[%dma_wait3A_255, %dma_wait3A_256] : memref<10112x128xf32, #tpu.memory_space<vmem_shared>> -> memref<10112x128xf32, #tpu.memory_space<vmem_shared>>
      tpu.wait_indirect_dma semaphore(%arg15 : memref<!tpu.dma_semaphore, #tpu.memory_space<semaphore_mem>>) src(%arg10 : memref<128x128xf32, #tpu.memory_space<vmem>>) dst(%dma_wait3A_257 : memref<10112x128xf32, #tpu.memory_space<vmem_shared>>)
      %scan3A_258 = arith.constant 0 : i32
      scf.yield %scan3A_258 : i32
    }
    %scan3A_18 = arith.constant 10 : i32
    %barrier3A_19 = arith.constant 0 : index
    tpu.barrier barrier_id(%barrier3A_19)
    %add3A_20 = arith.constant 0 : i32
    %add3A_21 = arith.addi %mul3A_2, %add3A_20 : i32
    "tpu.region"() ({
      %run_scoped3A = tpu.sem_alloc : memref<!tpu.dma_semaphore, #tpu.memory_space<semaphore_mem>>
      %dma_start3A = arith.constant 0 : i32
      %dma_start3A_30 = tpu.memref_slice %arg11[%add3A_21, %dma_start3A] : memref<10112x128xf32, #tpu.memory_space<vmem_shared>> -> memref<128x128xf32, #tpu.memory_space<vmem_shared>>
      %dma_start3A_31 = arith.constant 0 : i32
      %dma_start3A_32 = tpu.memref_slice %arg11[%add3A_21, %dma_start3A_31] : memref<10112x128xf32, #tpu.memory_space<vmem_shared>> -> memref<128x128xf32, #tpu.memory_space<vmem_shared>>
      tpu.enqueue_dma source(%dma_start3A_32 : memref<128x128xf32, #tpu.memory_space<vmem_shared>>) target(%arg9 : memref<128x128xf32, #tpu.memory_space<vmem>>) target_semaphore(%run_scoped3A : memref<!tpu.dma_semaphore, #tpu.memory_space<semaphore_mem>>)
      %dma_wait3A = arith.constant 0 : i32
      %dma_wait3A_33 = tpu.memref_slice %arg11[%add3A_21, %dma_wait3A] : memref<10112x128xf32, #tpu.memory_space<vmem_shared>> -> memref<128x128xf32, #tpu.memory_space<vmem_shared>>
      %dma_wait3A_34 = arith.constant 0 : i32
      %dma_wait3A_35 = tpu.memref_slice %arg11[%add3A_21, %dma_wait3A_34] : memref<10112x128xf32, #tpu.memory_space<vmem_shared>> -> memref<128x128xf32, #tpu.memory_space<vmem_shared>>
      tpu.wait_dma2 semaphore(%run_scoped3A : memref<!tpu.dma_semaphore, #tpu.memory_space<semaphore_mem>>) src(%dma_wait3A_35 : memref<128x128xf32, #tpu.memory_space<vmem_shared>>) dst(%arg9 : memref<128x128xf32, #tpu.memory_space<vmem>>)
      tpu.yield
    }) : () -> ()
    "tpu.region"() ({
      %run_scoped3A = tpu.sem_alloc : memref<!tpu.dma_semaphore, #tpu.memory_space<semaphore_mem>>
      %dma_start3A = arith.constant 0 : i32
      %dma_start3A_30 = tpu.memref_slice %arg6[%arg0, %add3A_21, %dma_start3A] : memref<2x10112x128xf32, #tpu.memory_space<hbm>> -> memref<1x128x128xf32, #tpu.memory_space<hbm>>
      %dma_start3A_31 = tpu.memref_squeeze %dma_start3A_30 : memref<1x128x128xf32, #tpu.memory_space<hbm>> -> memref<128x128xf32, #tpu.memory_space<hbm>>
      %dma_start3A_32 = arith.constant 0 : i32
      %dma_start3A_33 = tpu.memref_slice %arg6[%arg0, %add3A_21, %dma_start3A_32] : memref<2x10112x128xf32, #tpu.memory_space<hbm>> -> memref<1x128x128xf32, #tpu.memory_space<hbm>>
      %dma_start3A_34 = tpu.memref_squeeze %dma_start3A_33 : memref<1x128x128xf32, #tpu.memory_space<hbm>> -> memref<128x128xf32, #tpu.memory_space<hbm>>
      tpu.enqueue_dma source(%arg9 : memref<128x128xf32, #tpu.memory_space<vmem>>) target(%dma_start3A_34 : memref<128x128xf32, #tpu.memory_space<hbm>>) target_semaphore(%run_scoped3A : memref<!tpu.dma_semaphore, #tpu.memory_space<semaphore_mem>>)
      %dma_wait3A = arith.constant 0 : i32
      %dma_wait3A_35 = tpu.memref_slice %arg6[%arg0, %add3A_21, %dma_wait3A] : memref<2x10112x128xf32, #tpu.memory_space<hbm>> -> memref<1x128x128xf32, #tpu.memory_space<hbm>>
      %dma_wait3A_36 = tpu.memref_squeeze %dma_wait3A_35 : memref<1x128x128xf32, #tpu.memory_space<hbm>> -> memref<128x128xf32, #tpu.memory_space<hbm>>
      %dma_wait3A_37 = arith.constant 0 : i32
      %dma_wait3A_38 = tpu.memref_slice %arg6[%arg0, %add3A_21, %dma_wait3A_37] : memref<2x10112x128xf32, #tpu.memory_space<hbm>> -> memref<1x128x128xf32, #tpu.memory_space<hbm>>
      %dma_wait3A_39 = tpu.memref_squeeze %dma_wait3A_38 : memref<1x128x128xf32, #tpu.memory_space<hbm>> -> memref<128x128xf32, #tpu.memory_space<hbm>>
      tpu.wait_dma2 semaphore(%run_scoped3A : memref<!tpu.dma_semaphore, #tpu.memory_space<semaphore_mem>>) src(%arg9 : memref<128x128xf32, #tpu.memory_space<vmem>>) dst(%dma_wait3A_39 : memref<128x128xf32, #tpu.memory_space<hbm>>)
      tpu.yield
    }) : () -> ()
    %add3A_22 = arith.constant 128 : i32
    %add3A_23 = arith.addi %mul3A_2, %add3A_22 : i32
    "tpu.region"() ({
      %run_scoped3A = tpu.sem_alloc : memref<!tpu.dma_semaphore, #tpu.memory_space<semaphore_mem>>
      %dma_start3A = arith.constant 0 : i32
      %dma_start3A_30 = tpu.memref_slice %arg11[%add3A_23, %dma_start3A] : memref<10112x128xf32, #tpu.memory_space<vmem_shared>> -> memref<128x128xf32, #tpu.memory_space<vmem_shared>>
      %dma_start3A_31 = arith.constant 0 : i32
      %dma_start3A_32 = tpu.memref_slice %arg11[%add3A_23, %dma_start3A_31] : memref<10112x128xf32, #tpu.memory_space<vmem_shared>> -> memref<128x128xf32, #tpu.memory_space<vmem_shared>>
      tpu.enqueue_dma source(%dma_start3A_32 : memref<128x128xf32, #tpu.memory_space<vmem_shared>>) target(%arg9 : memref<128x128xf32, #tpu.memory_space<vmem>>) target_semaphore(%run_scoped3A : memref<!tpu.dma_semaphore, #tpu.memory_space<semaphore_mem>>)
      %dma_wait3A = arith.constant 0 : i32
      %dma_wait3A_33 = tpu.memref_slice %arg11[%add3A_23, %dma_wait3A] : memref<10112x128xf32, #tpu.memory_space<vmem_shared>> -> memref<128x128xf32, #tpu.memory_space<vmem_shared>>
      %dma_wait3A_34 = arith.constant 0 : i32
      %dma_wait3A_35 = tpu.memref_slice %arg11[%add3A_23, %dma_wait3A_34] : memref<10112x128xf32, #tpu.memory_space<vmem_shared>> -> memref<128x128xf32, #tpu.memory_space<vmem_shared>>
      tpu.wait_dma2 semaphore(%run_scoped3A : memref<!tpu.dma_semaphore, #tpu.memory_space<semaphore_mem>>) src(%dma_wait3A_35 : memref<128x128xf32, #tpu.memory_space<vmem_shared>>) dst(%arg9 : memref<128x128xf32, #tpu.memory_space<vmem>>)
      tpu.yield
    }) : () -> ()
    "tpu.region"() ({
      %run_scoped3A = tpu.sem_alloc : memref<!tpu.dma_semaphore, #tpu.memory_space<semaphore_mem>>
      %dma_start3A = arith.constant 0 : i32
      %dma_start3A_30 = tpu.memref_slice %arg6[%arg0, %add3A_23, %dma_start3A] : memref<2x10112x128xf32, #tpu.memory_space<hbm>> -> memref<1x128x128xf32, #tpu.memory_space<hbm>>
      %dma_start3A_31 = tpu.memref_squeeze %dma_start3A_30 : memref<1x128x128xf32, #tpu.memory_space<hbm>> -> memref<128x128xf32, #tpu.memory_space<hbm>>
      %dma_start3A_32 = arith.constant 0 : i32
      %dma_start3A_33 = tpu.memref_slice %arg6[%arg0, %add3A_23, %dma_start3A_32] : memref<2x10112x128xf32, #tpu.memory_space<hbm>> -> memref<1x128x128xf32, #tpu.memory_space<hbm>>
      %dma_start3A_34 = tpu.memref_squeeze %dma_start3A_33 : memref<1x128x128xf32, #tpu.memory_space<hbm>> -> memref<128x128xf32, #tpu.memory_space<hbm>>
      tpu.enqueue_dma source(%arg9 : memref<128x128xf32, #tpu.memory_space<vmem>>) target(%dma_start3A_34 : memref<128x128xf32, #tpu.memory_space<hbm>>) target_semaphore(%run_scoped3A : memref<!tpu.dma_semaphore, #tpu.memory_space<semaphore_mem>>)
      %dma_wait3A = arith.constant 0 : i32
      %dma_wait3A_35 = tpu.memref_slice %arg6[%arg0, %add3A_23, %dma_wait3A] : memref<2x10112x128xf32, #tpu.memory_space<hbm>> -> memref<1x128x128xf32, #tpu.memory_space<hbm>>
      %dma_wait3A_36 = tpu.memref_squeeze %dma_wait3A_35 : memref<1x128x128xf32, #tpu.memory_space<hbm>> -> memref<128x128xf32, #tpu.memory_space<hbm>>
      %dma_wait3A_37 = arith.constant 0 : i32
      %dma_wait3A_38 = tpu.memref_slice %arg6[%arg0, %add3A_23, %dma_wait3A_37] : memref<2x10112x128xf32, #tpu.memory_space<hbm>> -> memref<1x128x128xf32, #tpu.memory_space<hbm>>
      %dma_wait3A_39 = tpu.memref_squeeze %dma_wait3A_38 : memref<1x128x128xf32, #tpu.memory_space<hbm>> -> memref<128x128xf32, #tpu.memory_space<hbm>>
      tpu.wait_dma2 semaphore(%run_scoped3A : memref<!tpu.dma_semaphore, #tpu.memory_space<semaphore_mem>>) src(%arg9 : memref<128x128xf32, #tpu.memory_space<vmem>>) dst(%dma_wait3A_39 : memref<128x128xf32, #tpu.memory_space<hbm>>)
      tpu.yield
    }) : () -> ()
    %add3A_24 = arith.constant 256 : i32
    %add3A_25 = arith.addi %mul3A_2, %add3A_24 : i32
    "tpu.region"() ({
      %run_scoped3A = tpu.sem_alloc : memref<!tpu.dma_semaphore, #tpu.memory_space<semaphore_mem>>
      %dma_start3A = arith.constant 0 : i32
      %dma_start3A_30 = tpu.memref_slice %arg11[%add3A_25, %dma_start3A] : memref<10112x128xf32, #tpu.memory_space<vmem_shared>> -> memref<128x128xf32, #tpu.memory_space<vmem_shared>>
      %dma_start3A_31 = arith.constant 0 : i32
      %dma_start3A_32 = tpu.memref_slice %arg11[%add3A_25, %dma_start3A_31] : memref<10112x128xf32, #tpu.memory_space<vmem_shared>> -> memref<128x128xf32, #tpu.memory_space<vmem_shared>>
      tpu.enqueue_dma source(%dma_start3A_32 : memref<128x128xf32, #tpu.memory_space<vmem_shared>>) target(%arg9 : memref<128x128xf32, #tpu.memory_space<vmem>>) target_semaphore(%run_scoped3A : memref<!tpu.dma_semaphore, #tpu.memory_space<semaphore_mem>>)
      %dma_wait3A = arith.constant 0 : i32
      %dma_wait3A_33 = tpu.memref_slice %arg11[%add3A_25, %dma_wait3A] : memref<10112x128xf32, #tpu.memory_space<vmem_shared>> -> memref<128x128xf32, #tpu.memory_space<vmem_shared>>
      %dma_wait3A_34 = arith.constant 0 : i32
      %dma_wait3A_35 = tpu.memref_slice %arg11[%add3A_25, %dma_wait3A_34] : memref<10112x128xf32, #tpu.memory_space<vmem_shared>> -> memref<128x128xf32, #tpu.memory_space<vmem_shared>>
      tpu.wait_dma2 semaphore(%run_scoped3A : memref<!tpu.dma_semaphore, #tpu.memory_space<semaphore_mem>>) src(%dma_wait3A_35 : memref<128x128xf32, #tpu.memory_space<vmem_shared>>) dst(%arg9 : memref<128x128xf32, #tpu.memory_space<vmem>>)
      tpu.yield
    }) : () -> ()
    "tpu.region"() ({
      %run_scoped3A = tpu.sem_alloc : memref<!tpu.dma_semaphore, #tpu.memory_space<semaphore_mem>>
      %dma_start3A = arith.constant 0 : i32
      %dma_start3A_30 = tpu.memref_slice %arg6[%arg0, %add3A_25, %dma_start3A] : memref<2x10112x128xf32, #tpu.memory_space<hbm>> -> memref<1x128x128xf32, #tpu.memory_space<hbm>>
      %dma_start3A_31 = tpu.memref_squeeze %dma_start3A_30 : memref<1x128x128xf32, #tpu.memory_space<hbm>> -> memref<128x128xf32, #tpu.memory_space<hbm>>
      %dma_start3A_32 = arith.constant 0 : i32
      %dma_start3A_33 = tpu.memref_slice %arg6[%arg0, %add3A_25, %dma_start3A_32] : memref<2x10112x128xf32, #tpu.memory_space<hbm>> -> memref<1x128x128xf32, #tpu.memory_space<hbm>>
      %dma_start3A_34 = tpu.memref_squeeze %dma_start3A_33 : memref<1x128x128xf32, #tpu.memory_space<hbm>> -> memref<128x128xf32, #tpu.memory_space<hbm>>
      tpu.enqueue_dma source(%arg9 : memref<128x128xf32, #tpu.memory_space<vmem>>) target(%dma_start3A_34 : memref<128x128xf32, #tpu.memory_space<hbm>>) target_semaphore(%run_scoped3A : memref<!tpu.dma_semaphore, #tpu.memory_space<semaphore_mem>>)
      %dma_wait3A = arith.constant 0 : i32
      %dma_wait3A_35 = tpu.memref_slice %arg6[%arg0, %add3A_25, %dma_wait3A] : memref<2x10112x128xf32, #tpu.memory_space<hbm>> -> memref<1x128x128xf32, #tpu.memory_space<hbm>>
      %dma_wait3A_36 = tpu.memref_squeeze %dma_wait3A_35 : memref<1x128x128xf32, #tpu.memory_space<hbm>> -> memref<128x128xf32, #tpu.memory_space<hbm>>
      %dma_wait3A_37 = arith.constant 0 : i32
      %dma_wait3A_38 = tpu.memref_slice %arg6[%arg0, %add3A_25, %dma_wait3A_37] : memref<2x10112x128xf32, #tpu.memory_space<hbm>> -> memref<1x128x128xf32, #tpu.memory_space<hbm>>
      %dma_wait3A_39 = tpu.memref_squeeze %dma_wait3A_38 : memref<1x128x128xf32, #tpu.memory_space<hbm>> -> memref<128x128xf32, #tpu.memory_space<hbm>>
      tpu.wait_dma2 semaphore(%run_scoped3A : memref<!tpu.dma_semaphore, #tpu.memory_space<semaphore_mem>>) src(%arg9 : memref<128x128xf32, #tpu.memory_space<vmem>>) dst(%dma_wait3A_39 : memref<128x128xf32, #tpu.memory_space<hbm>>)
      tpu.yield
    }) : () -> ()
    %add3A_26 = arith.constant 384 : i32
    %add3A_27 = arith.addi %mul3A_2, %add3A_26 : i32
    "tpu.region"() ({
      %run_scoped3A = tpu.sem_alloc : memref<!tpu.dma_semaphore, #tpu.memory_space<semaphore_mem>>
      %dma_start3A = arith.constant 0 : i32
      %dma_start3A_30 = tpu.memref_slice %arg11[%add3A_27, %dma_start3A] : memref<10112x128xf32, #tpu.memory_space<vmem_shared>> -> memref<128x128xf32, #tpu.memory_space<vmem_shared>>
      %dma_start3A_31 = arith.constant 0 : i32
      %dma_start3A_32 = tpu.memref_slice %arg11[%add3A_27, %dma_start3A_31] : memref<10112x128xf32, #tpu.memory_space<vmem_shared>> -> memref<128x128xf32, #tpu.memory_space<vmem_shared>>
      tpu.enqueue_dma source(%dma_start3A_32 : memref<128x128xf32, #tpu.memory_space<vmem_shared>>) target(%arg9 : memref<128x128xf32, #tpu.memory_space<vmem>>) target_semaphore(%run_scoped3A : memref<!tpu.dma_semaphore, #tpu.memory_space<semaphore_mem>>)
      %dma_wait3A = arith.constant 0 : i32
      %dma_wait3A_33 = tpu.memref_slice %arg11[%add3A_27, %dma_wait3A] : memref<10112x128xf32, #tpu.memory_space<vmem_shared>> -> memref<128x128xf32, #tpu.memory_space<vmem_shared>>
      %dma_wait3A_34 = arith.constant 0 : i32
      %dma_wait3A_35 = tpu.memref_slice %arg11[%add3A_27, %dma_wait3A_34] : memref<10112x128xf32, #tpu.memory_space<vmem_shared>> -> memref<128x128xf32, #tpu.memory_space<vmem_shared>>
      tpu.wait_dma2 semaphore(%run_scoped3A : memref<!tpu.dma_semaphore, #tpu.memory_space<semaphore_mem>>) src(%dma_wait3A_35 : memref<128x128xf32, #tpu.memory_space<vmem_shared>>) dst(%arg9 : memref<128x128xf32, #tpu.memory_space<vmem>>)
      tpu.yield
    }) : () -> ()
    "tpu.region"() ({
      %run_scoped3A = tpu.sem_alloc : memref<!tpu.dma_semaphore, #tpu.memory_space<semaphore_mem>>
      %dma_start3A = arith.constant 0 : i32
      %dma_start3A_30 = tpu.memref_slice %arg6[%arg0, %add3A_27, %dma_start3A] : memref<2x10112x128xf32, #tpu.memory_space<hbm>> -> memref<1x128x128xf32, #tpu.memory_space<hbm>>
      %dma_start3A_31 = tpu.memref_squeeze %dma_start3A_30 : memref<1x128x128xf32, #tpu.memory_space<hbm>> -> memref<128x128xf32, #tpu.memory_space<hbm>>
      %dma_start3A_32 = arith.constant 0 : i32
      %dma_start3A_33 = tpu.memref_slice %arg6[%arg0, %add3A_27, %dma_start3A_32] : memref<2x10112x128xf32, #tpu.memory_space<hbm>> -> memref<1x128x128xf32, #tpu.memory_space<hbm>>
      %dma_start3A_34 = tpu.memref_squeeze %dma_start3A_33 : memref<1x128x128xf32, #tpu.memory_space<hbm>> -> memref<128x128xf32, #tpu.memory_space<hbm>>
      tpu.enqueue_dma source(%arg9 : memref<128x128xf32, #tpu.memory_space<vmem>>) target(%dma_start3A_34 : memref<128x128xf32, #tpu.memory_space<hbm>>) target_semaphore(%run_scoped3A : memref<!tpu.dma_semaphore, #tpu.memory_space<semaphore_mem>>)
      %dma_wait3A = arith.constant 0 : i32
      %dma_wait3A_35 = tpu.memref_slice %arg6[%arg0, %add3A_27, %dma_wait3A] : memref<2x10112x128xf32, #tpu.memory_space<hbm>> -> memref<1x128x128xf32, #tpu.memory_space<hbm>>
      %dma_wait3A_36 = tpu.memref_squeeze %dma_wait3A_35 : memref<1x128x128xf32, #tpu.memory_space<hbm>> -> memref<128x128xf32, #tpu.memory_space<hbm>>
      %dma_wait3A_37 = arith.constant 0 : i32
      %dma_wait3A_38 = tpu.memref_slice %arg6[%arg0, %add3A_27, %dma_wait3A_37] : memref<2x10112x128xf32, #tpu.memory_space<hbm>> -> memref<1x128x128xf32, #tpu.memory_space<hbm>>
      %dma_wait3A_39 = tpu.memref_squeeze %dma_wait3A_38 : memref<1x128x128xf32, #tpu.memory_space<hbm>> -> memref<128x128xf32, #tpu.memory_space<hbm>>
      tpu.wait_dma2 semaphore(%run_scoped3A : memref<!tpu.dma_semaphore, #tpu.memory_space<semaphore_mem>>) src(%arg9 : memref<128x128xf32, #tpu.memory_space<vmem>>) dst(%dma_wait3A_39 : memref<128x128xf32, #tpu.memory_space<hbm>>)
      tpu.yield
    }) : () -> ()
    %add3A_28 = arith.constant 512 : i32
    %add3A_29 = arith.addi %mul3A_2, %add3A_28 : i32
    "tpu.region"() ({
      %run_scoped3A = tpu.sem_alloc : memref<!tpu.dma_semaphore, #tpu.memory_space<semaphore_mem>>
      %dma_start3A = arith.constant 0 : i32
      %dma_start3A_30 = arith.constant 0 : i32
      %dma_start3A_31 = tpu.memref_slice %arg9[%dma_start3A, %dma_start3A_30] : memref<128x128xf32, #tpu.memory_space<vmem>> -> memref<120x128xf32, #tpu.memory_space<vmem>>
      %dma_start3A_32 = arith.constant 0 : i32
      %dma_start3A_33 = tpu.memref_slice %arg11[%add3A_29, %dma_start3A_32] : memref<10112x128xf32, #tpu.memory_space<vmem_shared>> -> memref<120x128xf32, #tpu.memory_space<vmem_shared>>
      %dma_start3A_34 = arith.constant 0 : i32
      %dma_start3A_35 = arith.constant 0 : i32
      %dma_start3A_36 = tpu.memref_slice %arg9[%dma_start3A_34, %dma_start3A_35] : memref<128x128xf32, #tpu.memory_space<vmem>> -> memref<120x128xf32, #tpu.memory_space<vmem>>
      %dma_start3A_37 = arith.constant 0 : i32
      %dma_start3A_38 = tpu.memref_slice %arg11[%add3A_29, %dma_start3A_37] : memref<10112x128xf32, #tpu.memory_space<vmem_shared>> -> memref<120x128xf32, #tpu.memory_space<vmem_shared>>
      tpu.enqueue_dma source(%dma_start3A_38 : memref<120x128xf32, #tpu.memory_space<vmem_shared>>) target(%dma_start3A_36 : memref<120x128xf32, #tpu.memory_space<vmem>>) target_semaphore(%run_scoped3A : memref<!tpu.dma_semaphore, #tpu.memory_space<semaphore_mem>>)
      %dma_wait3A = arith.constant 0 : i32
      %dma_wait3A_39 = arith.constant 0 : i32
      %dma_wait3A_40 = tpu.memref_slice %arg9[%dma_wait3A, %dma_wait3A_39] : memref<128x128xf32, #tpu.memory_space<vmem>> -> memref<120x128xf32, #tpu.memory_space<vmem>>
      %dma_wait3A_41 = arith.constant 0 : i32
      %dma_wait3A_42 = tpu.memref_slice %arg11[%add3A_29, %dma_wait3A_41] : memref<10112x128xf32, #tpu.memory_space<vmem_shared>> -> memref<120x128xf32, #tpu.memory_space<vmem_shared>>
      %dma_wait3A_43 = arith.constant 0 : i32
      %dma_wait3A_44 = arith.constant 0 : i32
      %dma_wait3A_45 = tpu.memref_slice %arg9[%dma_wait3A_43, %dma_wait3A_44] : memref<128x128xf32, #tpu.memory_space<vmem>> -> memref<120x128xf32, #tpu.memory_space<vmem>>
      %dma_wait3A_46 = arith.constant 0 : i32
      %dma_wait3A_47 = tpu.memref_slice %arg11[%add3A_29, %dma_wait3A_46] : memref<10112x128xf32, #tpu.memory_space<vmem_shared>> -> memref<120x128xf32, #tpu.memory_space<vmem_shared>>
      tpu.wait_dma2 semaphore(%run_scoped3A : memref<!tpu.dma_semaphore, #tpu.memory_space<semaphore_mem>>) src(%dma_wait3A_47 : memref<120x128xf32, #tpu.memory_space<vmem_shared>>) dst(%dma_wait3A_45 : memref<120x128xf32, #tpu.memory_space<vmem>>)
      tpu.yield
    }) : () -> ()
    "tpu.region"() ({
      %run_scoped3A = tpu.sem_alloc : memref<!tpu.dma_semaphore, #tpu.memory_space<semaphore_mem>>
      %dma_start3A = arith.constant 0 : i32
      %dma_start3A_30 = arith.constant 0 : i32
      %dma_start3A_31 = tpu.memref_slice %arg9[%dma_start3A, %dma_start3A_30] : memref<128x128xf32, #tpu.memory_space<vmem>> -> memref<120x128xf32, #tpu.memory_space<vmem>>
      %dma_start3A_32 = arith.constant 0 : i32
      %dma_start3A_33 = tpu.memref_slice %arg6[%arg0, %add3A_29, %dma_start3A_32] : memref<2x10112x128xf32, #tpu.memory_space<hbm>> -> memref<1x120x128xf32, #tpu.memory_space<hbm>>
      %dma_start3A_34 = tpu.memref_squeeze %dma_start3A_33 : memref<1x120x128xf32, #tpu.memory_space<hbm>> -> memref<120x128xf32, #tpu.memory_space<hbm>>
      %dma_start3A_35 = arith.constant 0 : i32
      %dma_start3A_36 = tpu.memref_slice %arg6[%arg0, %add3A_29, %dma_start3A_35] : memref<2x10112x128xf32, #tpu.memory_space<hbm>> -> memref<1x120x128xf32, #tpu.memory_space<hbm>>
      %dma_start3A_37 = tpu.memref_squeeze %dma_start3A_36 : memref<1x120x128xf32, #tpu.memory_space<hbm>> -> memref<120x128xf32, #tpu.memory_space<hbm>>
      %dma_start3A_38 = arith.constant 0 : i32
      %dma_start3A_39 = arith.constant 0 : i32
      %dma_start3A_40 = tpu.memref_slice %arg9[%dma_start3A_38, %dma_start3A_39] : memref<128x128xf32, #tpu.memory_space<vmem>> -> memref<120x128xf32, #tpu.memory_space<vmem>>
      tpu.enqueue_dma source(%dma_start3A_40 : memref<120x128xf32, #tpu.memory_space<vmem>>) target(%dma_start3A_37 : memref<120x128xf32, #tpu.memory_space<hbm>>) target_semaphore(%run_scoped3A : memref<!tpu.dma_semaphore, #tpu.memory_space<semaphore_mem>>)
      %dma_wait3A = arith.constant 0 : i32
      %dma_wait3A_41 = arith.constant 0 : i32
      %dma_wait3A_42 = tpu.memref_slice %arg9[%dma_wait3A, %dma_wait3A_41] : memref<128x128xf32, #tpu.memory_space<vmem>> -> memref<120x128xf32, #tpu.memory_space<vmem>>
      %dma_wait3A_43 = arith.constant 0 : i32
      %dma_wait3A_44 = tpu.memref_slice %arg6[%arg0, %add3A_29, %dma_wait3A_43] : memref<2x10112x128xf32, #tpu.memory_space<hbm>> -> memref<1x120x128xf32, #tpu.memory_space<hbm>>
      %dma_wait3A_45 = tpu.memref_squeeze %dma_wait3A_44 : memref<1x120x128xf32, #tpu.memory_space<hbm>> -> memref<120x128xf32, #tpu.memory_space<hbm>>
      %dma_wait3A_46 = arith.constant 0 : i32
      %dma_wait3A_47 = tpu.memref_slice %arg6[%arg0, %add3A_29, %dma_wait3A_46] : memref<2x10112x128xf32, #tpu.memory_space<hbm>> -> memref<1x120x128xf32, #tpu.memory_space<hbm>>
      %dma_wait3A_48 = tpu.memref_squeeze %dma_wait3A_47 : memref<1x120x128xf32, #tpu.memory_space<hbm>> -> memref<120x128xf32, #tpu.memory_space<hbm>>
      %dma_wait3A_49 = arith.constant 0 : i32
      %dma_wait3A_50 = arith.constant 0 : i32
      %dma_wait3A_51 = tpu.memref_slice %arg9[%dma_wait3A_49, %dma_wait3A_50] : memref<128x128xf32, #tpu.memory_space<vmem>> -> memref<120x128xf32, #tpu.memory_space<vmem>>
      tpu.wait_dma2 semaphore(%run_scoped3A : memref<!tpu.dma_semaphore, #tpu.memory_space<semaphore_mem>>) src(%dma_wait3A_51 : memref<120x128xf32, #tpu.memory_space<vmem>>) dst(%dma_wait3A_48 : memref<120x128xf32, #tpu.memory_space<hbm>>)
      tpu.yield
    }) : () -> ()
    return
  }
}

#map = affine_map<(d0, d1) -> (0, 0, 0)>
#map1 = affine_map<(d0, d1) -> (0, 0)>
module attributes {stable_mosaic.version = 14 : i64} {
  func.func @body(%arg0: i32, %arg1: i32, %arg2: memref<32x80x128xi32, #tpu.memory_space<hbm>>, %arg3: memref<256x32xf32, #tpu.memory_space<hbm>>, %arg4: memref<2x10112x32xf32, #tpu.memory_space<hbm>>, %arg5: memref<8x128xi32, #tpu.memory_space<vmem>>, %arg6: memref<128x32xf32, #tpu.memory_space<vmem>>, %arg7: memref<10112x32xf32, #tpu.memory_space<vmem_shared>>, %arg8: memref<!tpu.dma_semaphore, #tpu.memory_space<semaphore_mem>>) attributes {dimension_semantics = [#tpu.dimension_semantics<core_parallel>, #tpu.dimension_semantics<subcore_parallel>], iteration_bounds = array<i64: 2, 16>, scalar_prefetch = 0 : i64, scratch_operands = 4 : i64, tpu.core_type = #tpu.core_type<sc_vector_subcore>, window_params = [{transform_indices = #map}, {transform_indices = #map1}, {transform_indices = #map}]} {
    %mul3A = arith.constant 16 : i32
    %mul3A_0 = arith.muli %arg0, %mul3A : i32
    %add3A = arith.addi %mul3A_0, %arg1 : i32
    %mul3A_1 = arith.constant 632 : i32
    %mul3A_2 = arith.muli %arg1, %mul3A_1 : i32
    "tpu.region"() ({
      %run_scoped3A = tpu.sem_alloc : memref<!tpu.dma_semaphore, #tpu.memory_space<semaphore_mem>>
      %dma_start3A = arith.constant 128 : i32
      %dma_start3A_30 = arith.constant 0 : i32
      %dma_start3A_31 = tpu.memref_slice %arg3[%dma_start3A, %dma_start3A_30] : memref<256x32xf32, #tpu.memory_space<hbm>> -> memref<128x32xf32, #tpu.memory_space<hbm>>
      %dma_start3A_32 = arith.constant 128 : i32
      %dma_start3A_33 = arith.constant 0 : i32
      %dma_start3A_34 = tpu.memref_slice %arg3[%dma_start3A_32, %dma_start3A_33] : memref<256x32xf32, #tpu.memory_space<hbm>> -> memref<128x32xf32, #tpu.memory_space<hbm>>
      tpu.enqueue_dma source(%dma_start3A_34 : memref<128x32xf32, #tpu.memory_space<hbm>>) target(%arg6 : memref<128x32xf32, #tpu.memory_space<vmem>>) target_semaphore(%run_scoped3A : memref<!tpu.dma_semaphore, #tpu.memory_space<semaphore_mem>>)
      %dma_wait3A = arith.constant 128 : i32
      %dma_wait3A_35 = arith.constant 0 : i32
      %dma_wait3A_36 = tpu.memref_slice %arg3[%dma_wait3A, %dma_wait3A_35] : memref<256x32xf32, #tpu.memory_space<hbm>> -> memref<128x32xf32, #tpu.memory_space<hbm>>
      %dma_wait3A_37 = arith.constant 128 : i32
      %dma_wait3A_38 = arith.constant 0 : i32
      %dma_wait3A_39 = tpu.memref_slice %arg3[%dma_wait3A_37, %dma_wait3A_38] : memref<256x32xf32, #tpu.memory_space<hbm>> -> memref<128x32xf32, #tpu.memory_space<hbm>>
      tpu.wait_dma2 semaphore(%run_scoped3A : memref<!tpu.dma_semaphore, #tpu.memory_space<semaphore_mem>>) src(%dma_wait3A_39 : memref<128x32xf32, #tpu.memory_space<hbm>>) dst(%arg6 : memref<128x32xf32, #tpu.memory_space<vmem>>)
      tpu.yield
    }) : () -> ()
    %add3A_3 = arith.constant 0 : i32
    %add3A_4 = arith.addi %mul3A_2, %add3A_3 : i32
    "tpu.region"() ({
      %run_scoped3A = tpu.sem_alloc : memref<!tpu.dma_semaphore, #tpu.memory_space<semaphore_mem>>
      %dma_start3A = arith.constant 0 : i32
      %dma_start3A_30 = tpu.memref_slice %arg7[%add3A_4, %dma_start3A] : memref<10112x32xf32, #tpu.memory_space<vmem_shared>> -> memref<128x32xf32, #tpu.memory_space<vmem_shared>>
      %dma_start3A_31 = arith.constant 0 : i32
      %dma_start3A_32 = tpu.memref_slice %arg7[%add3A_4, %dma_start3A_31] : memref<10112x32xf32, #tpu.memory_space<vmem_shared>> -> memref<128x32xf32, #tpu.memory_space<vmem_shared>>
      tpu.enqueue_dma source(%arg6 : memref<128x32xf32, #tpu.memory_space<vmem>>) target(%dma_start3A_32 : memref<128x32xf32, #tpu.memory_space<vmem_shared>>) target_semaphore(%run_scoped3A : memref<!tpu.dma_semaphore, #tpu.memory_space<semaphore_mem>>)
      %dma_wait3A = arith.constant 0 : i32
      %dma_wait3A_33 = tpu.memref_slice %arg7[%add3A_4, %dma_wait3A] : memref<10112x32xf32, #tpu.memory_space<vmem_shared>> -> memref<128x32xf32, #tpu.memory_space<vmem_shared>>
      %dma_wait3A_34 = arith.constant 0 : i32
      %dma_wait3A_35 = tpu.memref_slice %arg7[%add3A_4, %dma_wait3A_34] : memref<10112x32xf32, #tpu.memory_space<vmem_shared>> -> memref<128x32xf32, #tpu.memory_space<vmem_shared>>
      tpu.wait_dma2 semaphore(%run_scoped3A : memref<!tpu.dma_semaphore, #tpu.memory_space<semaphore_mem>>) src(%arg6 : memref<128x32xf32, #tpu.memory_space<vmem>>) dst(%dma_wait3A_35 : memref<128x32xf32, #tpu.memory_space<vmem_shared>>)
      tpu.yield
    }) : () -> ()
    %add3A_5 = arith.constant 128 : i32
    %add3A_6 = arith.addi %mul3A_2, %add3A_5 : i32
    "tpu.region"() ({
      %run_scoped3A = tpu.sem_alloc : memref<!tpu.dma_semaphore, #tpu.memory_space<semaphore_mem>>
      %dma_start3A = arith.constant 0 : i32
      %dma_start3A_30 = tpu.memref_slice %arg7[%add3A_6, %dma_start3A] : memref<10112x32xf32, #tpu.memory_space<vmem_shared>> -> memref<128x32xf32, #tpu.memory_space<vmem_shared>>
      %dma_start3A_31 = arith.constant 0 : i32
      %dma_start3A_32 = tpu.memref_slice %arg7[%add3A_6, %dma_start3A_31] : memref<10112x32xf32, #tpu.memory_space<vmem_shared>> -> memref<128x32xf32, #tpu.memory_space<vmem_shared>>
      tpu.enqueue_dma source(%arg6 : memref<128x32xf32, #tpu.memory_space<vmem>>) target(%dma_start3A_32 : memref<128x32xf32, #tpu.memory_space<vmem_shared>>) target_semaphore(%run_scoped3A : memref<!tpu.dma_semaphore, #tpu.memory_space<semaphore_mem>>)
      %dma_wait3A = arith.constant 0 : i32
      %dma_wait3A_33 = tpu.memref_slice %arg7[%add3A_6, %dma_wait3A] : memref<10112x32xf32, #tpu.memory_space<vmem_shared>> -> memref<128x32xf32, #tpu.memory_space<vmem_shared>>
      %dma_wait3A_34 = arith.constant 0 : i32
      %dma_wait3A_35 = tpu.memref_slice %arg7[%add3A_6, %dma_wait3A_34] : memref<10112x32xf32, #tpu.memory_space<vmem_shared>> -> memref<128x32xf32, #tpu.memory_space<vmem_shared>>
      tpu.wait_dma2 semaphore(%run_scoped3A : memref<!tpu.dma_semaphore, #tpu.memory_space<semaphore_mem>>) src(%arg6 : memref<128x32xf32, #tpu.memory_space<vmem>>) dst(%dma_wait3A_35 : memref<128x32xf32, #tpu.memory_space<vmem_shared>>)
      tpu.yield
    }) : () -> ()
    %add3A_7 = arith.constant 256 : i32
    %add3A_8 = arith.addi %mul3A_2, %add3A_7 : i32
    "tpu.region"() ({
      %run_scoped3A = tpu.sem_alloc : memref<!tpu.dma_semaphore, #tpu.memory_space<semaphore_mem>>
      %dma_start3A = arith.constant 0 : i32
      %dma_start3A_30 = tpu.memref_slice %arg7[%add3A_8, %dma_start3A] : memref<10112x32xf32, #tpu.memory_space<vmem_shared>> -> memref<128x32xf32, #tpu.memory_space<vmem_shared>>
      %dma_start3A_31 = arith.constant 0 : i32
      %dma_start3A_32 = tpu.memref_slice %arg7[%add3A_8, %dma_start3A_31] : memref<10112x32xf32, #tpu.memory_space<vmem_shared>> -> memref<128x32xf32, #tpu.memory_space<vmem_shared>>
      tpu.enqueue_dma source(%arg6 : memref<128x32xf32, #tpu.memory_space<vmem>>) target(%dma_start3A_32 : memref<128x32xf32, #tpu.memory_space<vmem_shared>>) target_semaphore(%run_scoped3A : memref<!tpu.dma_semaphore, #tpu.memory_space<semaphore_mem>>)
      %dma_wait3A = arith.constant 0 : i32
      %dma_wait3A_33 = tpu.memref_slice %arg7[%add3A_8, %dma_wait3A] : memref<10112x32xf32, #tpu.memory_space<vmem_shared>> -> memref<128x32xf32, #tpu.memory_space<vmem_shared>>
      %dma_wait3A_34 = arith.constant 0 : i32
      %dma_wait3A_35 = tpu.memref_slice %arg7[%add3A_8, %dma_wait3A_34] : memref<10112x32xf32, #tpu.memory_space<vmem_shared>> -> memref<128x32xf32, #tpu.memory_space<vmem_shared>>
      tpu.wait_dma2 semaphore(%run_scoped3A : memref<!tpu.dma_semaphore, #tpu.memory_space<semaphore_mem>>) src(%arg6 : memref<128x32xf32, #tpu.memory_space<vmem>>) dst(%dma_wait3A_35 : memref<128x32xf32, #tpu.memory_space<vmem_shared>>)
      tpu.yield
    }) : () -> ()
    %add3A_9 = arith.constant 384 : i32
    %add3A_10 = arith.addi %mul3A_2, %add3A_9 : i32
    "tpu.region"() ({
      %run_scoped3A = tpu.sem_alloc : memref<!tpu.dma_semaphore, #tpu.memory_space<semaphore_mem>>
      %dma_start3A = arith.constant 0 : i32
      %dma_start3A_30 = tpu.memref_slice %arg7[%add3A_10, %dma_start3A] : memref<10112x32xf32, #tpu.memory_space<vmem_shared>> -> memref<128x32xf32, #tpu.memory_space<vmem_shared>>
      %dma_start3A_31 = arith.constant 0 : i32
      %dma_start3A_32 = tpu.memref_slice %arg7[%add3A_10, %dma_start3A_31] : memref<10112x32xf32, #tpu.memory_space<vmem_shared>> -> memref<128x32xf32, #tpu.memory_space<vmem_shared>>
      tpu.enqueue_dma source(%arg6 : memref<128x32xf32, #tpu.memory_space<vmem>>) target(%dma_start3A_32 : memref<128x32xf32, #tpu.memory_space<vmem_shared>>) target_semaphore(%run_scoped3A : memref<!tpu.dma_semaphore, #tpu.memory_space<semaphore_mem>>)
      %dma_wait3A = arith.constant 0 : i32
      %dma_wait3A_33 = tpu.memref_slice %arg7[%add3A_10, %dma_wait3A] : memref<10112x32xf32, #tpu.memory_space<vmem_shared>> -> memref<128x32xf32, #tpu.memory_space<vmem_shared>>
      %dma_wait3A_34 = arith.constant 0 : i32
      %dma_wait3A_35 = tpu.memref_slice %arg7[%add3A_10, %dma_wait3A_34] : memref<10112x32xf32, #tpu.memory_space<vmem_shared>> -> memref<128x32xf32, #tpu.memory_space<vmem_shared>>
      tpu.wait_dma2 semaphore(%run_scoped3A : memref<!tpu.dma_semaphore, #tpu.memory_space<semaphore_mem>>) src(%arg6 : memref<128x32xf32, #tpu.memory_space<vmem>>) dst(%dma_wait3A_35 : memref<128x32xf32, #tpu.memory_space<vmem_shared>>)
      tpu.yield
    }) : () -> ()
    %add3A_11 = arith.constant 512 : i32
    %add3A_12 = arith.addi %mul3A_2, %add3A_11 : i32
    "tpu.region"() ({
      %run_scoped3A = tpu.sem_alloc : memref<!tpu.dma_semaphore, #tpu.memory_space<semaphore_mem>>
      %dma_start3A = arith.constant 0 : i32
      %dma_start3A_30 = arith.constant 0 : i32
      %dma_start3A_31 = tpu.memref_slice %arg6[%dma_start3A, %dma_start3A_30] : memref<128x32xf32, #tpu.memory_space<vmem>> -> memref<120x32xf32, #tpu.memory_space<vmem>>
      %dma_start3A_32 = arith.constant 0 : i32
      %dma_start3A_33 = tpu.memref_slice %arg7[%add3A_12, %dma_start3A_32] : memref<10112x32xf32, #tpu.memory_space<vmem_shared>> -> memref<120x32xf32, #tpu.memory_space<vmem_shared>>
      %dma_start3A_34 = arith.constant 0 : i32
      %dma_start3A_35 = tpu.memref_slice %arg7[%add3A_12, %dma_start3A_34] : memref<10112x32xf32, #tpu.memory_space<vmem_shared>> -> memref<120x32xf32, #tpu.memory_space<vmem_shared>>
      %dma_start3A_36 = arith.constant 0 : i32
      %dma_start3A_37 = arith.constant 0 : i32
      %dma_start3A_38 = tpu.memref_slice %arg6[%dma_start3A_36, %dma_start3A_37] : memref<128x32xf32, #tpu.memory_space<vmem>> -> memref<120x32xf32, #tpu.memory_space<vmem>>
      tpu.enqueue_dma source(%dma_start3A_38 : memref<120x32xf32, #tpu.memory_space<vmem>>) target(%dma_start3A_35 : memref<120x32xf32, #tpu.memory_space<vmem_shared>>) target_semaphore(%run_scoped3A : memref<!tpu.dma_semaphore, #tpu.memory_space<semaphore_mem>>)
      %dma_wait3A = arith.constant 0 : i32
      %dma_wait3A_39 = arith.constant 0 : i32
      %dma_wait3A_40 = tpu.memref_slice %arg6[%dma_wait3A, %dma_wait3A_39] : memref<128x32xf32, #tpu.memory_space<vmem>> -> memref<120x32xf32, #tpu.memory_space<vmem>>
      %dma_wait3A_41 = arith.constant 0 : i32
      %dma_wait3A_42 = tpu.memref_slice %arg7[%add3A_12, %dma_wait3A_41] : memref<10112x32xf32, #tpu.memory_space<vmem_shared>> -> memref<120x32xf32, #tpu.memory_space<vmem_shared>>
      %dma_wait3A_43 = arith.constant 0 : i32
      %dma_wait3A_44 = tpu.memref_slice %arg7[%add3A_12, %dma_wait3A_43] : memref<10112x32xf32, #tpu.memory_space<vmem_shared>> -> memref<120x32xf32, #tpu.memory_space<vmem_shared>>
      %dma_wait3A_45 = arith.constant 0 : i32
      %dma_wait3A_46 = arith.constant 0 : i32
      %dma_wait3A_47 = tpu.memref_slice %arg6[%dma_wait3A_45, %dma_wait3A_46] : memref<128x32xf32, #tpu.memory_space<vmem>> -> memref<120x32xf32, #tpu.memory_space<vmem>>
      tpu.wait_dma2 semaphore(%run_scoped3A : memref<!tpu.dma_semaphore, #tpu.memory_space<semaphore_mem>>) src(%dma_wait3A_47 : memref<120x32xf32, #tpu.memory_space<vmem>>) dst(%dma_wait3A_44 : memref<120x32xf32, #tpu.memory_space<vmem_shared>>)
      tpu.yield
    }) : () -> ()
    "tpu.region"() ({
      %run_scoped3A = tpu.sem_alloc : memref<!tpu.dma_semaphore, #tpu.memory_space<semaphore_mem>>
      %dma_start3A = arith.constant 0 : i32
      %dma_start3A_30 = arith.constant 0 : i32
      %dma_start3A_31 = tpu.memref_slice %arg3[%dma_start3A, %dma_start3A_30] : memref<256x32xf32, #tpu.memory_space<hbm>> -> memref<128x32xf32, #tpu.memory_space<hbm>>
      %dma_start3A_32 = arith.constant 0 : i32
      %dma_start3A_33 = arith.constant 0 : i32
      %dma_start3A_34 = tpu.memref_slice %arg3[%dma_start3A_32, %dma_start3A_33] : memref<256x32xf32, #tpu.memory_space<hbm>> -> memref<128x32xf32, #tpu.memory_space<hbm>>
      tpu.enqueue_dma source(%dma_start3A_34 : memref<128x32xf32, #tpu.memory_space<hbm>>) target(%arg6 : memref<128x32xf32, #tpu.memory_space<vmem>>) target_semaphore(%run_scoped3A : memref<!tpu.dma_semaphore, #tpu.memory_space<semaphore_mem>>)
      %dma_wait3A = arith.constant 0 : i32
      %dma_wait3A_35 = arith.constant 0 : i32
      %dma_wait3A_36 = tpu.memref_slice %arg3[%dma_wait3A, %dma_wait3A_35] : memref<256x32xf32, #tpu.memory_space<hbm>> -> memref<128x32xf32, #tpu.memory_space<hbm>>
      %dma_wait3A_37 = arith.constant 0 : i32
      %dma_wait3A_38 = arith.constant 0 : i32
      %dma_wait3A_39 = tpu.memref_slice %arg3[%dma_wait3A_37, %dma_wait3A_38] : memref<256x32xf32, #tpu.memory_space<hbm>> -> memref<128x32xf32, #tpu.memory_space<hbm>>
      tpu.wait_dma2 semaphore(%run_scoped3A : memref<!tpu.dma_semaphore, #tpu.memory_space<semaphore_mem>>) src(%dma_wait3A_39 : memref<128x32xf32, #tpu.memory_space<hbm>>) dst(%arg6 : memref<128x32xf32, #tpu.memory_space<vmem>>)
      tpu.yield
    }) : () -> ()
    %barrier3A = arith.constant 0 : index
    tpu.barrier barrier_id(%barrier3A)
    %scan3A = arith.constant 0 : i32
    %scan3A_13 = arith.constant 0 : i32
    %scan3A_14 = arith.constant 10 : i32
    %scan3A_15 = arith.addi %scan3A_13, %scan3A_14 : i32
    %scan3A_16 = arith.constant 1 : i32
    %scan3A_17 = scf.for %scan3A_30 = %scan3A_13 to %scan3A_15 step %scan3A_16 iter_args(%scan3A_31 = %scan3A) -> (i32)  : i32 {
      %mul3A_32 = arith.constant 8 : i32
      %mul3A_33 = arith.muli %scan3A_30, %mul3A_32 : i32
      "tpu.region"() ({
        %run_scoped3A = tpu.sem_alloc : memref<!tpu.dma_semaphore, #tpu.memory_space<semaphore_mem>>
        %dma_start3A_145 = arith.constant 0 : i32
        %dma_start3A_146 = tpu.memref_slice %arg2[%add3A, %mul3A_33, %dma_start3A_145] : memref<32x80x128xi32, #tpu.memory_space<hbm>> -> memref<1x8x128xi32, #tpu.memory_space<hbm>>
        %dma_start3A_147 = tpu.memref_squeeze %dma_start3A_146 : memref<1x8x128xi32, #tpu.memory_space<hbm>> -> memref<8x128xi32, #tpu.memory_space<hbm>>
        %dma_start3A_148 = arith.constant 0 : i32
        %dma_start3A_149 = tpu.memref_slice %arg2[%add3A, %mul3A_33, %dma_start3A_148] : memref<32x80x128xi32, #tpu.memory_space<hbm>> -> memref<1x8x128xi32, #tpu.memory_space<hbm>>
        %dma_start3A_150 = tpu.memref_squeeze %dma_start3A_149 : memref<1x8x128xi32, #tpu.memory_space<hbm>> -> memref<8x128xi32, #tpu.memory_space<hbm>>
        tpu.enqueue_dma source(%dma_start3A_150 : memref<8x128xi32, #tpu.memory_space<hbm>>) target(%arg5 : memref<8x128xi32, #tpu.memory_space<vmem>>) target_semaphore(%run_scoped3A : memref<!tpu.dma_semaphore, #tpu.memory_space<semaphore_mem>>)
        %dma_wait3A_151 = arith.constant 0 : i32
        %dma_wait3A_152 = tpu.memref_slice %arg2[%add3A, %mul3A_33, %dma_wait3A_151] : memref<32x80x128xi32, #tpu.memory_space<hbm>> -> memref<1x8x128xi32, #tpu.memory_space<hbm>>
        %dma_wait3A_153 = tpu.memref_squeeze %dma_wait3A_152 : memref<1x8x128xi32, #tpu.memory_space<hbm>> -> memref<8x128xi32, #tpu.memory_space<hbm>>
        %dma_wait3A_154 = arith.constant 0 : i32
        %dma_wait3A_155 = tpu.memref_slice %arg2[%add3A, %mul3A_33, %dma_wait3A_154] : memref<32x80x128xi32, #tpu.memory_space<hbm>> -> memref<1x8x128xi32, #tpu.memory_space<hbm>>
        %dma_wait3A_156 = tpu.memref_squeeze %dma_wait3A_155 : memref<1x8x128xi32, #tpu.memory_space<hbm>> -> memref<8x128xi32, #tpu.memory_space<hbm>>
        tpu.wait_dma2 semaphore(%run_scoped3A : memref<!tpu.dma_semaphore, #tpu.memory_space<semaphore_mem>>) src(%dma_wait3A_156 : memref<8x128xi32, #tpu.memory_space<hbm>>) dst(%arg5 : memref<8x128xi32, #tpu.memory_space<vmem>>)
        tpu.yield
      }) : () -> ()
      %dma_start3A = arith.constant 0 : i32
      %dma_start3A_34 = arith.constant 0 : i32
      %dma_start3A_35 = tpu.memref_slice %arg5[%dma_start3A, %dma_start3A_34] : memref<8x128xi32, #tpu.memory_space<vmem>> -> memref<1x128xi32, #tpu.memory_space<vmem>>
      %dma_start3A_36 = tpu.memref_squeeze %dma_start3A_35 : memref<1x128xi32, #tpu.memory_space<vmem>> -> memref<128xi32, #tpu.memory_space<vmem>>
      %dma_start3A_37 = arith.constant 0 : i32
      %dma_start3A_38 = arith.constant 0 : i32
      %dma_start3A_39 = tpu.memref_slice %arg7[%dma_start3A_37, %dma_start3A_38] : memref<10112x32xf32, #tpu.memory_space<vmem_shared>> -> memref<10112x32xf32, #tpu.memory_space<vmem_shared>>
      tpu.enqueue_indirect_dma source(%arg6 : memref<128x32xf32, #tpu.memory_space<vmem>>) target(%dma_start3A_39 : memref<10112x32xf32, #tpu.memory_space<vmem_shared>>) offsets(%dma_start3A_36 : memref<128xi32, #tpu.memory_space<vmem>>) semaphore(%arg8 : memref<!tpu.dma_semaphore, #tpu.memory_space<semaphore_mem>>) {add = true}
      %dma_start3A_40 = arith.constant 1 : i32
      %dma_start3A_41 = arith.constant 0 : i32
      %dma_start3A_42 = tpu.memref_slice %arg5[%dma_start3A_40, %dma_start3A_41] : memref<8x128xi32, #tpu.memory_space<vmem>> -> memref<1x128xi32, #tpu.memory_space<vmem>>
      %dma_start3A_43 = tpu.memref_squeeze %dma_start3A_42 : memref<1x128xi32, #tpu.memory_space<vmem>> -> memref<128xi32, #tpu.memory_space<vmem>>
      %dma_start3A_44 = arith.constant 0 : i32
      %dma_start3A_45 = arith.constant 0 : i32
      %dma_start3A_46 = tpu.memref_slice %arg7[%dma_start3A_44, %dma_start3A_45] : memref<10112x32xf32, #tpu.memory_space<vmem_shared>> -> memref<10112x32xf32, #tpu.memory_space<vmem_shared>>
      tpu.enqueue_indirect_dma source(%arg6 : memref<128x32xf32, #tpu.memory_space<vmem>>) target(%dma_start3A_46 : memref<10112x32xf32, #tpu.memory_space<vmem_shared>>) offsets(%dma_start3A_43 : memref<128xi32, #tpu.memory_space<vmem>>) semaphore(%arg8 : memref<!tpu.dma_semaphore, #tpu.memory_space<semaphore_mem>>) {add = true}
      %dma_start3A_47 = arith.constant 2 : i32
      %dma_start3A_48 = arith.constant 0 : i32
      %dma_start3A_49 = tpu.memref_slice %arg5[%dma_start3A_47, %dma_start3A_48] : memref<8x128xi32, #tpu.memory_space<vmem>> -> memref<1x128xi32, #tpu.memory_space<vmem>>
      %dma_start3A_50 = tpu.memref_squeeze %dma_start3A_49 : memref<1x128xi32, #tpu.memory_space<vmem>> -> memref<128xi32, #tpu.memory_space<vmem>>
      %dma_start3A_51 = arith.constant 0 : i32
      %dma_start3A_52 = arith.constant 0 : i32
      %dma_start3A_53 = tpu.memref_slice %arg7[%dma_start3A_51, %dma_start3A_52] : memref<10112x32xf32, #tpu.memory_space<vmem_shared>> -> memref<10112x32xf32, #tpu.memory_space<vmem_shared>>
      tpu.enqueue_indirect_dma source(%arg6 : memref<128x32xf32, #tpu.memory_space<vmem>>) target(%dma_start3A_53 : memref<10112x32xf32, #tpu.memory_space<vmem_shared>>) offsets(%dma_start3A_50 : memref<128xi32, #tpu.memory_space<vmem>>) semaphore(%arg8 : memref<!tpu.dma_semaphore, #tpu.memory_space<semaphore_mem>>) {add = true}
      %dma_start3A_54 = arith.constant 3 : i32
      %dma_start3A_55 = arith.constant 0 : i32
      %dma_start3A_56 = tpu.memref_slice %arg5[%dma_start3A_54, %dma_start3A_55] : memref<8x128xi32, #tpu.memory_space<vmem>> -> memref<1x128xi32, #tpu.memory_space<vmem>>
      %dma_start3A_57 = tpu.memref_squeeze %dma_start3A_56 : memref<1x128xi32, #tpu.memory_space<vmem>> -> memref<128xi32, #tpu.memory_space<vmem>>
      %dma_start3A_58 = arith.constant 0 : i32
      %dma_start3A_59 = arith.constant 0 : i32
      %dma_start3A_60 = tpu.memref_slice %arg7[%dma_start3A_58, %dma_start3A_59] : memref<10112x32xf32, #tpu.memory_space<vmem_shared>> -> memref<10112x32xf32, #tpu.memory_space<vmem_shared>>
      tpu.enqueue_indirect_dma source(%arg6 : memref<128x32xf32, #tpu.memory_space<vmem>>) target(%dma_start3A_60 : memref<10112x32xf32, #tpu.memory_space<vmem_shared>>) offsets(%dma_start3A_57 : memref<128xi32, #tpu.memory_space<vmem>>) semaphore(%arg8 : memref<!tpu.dma_semaphore, #tpu.memory_space<semaphore_mem>>) {add = true}
      %dma_start3A_61 = arith.constant 4 : i32
      %dma_start3A_62 = arith.constant 0 : i32
      %dma_start3A_63 = tpu.memref_slice %arg5[%dma_start3A_61, %dma_start3A_62] : memref<8x128xi32, #tpu.memory_space<vmem>> -> memref<1x128xi32, #tpu.memory_space<vmem>>
      %dma_start3A_64 = tpu.memref_squeeze %dma_start3A_63 : memref<1x128xi32, #tpu.memory_space<vmem>> -> memref<128xi32, #tpu.memory_space<vmem>>
      %dma_start3A_65 = arith.constant 0 : i32
      %dma_start3A_66 = arith.constant 0 : i32
      %dma_start3A_67 = tpu.memref_slice %arg7[%dma_start3A_65, %dma_start3A_66] : memref<10112x32xf32, #tpu.memory_space<vmem_shared>> -> memref<10112x32xf32, #tpu.memory_space<vmem_shared>>
      tpu.enqueue_indirect_dma source(%arg6 : memref<128x32xf32, #tpu.memory_space<vmem>>) target(%dma_start3A_67 : memref<10112x32xf32, #tpu.memory_space<vmem_shared>>) offsets(%dma_start3A_64 : memref<128xi32, #tpu.memory_space<vmem>>) semaphore(%arg8 : memref<!tpu.dma_semaphore, #tpu.memory_space<semaphore_mem>>) {add = true}
      %dma_start3A_68 = arith.constant 5 : i32
      %dma_start3A_69 = arith.constant 0 : i32
      %dma_start3A_70 = tpu.memref_slice %arg5[%dma_start3A_68, %dma_start3A_69] : memref<8x128xi32, #tpu.memory_space<vmem>> -> memref<1x128xi32, #tpu.memory_space<vmem>>
      %dma_start3A_71 = tpu.memref_squeeze %dma_start3A_70 : memref<1x128xi32, #tpu.memory_space<vmem>> -> memref<128xi32, #tpu.memory_space<vmem>>
      %dma_start3A_72 = arith.constant 0 : i32
      %dma_start3A_73 = arith.constant 0 : i32
      %dma_start3A_74 = tpu.memref_slice %arg7[%dma_start3A_72, %dma_start3A_73] : memref<10112x32xf32, #tpu.memory_space<vmem_shared>> -> memref<10112x32xf32, #tpu.memory_space<vmem_shared>>
      tpu.enqueue_indirect_dma source(%arg6 : memref<128x32xf32, #tpu.memory_space<vmem>>) target(%dma_start3A_74 : memref<10112x32xf32, #tpu.memory_space<vmem_shared>>) offsets(%dma_start3A_71 : memref<128xi32, #tpu.memory_space<vmem>>) semaphore(%arg8 : memref<!tpu.dma_semaphore, #tpu.memory_space<semaphore_mem>>) {add = true}
      %dma_start3A_75 = arith.constant 6 : i32
      %dma_start3A_76 = arith.constant 0 : i32
      %dma_start3A_77 = tpu.memref_slice %arg5[%dma_start3A_75, %dma_start3A_76] : memref<8x128xi32, #tpu.memory_space<vmem>> -> memref<1x128xi32, #tpu.memory_space<vmem>>
      %dma_start3A_78 = tpu.memref_squeeze %dma_start3A_77 : memref<1x128xi32, #tpu.memory_space<vmem>> -> memref<128xi32, #tpu.memory_space<vmem>>
      %dma_start3A_79 = arith.constant 0 : i32
      %dma_start3A_80 = arith.constant 0 : i32
      %dma_start3A_81 = tpu.memref_slice %arg7[%dma_start3A_79, %dma_start3A_80] : memref<10112x32xf32, #tpu.memory_space<vmem_shared>> -> memref<10112x32xf32, #tpu.memory_space<vmem_shared>>
      tpu.enqueue_indirect_dma source(%arg6 : memref<128x32xf32, #tpu.memory_space<vmem>>) target(%dma_start3A_81 : memref<10112x32xf32, #tpu.memory_space<vmem_shared>>) offsets(%dma_start3A_78 : memref<128xi32, #tpu.memory_space<vmem>>) semaphore(%arg8 : memref<!tpu.dma_semaphore, #tpu.memory_space<semaphore_mem>>) {add = true}
      %dma_start3A_82 = arith.constant 7 : i32
      %dma_start3A_83 = arith.constant 0 : i32
      %dma_start3A_84 = tpu.memref_slice %arg5[%dma_start3A_82, %dma_start3A_83] : memref<8x128xi32, #tpu.memory_space<vmem>> -> memref<1x128xi32, #tpu.memory_space<vmem>>
      %dma_start3A_85 = tpu.memref_squeeze %dma_start3A_84 : memref<1x128xi32, #tpu.memory_space<vmem>> -> memref<128xi32, #tpu.memory_space<vmem>>
      %dma_start3A_86 = arith.constant 0 : i32
      %dma_start3A_87 = arith.constant 0 : i32
      %dma_start3A_88 = tpu.memref_slice %arg7[%dma_start3A_86, %dma_start3A_87] : memref<10112x32xf32, #tpu.memory_space<vmem_shared>> -> memref<10112x32xf32, #tpu.memory_space<vmem_shared>>
      tpu.enqueue_indirect_dma source(%arg6 : memref<128x32xf32, #tpu.memory_space<vmem>>) target(%dma_start3A_88 : memref<10112x32xf32, #tpu.memory_space<vmem_shared>>) offsets(%dma_start3A_85 : memref<128xi32, #tpu.memory_space<vmem>>) semaphore(%arg8 : memref<!tpu.dma_semaphore, #tpu.memory_space<semaphore_mem>>) {add = true}
      %dma_wait3A = arith.constant 0 : i32
      %dma_wait3A_89 = arith.constant 0 : i32
      %dma_wait3A_90 = tpu.memref_slice %arg5[%dma_wait3A, %dma_wait3A_89] : memref<8x128xi32, #tpu.memory_space<vmem>> -> memref<1x128xi32, #tpu.memory_space<vmem>>
      %dma_wait3A_91 = tpu.memref_squeeze %dma_wait3A_90 : memref<1x128xi32, #tpu.memory_space<vmem>> -> memref<128xi32, #tpu.memory_space<vmem>>
      %dma_wait3A_92 = arith.constant 0 : i32
      %dma_wait3A_93 = arith.constant 0 : i32
      %dma_wait3A_94 = tpu.memref_slice %arg7[%dma_wait3A_92, %dma_wait3A_93] : memref<10112x32xf32, #tpu.memory_space<vmem_shared>> -> memref<10112x32xf32, #tpu.memory_space<vmem_shared>>
      tpu.wait_indirect_dma semaphore(%arg8 : memref<!tpu.dma_semaphore, #tpu.memory_space<semaphore_mem>>) src(%arg6 : memref<128x32xf32, #tpu.memory_space<vmem>>) dst(%dma_wait3A_94 : memref<10112x32xf32, #tpu.memory_space<vmem_shared>>)
      %dma_wait3A_95 = arith.constant 1 : i32
      %dma_wait3A_96 = arith.constant 0 : i32
      %dma_wait3A_97 = tpu.memref_slice %arg5[%dma_wait3A_95, %dma_wait3A_96] : memref<8x128xi32, #tpu.memory_space<vmem>> -> memref<1x128xi32, #tpu.memory_space<vmem>>
      %dma_wait3A_98 = tpu.memref_squeeze %dma_wait3A_97 : memref<1x128xi32, #tpu.memory_space<vmem>> -> memref<128xi32, #tpu.memory_space<vmem>>
      %dma_wait3A_99 = arith.constant 0 : i32
      %dma_wait3A_100 = arith.constant 0 : i32
      %dma_wait3A_101 = tpu.memref_slice %arg7[%dma_wait3A_99, %dma_wait3A_100] : memref<10112x32xf32, #tpu.memory_space<vmem_shared>> -> memref<10112x32xf32, #tpu.memory_space<vmem_shared>>
      tpu.wait_indirect_dma semaphore(%arg8 : memref<!tpu.dma_semaphore, #tpu.memory_space<semaphore_mem>>) src(%arg6 : memref<128x32xf32, #tpu.memory_space<vmem>>) dst(%dma_wait3A_101 : memref<10112x32xf32, #tpu.memory_space<vmem_shared>>)
      %dma_wait3A_102 = arith.constant 2 : i32
      %dma_wait3A_103 = arith.constant 0 : i32
      %dma_wait3A_104 = tpu.memref_slice %arg5[%dma_wait3A_102, %dma_wait3A_103] : memref<8x128xi32, #tpu.memory_space<vmem>> -> memref<1x128xi32, #tpu.memory_space<vmem>>
      %dma_wait3A_105 = tpu.memref_squeeze %dma_wait3A_104 : memref<1x128xi32, #tpu.memory_space<vmem>> -> memref<128xi32, #tpu.memory_space<vmem>>
      %dma_wait3A_106 = arith.constant 0 : i32
      %dma_wait3A_107 = arith.constant 0 : i32
      %dma_wait3A_108 = tpu.memref_slice %arg7[%dma_wait3A_106, %dma_wait3A_107] : memref<10112x32xf32, #tpu.memory_space<vmem_shared>> -> memref<10112x32xf32, #tpu.memory_space<vmem_shared>>
      tpu.wait_indirect_dma semaphore(%arg8 : memref<!tpu.dma_semaphore, #tpu.memory_space<semaphore_mem>>) src(%arg6 : memref<128x32xf32, #tpu.memory_space<vmem>>) dst(%dma_wait3A_108 : memref<10112x32xf32, #tpu.memory_space<vmem_shared>>)
      %dma_wait3A_109 = arith.constant 3 : i32
      %dma_wait3A_110 = arith.constant 0 : i32
      %dma_wait3A_111 = tpu.memref_slice %arg5[%dma_wait3A_109, %dma_wait3A_110] : memref<8x128xi32, #tpu.memory_space<vmem>> -> memref<1x128xi32, #tpu.memory_space<vmem>>
      %dma_wait3A_112 = tpu.memref_squeeze %dma_wait3A_111 : memref<1x128xi32, #tpu.memory_space<vmem>> -> memref<128xi32, #tpu.memory_space<vmem>>
      %dma_wait3A_113 = arith.constant 0 : i32
      %dma_wait3A_114 = arith.constant 0 : i32
      %dma_wait3A_115 = tpu.memref_slice %arg7[%dma_wait3A_113, %dma_wait3A_114] : memref<10112x32xf32, #tpu.memory_space<vmem_shared>> -> memref<10112x32xf32, #tpu.memory_space<vmem_shared>>
      tpu.wait_indirect_dma semaphore(%arg8 : memref<!tpu.dma_semaphore, #tpu.memory_space<semaphore_mem>>) src(%arg6 : memref<128x32xf32, #tpu.memory_space<vmem>>) dst(%dma_wait3A_115 : memref<10112x32xf32, #tpu.memory_space<vmem_shared>>)
      %dma_wait3A_116 = arith.constant 4 : i32
      %dma_wait3A_117 = arith.constant 0 : i32
      %dma_wait3A_118 = tpu.memref_slice %arg5[%dma_wait3A_116, %dma_wait3A_117] : memref<8x128xi32, #tpu.memory_space<vmem>> -> memref<1x128xi32, #tpu.memory_space<vmem>>
      %dma_wait3A_119 = tpu.memref_squeeze %dma_wait3A_118 : memref<1x128xi32, #tpu.memory_space<vmem>> -> memref<128xi32, #tpu.memory_space<vmem>>
      %dma_wait3A_120 = arith.constant 0 : i32
      %dma_wait3A_121 = arith.constant 0 : i32
      %dma_wait3A_122 = tpu.memref_slice %arg7[%dma_wait3A_120, %dma_wait3A_121] : memref<10112x32xf32, #tpu.memory_space<vmem_shared>> -> memref<10112x32xf32, #tpu.memory_space<vmem_shared>>
      tpu.wait_indirect_dma semaphore(%arg8 : memref<!tpu.dma_semaphore, #tpu.memory_space<semaphore_mem>>) src(%arg6 : memref<128x32xf32, #tpu.memory_space<vmem>>) dst(%dma_wait3A_122 : memref<10112x32xf32, #tpu.memory_space<vmem_shared>>)
      %dma_wait3A_123 = arith.constant 5 : i32
      %dma_wait3A_124 = arith.constant 0 : i32
      %dma_wait3A_125 = tpu.memref_slice %arg5[%dma_wait3A_123, %dma_wait3A_124] : memref<8x128xi32, #tpu.memory_space<vmem>> -> memref<1x128xi32, #tpu.memory_space<vmem>>
      %dma_wait3A_126 = tpu.memref_squeeze %dma_wait3A_125 : memref<1x128xi32, #tpu.memory_space<vmem>> -> memref<128xi32, #tpu.memory_space<vmem>>
      %dma_wait3A_127 = arith.constant 0 : i32
      %dma_wait3A_128 = arith.constant 0 : i32
      %dma_wait3A_129 = tpu.memref_slice %arg7[%dma_wait3A_127, %dma_wait3A_128] : memref<10112x32xf32, #tpu.memory_space<vmem_shared>> -> memref<10112x32xf32, #tpu.memory_space<vmem_shared>>
      tpu.wait_indirect_dma semaphore(%arg8 : memref<!tpu.dma_semaphore, #tpu.memory_space<semaphore_mem>>) src(%arg6 : memref<128x32xf32, #tpu.memory_space<vmem>>) dst(%dma_wait3A_129 : memref<10112x32xf32, #tpu.memory_space<vmem_shared>>)
      %dma_wait3A_130 = arith.constant 6 : i32
      %dma_wait3A_131 = arith.constant 0 : i32
      %dma_wait3A_132 = tpu.memref_slice %arg5[%dma_wait3A_130, %dma_wait3A_131] : memref<8x128xi32, #tpu.memory_space<vmem>> -> memref<1x128xi32, #tpu.memory_space<vmem>>
      %dma_wait3A_133 = tpu.memref_squeeze %dma_wait3A_132 : memref<1x128xi32, #tpu.memory_space<vmem>> -> memref<128xi32, #tpu.memory_space<vmem>>
      %dma_wait3A_134 = arith.constant 0 : i32
      %dma_wait3A_135 = arith.constant 0 : i32
      %dma_wait3A_136 = tpu.memref_slice %arg7[%dma_wait3A_134, %dma_wait3A_135] : memref<10112x32xf32, #tpu.memory_space<vmem_shared>> -> memref<10112x32xf32, #tpu.memory_space<vmem_shared>>
      tpu.wait_indirect_dma semaphore(%arg8 : memref<!tpu.dma_semaphore, #tpu.memory_space<semaphore_mem>>) src(%arg6 : memref<128x32xf32, #tpu.memory_space<vmem>>) dst(%dma_wait3A_136 : memref<10112x32xf32, #tpu.memory_space<vmem_shared>>)
      %dma_wait3A_137 = arith.constant 7 : i32
      %dma_wait3A_138 = arith.constant 0 : i32
      %dma_wait3A_139 = tpu.memref_slice %arg5[%dma_wait3A_137, %dma_wait3A_138] : memref<8x128xi32, #tpu.memory_space<vmem>> -> memref<1x128xi32, #tpu.memory_space<vmem>>
      %dma_wait3A_140 = tpu.memref_squeeze %dma_wait3A_139 : memref<1x128xi32, #tpu.memory_space<vmem>> -> memref<128xi32, #tpu.memory_space<vmem>>
      %dma_wait3A_141 = arith.constant 0 : i32
      %dma_wait3A_142 = arith.constant 0 : i32
      %dma_wait3A_143 = tpu.memref_slice %arg7[%dma_wait3A_141, %dma_wait3A_142] : memref<10112x32xf32, #tpu.memory_space<vmem_shared>> -> memref<10112x32xf32, #tpu.memory_space<vmem_shared>>
      tpu.wait_indirect_dma semaphore(%arg8 : memref<!tpu.dma_semaphore, #tpu.memory_space<semaphore_mem>>) src(%arg6 : memref<128x32xf32, #tpu.memory_space<vmem>>) dst(%dma_wait3A_143 : memref<10112x32xf32, #tpu.memory_space<vmem_shared>>)
      %scan3A_144 = arith.constant 0 : i32
      scf.yield %scan3A_144 : i32
    }
    %scan3A_18 = arith.constant 10 : i32
    %barrier3A_19 = arith.constant 0 : index
    tpu.barrier barrier_id(%barrier3A_19)
    %add3A_20 = arith.constant 0 : i32
    %add3A_21 = arith.addi %mul3A_2, %add3A_20 : i32
    "tpu.region"() ({
      %run_scoped3A = tpu.sem_alloc : memref<!tpu.dma_semaphore, #tpu.memory_space<semaphore_mem>>
      %dma_start3A = arith.constant 0 : i32
      %dma_start3A_30 = tpu.memref_slice %arg7[%add3A_21, %dma_start3A] : memref<10112x32xf32, #tpu.memory_space<vmem_shared>> -> memref<128x32xf32, #tpu.memory_space<vmem_shared>>
      %dma_start3A_31 = arith.constant 0 : i32
      %dma_start3A_32 = tpu.memref_slice %arg7[%add3A_21, %dma_start3A_31] : memref<10112x32xf32, #tpu.memory_space<vmem_shared>> -> memref<128x32xf32, #tpu.memory_space<vmem_shared>>
      tpu.enqueue_dma source(%dma_start3A_32 : memref<128x32xf32, #tpu.memory_space<vmem_shared>>) target(%arg6 : memref<128x32xf32, #tpu.memory_space<vmem>>) target_semaphore(%run_scoped3A : memref<!tpu.dma_semaphore, #tpu.memory_space<semaphore_mem>>)
      %dma_wait3A = arith.constant 0 : i32
      %dma_wait3A_33 = tpu.memref_slice %arg7[%add3A_21, %dma_wait3A] : memref<10112x32xf32, #tpu.memory_space<vmem_shared>> -> memref<128x32xf32, #tpu.memory_space<vmem_shared>>
      %dma_wait3A_34 = arith.constant 0 : i32
      %dma_wait3A_35 = tpu.memref_slice %arg7[%add3A_21, %dma_wait3A_34] : memref<10112x32xf32, #tpu.memory_space<vmem_shared>> -> memref<128x32xf32, #tpu.memory_space<vmem_shared>>
      tpu.wait_dma2 semaphore(%run_scoped3A : memref<!tpu.dma_semaphore, #tpu.memory_space<semaphore_mem>>) src(%dma_wait3A_35 : memref<128x32xf32, #tpu.memory_space<vmem_shared>>) dst(%arg6 : memref<128x32xf32, #tpu.memory_space<vmem>>)
      tpu.yield
    }) : () -> ()
    "tpu.region"() ({
      %run_scoped3A = tpu.sem_alloc : memref<!tpu.dma_semaphore, #tpu.memory_space<semaphore_mem>>
      %dma_start3A = arith.constant 0 : i32
      %dma_start3A_30 = tpu.memref_slice %arg4[%arg0, %add3A_21, %dma_start3A] : memref<2x10112x32xf32, #tpu.memory_space<hbm>> -> memref<1x128x32xf32, #tpu.memory_space<hbm>>
      %dma_start3A_31 = tpu.memref_squeeze %dma_start3A_30 : memref<1x128x32xf32, #tpu.memory_space<hbm>> -> memref<128x32xf32, #tpu.memory_space<hbm>>
      %dma_start3A_32 = arith.constant 0 : i32
      %dma_start3A_33 = tpu.memref_slice %arg4[%arg0, %add3A_21, %dma_start3A_32] : memref<2x10112x32xf32, #tpu.memory_space<hbm>> -> memref<1x128x32xf32, #tpu.memory_space<hbm>>
      %dma_start3A_34 = tpu.memref_squeeze %dma_start3A_33 : memref<1x128x32xf32, #tpu.memory_space<hbm>> -> memref<128x32xf32, #tpu.memory_space<hbm>>
      tpu.enqueue_dma source(%arg6 : memref<128x32xf32, #tpu.memory_space<vmem>>) target(%dma_start3A_34 : memref<128x32xf32, #tpu.memory_space<hbm>>) target_semaphore(%run_scoped3A : memref<!tpu.dma_semaphore, #tpu.memory_space<semaphore_mem>>)
      %dma_wait3A = arith.constant 0 : i32
      %dma_wait3A_35 = tpu.memref_slice %arg4[%arg0, %add3A_21, %dma_wait3A] : memref<2x10112x32xf32, #tpu.memory_space<hbm>> -> memref<1x128x32xf32, #tpu.memory_space<hbm>>
      %dma_wait3A_36 = tpu.memref_squeeze %dma_wait3A_35 : memref<1x128x32xf32, #tpu.memory_space<hbm>> -> memref<128x32xf32, #tpu.memory_space<hbm>>
      %dma_wait3A_37 = arith.constant 0 : i32
      %dma_wait3A_38 = tpu.memref_slice %arg4[%arg0, %add3A_21, %dma_wait3A_37] : memref<2x10112x32xf32, #tpu.memory_space<hbm>> -> memref<1x128x32xf32, #tpu.memory_space<hbm>>
      %dma_wait3A_39 = tpu.memref_squeeze %dma_wait3A_38 : memref<1x128x32xf32, #tpu.memory_space<hbm>> -> memref<128x32xf32, #tpu.memory_space<hbm>>
      tpu.wait_dma2 semaphore(%run_scoped3A : memref<!tpu.dma_semaphore, #tpu.memory_space<semaphore_mem>>) src(%arg6 : memref<128x32xf32, #tpu.memory_space<vmem>>) dst(%dma_wait3A_39 : memref<128x32xf32, #tpu.memory_space<hbm>>)
      tpu.yield
    }) : () -> ()
    %add3A_22 = arith.constant 128 : i32
    %add3A_23 = arith.addi %mul3A_2, %add3A_22 : i32
    "tpu.region"() ({
      %run_scoped3A = tpu.sem_alloc : memref<!tpu.dma_semaphore, #tpu.memory_space<semaphore_mem>>
      %dma_start3A = arith.constant 0 : i32
      %dma_start3A_30 = tpu.memref_slice %arg7[%add3A_23, %dma_start3A] : memref<10112x32xf32, #tpu.memory_space<vmem_shared>> -> memref<128x32xf32, #tpu.memory_space<vmem_shared>>
      %dma_start3A_31 = arith.constant 0 : i32
      %dma_start3A_32 = tpu.memref_slice %arg7[%add3A_23, %dma_start3A_31] : memref<10112x32xf32, #tpu.memory_space<vmem_shared>> -> memref<128x32xf32, #tpu.memory_space<vmem_shared>>
      tpu.enqueue_dma source(%dma_start3A_32 : memref<128x32xf32, #tpu.memory_space<vmem_shared>>) target(%arg6 : memref<128x32xf32, #tpu.memory_space<vmem>>) target_semaphore(%run_scoped3A : memref<!tpu.dma_semaphore, #tpu.memory_space<semaphore_mem>>)
      %dma_wait3A = arith.constant 0 : i32
      %dma_wait3A_33 = tpu.memref_slice %arg7[%add3A_23, %dma_wait3A] : memref<10112x32xf32, #tpu.memory_space<vmem_shared>> -> memref<128x32xf32, #tpu.memory_space<vmem_shared>>
      %dma_wait3A_34 = arith.constant 0 : i32
      %dma_wait3A_35 = tpu.memref_slice %arg7[%add3A_23, %dma_wait3A_34] : memref<10112x32xf32, #tpu.memory_space<vmem_shared>> -> memref<128x32xf32, #tpu.memory_space<vmem_shared>>
      tpu.wait_dma2 semaphore(%run_scoped3A : memref<!tpu.dma_semaphore, #tpu.memory_space<semaphore_mem>>) src(%dma_wait3A_35 : memref<128x32xf32, #tpu.memory_space<vmem_shared>>) dst(%arg6 : memref<128x32xf32, #tpu.memory_space<vmem>>)
      tpu.yield
    }) : () -> ()
    "tpu.region"() ({
      %run_scoped3A = tpu.sem_alloc : memref<!tpu.dma_semaphore, #tpu.memory_space<semaphore_mem>>
      %dma_start3A = arith.constant 0 : i32
      %dma_start3A_30 = tpu.memref_slice %arg4[%arg0, %add3A_23, %dma_start3A] : memref<2x10112x32xf32, #tpu.memory_space<hbm>> -> memref<1x128x32xf32, #tpu.memory_space<hbm>>
      %dma_start3A_31 = tpu.memref_squeeze %dma_start3A_30 : memref<1x128x32xf32, #tpu.memory_space<hbm>> -> memref<128x32xf32, #tpu.memory_space<hbm>>
      %dma_start3A_32 = arith.constant 0 : i32
      %dma_start3A_33 = tpu.memref_slice %arg4[%arg0, %add3A_23, %dma_start3A_32] : memref<2x10112x32xf32, #tpu.memory_space<hbm>> -> memref<1x128x32xf32, #tpu.memory_space<hbm>>
      %dma_start3A_34 = tpu.memref_squeeze %dma_start3A_33 : memref<1x128x32xf32, #tpu.memory_space<hbm>> -> memref<128x32xf32, #tpu.memory_space<hbm>>
      tpu.enqueue_dma source(%arg6 : memref<128x32xf32, #tpu.memory_space<vmem>>) target(%dma_start3A_34 : memref<128x32xf32, #tpu.memory_space<hbm>>) target_semaphore(%run_scoped3A : memref<!tpu.dma_semaphore, #tpu.memory_space<semaphore_mem>>)
      %dma_wait3A = arith.constant 0 : i32
      %dma_wait3A_35 = tpu.memref_slice %arg4[%arg0, %add3A_23, %dma_wait3A] : memref<2x10112x32xf32, #tpu.memory_space<hbm>> -> memref<1x128x32xf32, #tpu.memory_space<hbm>>
      %dma_wait3A_36 = tpu.memref_squeeze %dma_wait3A_35 : memref<1x128x32xf32, #tpu.memory_space<hbm>> -> memref<128x32xf32, #tpu.memory_space<hbm>>
      %dma_wait3A_37 = arith.constant 0 : i32
      %dma_wait3A_38 = tpu.memref_slice %arg4[%arg0, %add3A_23, %dma_wait3A_37] : memref<2x10112x32xf32, #tpu.memory_space<hbm>> -> memref<1x128x32xf32, #tpu.memory_space<hbm>>
      %dma_wait3A_39 = tpu.memref_squeeze %dma_wait3A_38 : memref<1x128x32xf32, #tpu.memory_space<hbm>> -> memref<128x32xf32, #tpu.memory_space<hbm>>
      tpu.wait_dma2 semaphore(%run_scoped3A : memref<!tpu.dma_semaphore, #tpu.memory_space<semaphore_mem>>) src(%arg6 : memref<128x32xf32, #tpu.memory_space<vmem>>) dst(%dma_wait3A_39 : memref<128x32xf32, #tpu.memory_space<hbm>>)
      tpu.yield
    }) : () -> ()
    %add3A_24 = arith.constant 256 : i32
    %add3A_25 = arith.addi %mul3A_2, %add3A_24 : i32
    "tpu.region"() ({
      %run_scoped3A = tpu.sem_alloc : memref<!tpu.dma_semaphore, #tpu.memory_space<semaphore_mem>>
      %dma_start3A = arith.constant 0 : i32
      %dma_start3A_30 = tpu.memref_slice %arg7[%add3A_25, %dma_start3A] : memref<10112x32xf32, #tpu.memory_space<vmem_shared>> -> memref<128x32xf32, #tpu.memory_space<vmem_shared>>
      %dma_start3A_31 = arith.constant 0 : i32
      %dma_start3A_32 = tpu.memref_slice %arg7[%add3A_25, %dma_start3A_31] : memref<10112x32xf32, #tpu.memory_space<vmem_shared>> -> memref<128x32xf32, #tpu.memory_space<vmem_shared>>
      tpu.enqueue_dma source(%dma_start3A_32 : memref<128x32xf32, #tpu.memory_space<vmem_shared>>) target(%arg6 : memref<128x32xf32, #tpu.memory_space<vmem>>) target_semaphore(%run_scoped3A : memref<!tpu.dma_semaphore, #tpu.memory_space<semaphore_mem>>)
      %dma_wait3A = arith.constant 0 : i32
      %dma_wait3A_33 = tpu.memref_slice %arg7[%add3A_25, %dma_wait3A] : memref<10112x32xf32, #tpu.memory_space<vmem_shared>> -> memref<128x32xf32, #tpu.memory_space<vmem_shared>>
      %dma_wait3A_34 = arith.constant 0 : i32
      %dma_wait3A_35 = tpu.memref_slice %arg7[%add3A_25, %dma_wait3A_34] : memref<10112x32xf32, #tpu.memory_space<vmem_shared>> -> memref<128x32xf32, #tpu.memory_space<vmem_shared>>
      tpu.wait_dma2 semaphore(%run_scoped3A : memref<!tpu.dma_semaphore, #tpu.memory_space<semaphore_mem>>) src(%dma_wait3A_35 : memref<128x32xf32, #tpu.memory_space<vmem_shared>>) dst(%arg6 : memref<128x32xf32, #tpu.memory_space<vmem>>)
      tpu.yield
    }) : () -> ()
    "tpu.region"() ({
      %run_scoped3A = tpu.sem_alloc : memref<!tpu.dma_semaphore, #tpu.memory_space<semaphore_mem>>
      %dma_start3A = arith.constant 0 : i32
      %dma_start3A_30 = tpu.memref_slice %arg4[%arg0, %add3A_25, %dma_start3A] : memref<2x10112x32xf32, #tpu.memory_space<hbm>> -> memref<1x128x32xf32, #tpu.memory_space<hbm>>
      %dma_start3A_31 = tpu.memref_squeeze %dma_start3A_30 : memref<1x128x32xf32, #tpu.memory_space<hbm>> -> memref<128x32xf32, #tpu.memory_space<hbm>>
      %dma_start3A_32 = arith.constant 0 : i32
      %dma_start3A_33 = tpu.memref_slice %arg4[%arg0, %add3A_25, %dma_start3A_32] : memref<2x10112x32xf32, #tpu.memory_space<hbm>> -> memref<1x128x32xf32, #tpu.memory_space<hbm>>
      %dma_start3A_34 = tpu.memref_squeeze %dma_start3A_33 : memref<1x128x32xf32, #tpu.memory_space<hbm>> -> memref<128x32xf32, #tpu.memory_space<hbm>>
      tpu.enqueue_dma source(%arg6 : memref<128x32xf32, #tpu.memory_space<vmem>>) target(%dma_start3A_34 : memref<128x32xf32, #tpu.memory_space<hbm>>) target_semaphore(%run_scoped3A : memref<!tpu.dma_semaphore, #tpu.memory_space<semaphore_mem>>)
      %dma_wait3A = arith.constant 0 : i32
      %dma_wait3A_35 = tpu.memref_slice %arg4[%arg0, %add3A_25, %dma_wait3A] : memref<2x10112x32xf32, #tpu.memory_space<hbm>> -> memref<1x128x32xf32, #tpu.memory_space<hbm>>
      %dma_wait3A_36 = tpu.memref_squeeze %dma_wait3A_35 : memref<1x128x32xf32, #tpu.memory_space<hbm>> -> memref<128x32xf32, #tpu.memory_space<hbm>>
      %dma_wait3A_37 = arith.constant 0 : i32
      %dma_wait3A_38 = tpu.memref_slice %arg4[%arg0, %add3A_25, %dma_wait3A_37] : memref<2x10112x32xf32, #tpu.memory_space<hbm>> -> memref<1x128x32xf32, #tpu.memory_space<hbm>>
      %dma_wait3A_39 = tpu.memref_squeeze %dma_wait3A_38 : memref<1x128x32xf32, #tpu.memory_space<hbm>> -> memref<128x32xf32, #tpu.memory_space<hbm>>
      tpu.wait_dma2 semaphore(%run_scoped3A : memref<!tpu.dma_semaphore, #tpu.memory_space<semaphore_mem>>) src(%arg6 : memref<128x32xf32, #tpu.memory_space<vmem>>) dst(%dma_wait3A_39 : memref<128x32xf32, #tpu.memory_space<hbm>>)
      tpu.yield
    }) : () -> ()
    %add3A_26 = arith.constant 384 : i32
    %add3A_27 = arith.addi %mul3A_2, %add3A_26 : i32
    "tpu.region"() ({
      %run_scoped3A = tpu.sem_alloc : memref<!tpu.dma_semaphore, #tpu.memory_space<semaphore_mem>>
      %dma_start3A = arith.constant 0 : i32
      %dma_start3A_30 = tpu.memref_slice %arg7[%add3A_27, %dma_start3A] : memref<10112x32xf32, #tpu.memory_space<vmem_shared>> -> memref<128x32xf32, #tpu.memory_space<vmem_shared>>
      %dma_start3A_31 = arith.constant 0 : i32
      %dma_start3A_32 = tpu.memref_slice %arg7[%add3A_27, %dma_start3A_31] : memref<10112x32xf32, #tpu.memory_space<vmem_shared>> -> memref<128x32xf32, #tpu.memory_space<vmem_shared>>
      tpu.enqueue_dma source(%dma_start3A_32 : memref<128x32xf32, #tpu.memory_space<vmem_shared>>) target(%arg6 : memref<128x32xf32, #tpu.memory_space<vmem>>) target_semaphore(%run_scoped3A : memref<!tpu.dma_semaphore, #tpu.memory_space<semaphore_mem>>)
      %dma_wait3A = arith.constant 0 : i32
      %dma_wait3A_33 = tpu.memref_slice %arg7[%add3A_27, %dma_wait3A] : memref<10112x32xf32, #tpu.memory_space<vmem_shared>> -> memref<128x32xf32, #tpu.memory_space<vmem_shared>>
      %dma_wait3A_34 = arith.constant 0 : i32
      %dma_wait3A_35 = tpu.memref_slice %arg7[%add3A_27, %dma_wait3A_34] : memref<10112x32xf32, #tpu.memory_space<vmem_shared>> -> memref<128x32xf32, #tpu.memory_space<vmem_shared>>
      tpu.wait_dma2 semaphore(%run_scoped3A : memref<!tpu.dma_semaphore, #tpu.memory_space<semaphore_mem>>) src(%dma_wait3A_35 : memref<128x32xf32, #tpu.memory_space<vmem_shared>>) dst(%arg6 : memref<128x32xf32, #tpu.memory_space<vmem>>)
      tpu.yield
    }) : () -> ()
    "tpu.region"() ({
      %run_scoped3A = tpu.sem_alloc : memref<!tpu.dma_semaphore, #tpu.memory_space<semaphore_mem>>
      %dma_start3A = arith.constant 0 : i32
      %dma_start3A_30 = tpu.memref_slice %arg4[%arg0, %add3A_27, %dma_start3A] : memref<2x10112x32xf32, #tpu.memory_space<hbm>> -> memref<1x128x32xf32, #tpu.memory_space<hbm>>
      %dma_start3A_31 = tpu.memref_squeeze %dma_start3A_30 : memref<1x128x32xf32, #tpu.memory_space<hbm>> -> memref<128x32xf32, #tpu.memory_space<hbm>>
      %dma_start3A_32 = arith.constant 0 : i32
      %dma_start3A_33 = tpu.memref_slice %arg4[%arg0, %add3A_27, %dma_start3A_32] : memref<2x10112x32xf32, #tpu.memory_space<hbm>> -> memref<1x128x32xf32, #tpu.memory_space<hbm>>
      %dma_start3A_34 = tpu.memref_squeeze %dma_start3A_33 : memref<1x128x32xf32, #tpu.memory_space<hbm>> -> memref<128x32xf32, #tpu.memory_space<hbm>>
      tpu.enqueue_dma source(%arg6 : memref<128x32xf32, #tpu.memory_space<vmem>>) target(%dma_start3A_34 : memref<128x32xf32, #tpu.memory_space<hbm>>) target_semaphore(%run_scoped3A : memref<!tpu.dma_semaphore, #tpu.memory_space<semaphore_mem>>)
      %dma_wait3A = arith.constant 0 : i32
      %dma_wait3A_35 = tpu.memref_slice %arg4[%arg0, %add3A_27, %dma_wait3A] : memref<2x10112x32xf32, #tpu.memory_space<hbm>> -> memref<1x128x32xf32, #tpu.memory_space<hbm>>
      %dma_wait3A_36 = tpu.memref_squeeze %dma_wait3A_35 : memref<1x128x32xf32, #tpu.memory_space<hbm>> -> memref<128x32xf32, #tpu.memory_space<hbm>>
      %dma_wait3A_37 = arith.constant 0 : i32
      %dma_wait3A_38 = tpu.memref_slice %arg4[%arg0, %add3A_27, %dma_wait3A_37] : memref<2x10112x32xf32, #tpu.memory_space<hbm>> -> memref<1x128x32xf32, #tpu.memory_space<hbm>>
      %dma_wait3A_39 = tpu.memref_squeeze %dma_wait3A_38 : memref<1x128x32xf32, #tpu.memory_space<hbm>> -> memref<128x32xf32, #tpu.memory_space<hbm>>
      tpu.wait_dma2 semaphore(%run_scoped3A : memref<!tpu.dma_semaphore, #tpu.memory_space<semaphore_mem>>) src(%arg6 : memref<128x32xf32, #tpu.memory_space<vmem>>) dst(%dma_wait3A_39 : memref<128x32xf32, #tpu.memory_space<hbm>>)
      tpu.yield
    }) : () -> ()
    %add3A_28 = arith.constant 512 : i32
    %add3A_29 = arith.addi %mul3A_2, %add3A_28 : i32
    "tpu.region"() ({
      %run_scoped3A = tpu.sem_alloc : memref<!tpu.dma_semaphore, #tpu.memory_space<semaphore_mem>>
      %dma_start3A = arith.constant 0 : i32
      %dma_start3A_30 = arith.constant 0 : i32
      %dma_start3A_31 = tpu.memref_slice %arg6[%dma_start3A, %dma_start3A_30] : memref<128x32xf32, #tpu.memory_space<vmem>> -> memref<120x32xf32, #tpu.memory_space<vmem>>
      %dma_start3A_32 = arith.constant 0 : i32
      %dma_start3A_33 = tpu.memref_slice %arg7[%add3A_29, %dma_start3A_32] : memref<10112x32xf32, #tpu.memory_space<vmem_shared>> -> memref<120x32xf32, #tpu.memory_space<vmem_shared>>
      %dma_start3A_34 = arith.constant 0 : i32
      %dma_start3A_35 = arith.constant 0 : i32
      %dma_start3A_36 = tpu.memref_slice %arg6[%dma_start3A_34, %dma_start3A_35] : memref<128x32xf32, #tpu.memory_space<vmem>> -> memref<120x32xf32, #tpu.memory_space<vmem>>
      %dma_start3A_37 = arith.constant 0 : i32
      %dma_start3A_38 = tpu.memref_slice %arg7[%add3A_29, %dma_start3A_37] : memref<10112x32xf32, #tpu.memory_space<vmem_shared>> -> memref<120x32xf32, #tpu.memory_space<vmem_shared>>
      tpu.enqueue_dma source(%dma_start3A_38 : memref<120x32xf32, #tpu.memory_space<vmem_shared>>) target(%dma_start3A_36 : memref<120x32xf32, #tpu.memory_space<vmem>>) target_semaphore(%run_scoped3A : memref<!tpu.dma_semaphore, #tpu.memory_space<semaphore_mem>>)
      %dma_wait3A = arith.constant 0 : i32
      %dma_wait3A_39 = arith.constant 0 : i32
      %dma_wait3A_40 = tpu.memref_slice %arg6[%dma_wait3A, %dma_wait3A_39] : memref<128x32xf32, #tpu.memory_space<vmem>> -> memref<120x32xf32, #tpu.memory_space<vmem>>
      %dma_wait3A_41 = arith.constant 0 : i32
      %dma_wait3A_42 = tpu.memref_slice %arg7[%add3A_29, %dma_wait3A_41] : memref<10112x32xf32, #tpu.memory_space<vmem_shared>> -> memref<120x32xf32, #tpu.memory_space<vmem_shared>>
      %dma_wait3A_43 = arith.constant 0 : i32
      %dma_wait3A_44 = arith.constant 0 : i32
      %dma_wait3A_45 = tpu.memref_slice %arg6[%dma_wait3A_43, %dma_wait3A_44] : memref<128x32xf32, #tpu.memory_space<vmem>> -> memref<120x32xf32, #tpu.memory_space<vmem>>
      %dma_wait3A_46 = arith.constant 0 : i32
      %dma_wait3A_47 = tpu.memref_slice %arg7[%add3A_29, %dma_wait3A_46] : memref<10112x32xf32, #tpu.memory_space<vmem_shared>> -> memref<120x32xf32, #tpu.memory_space<vmem_shared>>
      tpu.wait_dma2 semaphore(%run_scoped3A : memref<!tpu.dma_semaphore, #tpu.memory_space<semaphore_mem>>) src(%dma_wait3A_47 : memref<120x32xf32, #tpu.memory_space<vmem_shared>>) dst(%dma_wait3A_45 : memref<120x32xf32, #tpu.memory_space<vmem>>)
      tpu.yield
    }) : () -> ()
    "tpu.region"() ({
      %run_scoped3A = tpu.sem_alloc : memref<!tpu.dma_semaphore, #tpu.memory_space<semaphore_mem>>
      %dma_start3A = arith.constant 0 : i32
      %dma_start3A_30 = arith.constant 0 : i32
      %dma_start3A_31 = tpu.memref_slice %arg6[%dma_start3A, %dma_start3A_30] : memref<128x32xf32, #tpu.memory_space<vmem>> -> memref<120x32xf32, #tpu.memory_space<vmem>>
      %dma_start3A_32 = arith.constant 0 : i32
      %dma_start3A_33 = tpu.memref_slice %arg4[%arg0, %add3A_29, %dma_start3A_32] : memref<2x10112x32xf32, #tpu.memory_space<hbm>> -> memref<1x120x32xf32, #tpu.memory_space<hbm>>
      %dma_start3A_34 = tpu.memref_squeeze %dma_start3A_33 : memref<1x120x32xf32, #tpu.memory_space<hbm>> -> memref<120x32xf32, #tpu.memory_space<hbm>>
      %dma_start3A_35 = arith.constant 0 : i32
      %dma_start3A_36 = tpu.memref_slice %arg4[%arg0, %add3A_29, %dma_start3A_35] : memref<2x10112x32xf32, #tpu.memory_space<hbm>> -> memref<1x120x32xf32, #tpu.memory_space<hbm>>
      %dma_start3A_37 = tpu.memref_squeeze %dma_start3A_36 : memref<1x120x32xf32, #tpu.memory_space<hbm>> -> memref<120x32xf32, #tpu.memory_space<hbm>>
      %dma_start3A_38 = arith.constant 0 : i32
      %dma_start3A_39 = arith.constant 0 : i32
      %dma_start3A_40 = tpu.memref_slice %arg6[%dma_start3A_38, %dma_start3A_39] : memref<128x32xf32, #tpu.memory_space<vmem>> -> memref<120x32xf32, #tpu.memory_space<vmem>>
      tpu.enqueue_dma source(%dma_start3A_40 : memref<120x32xf32, #tpu.memory_space<vmem>>) target(%dma_start3A_37 : memref<120x32xf32, #tpu.memory_space<hbm>>) target_semaphore(%run_scoped3A : memref<!tpu.dma_semaphore, #tpu.memory_space<semaphore_mem>>)
      %dma_wait3A = arith.constant 0 : i32
      %dma_wait3A_41 = arith.constant 0 : i32
      %dma_wait3A_42 = tpu.memref_slice %arg6[%dma_wait3A, %dma_wait3A_41] : memref<128x32xf32, #tpu.memory_space<vmem>> -> memref<120x32xf32, #tpu.memory_space<vmem>>
      %dma_wait3A_43 = arith.constant 0 : i32
      %dma_wait3A_44 = tpu.memref_slice %arg4[%arg0, %add3A_29, %dma_wait3A_43] : memref<2x10112x32xf32, #tpu.memory_space<hbm>> -> memref<1x120x32xf32, #tpu.memory_space<hbm>>
      %dma_wait3A_45 = tpu.memref_squeeze %dma_wait3A_44 : memref<1x120x32xf32, #tpu.memory_space<hbm>> -> memref<120x32xf32, #tpu.memory_space<hbm>>
      %dma_wait3A_46 = arith.constant 0 : i32
      %dma_wait3A_47 = tpu.memref_slice %arg4[%arg0, %add3A_29, %dma_wait3A_46] : memref<2x10112x32xf32, #tpu.memory_space<hbm>> -> memref<1x120x32xf32, #tpu.memory_space<hbm>>
      %dma_wait3A_48 = tpu.memref_squeeze %dma_wait3A_47 : memref<1x120x32xf32, #tpu.memory_space<hbm>> -> memref<120x32xf32, #tpu.memory_space<hbm>>
      %dma_wait3A_49 = arith.constant 0 : i32
      %dma_wait3A_50 = arith.constant 0 : i32
      %dma_wait3A_51 = tpu.memref_slice %arg6[%dma_wait3A_49, %dma_wait3A_50] : memref<128x32xf32, #tpu.memory_space<vmem>> -> memref<120x32xf32, #tpu.memory_space<vmem>>
      tpu.wait_dma2 semaphore(%run_scoped3A : memref<!tpu.dma_semaphore, #tpu.memory_space<semaphore_mem>>) src(%dma_wait3A_51 : memref<120x32xf32, #tpu.memory_space<vmem>>) dst(%dma_wait3A_48 : memref<120x32xf32, #tpu.memory_space<hbm>>)
      tpu.yield
    }) : () -> ()
    return
  }
}

#map = affine_map<(d0, d1) -> (0, 0)>
#map1 = affine_map<(d0, d1) -> (0, 0, 0)>
module attributes {stable_mosaic.version = 14 : i64} {
  func.func @body(%arg0: i32, %arg1: i32, %arg2: memref<10000x128xf32, #tpu.memory_space<hbm>>, %arg3: memref<32x80x128xi32, #tpu.memory_space<hbm>>, %arg4: memref<32x80x128xi32, #tpu.memory_space<hbm>>, %arg5: memref<128x128xf32, #tpu.memory_space<hbm>>, %arg6: memref<2x10112x128xf32, #tpu.memory_space<hbm>>, %arg7: memref<8x128xi32, #tpu.memory_space<vmem>>, %arg8: memref<8x128xi32, #tpu.memory_space<vmem>>, %arg9: memref<128x128xf32, #tpu.memory_space<vmem>>, %arg10: memref<128x128xf32, #tpu.memory_space<vmem>>, %arg11: memref<10112x128xf32, #tpu.memory_space<vmem_shared>>, %arg12: memref<!tpu.dma_semaphore, #tpu.memory_space<semaphore_mem>>, %arg13: memref<!tpu.dma_semaphore, #tpu.memory_space<semaphore_mem>>, %arg14: memref<!tpu.dma_semaphore, #tpu.memory_space<semaphore_mem>>, %arg15: memref<!tpu.dma_semaphore, #tpu.memory_space<semaphore_mem>>) attributes {dimension_semantics = [#tpu.dimension_semantics<core_parallel>, #tpu.dimension_semantics<subcore_parallel>], iteration_bounds = array<i64: 2, 16>, scalar_prefetch = 0 : i64, scratch_operands = 9 : i64, tpu.core_type = #tpu.core_type<sc_vector_subcore>, window_params = [{transform_indices = #map}, {transform_indices = #map1}, {transform_indices = #map1}, {transform_indices = #map}, {transform_indices = #map1}]} {
    %mul3A = arith.constant 16 : i32
    %mul3A_0 = arith.muli %arg0, %mul3A : i32
    %add3A = arith.addi %mul3A_0, %arg1 : i32
    %mul3A_1 = arith.constant 632 : i32
    %mul3A_2 = arith.muli %arg1, %mul3A_1 : i32
    "tpu.region"() ({
      %run_scoped3A = tpu.sem_alloc : memref<!tpu.dma_semaphore, #tpu.memory_space<semaphore_mem>>
      tpu.enqueue_dma source(%arg5 : memref<128x128xf32, #tpu.memory_space<hbm>>) target(%arg9 : memref<128x128xf32, #tpu.memory_space<vmem>>) target_semaphore(%run_scoped3A : memref<!tpu.dma_semaphore, #tpu.memory_space<semaphore_mem>>)
      tpu.wait_dma2 semaphore(%run_scoped3A : memref<!tpu.dma_semaphore, #tpu.memory_space<semaphore_mem>>) src(%arg5 : memref<128x128xf32, #tpu.memory_space<hbm>>) dst(%arg9 : memref<128x128xf32, #tpu.memory_space<vmem>>)
      tpu.yield
    }) : () -> ()
    %add3A_3 = arith.constant 0 : i32
    %add3A_4 = arith.addi %mul3A_2, %add3A_3 : i32
    "tpu.region"() ({
      %run_scoped3A = tpu.sem_alloc : memref<!tpu.dma_semaphore, #tpu.memory_space<semaphore_mem>>
      %dma_start3A = arith.constant 0 : i32
      %dma_start3A_30 = tpu.memref_slice %arg11[%add3A_4, %dma_start3A] : memref<10112x128xf32, #tpu.memory_space<vmem_shared>> -> memref<128x128xf32, #tpu.memory_space<vmem_shared>>
      %dma_start3A_31 = arith.constant 0 : i32
      %dma_start3A_32 = tpu.memref_slice %arg11[%add3A_4, %dma_start3A_31] : memref<10112x128xf32, #tpu.memory_space<vmem_shared>> -> memref<128x128xf32, #tpu.memory_space<vmem_shared>>
      tpu.enqueue_dma source(%arg9 : memref<128x128xf32, #tpu.memory_space<vmem>>) target(%dma_start3A_32 : memref<128x128xf32, #tpu.memory_space<vmem_shared>>) target_semaphore(%run_scoped3A : memref<!tpu.dma_semaphore, #tpu.memory_space<semaphore_mem>>)
      %dma_wait3A = arith.constant 0 : i32
      %dma_wait3A_33 = tpu.memref_slice %arg11[%add3A_4, %dma_wait3A] : memref<10112x128xf32, #tpu.memory_space<vmem_shared>> -> memref<128x128xf32, #tpu.memory_space<vmem_shared>>
      %dma_wait3A_34 = arith.constant 0 : i32
      %dma_wait3A_35 = tpu.memref_slice %arg11[%add3A_4, %dma_wait3A_34] : memref<10112x128xf32, #tpu.memory_space<vmem_shared>> -> memref<128x128xf32, #tpu.memory_space<vmem_shared>>
      tpu.wait_dma2 semaphore(%run_scoped3A : memref<!tpu.dma_semaphore, #tpu.memory_space<semaphore_mem>>) src(%arg9 : memref<128x128xf32, #tpu.memory_space<vmem>>) dst(%dma_wait3A_35 : memref<128x128xf32, #tpu.memory_space<vmem_shared>>)
      tpu.yield
    }) : () -> ()
    %add3A_5 = arith.constant 128 : i32
    %add3A_6 = arith.addi %mul3A_2, %add3A_5 : i32
    "tpu.region"() ({
      %run_scoped3A = tpu.sem_alloc : memref<!tpu.dma_semaphore, #tpu.memory_space<semaphore_mem>>
      %dma_start3A = arith.constant 0 : i32
      %dma_start3A_30 = tpu.memref_slice %arg11[%add3A_6, %dma_start3A] : memref<10112x128xf32, #tpu.memory_space<vmem_shared>> -> memref<128x128xf32, #tpu.memory_space<vmem_shared>>
      %dma_start3A_31 = arith.constant 0 : i32
      %dma_start3A_32 = tpu.memref_slice %arg11[%add3A_6, %dma_start3A_31] : memref<10112x128xf32, #tpu.memory_space<vmem_shared>> -> memref<128x128xf32, #tpu.memory_space<vmem_shared>>
      tpu.enqueue_dma source(%arg9 : memref<128x128xf32, #tpu.memory_space<vmem>>) target(%dma_start3A_32 : memref<128x128xf32, #tpu.memory_space<vmem_shared>>) target_semaphore(%run_scoped3A : memref<!tpu.dma_semaphore, #tpu.memory_space<semaphore_mem>>)
      %dma_wait3A = arith.constant 0 : i32
      %dma_wait3A_33 = tpu.memref_slice %arg11[%add3A_6, %dma_wait3A] : memref<10112x128xf32, #tpu.memory_space<vmem_shared>> -> memref<128x128xf32, #tpu.memory_space<vmem_shared>>
      %dma_wait3A_34 = arith.constant 0 : i32
      %dma_wait3A_35 = tpu.memref_slice %arg11[%add3A_6, %dma_wait3A_34] : memref<10112x128xf32, #tpu.memory_space<vmem_shared>> -> memref<128x128xf32, #tpu.memory_space<vmem_shared>>
      tpu.wait_dma2 semaphore(%run_scoped3A : memref<!tpu.dma_semaphore, #tpu.memory_space<semaphore_mem>>) src(%arg9 : memref<128x128xf32, #tpu.memory_space<vmem>>) dst(%dma_wait3A_35 : memref<128x128xf32, #tpu.memory_space<vmem_shared>>)
      tpu.yield
    }) : () -> ()
    %add3A_7 = arith.constant 256 : i32
    %add3A_8 = arith.addi %mul3A_2, %add3A_7 : i32
    "tpu.region"() ({
      %run_scoped3A = tpu.sem_alloc : memref<!tpu.dma_semaphore, #tpu.memory_space<semaphore_mem>>
      %dma_start3A = arith.constant 0 : i32
      %dma_start3A_30 = tpu.memref_slice %arg11[%add3A_8, %dma_start3A] : memref<10112x128xf32, #tpu.memory_space<vmem_shared>> -> memref<128x128xf32, #tpu.memory_space<vmem_shared>>
      %dma_start3A_31 = arith.constant 0 : i32
      %dma_start3A_32 = tpu.memref_slice %arg11[%add3A_8, %dma_start3A_31] : memref<10112x128xf32, #tpu.memory_space<vmem_shared>> -> memref<128x128xf32, #tpu.memory_space<vmem_shared>>
      tpu.enqueue_dma source(%arg9 : memref<128x128xf32, #tpu.memory_space<vmem>>) target(%dma_start3A_32 : memref<128x128xf32, #tpu.memory_space<vmem_shared>>) target_semaphore(%run_scoped3A : memref<!tpu.dma_semaphore, #tpu.memory_space<semaphore_mem>>)
      %dma_wait3A = arith.constant 0 : i32
      %dma_wait3A_33 = tpu.memref_slice %arg11[%add3A_8, %dma_wait3A] : memref<10112x128xf32, #tpu.memory_space<vmem_shared>> -> memref<128x128xf32, #tpu.memory_space<vmem_shared>>
      %dma_wait3A_34 = arith.constant 0 : i32
      %dma_wait3A_35 = tpu.memref_slice %arg11[%add3A_8, %dma_wait3A_34] : memref<10112x128xf32, #tpu.memory_space<vmem_shared>> -> memref<128x128xf32, #tpu.memory_space<vmem_shared>>
      tpu.wait_dma2 semaphore(%run_scoped3A : memref<!tpu.dma_semaphore, #tpu.memory_space<semaphore_mem>>) src(%arg9 : memref<128x128xf32, #tpu.memory_space<vmem>>) dst(%dma_wait3A_35 : memref<128x128xf32, #tpu.memory_space<vmem_shared>>)
      tpu.yield
    }) : () -> ()
    %add3A_9 = arith.constant 384 : i32
    %add3A_10 = arith.addi %mul3A_2, %add3A_9 : i32
    "tpu.region"() ({
      %run_scoped3A = tpu.sem_alloc : memref<!tpu.dma_semaphore, #tpu.memory_space<semaphore_mem>>
      %dma_start3A = arith.constant 0 : i32
      %dma_start3A_30 = tpu.memref_slice %arg11[%add3A_10, %dma_start3A] : memref<10112x128xf32, #tpu.memory_space<vmem_shared>> -> memref<128x128xf32, #tpu.memory_space<vmem_shared>>
      %dma_start3A_31 = arith.constant 0 : i32
      %dma_start3A_32 = tpu.memref_slice %arg11[%add3A_10, %dma_start3A_31] : memref<10112x128xf32, #tpu.memory_space<vmem_shared>> -> memref<128x128xf32, #tpu.memory_space<vmem_shared>>
      tpu.enqueue_dma source(%arg9 : memref<128x128xf32, #tpu.memory_space<vmem>>) target(%dma_start3A_32 : memref<128x128xf32, #tpu.memory_space<vmem_shared>>) target_semaphore(%run_scoped3A : memref<!tpu.dma_semaphore, #tpu.memory_space<semaphore_mem>>)
      %dma_wait3A = arith.constant 0 : i32
      %dma_wait3A_33 = tpu.memref_slice %arg11[%add3A_10, %dma_wait3A] : memref<10112x128xf32, #tpu.memory_space<vmem_shared>> -> memref<128x128xf32, #tpu.memory_space<vmem_shared>>
      %dma_wait3A_34 = arith.constant 0 : i32
      %dma_wait3A_35 = tpu.memref_slice %arg11[%add3A_10, %dma_wait3A_34] : memref<10112x128xf32, #tpu.memory_space<vmem_shared>> -> memref<128x128xf32, #tpu.memory_space<vmem_shared>>
      tpu.wait_dma2 semaphore(%run_scoped3A : memref<!tpu.dma_semaphore, #tpu.memory_space<semaphore_mem>>) src(%arg9 : memref<128x128xf32, #tpu.memory_space<vmem>>) dst(%dma_wait3A_35 : memref<128x128xf32, #tpu.memory_space<vmem_shared>>)
      tpu.yield
    }) : () -> ()
    %add3A_11 = arith.constant 512 : i32
    %add3A_12 = arith.addi %mul3A_2, %add3A_11 : i32
    "tpu.region"() ({
      %run_scoped3A = tpu.sem_alloc : memref<!tpu.dma_semaphore, #tpu.memory_space<semaphore_mem>>
      %dma_start3A = arith.constant 0 : i32
      %dma_start3A_30 = arith.constant 0 : i32
      %dma_start3A_31 = tpu.memref_slice %arg9[%dma_start3A, %dma_start3A_30] : memref<128x128xf32, #tpu.memory_space<vmem>> -> memref<120x128xf32, #tpu.memory_space<vmem>>
      %dma_start3A_32 = arith.constant 0 : i32
      %dma_start3A_33 = tpu.memref_slice %arg11[%add3A_12, %dma_start3A_32] : memref<10112x128xf32, #tpu.memory_space<vmem_shared>> -> memref<120x128xf32, #tpu.memory_space<vmem_shared>>
      %dma_start3A_34 = arith.constant 0 : i32
      %dma_start3A_35 = tpu.memref_slice %arg11[%add3A_12, %dma_start3A_34] : memref<10112x128xf32, #tpu.memory_space<vmem_shared>> -> memref<120x128xf32, #tpu.memory_space<vmem_shared>>
      %dma_start3A_36 = arith.constant 0 : i32
      %dma_start3A_37 = arith.constant 0 : i32
      %dma_start3A_38 = tpu.memref_slice %arg9[%dma_start3A_36, %dma_start3A_37] : memref<128x128xf32, #tpu.memory_space<vmem>> -> memref<120x128xf32, #tpu.memory_space<vmem>>
      tpu.enqueue_dma source(%dma_start3A_38 : memref<120x128xf32, #tpu.memory_space<vmem>>) target(%dma_start3A_35 : memref<120x128xf32, #tpu.memory_space<vmem_shared>>) target_semaphore(%run_scoped3A : memref<!tpu.dma_semaphore, #tpu.memory_space<semaphore_mem>>)
      %dma_wait3A = arith.constant 0 : i32
      %dma_wait3A_39 = arith.constant 0 : i32
      %dma_wait3A_40 = tpu.memref_slice %arg9[%dma_wait3A, %dma_wait3A_39] : memref<128x128xf32, #tpu.memory_space<vmem>> -> memref<120x128xf32, #tpu.memory_space<vmem>>
      %dma_wait3A_41 = arith.constant 0 : i32
      %dma_wait3A_42 = tpu.memref_slice %arg11[%add3A_12, %dma_wait3A_41] : memref<10112x128xf32, #tpu.memory_space<vmem_shared>> -> memref<120x128xf32, #tpu.memory_space<vmem_shared>>
      %dma_wait3A_43 = arith.constant 0 : i32
      %dma_wait3A_44 = tpu.memref_slice %arg11[%add3A_12, %dma_wait3A_43] : memref<10112x128xf32, #tpu.memory_space<vmem_shared>> -> memref<120x128xf32, #tpu.memory_space<vmem_shared>>
      %dma_wait3A_45 = arith.constant 0 : i32
      %dma_wait3A_46 = arith.constant 0 : i32
      %dma_wait3A_47 = tpu.memref_slice %arg9[%dma_wait3A_45, %dma_wait3A_46] : memref<128x128xf32, #tpu.memory_space<vmem>> -> memref<120x128xf32, #tpu.memory_space<vmem>>
      tpu.wait_dma2 semaphore(%run_scoped3A : memref<!tpu.dma_semaphore, #tpu.memory_space<semaphore_mem>>) src(%dma_wait3A_47 : memref<120x128xf32, #tpu.memory_space<vmem>>) dst(%dma_wait3A_44 : memref<120x128xf32, #tpu.memory_space<vmem_shared>>)
      tpu.yield
    }) : () -> ()
    %barrier3A = arith.constant 0 : index
    tpu.barrier barrier_id(%barrier3A)
    %scan3A = arith.constant 0 : i32
    %scan3A_13 = arith.constant 0 : i32
    %scan3A_14 = arith.constant 10 : i32
    %scan3A_15 = arith.addi %scan3A_13, %scan3A_14 : i32
    %scan3A_16 = arith.constant 1 : i32
    %scan3A_17 = scf.for %scan3A_30 = %scan3A_13 to %scan3A_15 step %scan3A_16 iter_args(%scan3A_31 = %scan3A) -> (i32)  : i32 {
      %mul3A_32 = arith.constant 8 : i32
      %mul3A_33 = arith.muli %scan3A_30, %mul3A_32 : i32
      "tpu.region"() ({
        %run_scoped3A = tpu.sem_alloc : memref<!tpu.dma_semaphore, #tpu.memory_space<semaphore_mem>>
        %dma_start3A_259 = arith.constant 0 : i32
        %dma_start3A_260 = tpu.memref_slice %arg3[%add3A, %mul3A_33, %dma_start3A_259] : memref<32x80x128xi32, #tpu.memory_space<hbm>> -> memref<1x8x128xi32, #tpu.memory_space<hbm>>
        %dma_start3A_261 = tpu.memref_squeeze %dma_start3A_260 : memref<1x8x128xi32, #tpu.memory_space<hbm>> -> memref<8x128xi32, #tpu.memory_space<hbm>>
        %dma_start3A_262 = arith.constant 0 : i32
        %dma_start3A_263 = tpu.memref_slice %arg3[%add3A, %mul3A_33, %dma_start3A_262] : memref<32x80x128xi32, #tpu.memory_space<hbm>> -> memref<1x8x128xi32, #tpu.memory_space<hbm>>
        %dma_start3A_264 = tpu.memref_squeeze %dma_start3A_263 : memref<1x8x128xi32, #tpu.memory_space<hbm>> -> memref<8x128xi32, #tpu.memory_space<hbm>>
        tpu.enqueue_dma source(%dma_start3A_264 : memref<8x128xi32, #tpu.memory_space<hbm>>) target(%arg7 : memref<8x128xi32, #tpu.memory_space<vmem>>) target_semaphore(%run_scoped3A : memref<!tpu.dma_semaphore, #tpu.memory_space<semaphore_mem>>)
        %dma_wait3A_265 = arith.constant 0 : i32
        %dma_wait3A_266 = tpu.memref_slice %arg3[%add3A, %mul3A_33, %dma_wait3A_265] : memref<32x80x128xi32, #tpu.memory_space<hbm>> -> memref<1x8x128xi32, #tpu.memory_space<hbm>>
        %dma_wait3A_267 = tpu.memref_squeeze %dma_wait3A_266 : memref<1x8x128xi32, #tpu.memory_space<hbm>> -> memref<8x128xi32, #tpu.memory_space<hbm>>
        %dma_wait3A_268 = arith.constant 0 : i32
        %dma_wait3A_269 = tpu.memref_slice %arg3[%add3A, %mul3A_33, %dma_wait3A_268] : memref<32x80x128xi32, #tpu.memory_space<hbm>> -> memref<1x8x128xi32, #tpu.memory_space<hbm>>
        %dma_wait3A_270 = tpu.memref_squeeze %dma_wait3A_269 : memref<1x8x128xi32, #tpu.memory_space<hbm>> -> memref<8x128xi32, #tpu.memory_space<hbm>>
        tpu.wait_dma2 semaphore(%run_scoped3A : memref<!tpu.dma_semaphore, #tpu.memory_space<semaphore_mem>>) src(%dma_wait3A_270 : memref<8x128xi32, #tpu.memory_space<hbm>>) dst(%arg7 : memref<8x128xi32, #tpu.memory_space<vmem>>)
        tpu.yield
      }) : () -> ()
      %mul3A_34 = arith.constant 8 : i32
      %mul3A_35 = arith.muli %scan3A_30, %mul3A_34 : i32
      "tpu.region"() ({
        %run_scoped3A = tpu.sem_alloc : memref<!tpu.dma_semaphore, #tpu.memory_space<semaphore_mem>>
        %dma_start3A_259 = arith.constant 0 : i32
        %dma_start3A_260 = tpu.memref_slice %arg4[%add3A, %mul3A_35, %dma_start3A_259] : memref<32x80x128xi32, #tpu.memory_space<hbm>> -> memref<1x8x128xi32, #tpu.memory_space<hbm>>
        %dma_start3A_261 = tpu.memref_squeeze %dma_start3A_260 : memref<1x8x128xi32, #tpu.memory_space<hbm>> -> memref<8x128xi32, #tpu.memory_space<hbm>>
        %dma_start3A_262 = arith.constant 0 : i32
        %dma_start3A_263 = tpu.memref_slice %arg4[%add3A, %mul3A_35, %dma_start3A_262] : memref<32x80x128xi32, #tpu.memory_space<hbm>> -> memref<1x8x128xi32, #tpu.memory_space<hbm>>
        %dma_start3A_264 = tpu.memref_squeeze %dma_start3A_263 : memref<1x8x128xi32, #tpu.memory_space<hbm>> -> memref<8x128xi32, #tpu.memory_space<hbm>>
        tpu.enqueue_dma source(%dma_start3A_264 : memref<8x128xi32, #tpu.memory_space<hbm>>) target(%arg8 : memref<8x128xi32, #tpu.memory_space<vmem>>) target_semaphore(%run_scoped3A : memref<!tpu.dma_semaphore, #tpu.memory_space<semaphore_mem>>)
        %dma_wait3A_265 = arith.constant 0 : i32
        %dma_wait3A_266 = tpu.memref_slice %arg4[%add3A, %mul3A_35, %dma_wait3A_265] : memref<32x80x128xi32, #tpu.memory_space<hbm>> -> memref<1x8x128xi32, #tpu.memory_space<hbm>>
        %dma_wait3A_267 = tpu.memref_squeeze %dma_wait3A_266 : memref<1x8x128xi32, #tpu.memory_space<hbm>> -> memref<8x128xi32, #tpu.memory_space<hbm>>
        %dma_wait3A_268 = arith.constant 0 : i32
        %dma_wait3A_269 = tpu.memref_slice %arg4[%add3A, %mul3A_35, %dma_wait3A_268] : memref<32x80x128xi32, #tpu.memory_space<hbm>> -> memref<1x8x128xi32, #tpu.memory_space<hbm>>
        %dma_wait3A_270 = tpu.memref_squeeze %dma_wait3A_269 : memref<1x8x128xi32, #tpu.memory_space<hbm>> -> memref<8x128xi32, #tpu.memory_space<hbm>>
        tpu.wait_dma2 semaphore(%run_scoped3A : memref<!tpu.dma_semaphore, #tpu.memory_space<semaphore_mem>>) src(%dma_wait3A_270 : memref<8x128xi32, #tpu.memory_space<hbm>>) dst(%arg8 : memref<8x128xi32, #tpu.memory_space<vmem>>)
        tpu.yield
      }) : () -> ()
      %dma_start3A = arith.constant 0 : i32
      %dma_start3A_36 = arith.constant 0 : i32
      %dma_start3A_37 = tpu.memref_slice %arg7[%dma_start3A, %dma_start3A_36] : memref<8x128xi32, #tpu.memory_space<vmem>> -> memref<1x128xi32, #tpu.memory_space<vmem>>
      %dma_start3A_38 = tpu.memref_squeeze %dma_start3A_37 : memref<1x128xi32, #tpu.memory_space<vmem>> -> memref<128xi32, #tpu.memory_space<vmem>>
      %dma_start3A_39 = arith.constant 0 : i32
      %dma_start3A_40 = arith.constant 0 : i32
      %dma_start3A_41 = tpu.memref_slice %arg2[%dma_start3A_39, %dma_start3A_40] : memref<10000x128xf32, #tpu.memory_space<hbm>> -> memref<10000x128xf32, #tpu.memory_space<hbm>>
      tpu.enqueue_indirect_dma source(%dma_start3A_41 : memref<10000x128xf32, #tpu.memory_space<hbm>>) target(%arg9 : memref<128x128xf32, #tpu.memory_space<vmem>>) offsets(%dma_start3A_38 : memref<128xi32, #tpu.memory_space<vmem>>) semaphore(%arg12 : memref<!tpu.dma_semaphore, #tpu.memory_space<semaphore_mem>>)
      %dma_wait3A = arith.constant 0 : i32
      %dma_wait3A_42 = arith.constant 0 : i32
      %dma_wait3A_43 = tpu.memref_slice %arg7[%dma_wait3A, %dma_wait3A_42] : memref<8x128xi32, #tpu.memory_space<vmem>> -> memref<1x128xi32, #tpu.memory_space<vmem>>
      %dma_wait3A_44 = tpu.memref_squeeze %dma_wait3A_43 : memref<1x128xi32, #tpu.memory_space<vmem>> -> memref<128xi32, #tpu.memory_space<vmem>>
      %dma_wait3A_45 = arith.constant 0 : i32
      %dma_wait3A_46 = arith.constant 0 : i32
      %dma_wait3A_47 = tpu.memref_slice %arg2[%dma_wait3A_45, %dma_wait3A_46] : memref<10000x128xf32, #tpu.memory_space<hbm>> -> memref<10000x128xf32, #tpu.memory_space<hbm>>
      tpu.wait_indirect_dma semaphore(%arg12 : memref<!tpu.dma_semaphore, #tpu.memory_space<semaphore_mem>>) src(%dma_wait3A_47 : memref<10000x128xf32, #tpu.memory_space<hbm>>) dst(%arg9 : memref<128x128xf32, #tpu.memory_space<vmem>>)
      %dma_start3A_48 = arith.constant 0 : i32
      %dma_start3A_49 = arith.constant 0 : i32
      %dma_start3A_50 = tpu.memref_slice %arg8[%dma_start3A_48, %dma_start3A_49] : memref<8x128xi32, #tpu.memory_space<vmem>> -> memref<1x128xi32, #tpu.memory_space<vmem>>
      %dma_start3A_51 = tpu.memref_squeeze %dma_start3A_50 : memref<1x128xi32, #tpu.memory_space<vmem>> -> memref<128xi32, #tpu.memory_space<vmem>>
      %dma_start3A_52 = arith.constant 0 : i32
      %dma_start3A_53 = arith.constant 0 : i32
      %dma_start3A_54 = tpu.memref_slice %arg11[%dma_start3A_52, %dma_start3A_53] : memref<10112x128xf32, #tpu.memory_space<vmem_shared>> -> memref<10112x128xf32, #tpu.memory_space<vmem_shared>>
      tpu.enqueue_indirect_dma source(%arg9 : memref<128x128xf32, #tpu.memory_space<vmem>>) target(%dma_start3A_54 : memref<10112x128xf32, #tpu.memory_space<vmem_shared>>) offsets(%dma_start3A_51 : memref<128xi32, #tpu.memory_space<vmem>>) semaphore(%arg14 : memref<!tpu.dma_semaphore, #tpu.memory_space<semaphore_mem>>) {add = true}
      %dma_start3A_55 = arith.constant 1 : i32
      %dma_start3A_56 = arith.constant 0 : i32
      %dma_start3A_57 = tpu.memref_slice %arg7[%dma_start3A_55, %dma_start3A_56] : memref<8x128xi32, #tpu.memory_space<vmem>> -> memref<1x128xi32, #tpu.memory_space<vmem>>
      %dma_start3A_58 = tpu.memref_squeeze %dma_start3A_57 : memref<1x128xi32, #tpu.memory_space<vmem>> -> memref<128xi32, #tpu.memory_space<vmem>>
      %dma_start3A_59 = arith.constant 0 : i32
      %dma_start3A_60 = arith.constant 0 : i32
      %dma_start3A_61 = tpu.memref_slice %arg2[%dma_start3A_59, %dma_start3A_60] : memref<10000x128xf32, #tpu.memory_space<hbm>> -> memref<10000x128xf32, #tpu.memory_space<hbm>>
      tpu.enqueue_indirect_dma source(%dma_start3A_61 : memref<10000x128xf32, #tpu.memory_space<hbm>>) target(%arg10 : memref<128x128xf32, #tpu.memory_space<vmem>>) offsets(%dma_start3A_58 : memref<128xi32, #tpu.memory_space<vmem>>) semaphore(%arg13 : memref<!tpu.dma_semaphore, #tpu.memory_space<semaphore_mem>>)
      %dma_wait3A_62 = arith.constant 1 : i32
      %dma_wait3A_63 = arith.constant 0 : i32
      %dma_wait3A_64 = tpu.memref_slice %arg7[%dma_wait3A_62, %dma_wait3A_63] : memref<8x128xi32, #tpu.memory_space<vmem>> -> memref<1x128xi32, #tpu.memory_space<vmem>>
      %dma_wait3A_65 = tpu.memref_squeeze %dma_wait3A_64 : memref<1x128xi32, #tpu.memory_space<vmem>> -> memref<128xi32, #tpu.memory_space<vmem>>
      %dma_wait3A_66 = arith.constant 0 : i32
      %dma_wait3A_67 = arith.constant 0 : i32
      %dma_wait3A_68 = tpu.memref_slice %arg2[%dma_wait3A_66, %dma_wait3A_67] : memref<10000x128xf32, #tpu.memory_space<hbm>> -> memref<10000x128xf32, #tpu.memory_space<hbm>>
      tpu.wait_indirect_dma semaphore(%arg13 : memref<!tpu.dma_semaphore, #tpu.memory_space<semaphore_mem>>) src(%dma_wait3A_68 : memref<10000x128xf32, #tpu.memory_space<hbm>>) dst(%arg10 : memref<128x128xf32, #tpu.memory_space<vmem>>)
      %dma_start3A_69 = arith.constant 1 : i32
      %dma_start3A_70 = arith.constant 0 : i32
      %dma_start3A_71 = tpu.memref_slice %arg8[%dma_start3A_69, %dma_start3A_70] : memref<8x128xi32, #tpu.memory_space<vmem>> -> memref<1x128xi32, #tpu.memory_space<vmem>>
      %dma_start3A_72 = tpu.memref_squeeze %dma_start3A_71 : memref<1x128xi32, #tpu.memory_space<vmem>> -> memref<128xi32, #tpu.memory_space<vmem>>
      %dma_start3A_73 = arith.constant 0 : i32
      %dma_start3A_74 = arith.constant 0 : i32
      %dma_start3A_75 = tpu.memref_slice %arg11[%dma_start3A_73, %dma_start3A_74] : memref<10112x128xf32, #tpu.memory_space<vmem_shared>> -> memref<10112x128xf32, #tpu.memory_space<vmem_shared>>
      tpu.enqueue_indirect_dma source(%arg10 : memref<128x128xf32, #tpu.memory_space<vmem>>) target(%dma_start3A_75 : memref<10112x128xf32, #tpu.memory_space<vmem_shared>>) offsets(%dma_start3A_72 : memref<128xi32, #tpu.memory_space<vmem>>) semaphore(%arg15 : memref<!tpu.dma_semaphore, #tpu.memory_space<semaphore_mem>>) {add = true}
      %dma_wait3A_76 = arith.constant 0 : i32
      %dma_wait3A_77 = arith.constant 0 : i32
      %dma_wait3A_78 = tpu.memref_slice %arg8[%dma_wait3A_76, %dma_wait3A_77] : memref<8x128xi32, #tpu.memory_space<vmem>> -> memref<1x128xi32, #tpu.memory_space<vmem>>
      %dma_wait3A_79 = tpu.memref_squeeze %dma_wait3A_78 : memref<1x128xi32, #tpu.memory_space<vmem>> -> memref<128xi32, #tpu.memory_space<vmem>>
      %dma_wait3A_80 = arith.constant 0 : i32
      %dma_wait3A_81 = arith.constant 0 : i32
      %dma_wait3A_82 = tpu.memref_slice %arg11[%dma_wait3A_80, %dma_wait3A_81] : memref<10112x128xf32, #tpu.memory_space<vmem_shared>> -> memref<10112x128xf32, #tpu.memory_space<vmem_shared>>
      tpu.wait_indirect_dma semaphore(%arg14 : memref<!tpu.dma_semaphore, #tpu.memory_space<semaphore_mem>>) src(%arg9 : memref<128x128xf32, #tpu.memory_space<vmem>>) dst(%dma_wait3A_82 : memref<10112x128xf32, #tpu.memory_space<vmem_shared>>)
      %dma_start3A_83 = arith.constant 2 : i32
      %dma_start3A_84 = arith.constant 0 : i32
      %dma_start3A_85 = tpu.memref_slice %arg7[%dma_start3A_83, %dma_start3A_84] : memref<8x128xi32, #tpu.memory_space<vmem>> -> memref<1x128xi32, #tpu.memory_space<vmem>>
      %dma_start3A_86 = tpu.memref_squeeze %dma_start3A_85 : memref<1x128xi32, #tpu.memory_space<vmem>> -> memref<128xi32, #tpu.memory_space<vmem>>
      %dma_start3A_87 = arith.constant 0 : i32
      %dma_start3A_88 = arith.constant 0 : i32
      %dma_start3A_89 = tpu.memref_slice %arg2[%dma_start3A_87, %dma_start3A_88] : memref<10000x128xf32, #tpu.memory_space<hbm>> -> memref<10000x128xf32, #tpu.memory_space<hbm>>
      tpu.enqueue_indirect_dma source(%dma_start3A_89 : memref<10000x128xf32, #tpu.memory_space<hbm>>) target(%arg9 : memref<128x128xf32, #tpu.memory_space<vmem>>) offsets(%dma_start3A_86 : memref<128xi32, #tpu.memory_space<vmem>>) semaphore(%arg12 : memref<!tpu.dma_semaphore, #tpu.memory_space<semaphore_mem>>)
      %dma_wait3A_90 = arith.constant 2 : i32
      %dma_wait3A_91 = arith.constant 0 : i32
      %dma_wait3A_92 = tpu.memref_slice %arg7[%dma_wait3A_90, %dma_wait3A_91] : memref<8x128xi32, #tpu.memory_space<vmem>> -> memref<1x128xi32, #tpu.memory_space<vmem>>
      %dma_wait3A_93 = tpu.memref_squeeze %dma_wait3A_92 : memref<1x128xi32, #tpu.memory_space<vmem>> -> memref<128xi32, #tpu.memory_space<vmem>>
      %dma_wait3A_94 = arith.constant 0 : i32
      %dma_wait3A_95 = arith.constant 0 : i32
      %dma_wait3A_96 = tpu.memref_slice %arg2[%dma_wait3A_94, %dma_wait3A_95] : memref<10000x128xf32, #tpu.memory_space<hbm>> -> memref<10000x128xf32, #tpu.memory_space<hbm>>
      tpu.wait_indirect_dma semaphore(%arg12 : memref<!tpu.dma_semaphore, #tpu.memory_space<semaphore_mem>>) src(%dma_wait3A_96 : memref<10000x128xf32, #tpu.memory_space<hbm>>) dst(%arg9 : memref<128x128xf32, #tpu.memory_space<vmem>>)
      %dma_start3A_97 = arith.constant 2 : i32
      %dma_start3A_98 = arith.constant 0 : i32
      %dma_start3A_99 = tpu.memref_slice %arg8[%dma_start3A_97, %dma_start3A_98] : memref<8x128xi32, #tpu.memory_space<vmem>> -> memref<1x128xi32, #tpu.memory_space<vmem>>
      %dma_start3A_100 = tpu.memref_squeeze %dma_start3A_99 : memref<1x128xi32, #tpu.memory_space<vmem>> -> memref<128xi32, #tpu.memory_space<vmem>>
      %dma_start3A_101 = arith.constant 0 : i32
      %dma_start3A_102 = arith.constant 0 : i32
      %dma_start3A_103 = tpu.memref_slice %arg11[%dma_start3A_101, %dma_start3A_102] : memref<10112x128xf32, #tpu.memory_space<vmem_shared>> -> memref<10112x128xf32, #tpu.memory_space<vmem_shared>>
      tpu.enqueue_indirect_dma source(%arg9 : memref<128x128xf32, #tpu.memory_space<vmem>>) target(%dma_start3A_103 : memref<10112x128xf32, #tpu.memory_space<vmem_shared>>) offsets(%dma_start3A_100 : memref<128xi32, #tpu.memory_space<vmem>>) semaphore(%arg14 : memref<!tpu.dma_semaphore, #tpu.memory_space<semaphore_mem>>) {add = true}
      %dma_wait3A_104 = arith.constant 1 : i32
      %dma_wait3A_105 = arith.constant 0 : i32
      %dma_wait3A_106 = tpu.memref_slice %arg8[%dma_wait3A_104, %dma_wait3A_105] : memref<8x128xi32, #tpu.memory_space<vmem>> -> memref<1x128xi32, #tpu.memory_space<vmem>>
      %dma_wait3A_107 = tpu.memref_squeeze %dma_wait3A_106 : memref<1x128xi32, #tpu.memory_space<vmem>> -> memref<128xi32, #tpu.memory_space<vmem>>
      %dma_wait3A_108 = arith.constant 0 : i32
      %dma_wait3A_109 = arith.constant 0 : i32
      %dma_wait3A_110 = tpu.memref_slice %arg11[%dma_wait3A_108, %dma_wait3A_109] : memref<10112x128xf32, #tpu.memory_space<vmem_shared>> -> memref<10112x128xf32, #tpu.memory_space<vmem_shared>>
      tpu.wait_indirect_dma semaphore(%arg15 : memref<!tpu.dma_semaphore, #tpu.memory_space<semaphore_mem>>) src(%arg10 : memref<128x128xf32, #tpu.memory_space<vmem>>) dst(%dma_wait3A_110 : memref<10112x128xf32, #tpu.memory_space<vmem_shared>>)
      %dma_start3A_111 = arith.constant 3 : i32
      %dma_start3A_112 = arith.constant 0 : i32
      %dma_start3A_113 = tpu.memref_slice %arg7[%dma_start3A_111, %dma_start3A_112] : memref<8x128xi32, #tpu.memory_space<vmem>> -> memref<1x128xi32, #tpu.memory_space<vmem>>
      %dma_start3A_114 = tpu.memref_squeeze %dma_start3A_113 : memref<1x128xi32, #tpu.memory_space<vmem>> -> memref<128xi32, #tpu.memory_space<vmem>>
      %dma_start3A_115 = arith.constant 0 : i32
      %dma_start3A_116 = arith.constant 0 : i32
      %dma_start3A_117 = tpu.memref_slice %arg2[%dma_start3A_115, %dma_start3A_116] : memref<10000x128xf32, #tpu.memory_space<hbm>> -> memref<10000x128xf32, #tpu.memory_space<hbm>>
      tpu.enqueue_indirect_dma source(%dma_start3A_117 : memref<10000x128xf32, #tpu.memory_space<hbm>>) target(%arg10 : memref<128x128xf32, #tpu.memory_space<vmem>>) offsets(%dma_start3A_114 : memref<128xi32, #tpu.memory_space<vmem>>) semaphore(%arg13 : memref<!tpu.dma_semaphore, #tpu.memory_space<semaphore_mem>>)
      %dma_wait3A_118 = arith.constant 3 : i32
      %dma_wait3A_119 = arith.constant 0 : i32
      %dma_wait3A_120 = tpu.memref_slice %arg7[%dma_wait3A_118, %dma_wait3A_119] : memref<8x128xi32, #tpu.memory_space<vmem>> -> memref<1x128xi32, #tpu.memory_space<vmem>>
      %dma_wait3A_121 = tpu.memref_squeeze %dma_wait3A_120 : memref<1x128xi32, #tpu.memory_space<vmem>> -> memref<128xi32, #tpu.memory_space<vmem>>
      %dma_wait3A_122 = arith.constant 0 : i32
      %dma_wait3A_123 = arith.constant 0 : i32
      %dma_wait3A_124 = tpu.memref_slice %arg2[%dma_wait3A_122, %dma_wait3A_123] : memref<10000x128xf32, #tpu.memory_space<hbm>> -> memref<10000x128xf32, #tpu.memory_space<hbm>>
      tpu.wait_indirect_dma semaphore(%arg13 : memref<!tpu.dma_semaphore, #tpu.memory_space<semaphore_mem>>) src(%dma_wait3A_124 : memref<10000x128xf32, #tpu.memory_space<hbm>>) dst(%arg10 : memref<128x128xf32, #tpu.memory_space<vmem>>)
      %dma_start3A_125 = arith.constant 3 : i32
      %dma_start3A_126 = arith.constant 0 : i32
      %dma_start3A_127 = tpu.memref_slice %arg8[%dma_start3A_125, %dma_start3A_126] : memref<8x128xi32, #tpu.memory_space<vmem>> -> memref<1x128xi32, #tpu.memory_space<vmem>>
      %dma_start3A_128 = tpu.memref_squeeze %dma_start3A_127 : memref<1x128xi32, #tpu.memory_space<vmem>> -> memref<128xi32, #tpu.memory_space<vmem>>
      %dma_start3A_129 = arith.constant 0 : i32
      %dma_start3A_130 = arith.constant 0 : i32
      %dma_start3A_131 = tpu.memref_slice %arg11[%dma_start3A_129, %dma_start3A_130] : memref<10112x128xf32, #tpu.memory_space<vmem_shared>> -> memref<10112x128xf32, #tpu.memory_space<vmem_shared>>
      tpu.enqueue_indirect_dma source(%arg10 : memref<128x128xf32, #tpu.memory_space<vmem>>) target(%dma_start3A_131 : memref<10112x128xf32, #tpu.memory_space<vmem_shared>>) offsets(%dma_start3A_128 : memref<128xi32, #tpu.memory_space<vmem>>) semaphore(%arg15 : memref<!tpu.dma_semaphore, #tpu.memory_space<semaphore_mem>>) {add = true}
      %dma_wait3A_132 = arith.constant 2 : i32
      %dma_wait3A_133 = arith.constant 0 : i32
      %dma_wait3A_134 = tpu.memref_slice %arg8[%dma_wait3A_132, %dma_wait3A_133] : memref<8x128xi32, #tpu.memory_space<vmem>> -> memref<1x128xi32, #tpu.memory_space<vmem>>
      %dma_wait3A_135 = tpu.memref_squeeze %dma_wait3A_134 : memref<1x128xi32, #tpu.memory_space<vmem>> -> memref<128xi32, #tpu.memory_space<vmem>>
      %dma_wait3A_136 = arith.constant 0 : i32
      %dma_wait3A_137 = arith.constant 0 : i32
      %dma_wait3A_138 = tpu.memref_slice %arg11[%dma_wait3A_136, %dma_wait3A_137] : memref<10112x128xf32, #tpu.memory_space<vmem_shared>> -> memref<10112x128xf32, #tpu.memory_space<vmem_shared>>
      tpu.wait_indirect_dma semaphore(%arg14 : memref<!tpu.dma_semaphore, #tpu.memory_space<semaphore_mem>>) src(%arg9 : memref<128x128xf32, #tpu.memory_space<vmem>>) dst(%dma_wait3A_138 : memref<10112x128xf32, #tpu.memory_space<vmem_shared>>)
      %dma_start3A_139 = arith.constant 4 : i32
      %dma_start3A_140 = arith.constant 0 : i32
      %dma_start3A_141 = tpu.memref_slice %arg7[%dma_start3A_139, %dma_start3A_140] : memref<8x128xi32, #tpu.memory_space<vmem>> -> memref<1x128xi32, #tpu.memory_space<vmem>>
      %dma_start3A_142 = tpu.memref_squeeze %dma_start3A_141 : memref<1x128xi32, #tpu.memory_space<vmem>> -> memref<128xi32, #tpu.memory_space<vmem>>
      %dma_start3A_143 = arith.constant 0 : i32
      %dma_start3A_144 = arith.constant 0 : i32
      %dma_start3A_145 = tpu.memref_slice %arg2[%dma_start3A_143, %dma_start3A_144] : memref<10000x128xf32, #tpu.memory_space<hbm>> -> memref<10000x128xf32, #tpu.memory_space<hbm>>
      tpu.enqueue_indirect_dma source(%dma_start3A_145 : memref<10000x128xf32, #tpu.memory_space<hbm>>) target(%arg9 : memref<128x128xf32, #tpu.memory_space<vmem>>) offsets(%dma_start3A_142 : memref<128xi32, #tpu.memory_space<vmem>>) semaphore(%arg12 : memref<!tpu.dma_semaphore, #tpu.memory_space<semaphore_mem>>)
      %dma_wait3A_146 = arith.constant 4 : i32
      %dma_wait3A_147 = arith.constant 0 : i32
      %dma_wait3A_148 = tpu.memref_slice %arg7[%dma_wait3A_146, %dma_wait3A_147] : memref<8x128xi32, #tpu.memory_space<vmem>> -> memref<1x128xi32, #tpu.memory_space<vmem>>
      %dma_wait3A_149 = tpu.memref_squeeze %dma_wait3A_148 : memref<1x128xi32, #tpu.memory_space<vmem>> -> memref<128xi32, #tpu.memory_space<vmem>>
      %dma_wait3A_150 = arith.constant 0 : i32
      %dma_wait3A_151 = arith.constant 0 : i32
      %dma_wait3A_152 = tpu.memref_slice %arg2[%dma_wait3A_150, %dma_wait3A_151] : memref<10000x128xf32, #tpu.memory_space<hbm>> -> memref<10000x128xf32, #tpu.memory_space<hbm>>
      tpu.wait_indirect_dma semaphore(%arg12 : memref<!tpu.dma_semaphore, #tpu.memory_space<semaphore_mem>>) src(%dma_wait3A_152 : memref<10000x128xf32, #tpu.memory_space<hbm>>) dst(%arg9 : memref<128x128xf32, #tpu.memory_space<vmem>>)
      %dma_start3A_153 = arith.constant 4 : i32
      %dma_start3A_154 = arith.constant 0 : i32
      %dma_start3A_155 = tpu.memref_slice %arg8[%dma_start3A_153, %dma_start3A_154] : memref<8x128xi32, #tpu.memory_space<vmem>> -> memref<1x128xi32, #tpu.memory_space<vmem>>
      %dma_start3A_156 = tpu.memref_squeeze %dma_start3A_155 : memref<1x128xi32, #tpu.memory_space<vmem>> -> memref<128xi32, #tpu.memory_space<vmem>>
      %dma_start3A_157 = arith.constant 0 : i32
      %dma_start3A_158 = arith.constant 0 : i32
      %dma_start3A_159 = tpu.memref_slice %arg11[%dma_start3A_157, %dma_start3A_158] : memref<10112x128xf32, #tpu.memory_space<vmem_shared>> -> memref<10112x128xf32, #tpu.memory_space<vmem_shared>>
      tpu.enqueue_indirect_dma source(%arg9 : memref<128x128xf32, #tpu.memory_space<vmem>>) target(%dma_start3A_159 : memref<10112x128xf32, #tpu.memory_space<vmem_shared>>) offsets(%dma_start3A_156 : memref<128xi32, #tpu.memory_space<vmem>>) semaphore(%arg14 : memref<!tpu.dma_semaphore, #tpu.memory_space<semaphore_mem>>) {add = true}
      %dma_wait3A_160 = arith.constant 3 : i32
      %dma_wait3A_161 = arith.constant 0 : i32
      %dma_wait3A_162 = tpu.memref_slice %arg8[%dma_wait3A_160, %dma_wait3A_161] : memref<8x128xi32, #tpu.memory_space<vmem>> -> memref<1x128xi32, #tpu.memory_space<vmem>>
      %dma_wait3A_163 = tpu.memref_squeeze %dma_wait3A_162 : memref<1x128xi32, #tpu.memory_space<vmem>> -> memref<128xi32, #tpu.memory_space<vmem>>
      %dma_wait3A_164 = arith.constant 0 : i32
      %dma_wait3A_165 = arith.constant 0 : i32
      %dma_wait3A_166 = tpu.memref_slice %arg11[%dma_wait3A_164, %dma_wait3A_165] : memref<10112x128xf32, #tpu.memory_space<vmem_shared>> -> memref<10112x128xf32, #tpu.memory_space<vmem_shared>>
      tpu.wait_indirect_dma semaphore(%arg15 : memref<!tpu.dma_semaphore, #tpu.memory_space<semaphore_mem>>) src(%arg10 : memref<128x128xf32, #tpu.memory_space<vmem>>) dst(%dma_wait3A_166 : memref<10112x128xf32, #tpu.memory_space<vmem_shared>>)
      %dma_start3A_167 = arith.constant 5 : i32
      %dma_start3A_168 = arith.constant 0 : i32
      %dma_start3A_169 = tpu.memref_slice %arg7[%dma_start3A_167, %dma_start3A_168] : memref<8x128xi32, #tpu.memory_space<vmem>> -> memref<1x128xi32, #tpu.memory_space<vmem>>
      %dma_start3A_170 = tpu.memref_squeeze %dma_start3A_169 : memref<1x128xi32, #tpu.memory_space<vmem>> -> memref<128xi32, #tpu.memory_space<vmem>>
      %dma_start3A_171 = arith.constant 0 : i32
      %dma_start3A_172 = arith.constant 0 : i32
      %dma_start3A_173 = tpu.memref_slice %arg2[%dma_start3A_171, %dma_start3A_172] : memref<10000x128xf32, #tpu.memory_space<hbm>> -> memref<10000x128xf32, #tpu.memory_space<hbm>>
      tpu.enqueue_indirect_dma source(%dma_start3A_173 : memref<10000x128xf32, #tpu.memory_space<hbm>>) target(%arg10 : memref<128x128xf32, #tpu.memory_space<vmem>>) offsets(%dma_start3A_170 : memref<128xi32, #tpu.memory_space<vmem>>) semaphore(%arg13 : memref<!tpu.dma_semaphore, #tpu.memory_space<semaphore_mem>>)
      %dma_wait3A_174 = arith.constant 5 : i32
      %dma_wait3A_175 = arith.constant 0 : i32
      %dma_wait3A_176 = tpu.memref_slice %arg7[%dma_wait3A_174, %dma_wait3A_175] : memref<8x128xi32, #tpu.memory_space<vmem>> -> memref<1x128xi32, #tpu.memory_space<vmem>>
      %dma_wait3A_177 = tpu.memref_squeeze %dma_wait3A_176 : memref<1x128xi32, #tpu.memory_space<vmem>> -> memref<128xi32, #tpu.memory_space<vmem>>
      %dma_wait3A_178 = arith.constant 0 : i32
      %dma_wait3A_179 = arith.constant 0 : i32
      %dma_wait3A_180 = tpu.memref_slice %arg2[%dma_wait3A_178, %dma_wait3A_179] : memref<10000x128xf32, #tpu.memory_space<hbm>> -> memref<10000x128xf32, #tpu.memory_space<hbm>>
      tpu.wait_indirect_dma semaphore(%arg13 : memref<!tpu.dma_semaphore, #tpu.memory_space<semaphore_mem>>) src(%dma_wait3A_180 : memref<10000x128xf32, #tpu.memory_space<hbm>>) dst(%arg10 : memref<128x128xf32, #tpu.memory_space<vmem>>)
      %dma_start3A_181 = arith.constant 5 : i32
      %dma_start3A_182 = arith.constant 0 : i32
      %dma_start3A_183 = tpu.memref_slice %arg8[%dma_start3A_181, %dma_start3A_182] : memref<8x128xi32, #tpu.memory_space<vmem>> -> memref<1x128xi32, #tpu.memory_space<vmem>>
      %dma_start3A_184 = tpu.memref_squeeze %dma_start3A_183 : memref<1x128xi32, #tpu.memory_space<vmem>> -> memref<128xi32, #tpu.memory_space<vmem>>
      %dma_start3A_185 = arith.constant 0 : i32
      %dma_start3A_186 = arith.constant 0 : i32
      %dma_start3A_187 = tpu.memref_slice %arg11[%dma_start3A_185, %dma_start3A_186] : memref<10112x128xf32, #tpu.memory_space<vmem_shared>> -> memref<10112x128xf32, #tpu.memory_space<vmem_shared>>
      tpu.enqueue_indirect_dma source(%arg10 : memref<128x128xf32, #tpu.memory_space<vmem>>) target(%dma_start3A_187 : memref<10112x128xf32, #tpu.memory_space<vmem_shared>>) offsets(%dma_start3A_184 : memref<128xi32, #tpu.memory_space<vmem>>) semaphore(%arg15 : memref<!tpu.dma_semaphore, #tpu.memory_space<semaphore_mem>>) {add = true}
      %dma_wait3A_188 = arith.constant 4 : i32
      %dma_wait3A_189 = arith.constant 0 : i32
      %dma_wait3A_190 = tpu.memref_slice %arg8[%dma_wait3A_188, %dma_wait3A_189] : memref<8x128xi32, #tpu.memory_space<vmem>> -> memref<1x128xi32, #tpu.memory_space<vmem>>
      %dma_wait3A_191 = tpu.memref_squeeze %dma_wait3A_190 : memref<1x128xi32, #tpu.memory_space<vmem>> -> memref<128xi32, #tpu.memory_space<vmem>>
      %dma_wait3A_192 = arith.constant 0 : i32
      %dma_wait3A_193 = arith.constant 0 : i32
      %dma_wait3A_194 = tpu.memref_slice %arg11[%dma_wait3A_192, %dma_wait3A_193] : memref<10112x128xf32, #tpu.memory_space<vmem_shared>> -> memref<10112x128xf32, #tpu.memory_space<vmem_shared>>
      tpu.wait_indirect_dma semaphore(%arg14 : memref<!tpu.dma_semaphore, #tpu.memory_space<semaphore_mem>>) src(%arg9 : memref<128x128xf32, #tpu.memory_space<vmem>>) dst(%dma_wait3A_194 : memref<10112x128xf32, #tpu.memory_space<vmem_shared>>)
      %dma_start3A_195 = arith.constant 6 : i32
      %dma_start3A_196 = arith.constant 0 : i32
      %dma_start3A_197 = tpu.memref_slice %arg7[%dma_start3A_195, %dma_start3A_196] : memref<8x128xi32, #tpu.memory_space<vmem>> -> memref<1x128xi32, #tpu.memory_space<vmem>>
      %dma_start3A_198 = tpu.memref_squeeze %dma_start3A_197 : memref<1x128xi32, #tpu.memory_space<vmem>> -> memref<128xi32, #tpu.memory_space<vmem>>
      %dma_start3A_199 = arith.constant 0 : i32
      %dma_start3A_200 = arith.constant 0 : i32
      %dma_start3A_201 = tpu.memref_slice %arg2[%dma_start3A_199, %dma_start3A_200] : memref<10000x128xf32, #tpu.memory_space<hbm>> -> memref<10000x128xf32, #tpu.memory_space<hbm>>
      tpu.enqueue_indirect_dma source(%dma_start3A_201 : memref<10000x128xf32, #tpu.memory_space<hbm>>) target(%arg9 : memref<128x128xf32, #tpu.memory_space<vmem>>) offsets(%dma_start3A_198 : memref<128xi32, #tpu.memory_space<vmem>>) semaphore(%arg12 : memref<!tpu.dma_semaphore, #tpu.memory_space<semaphore_mem>>)
      %dma_wait3A_202 = arith.constant 6 : i32
      %dma_wait3A_203 = arith.constant 0 : i32
      %dma_wait3A_204 = tpu.memref_slice %arg7[%dma_wait3A_202, %dma_wait3A_203] : memref<8x128xi32, #tpu.memory_space<vmem>> -> memref<1x128xi32, #tpu.memory_space<vmem>>
      %dma_wait3A_205 = tpu.memref_squeeze %dma_wait3A_204 : memref<1x128xi32, #tpu.memory_space<vmem>> -> memref<128xi32, #tpu.memory_space<vmem>>
      %dma_wait3A_206 = arith.constant 0 : i32
      %dma_wait3A_207 = arith.constant 0 : i32
      %dma_wait3A_208 = tpu.memref_slice %arg2[%dma_wait3A_206, %dma_wait3A_207] : memref<10000x128xf32, #tpu.memory_space<hbm>> -> memref<10000x128xf32, #tpu.memory_space<hbm>>
      tpu.wait_indirect_dma semaphore(%arg12 : memref<!tpu.dma_semaphore, #tpu.memory_space<semaphore_mem>>) src(%dma_wait3A_208 : memref<10000x128xf32, #tpu.memory_space<hbm>>) dst(%arg9 : memref<128x128xf32, #tpu.memory_space<vmem>>)
      %dma_start3A_209 = arith.constant 6 : i32
      %dma_start3A_210 = arith.constant 0 : i32
      %dma_start3A_211 = tpu.memref_slice %arg8[%dma_start3A_209, %dma_start3A_210] : memref<8x128xi32, #tpu.memory_space<vmem>> -> memref<1x128xi32, #tpu.memory_space<vmem>>
      %dma_start3A_212 = tpu.memref_squeeze %dma_start3A_211 : memref<1x128xi32, #tpu.memory_space<vmem>> -> memref<128xi32, #tpu.memory_space<vmem>>
      %dma_start3A_213 = arith.constant 0 : i32
      %dma_start3A_214 = arith.constant 0 : i32
      %dma_start3A_215 = tpu.memref_slice %arg11[%dma_start3A_213, %dma_start3A_214] : memref<10112x128xf32, #tpu.memory_space<vmem_shared>> -> memref<10112x128xf32, #tpu.memory_space<vmem_shared>>
      tpu.enqueue_indirect_dma source(%arg9 : memref<128x128xf32, #tpu.memory_space<vmem>>) target(%dma_start3A_215 : memref<10112x128xf32, #tpu.memory_space<vmem_shared>>) offsets(%dma_start3A_212 : memref<128xi32, #tpu.memory_space<vmem>>) semaphore(%arg14 : memref<!tpu.dma_semaphore, #tpu.memory_space<semaphore_mem>>) {add = true}
      %dma_wait3A_216 = arith.constant 5 : i32
      %dma_wait3A_217 = arith.constant 0 : i32
      %dma_wait3A_218 = tpu.memref_slice %arg8[%dma_wait3A_216, %dma_wait3A_217] : memref<8x128xi32, #tpu.memory_space<vmem>> -> memref<1x128xi32, #tpu.memory_space<vmem>>
      %dma_wait3A_219 = tpu.memref_squeeze %dma_wait3A_218 : memref<1x128xi32, #tpu.memory_space<vmem>> -> memref<128xi32, #tpu.memory_space<vmem>>
      %dma_wait3A_220 = arith.constant 0 : i32
      %dma_wait3A_221 = arith.constant 0 : i32
      %dma_wait3A_222 = tpu.memref_slice %arg11[%dma_wait3A_220, %dma_wait3A_221] : memref<10112x128xf32, #tpu.memory_space<vmem_shared>> -> memref<10112x128xf32, #tpu.memory_space<vmem_shared>>
      tpu.wait_indirect_dma semaphore(%arg15 : memref<!tpu.dma_semaphore, #tpu.memory_space<semaphore_mem>>) src(%arg10 : memref<128x128xf32, #tpu.memory_space<vmem>>) dst(%dma_wait3A_222 : memref<10112x128xf32, #tpu.memory_space<vmem_shared>>)
      %dma_start3A_223 = arith.constant 7 : i32
      %dma_start3A_224 = arith.constant 0 : i32
      %dma_start3A_225 = tpu.memref_slice %arg7[%dma_start3A_223, %dma_start3A_224] : memref<8x128xi32, #tpu.memory_space<vmem>> -> memref<1x128xi32, #tpu.memory_space<vmem>>
      %dma_start3A_226 = tpu.memref_squeeze %dma_start3A_225 : memref<1x128xi32, #tpu.memory_space<vmem>> -> memref<128xi32, #tpu.memory_space<vmem>>
      %dma_start3A_227 = arith.constant 0 : i32
      %dma_start3A_228 = arith.constant 0 : i32
      %dma_start3A_229 = tpu.memref_slice %arg2[%dma_start3A_227, %dma_start3A_228] : memref<10000x128xf32, #tpu.memory_space<hbm>> -> memref<10000x128xf32, #tpu.memory_space<hbm>>
      tpu.enqueue_indirect_dma source(%dma_start3A_229 : memref<10000x128xf32, #tpu.memory_space<hbm>>) target(%arg10 : memref<128x128xf32, #tpu.memory_space<vmem>>) offsets(%dma_start3A_226 : memref<128xi32, #tpu.memory_space<vmem>>) semaphore(%arg13 : memref<!tpu.dma_semaphore, #tpu.memory_space<semaphore_mem>>)
      %dma_wait3A_230 = arith.constant 7 : i32
      %dma_wait3A_231 = arith.constant 0 : i32
      %dma_wait3A_232 = tpu.memref_slice %arg7[%dma_wait3A_230, %dma_wait3A_231] : memref<8x128xi32, #tpu.memory_space<vmem>> -> memref<1x128xi32, #tpu.memory_space<vmem>>
      %dma_wait3A_233 = tpu.memref_squeeze %dma_wait3A_232 : memref<1x128xi32, #tpu.memory_space<vmem>> -> memref<128xi32, #tpu.memory_space<vmem>>
      %dma_wait3A_234 = arith.constant 0 : i32
      %dma_wait3A_235 = arith.constant 0 : i32
      %dma_wait3A_236 = tpu.memref_slice %arg2[%dma_wait3A_234, %dma_wait3A_235] : memref<10000x128xf32, #tpu.memory_space<hbm>> -> memref<10000x128xf32, #tpu.memory_space<hbm>>
      tpu.wait_indirect_dma semaphore(%arg13 : memref<!tpu.dma_semaphore, #tpu.memory_space<semaphore_mem>>) src(%dma_wait3A_236 : memref<10000x128xf32, #tpu.memory_space<hbm>>) dst(%arg10 : memref<128x128xf32, #tpu.memory_space<vmem>>)
      %dma_start3A_237 = arith.constant 7 : i32
      %dma_start3A_238 = arith.constant 0 : i32
      %dma_start3A_239 = tpu.memref_slice %arg8[%dma_start3A_237, %dma_start3A_238] : memref<8x128xi32, #tpu.memory_space<vmem>> -> memref<1x128xi32, #tpu.memory_space<vmem>>
      %dma_start3A_240 = tpu.memref_squeeze %dma_start3A_239 : memref<1x128xi32, #tpu.memory_space<vmem>> -> memref<128xi32, #tpu.memory_space<vmem>>
      %dma_start3A_241 = arith.constant 0 : i32
      %dma_start3A_242 = arith.constant 0 : i32
      %dma_start3A_243 = tpu.memref_slice %arg11[%dma_start3A_241, %dma_start3A_242] : memref<10112x128xf32, #tpu.memory_space<vmem_shared>> -> memref<10112x128xf32, #tpu.memory_space<vmem_shared>>
      tpu.enqueue_indirect_dma source(%arg10 : memref<128x128xf32, #tpu.memory_space<vmem>>) target(%dma_start3A_243 : memref<10112x128xf32, #tpu.memory_space<vmem_shared>>) offsets(%dma_start3A_240 : memref<128xi32, #tpu.memory_space<vmem>>) semaphore(%arg15 : memref<!tpu.dma_semaphore, #tpu.memory_space<semaphore_mem>>) {add = true}
      %dma_wait3A_244 = arith.constant 6 : i32
      %dma_wait3A_245 = arith.constant 0 : i32
      %dma_wait3A_246 = tpu.memref_slice %arg8[%dma_wait3A_244, %dma_wait3A_245] : memref<8x128xi32, #tpu.memory_space<vmem>> -> memref<1x128xi32, #tpu.memory_space<vmem>>
      %dma_wait3A_247 = tpu.memref_squeeze %dma_wait3A_246 : memref<1x128xi32, #tpu.memory_space<vmem>> -> memref<128xi32, #tpu.memory_space<vmem>>
      %dma_wait3A_248 = arith.constant 0 : i32
      %dma_wait3A_249 = arith.constant 0 : i32
      %dma_wait3A_250 = tpu.memref_slice %arg11[%dma_wait3A_248, %dma_wait3A_249] : memref<10112x128xf32, #tpu.memory_space<vmem_shared>> -> memref<10112x128xf32, #tpu.memory_space<vmem_shared>>
      tpu.wait_indirect_dma semaphore(%arg14 : memref<!tpu.dma_semaphore, #tpu.memory_space<semaphore_mem>>) src(%arg9 : memref<128x128xf32, #tpu.memory_space<vmem>>) dst(%dma_wait3A_250 : memref<10112x128xf32, #tpu.memory_space<vmem_shared>>)
      %dma_wait3A_251 = arith.constant 7 : i32
      %dma_wait3A_252 = arith.constant 0 : i32
      %dma_wait3A_253 = tpu.memref_slice %arg8[%dma_wait3A_251, %dma_wait3A_252] : memref<8x128xi32, #tpu.memory_space<vmem>> -> memref<1x128xi32, #tpu.memory_space<vmem>>
      %dma_wait3A_254 = tpu.memref_squeeze %dma_wait3A_253 : memref<1x128xi32, #tpu.memory_space<vmem>> -> memref<128xi32, #tpu.memory_space<vmem>>
      %dma_wait3A_255 = arith.constant 0 : i32
      %dma_wait3A_256 = arith.constant 0 : i32
      %dma_wait3A_257 = tpu.memref_slice %arg11[%dma_wait3A_255, %dma_wait3A_256] : memref<10112x128xf32, #tpu.memory_space<vmem_shared>> -> memref<10112x128xf32, #tpu.memory_space<vmem_shared>>
      tpu.wait_indirect_dma semaphore(%arg15 : memref<!tpu.dma_semaphore, #tpu.memory_space<semaphore_mem>>) src(%arg10 : memref<128x128xf32, #tpu.memory_space<vmem>>) dst(%dma_wait3A_257 : memref<10112x128xf32, #tpu.memory_space<vmem_shared>>)
      %scan3A_258 = arith.constant 0 : i32
      scf.yield %scan3A_258 : i32
    }
    %scan3A_18 = arith.constant 10 : i32
    %barrier3A_19 = arith.constant 0 : index
    tpu.barrier barrier_id(%barrier3A_19)
    %add3A_20 = arith.constant 0 : i32
    %add3A_21 = arith.addi %mul3A_2, %add3A_20 : i32
    "tpu.region"() ({
      %run_scoped3A = tpu.sem_alloc : memref<!tpu.dma_semaphore, #tpu.memory_space<semaphore_mem>>
      %dma_start3A = arith.constant 0 : i32
      %dma_start3A_30 = tpu.memref_slice %arg11[%add3A_21, %dma_start3A] : memref<10112x128xf32, #tpu.memory_space<vmem_shared>> -> memref<128x128xf32, #tpu.memory_space<vmem_shared>>
      %dma_start3A_31 = arith.constant 0 : i32
      %dma_start3A_32 = tpu.memref_slice %arg11[%add3A_21, %dma_start3A_31] : memref<10112x128xf32, #tpu.memory_space<vmem_shared>> -> memref<128x128xf32, #tpu.memory_space<vmem_shared>>
      tpu.enqueue_dma source(%dma_start3A_32 : memref<128x128xf32, #tpu.memory_space<vmem_shared>>) target(%arg9 : memref<128x128xf32, #tpu.memory_space<vmem>>) target_semaphore(%run_scoped3A : memref<!tpu.dma_semaphore, #tpu.memory_space<semaphore_mem>>)
      %dma_wait3A = arith.constant 0 : i32
      %dma_wait3A_33 = tpu.memref_slice %arg11[%add3A_21, %dma_wait3A] : memref<10112x128xf32, #tpu.memory_space<vmem_shared>> -> memref<128x128xf32, #tpu.memory_space<vmem_shared>>
      %dma_wait3A_34 = arith.constant 0 : i32
      %dma_wait3A_35 = tpu.memref_slice %arg11[%add3A_21, %dma_wait3A_34] : memref<10112x128xf32, #tpu.memory_space<vmem_shared>> -> memref<128x128xf32, #tpu.memory_space<vmem_shared>>
      tpu.wait_dma2 semaphore(%run_scoped3A : memref<!tpu.dma_semaphore, #tpu.memory_space<semaphore_mem>>) src(%dma_wait3A_35 : memref<128x128xf32, #tpu.memory_space<vmem_shared>>) dst(%arg9 : memref<128x128xf32, #tpu.memory_space<vmem>>)
      tpu.yield
    }) : () -> ()
    "tpu.region"() ({
      %run_scoped3A = tpu.sem_alloc : memref<!tpu.dma_semaphore, #tpu.memory_space<semaphore_mem>>
      %dma_start3A = arith.constant 0 : i32
      %dma_start3A_30 = tpu.memref_slice %arg6[%arg0, %add3A_21, %dma_start3A] : memref<2x10112x128xf32, #tpu.memory_space<hbm>> -> memref<1x128x128xf32, #tpu.memory_space<hbm>>
      %dma_start3A_31 = tpu.memref_squeeze %dma_start3A_30 : memref<1x128x128xf32, #tpu.memory_space<hbm>> -> memref<128x128xf32, #tpu.memory_space<hbm>>
      %dma_start3A_32 = arith.constant 0 : i32
      %dma_start3A_33 = tpu.memref_slice %arg6[%arg0, %add3A_21, %dma_start3A_32] : memref<2x10112x128xf32, #tpu.memory_space<hbm>> -> memref<1x128x128xf32, #tpu.memory_space<hbm>>
      %dma_start3A_34 = tpu.memref_squeeze %dma_start3A_33 : memref<1x128x128xf32, #tpu.memory_space<hbm>> -> memref<128x128xf32, #tpu.memory_space<hbm>>
      tpu.enqueue_dma source(%arg9 : memref<128x128xf32, #tpu.memory_space<vmem>>) target(%dma_start3A_34 : memref<128x128xf32, #tpu.memory_space<hbm>>) target_semaphore(%run_scoped3A : memref<!tpu.dma_semaphore, #tpu.memory_space<semaphore_mem>>)
      %dma_wait3A = arith.constant 0 : i32
      %dma_wait3A_35 = tpu.memref_slice %arg6[%arg0, %add3A_21, %dma_wait3A] : memref<2x10112x128xf32, #tpu.memory_space<hbm>> -> memref<1x128x128xf32, #tpu.memory_space<hbm>>
      %dma_wait3A_36 = tpu.memref_squeeze %dma_wait3A_35 : memref<1x128x128xf32, #tpu.memory_space<hbm>> -> memref<128x128xf32, #tpu.memory_space<hbm>>
      %dma_wait3A_37 = arith.constant 0 : i32
      %dma_wait3A_38 = tpu.memref_slice %arg6[%arg0, %add3A_21, %dma_wait3A_37] : memref<2x10112x128xf32, #tpu.memory_space<hbm>> -> memref<1x128x128xf32, #tpu.memory_space<hbm>>
      %dma_wait3A_39 = tpu.memref_squeeze %dma_wait3A_38 : memref<1x128x128xf32, #tpu.memory_space<hbm>> -> memref<128x128xf32, #tpu.memory_space<hbm>>
      tpu.wait_dma2 semaphore(%run_scoped3A : memref<!tpu.dma_semaphore, #tpu.memory_space<semaphore_mem>>) src(%arg9 : memref<128x128xf32, #tpu.memory_space<vmem>>) dst(%dma_wait3A_39 : memref<128x128xf32, #tpu.memory_space<hbm>>)
      tpu.yield
    }) : () -> ()
    %add3A_22 = arith.constant 128 : i32
    %add3A_23 = arith.addi %mul3A_2, %add3A_22 : i32
    "tpu.region"() ({
      %run_scoped3A = tpu.sem_alloc : memref<!tpu.dma_semaphore, #tpu.memory_space<semaphore_mem>>
      %dma_start3A = arith.constant 0 : i32
      %dma_start3A_30 = tpu.memref_slice %arg11[%add3A_23, %dma_start3A] : memref<10112x128xf32, #tpu.memory_space<vmem_shared>> -> memref<128x128xf32, #tpu.memory_space<vmem_shared>>
      %dma_start3A_31 = arith.constant 0 : i32
      %dma_start3A_32 = tpu.memref_slice %arg11[%add3A_23, %dma_start3A_31] : memref<10112x128xf32, #tpu.memory_space<vmem_shared>> -> memref<128x128xf32, #tpu.memory_space<vmem_shared>>
      tpu.enqueue_dma source(%dma_start3A_32 : memref<128x128xf32, #tpu.memory_space<vmem_shared>>) target(%arg9 : memref<128x128xf32, #tpu.memory_space<vmem>>) target_semaphore(%run_scoped3A : memref<!tpu.dma_semaphore, #tpu.memory_space<semaphore_mem>>)
      %dma_wait3A = arith.constant 0 : i32
      %dma_wait3A_33 = tpu.memref_slice %arg11[%add3A_23, %dma_wait3A] : memref<10112x128xf32, #tpu.memory_space<vmem_shared>> -> memref<128x128xf32, #tpu.memory_space<vmem_shared>>
      %dma_wait3A_34 = arith.constant 0 : i32
      %dma_wait3A_35 = tpu.memref_slice %arg11[%add3A_23, %dma_wait3A_34] : memref<10112x128xf32, #tpu.memory_space<vmem_shared>> -> memref<128x128xf32, #tpu.memory_space<vmem_shared>>
      tpu.wait_dma2 semaphore(%run_scoped3A : memref<!tpu.dma_semaphore, #tpu.memory_space<semaphore_mem>>) src(%dma_wait3A_35 : memref<128x128xf32, #tpu.memory_space<vmem_shared>>) dst(%arg9 : memref<128x128xf32, #tpu.memory_space<vmem>>)
      tpu.yield
    }) : () -> ()
    "tpu.region"() ({
      %run_scoped3A = tpu.sem_alloc : memref<!tpu.dma_semaphore, #tpu.memory_space<semaphore_mem>>
      %dma_start3A = arith.constant 0 : i32
      %dma_start3A_30 = tpu.memref_slice %arg6[%arg0, %add3A_23, %dma_start3A] : memref<2x10112x128xf32, #tpu.memory_space<hbm>> -> memref<1x128x128xf32, #tpu.memory_space<hbm>>
      %dma_start3A_31 = tpu.memref_squeeze %dma_start3A_30 : memref<1x128x128xf32, #tpu.memory_space<hbm>> -> memref<128x128xf32, #tpu.memory_space<hbm>>
      %dma_start3A_32 = arith.constant 0 : i32
      %dma_start3A_33 = tpu.memref_slice %arg6[%arg0, %add3A_23, %dma_start3A_32] : memref<2x10112x128xf32, #tpu.memory_space<hbm>> -> memref<1x128x128xf32, #tpu.memory_space<hbm>>
      %dma_start3A_34 = tpu.memref_squeeze %dma_start3A_33 : memref<1x128x128xf32, #tpu.memory_space<hbm>> -> memref<128x128xf32, #tpu.memory_space<hbm>>
      tpu.enqueue_dma source(%arg9 : memref<128x128xf32, #tpu.memory_space<vmem>>) target(%dma_start3A_34 : memref<128x128xf32, #tpu.memory_space<hbm>>) target_semaphore(%run_scoped3A : memref<!tpu.dma_semaphore, #tpu.memory_space<semaphore_mem>>)
      %dma_wait3A = arith.constant 0 : i32
      %dma_wait3A_35 = tpu.memref_slice %arg6[%arg0, %add3A_23, %dma_wait3A] : memref<2x10112x128xf32, #tpu.memory_space<hbm>> -> memref<1x128x128xf32, #tpu.memory_space<hbm>>
      %dma_wait3A_36 = tpu.memref_squeeze %dma_wait3A_35 : memref<1x128x128xf32, #tpu.memory_space<hbm>> -> memref<128x128xf32, #tpu.memory_space<hbm>>
      %dma_wait3A_37 = arith.constant 0 : i32
      %dma_wait3A_38 = tpu.memref_slice %arg6[%arg0, %add3A_23, %dma_wait3A_37] : memref<2x10112x128xf32, #tpu.memory_space<hbm>> -> memref<1x128x128xf32, #tpu.memory_space<hbm>>
      %dma_wait3A_39 = tpu.memref_squeeze %dma_wait3A_38 : memref<1x128x128xf32, #tpu.memory_space<hbm>> -> memref<128x128xf32, #tpu.memory_space<hbm>>
      tpu.wait_dma2 semaphore(%run_scoped3A : memref<!tpu.dma_semaphore, #tpu.memory_space<semaphore_mem>>) src(%arg9 : memref<128x128xf32, #tpu.memory_space<vmem>>) dst(%dma_wait3A_39 : memref<128x128xf32, #tpu.memory_space<hbm>>)
      tpu.yield
    }) : () -> ()
    %add3A_24 = arith.constant 256 : i32
    %add3A_25 = arith.addi %mul3A_2, %add3A_24 : i32
    "tpu.region"() ({
      %run_scoped3A = tpu.sem_alloc : memref<!tpu.dma_semaphore, #tpu.memory_space<semaphore_mem>>
      %dma_start3A = arith.constant 0 : i32
      %dma_start3A_30 = tpu.memref_slice %arg11[%add3A_25, %dma_start3A] : memref<10112x128xf32, #tpu.memory_space<vmem_shared>> -> memref<128x128xf32, #tpu.memory_space<vmem_shared>>
      %dma_start3A_31 = arith.constant 0 : i32
      %dma_start3A_32 = tpu.memref_slice %arg11[%add3A_25, %dma_start3A_31] : memref<10112x128xf32, #tpu.memory_space<vmem_shared>> -> memref<128x128xf32, #tpu.memory_space<vmem_shared>>
      tpu.enqueue_dma source(%dma_start3A_32 : memref<128x128xf32, #tpu.memory_space<vmem_shared>>) target(%arg9 : memref<128x128xf32, #tpu.memory_space<vmem>>) target_semaphore(%run_scoped3A : memref<!tpu.dma_semaphore, #tpu.memory_space<semaphore_mem>>)
      %dma_wait3A = arith.constant 0 : i32
      %dma_wait3A_33 = tpu.memref_slice %arg11[%add3A_25, %dma_wait3A] : memref<10112x128xf32, #tpu.memory_space<vmem_shared>> -> memref<128x128xf32, #tpu.memory_space<vmem_shared>>
      %dma_wait3A_34 = arith.constant 0 : i32
      %dma_wait3A_35 = tpu.memref_slice %arg11[%add3A_25, %dma_wait3A_34] : memref<10112x128xf32, #tpu.memory_space<vmem_shared>> -> memref<128x128xf32, #tpu.memory_space<vmem_shared>>
      tpu.wait_dma2 semaphore(%run_scoped3A : memref<!tpu.dma_semaphore, #tpu.memory_space<semaphore_mem>>) src(%dma_wait3A_35 : memref<128x128xf32, #tpu.memory_space<vmem_shared>>) dst(%arg9 : memref<128x128xf32, #tpu.memory_space<vmem>>)
      tpu.yield
    }) : () -> ()
    "tpu.region"() ({
      %run_scoped3A = tpu.sem_alloc : memref<!tpu.dma_semaphore, #tpu.memory_space<semaphore_mem>>
      %dma_start3A = arith.constant 0 : i32
      %dma_start3A_30 = tpu.memref_slice %arg6[%arg0, %add3A_25, %dma_start3A] : memref<2x10112x128xf32, #tpu.memory_space<hbm>> -> memref<1x128x128xf32, #tpu.memory_space<hbm>>
      %dma_start3A_31 = tpu.memref_squeeze %dma_start3A_30 : memref<1x128x128xf32, #tpu.memory_space<hbm>> -> memref<128x128xf32, #tpu.memory_space<hbm>>
      %dma_start3A_32 = arith.constant 0 : i32
      %dma_start3A_33 = tpu.memref_slice %arg6[%arg0, %add3A_25, %dma_start3A_32] : memref<2x10112x128xf32, #tpu.memory_space<hbm>> -> memref<1x128x128xf32, #tpu.memory_space<hbm>>
      %dma_start3A_34 = tpu.memref_squeeze %dma_start3A_33 : memref<1x128x128xf32, #tpu.memory_space<hbm>> -> memref<128x128xf32, #tpu.memory_space<hbm>>
      tpu.enqueue_dma source(%arg9 : memref<128x128xf32, #tpu.memory_space<vmem>>) target(%dma_start3A_34 : memref<128x128xf32, #tpu.memory_space<hbm>>) target_semaphore(%run_scoped3A : memref<!tpu.dma_semaphore, #tpu.memory_space<semaphore_mem>>)
      %dma_wait3A = arith.constant 0 : i32
      %dma_wait3A_35 = tpu.memref_slice %arg6[%arg0, %add3A_25, %dma_wait3A] : memref<2x10112x128xf32, #tpu.memory_space<hbm>> -> memref<1x128x128xf32, #tpu.memory_space<hbm>>
      %dma_wait3A_36 = tpu.memref_squeeze %dma_wait3A_35 : memref<1x128x128xf32, #tpu.memory_space<hbm>> -> memref<128x128xf32, #tpu.memory_space<hbm>>
      %dma_wait3A_37 = arith.constant 0 : i32
      %dma_wait3A_38 = tpu.memref_slice %arg6[%arg0, %add3A_25, %dma_wait3A_37] : memref<2x10112x128xf32, #tpu.memory_space<hbm>> -> memref<1x128x128xf32, #tpu.memory_space<hbm>>
      %dma_wait3A_39 = tpu.memref_squeeze %dma_wait3A_38 : memref<1x128x128xf32, #tpu.memory_space<hbm>> -> memref<128x128xf32, #tpu.memory_space<hbm>>
      tpu.wait_dma2 semaphore(%run_scoped3A : memref<!tpu.dma_semaphore, #tpu.memory_space<semaphore_mem>>) src(%arg9 : memref<128x128xf32, #tpu.memory_space<vmem>>) dst(%dma_wait3A_39 : memref<128x128xf32, #tpu.memory_space<hbm>>)
      tpu.yield
    }) : () -> ()
    %add3A_26 = arith.constant 384 : i32
    %add3A_27 = arith.addi %mul3A_2, %add3A_26 : i32
    "tpu.region"() ({
      %run_scoped3A = tpu.sem_alloc : memref<!tpu.dma_semaphore, #tpu.memory_space<semaphore_mem>>
      %dma_start3A = arith.constant 0 : i32
      %dma_start3A_30 = tpu.memref_slice %arg11[%add3A_27, %dma_start3A] : memref<10112x128xf32, #tpu.memory_space<vmem_shared>> -> memref<128x128xf32, #tpu.memory_space<vmem_shared>>
      %dma_start3A_31 = arith.constant 0 : i32
      %dma_start3A_32 = tpu.memref_slice %arg11[%add3A_27, %dma_start3A_31] : memref<10112x128xf32, #tpu.memory_space<vmem_shared>> -> memref<128x128xf32, #tpu.memory_space<vmem_shared>>
      tpu.enqueue_dma source(%dma_start3A_32 : memref<128x128xf32, #tpu.memory_space<vmem_shared>>) target(%arg9 : memref<128x128xf32, #tpu.memory_space<vmem>>) target_semaphore(%run_scoped3A : memref<!tpu.dma_semaphore, #tpu.memory_space<semaphore_mem>>)
      %dma_wait3A = arith.constant 0 : i32
      %dma_wait3A_33 = tpu.memref_slice %arg11[%add3A_27, %dma_wait3A] : memref<10112x128xf32, #tpu.memory_space<vmem_shared>> -> memref<128x128xf32, #tpu.memory_space<vmem_shared>>
      %dma_wait3A_34 = arith.constant 0 : i32
      %dma_wait3A_35 = tpu.memref_slice %arg11[%add3A_27, %dma_wait3A_34] : memref<10112x128xf32, #tpu.memory_space<vmem_shared>> -> memref<128x128xf32, #tpu.memory_space<vmem_shared>>
      tpu.wait_dma2 semaphore(%run_scoped3A : memref<!tpu.dma_semaphore, #tpu.memory_space<semaphore_mem>>) src(%dma_wait3A_35 : memref<128x128xf32, #tpu.memory_space<vmem_shared>>) dst(%arg9 : memref<128x128xf32, #tpu.memory_space<vmem>>)
      tpu.yield
    }) : () -> ()
    "tpu.region"() ({
      %run_scoped3A = tpu.sem_alloc : memref<!tpu.dma_semaphore, #tpu.memory_space<semaphore_mem>>
      %dma_start3A = arith.constant 0 : i32
      %dma_start3A_30 = tpu.memref_slice %arg6[%arg0, %add3A_27, %dma_start3A] : memref<2x10112x128xf32, #tpu.memory_space<hbm>> -> memref<1x128x128xf32, #tpu.memory_space<hbm>>
      %dma_start3A_31 = tpu.memref_squeeze %dma_start3A_30 : memref<1x128x128xf32, #tpu.memory_space<hbm>> -> memref<128x128xf32, #tpu.memory_space<hbm>>
      %dma_start3A_32 = arith.constant 0 : i32
      %dma_start3A_33 = tpu.memref_slice %arg6[%arg0, %add3A_27, %dma_start3A_32] : memref<2x10112x128xf32, #tpu.memory_space<hbm>> -> memref<1x128x128xf32, #tpu.memory_space<hbm>>
      %dma_start3A_34 = tpu.memref_squeeze %dma_start3A_33 : memref<1x128x128xf32, #tpu.memory_space<hbm>> -> memref<128x128xf32, #tpu.memory_space<hbm>>
      tpu.enqueue_dma source(%arg9 : memref<128x128xf32, #tpu.memory_space<vmem>>) target(%dma_start3A_34 : memref<128x128xf32, #tpu.memory_space<hbm>>) target_semaphore(%run_scoped3A : memref<!tpu.dma_semaphore, #tpu.memory_space<semaphore_mem>>)
      %dma_wait3A = arith.constant 0 : i32
      %dma_wait3A_35 = tpu.memref_slice %arg6[%arg0, %add3A_27, %dma_wait3A] : memref<2x10112x128xf32, #tpu.memory_space<hbm>> -> memref<1x128x128xf32, #tpu.memory_space<hbm>>
      %dma_wait3A_36 = tpu.memref_squeeze %dma_wait3A_35 : memref<1x128x128xf32, #tpu.memory_space<hbm>> -> memref<128x128xf32, #tpu.memory_space<hbm>>
      %dma_wait3A_37 = arith.constant 0 : i32
      %dma_wait3A_38 = tpu.memref_slice %arg6[%arg0, %add3A_27, %dma_wait3A_37] : memref<2x10112x128xf32, #tpu.memory_space<hbm>> -> memref<1x128x128xf32, #tpu.memory_space<hbm>>
      %dma_wait3A_39 = tpu.memref_squeeze %dma_wait3A_38 : memref<1x128x128xf32, #tpu.memory_space<hbm>> -> memref<128x128xf32, #tpu.memory_space<hbm>>
      tpu.wait_dma2 semaphore(%run_scoped3A : memref<!tpu.dma_semaphore, #tpu.memory_space<semaphore_mem>>) src(%arg9 : memref<128x128xf32, #tpu.memory_space<vmem>>) dst(%dma_wait3A_39 : memref<128x128xf32, #tpu.memory_space<hbm>>)
      tpu.yield
    }) : () -> ()
    %add3A_28 = arith.constant 512 : i32
    %add3A_29 = arith.addi %mul3A_2, %add3A_28 : i32
    "tpu.region"() ({
      %run_scoped3A = tpu.sem_alloc : memref<!tpu.dma_semaphore, #tpu.memory_space<semaphore_mem>>
      %dma_start3A = arith.constant 0 : i32
      %dma_start3A_30 = arith.constant 0 : i32
      %dma_start3A_31 = tpu.memref_slice %arg9[%dma_start3A, %dma_start3A_30] : memref<128x128xf32, #tpu.memory_space<vmem>> -> memref<120x128xf32, #tpu.memory_space<vmem>>
      %dma_start3A_32 = arith.constant 0 : i32
      %dma_start3A_33 = tpu.memref_slice %arg11[%add3A_29, %dma_start3A_32] : memref<10112x128xf32, #tpu.memory_space<vmem_shared>> -> memref<120x128xf32, #tpu.memory_space<vmem_shared>>
      %dma_start3A_34 = arith.constant 0 : i32
      %dma_start3A_35 = arith.constant 0 : i32
      %dma_start3A_36 = tpu.memref_slice %arg9[%dma_start3A_34, %dma_start3A_35] : memref<128x128xf32, #tpu.memory_space<vmem>> -> memref<120x128xf32, #tpu.memory_space<vmem>>
      %dma_start3A_37 = arith.constant 0 : i32
      %dma_start3A_38 = tpu.memref_slice %arg11[%add3A_29, %dma_start3A_37] : memref<10112x128xf32, #tpu.memory_space<vmem_shared>> -> memref<120x128xf32, #tpu.memory_space<vmem_shared>>
      tpu.enqueue_dma source(%dma_start3A_38 : memref<120x128xf32, #tpu.memory_space<vmem_shared>>) target(%dma_start3A_36 : memref<120x128xf32, #tpu.memory_space<vmem>>) target_semaphore(%run_scoped3A : memref<!tpu.dma_semaphore, #tpu.memory_space<semaphore_mem>>)
      %dma_wait3A = arith.constant 0 : i32
      %dma_wait3A_39 = arith.constant 0 : i32
      %dma_wait3A_40 = tpu.memref_slice %arg9[%dma_wait3A, %dma_wait3A_39] : memref<128x128xf32, #tpu.memory_space<vmem>> -> memref<120x128xf32, #tpu.memory_space<vmem>>
      %dma_wait3A_41 = arith.constant 0 : i32
      %dma_wait3A_42 = tpu.memref_slice %arg11[%add3A_29, %dma_wait3A_41] : memref<10112x128xf32, #tpu.memory_space<vmem_shared>> -> memref<120x128xf32, #tpu.memory_space<vmem_shared>>
      %dma_wait3A_43 = arith.constant 0 : i32
      %dma_wait3A_44 = arith.constant 0 : i32
      %dma_wait3A_45 = tpu.memref_slice %arg9[%dma_wait3A_43, %dma_wait3A_44] : memref<128x128xf32, #tpu.memory_space<vmem>> -> memref<120x128xf32, #tpu.memory_space<vmem>>
      %dma_wait3A_46 = arith.constant 0 : i32
      %dma_wait3A_47 = tpu.memref_slice %arg11[%add3A_29, %dma_wait3A_46] : memref<10112x128xf32, #tpu.memory_space<vmem_shared>> -> memref<120x128xf32, #tpu.memory_space<vmem_shared>>
      tpu.wait_dma2 semaphore(%run_scoped3A : memref<!tpu.dma_semaphore, #tpu.memory_space<semaphore_mem>>) src(%dma_wait3A_47 : memref<120x128xf32, #tpu.memory_space<vmem_shared>>) dst(%dma_wait3A_45 : memref<120x128xf32, #tpu.memory_space<vmem>>)
      tpu.yield
    }) : () -> ()
    "tpu.region"() ({
      %run_scoped3A = tpu.sem_alloc : memref<!tpu.dma_semaphore, #tpu.memory_space<semaphore_mem>>
      %dma_start3A = arith.constant 0 : i32
      %dma_start3A_30 = arith.constant 0 : i32
      %dma_start3A_31 = tpu.memref_slice %arg9[%dma_start3A, %dma_start3A_30] : memref<128x128xf32, #tpu.memory_space<vmem>> -> memref<120x128xf32, #tpu.memory_space<vmem>>
      %dma_start3A_32 = arith.constant 0 : i32
      %dma_start3A_33 = tpu.memref_slice %arg6[%arg0, %add3A_29, %dma_start3A_32] : memref<2x10112x128xf32, #tpu.memory_space<hbm>> -> memref<1x120x128xf32, #tpu.memory_space<hbm>>
      %dma_start3A_34 = tpu.memref_squeeze %dma_start3A_33 : memref<1x120x128xf32, #tpu.memory_space<hbm>> -> memref<120x128xf32, #tpu.memory_space<hbm>>
      %dma_start3A_35 = arith.constant 0 : i32
      %dma_start3A_36 = tpu.memref_slice %arg6[%arg0, %add3A_29, %dma_start3A_35] : memref<2x10112x128xf32, #tpu.memory_space<hbm>> -> memref<1x120x128xf32, #tpu.memory_space<hbm>>
      %dma_start3A_37 = tpu.memref_squeeze %dma_start3A_36 : memref<1x120x128xf32, #tpu.memory_space<hbm>> -> memref<120x128xf32, #tpu.memory_space<hbm>>
      %dma_start3A_38 = arith.constant 0 : i32
      %dma_start3A_39 = arith.constant 0 : i32
      %dma_start3A_40 = tpu.memref_slice %arg9[%dma_start3A_38, %dma_start3A_39] : memref<128x128xf32, #tpu.memory_space<vmem>> -> memref<120x128xf32, #tpu.memory_space<vmem>>
      tpu.enqueue_dma source(%dma_start3A_40 : memref<120x128xf32, #tpu.memory_space<vmem>>) target(%dma_start3A_37 : memref<120x128xf32, #tpu.memory_space<hbm>>) target_semaphore(%run_scoped3A : memref<!tpu.dma_semaphore, #tpu.memory_space<semaphore_mem>>)
      %dma_wait3A = arith.constant 0 : i32
      %dma_wait3A_41 = arith.constant 0 : i32
      %dma_wait3A_42 = tpu.memref_slice %arg9[%dma_wait3A, %dma_wait3A_41] : memref<128x128xf32, #tpu.memory_space<vmem>> -> memref<120x128xf32, #tpu.memory_space<vmem>>
      %dma_wait3A_43 = arith.constant 0 : i32
      %dma_wait3A_44 = tpu.memref_slice %arg6[%arg0, %add3A_29, %dma_wait3A_43] : memref<2x10112x128xf32, #tpu.memory_space<hbm>> -> memref<1x120x128xf32, #tpu.memory_space<hbm>>
      %dma_wait3A_45 = tpu.memref_squeeze %dma_wait3A_44 : memref<1x120x128xf32, #tpu.memory_space<hbm>> -> memref<120x128xf32, #tpu.memory_space<hbm>>
      %dma_wait3A_46 = arith.constant 0 : i32
      %dma_wait3A_47 = tpu.memref_slice %arg6[%arg0, %add3A_29, %dma_wait3A_46] : memref<2x10112x128xf32, #tpu.memory_space<hbm>> -> memref<1x120x128xf32, #tpu.memory_space<hbm>>
      %dma_wait3A_48 = tpu.memref_squeeze %dma_wait3A_47 : memref<1x120x128xf32, #tpu.memory_space<hbm>> -> memref<120x128xf32, #tpu.memory_space<hbm>>
      %dma_wait3A_49 = arith.constant 0 : i32
      %dma_wait3A_50 = arith.constant 0 : i32
      %dma_wait3A_51 = tpu.memref_slice %arg9[%dma_wait3A_49, %dma_wait3A_50] : memref<128x128xf32, #tpu.memory_space<vmem>> -> memref<120x128xf32, #tpu.memory_space<vmem>>
      tpu.wait_dma2 semaphore(%run_scoped3A : memref<!tpu.dma_semaphore, #tpu.memory_space<semaphore_mem>>) src(%dma_wait3A_51 : memref<120x128xf32, #tpu.memory_space<vmem>>) dst(%dma_wait3A_48 : memref<120x128xf32, #tpu.memory_space<hbm>>)
      tpu.yield
    }) : () -> ()
    return
  }
}

module attributes {stable_mosaic.version = 14 : i64} {
  func.func @body(%arg0: i32, %arg1: memref<400x128xf32, #tpu.memory_space<vmem>>, %arg2: memref<2x400x128xf32, #tpu.memory_space<vmem>>, %arg3: memref<2x400x32xf32, #tpu.memory_space<vmem>>, %arg4: memref<128x128xf32, #tpu.memory_space<vmem>>, %arg5: memref<128x128xf32, #tpu.memory_space<vmem>>, %arg6: memref<1x128xf32, #tpu.memory_space<vmem>>, %arg7: memref<400x128xf32, #tpu.memory_space<vmem>>, %arg8: memref<400x8xf32, #tpu.memory_space<vmem>>) attributes {dimension_semantics = [#tpu.dimension_semantics<arbitrary>], iteration_bounds = array<i64: 25>, scalar_prefetch = 0 : i64, scratch_operands = 0 : i64, tpu.core_type = #tpu.core_type<tc>, window_params = [{transform_indices = @transform_0, window_bounds = array<i64: 400, 128>}, {transform_indices = @transform_1, window_bounds = array<i64: 2, 400, 128>}, {transform_indices = @transform_2, window_bounds = array<i64: 2, 400, 32>}, {pipeline_mode = #tpu.pipeline_mode<synchronous>, transform_indices = @transform_3, window_bounds = array<i64: 128, 128>}, {pipeline_mode = #tpu.pipeline_mode<synchronous>, transform_indices = @transform_4, window_bounds = array<i64: 128, 128>}, {pipeline_mode = #tpu.pipeline_mode<synchronous>, transform_indices = @transform_5, window_bounds = array<i64: 1, 128>}, {transform_indices = @transform_6, window_bounds = array<i64: 400, 128>}, {transform_indices = @transform_7, window_bounds = array<i64: 400, 8>}]} {
    %get3A = arith.constant 0 : index
    %get3A_0 = arith.constant 0 : index
    %get3A_1 = arith.constant 0 : index
    %get3A_2 = vector.load %arg2[%get3A, %get3A_0, %get3A_1] : memref<2x400x128xf32, #tpu.memory_space<vmem>>, vector<1x400x128xf32>
    %get3A_3 = vector.shape_cast %get3A_2 : vector<1x400x128xf32> to vector<400x128xf32>
    %get3A_4 = arith.constant 1 : index
    %get3A_5 = arith.constant 0 : index
    %get3A_6 = arith.constant 0 : index
    %get3A_7 = vector.load %arg2[%get3A_4, %get3A_5, %get3A_6] : memref<2x400x128xf32, #tpu.memory_space<vmem>>, vector<1x400x128xf32>
    %get3A_8 = vector.shape_cast %get3A_7 : vector<1x400x128xf32> to vector<400x128xf32>
    %add3A = arith.addf %get3A_3, %get3A_8 : vector<400x128xf32>
    %get3A_9 = arith.constant 0 : index
    %get3A_10 = arith.constant 0 : index
    %get3A_11 = arith.constant 0 : index
    %get3A_12 = vector.load %arg3[%get3A_9, %get3A_10, %get3A_11] : memref<2x400x32xf32, #tpu.memory_space<vmem>>, vector<1x400x1xf32>
    %get3A_13 = vector.shape_cast %get3A_12 : vector<1x400x1xf32> to vector<400x1xf32>
    %get3A_14 = arith.constant 1 : index
    %get3A_15 = arith.constant 0 : index
    %get3A_16 = arith.constant 0 : index
    %get3A_17 = vector.load %arg3[%get3A_14, %get3A_15, %get3A_16] : memref<2x400x32xf32, #tpu.memory_space<vmem>>, vector<1x400x1xf32>
    %get3A_18 = vector.shape_cast %get3A_17 : vector<1x400x1xf32> to vector<400x1xf32>
    %add3A_19 = arith.addf %get3A_13, %get3A_18 : vector<400x1xf32>
    %max3A = arith.constant 1.000000e+00 : f32
    %max3A_20 = vector.broadcast %max3A : f32 to vector<400x1xf32>
    %max3A_21 = arith.maximumf %add3A_19, %max3A_20 : vector<400x1xf32>
    %div3A = arith.constant 1.000000e+00 : f32
    %div3A_22 = vector.broadcast %div3A : f32 to vector<400x1xf32>
    %div3A_23 = arith.divf %div3A_22, %max3A_21 : vector<400x1xf32>
    %mul3A = vector.broadcast %div3A_23 : vector<400x1xf32> to vector<400x128xf32>
    %mul3A_24 = arith.mulf %add3A, %mul3A : vector<400x128xf32>
    %get3A_25 = arith.constant 0 : index
    %get3A_26 = arith.constant 0 : index
    %get3A_27 = vector.load %arg1[%get3A_25, %get3A_26] : memref<400x128xf32, #tpu.memory_space<vmem>>, vector<400x128xf32>
    %get3A_28 = arith.constant 0 : index
    %get3A_29 = arith.constant 0 : index
    %get3A_30 = vector.load %arg4[%get3A_28, %get3A_29] : memref<128x128xf32, #tpu.memory_space<vmem>>, vector<128x128xf32>
    %dot_general3A = arith.constant dense<0.000000e+00> : vector<400x128xf32>
    %dot_general3A_31 = tpu.matmul %get3A_27, %get3A_30, %dot_general3A {dimension_numbers = #tpu.dot_dimension_numbers<[1], [0], [0], [1], [0, 0, 1, 1], [], []>, transpose_lhs_hint = false} : vector<400x128xf32>, vector<128x128xf32>, vector<400x128xf32> -> vector<400x128xf32>
    %get3A_32 = arith.constant 0 : index
    %get3A_33 = arith.constant 0 : index
    %get3A_34 = vector.load %arg5[%get3A_32, %get3A_33] : memref<128x128xf32, #tpu.memory_space<vmem>>, vector<128x128xf32>
    %dot_general3A_35 = arith.constant dense<0.000000e+00> : vector<400x128xf32>
    %dot_general3A_36 = tpu.matmul %mul3A_24, %get3A_34, %dot_general3A_35 {dimension_numbers = #tpu.dot_dimension_numbers<[1], [0], [0], [1], [0, 0, 1, 1], [], []>, transpose_lhs_hint = false} : vector<400x128xf32>, vector<128x128xf32>, vector<400x128xf32> -> vector<400x128xf32>
    %add3A_37 = arith.addf %dot_general3A_31, %dot_general3A_36 : vector<400x128xf32>
    %get3A_38 = arith.constant 0 : index
    %get3A_39 = arith.constant 0 : index
    %get3A_40 = vector.load %arg6[%get3A_38, %get3A_39] : memref<1x128xf32, #tpu.memory_space<vmem>>, vector<1x128xf32>
    %add3A_41 = vector.broadcast %get3A_40 : vector<1x128xf32> to vector<400x128xf32>
    %add3A_42 = arith.addf %add3A_37, %add3A_41 : vector<400x128xf32>
    %max3A_43 = arith.constant 0.000000e+00 : f32
    %max3A_44 = vector.broadcast %max3A_43 : f32 to vector<400x128xf32>
    %max3A_45 = arith.maximumf %add3A_42, %max3A_44 : vector<400x128xf32>
    %swap3A = arith.constant 0 : index
    %swap3A_46 = arith.constant 0 : index
    %swap3A_47 = vector.load %arg7[%swap3A, %swap3A_46] : memref<400x128xf32, #tpu.memory_space<vmem>>, vector<400x128xf32>
    tpu.vector_store %arg7[%swap3A, %swap3A_46], %max3A_45 {strides = array<i32>} : memref<400x128xf32, #tpu.memory_space<vmem>>, vector<400x128xf32>,
    %broadcast_in_dim3A = vector.shape_cast %div3A_23 : vector<400x1xf32> to vector<400x1xf32>
    %broadcast_in_dim3A_48 = vector.broadcast %broadcast_in_dim3A : vector<400x1xf32> to vector<400x8xf32>
    %swap3A_49 = arith.constant 0 : index
    %swap3A_50 = arith.constant 0 : index
    %swap3A_51 = vector.load %arg8[%swap3A_49, %swap3A_50] : memref<400x8xf32, #tpu.memory_space<vmem>>, vector<400x8xf32>
    tpu.vector_store %arg8[%swap3A_49, %swap3A_50], %broadcast_in_dim3A_48 {strides = array<i32>} : memref<400x8xf32, #tpu.memory_space<vmem>>, vector<400x8xf32>,
    return
  }
  func.func @transform_0(%arg0: i32) -> (i32, i32) {
    %c0_i32 = arith.constant 0 : i32
    %c0_i32_0 = arith.constant 0 : i32
    return %arg0, %c0_i32 : i32, i32
  }
  func.func @transform_1(%arg0: i32) -> (i32, i32, i32) {
    %c0_i32 = arith.constant 0 : i32
    %c0_i32_0 = arith.constant 0 : i32
    %c0_i32_1 = arith.constant 0 : i32
    return %c0_i32, %arg0, %c0_i32_0 : i32, i32, i32
  }
  func.func @transform_2(%arg0: i32) -> (i32, i32, i32) {
    %c0_i32 = arith.constant 0 : i32
    %c0_i32_0 = arith.constant 0 : i32
    %c0_i32_1 = arith.constant 0 : i32
    return %c0_i32, %arg0, %c0_i32_0 : i32, i32, i32
  }
  func.func @transform_3(%arg0: i32) -> (i32, i32) {
    %c0_i32 = arith.constant 0 : i32
    %c0_i32_0 = arith.constant 0 : i32
    %c0_i32_1 = arith.constant 0 : i32
    return %c0_i32, %c0_i32_0 : i32, i32
  }
  func.func @transform_4(%arg0: i32) -> (i32, i32) {
    %c0_i32 = arith.constant 0 : i32
    %c0_i32_0 = arith.constant 0 : i32
    %c0_i32_1 = arith.constant 0 : i32
    return %c0_i32, %c0_i32_0 : i32, i32
  }
  func.func @transform_5(%arg0: i32) -> (i32, i32) {
    %c0_i32 = arith.constant 0 : i32
    %c0_i32_0 = arith.constant 0 : i32
    %c0_i32_1 = arith.constant 0 : i32
    return %c0_i32, %c0_i32_0 : i32, i32
  }
  func.func @transform_6(%arg0: i32) -> (i32, i32) {
    %c0_i32 = arith.constant 0 : i32
    %c0_i32_0 = arith.constant 0 : i32
    return %arg0, %c0_i32 : i32, i32
  }
  func.func @transform_7(%arg0: i32) -> (i32, i32) {
    %c0_i32 = arith.constant 0 : i32
    %c0_i32_0 = arith.constant 0 : i32
    return %arg0, %c0_i32 : i32, i32
  }
}

module attributes {stable_mosaic.version = 14 : i64} {
  func.func @body(%arg0: i32, %arg1: memref<400x128xf32, #tpu.memory_space<vmem>>, %arg2: memref<2x400x128xf32, #tpu.memory_space<vmem>>, %arg3: memref<400x8xf32, #tpu.memory_space<vmem>>, %arg4: memref<128x64xf32, #tpu.memory_space<vmem>>, %arg5: memref<128x64xf32, #tpu.memory_space<vmem>>, %arg6: memref<1x64xf32, #tpu.memory_space<vmem>>, %arg7: memref<400x64xf32, #tpu.memory_space<vmem>>) attributes {dimension_semantics = [#tpu.dimension_semantics<arbitrary>], iteration_bounds = array<i64: 25>, scalar_prefetch = 0 : i64, scratch_operands = 0 : i64, tpu.core_type = #tpu.core_type<tc>, window_params = [{transform_indices = @transform_0, window_bounds = array<i64: 400, 128>}, {transform_indices = @transform_1, window_bounds = array<i64: 2, 400, 128>}, {transform_indices = @transform_2, window_bounds = array<i64: 400, 8>}, {pipeline_mode = #tpu.pipeline_mode<synchronous>, transform_indices = @transform_3, window_bounds = array<i64: 128, 64>}, {pipeline_mode = #tpu.pipeline_mode<synchronous>, transform_indices = @transform_4, window_bounds = array<i64: 128, 64>}, {pipeline_mode = #tpu.pipeline_mode<synchronous>, transform_indices = @transform_5, window_bounds = array<i64: 1, 64>}, {transform_indices = @transform_6, window_bounds = array<i64: 400, 64>}]} {
    %get3A = arith.constant 0 : index
    %get3A_0 = arith.constant 0 : index
    %get3A_1 = arith.constant 0 : index
    %get3A_2 = vector.load %arg2[%get3A, %get3A_0, %get3A_1] : memref<2x400x128xf32, #tpu.memory_space<vmem>>, vector<1x400x128xf32>
    %get3A_3 = vector.shape_cast %get3A_2 : vector<1x400x128xf32> to vector<400x128xf32>
    %get3A_4 = arith.constant 1 : index
    %get3A_5 = arith.constant 0 : index
    %get3A_6 = arith.constant 0 : index
    %get3A_7 = vector.load %arg2[%get3A_4, %get3A_5, %get3A_6] : memref<2x400x128xf32, #tpu.memory_space<vmem>>, vector<1x400x128xf32>
    %get3A_8 = vector.shape_cast %get3A_7 : vector<1x400x128xf32> to vector<400x128xf32>
    %add3A = arith.addf %get3A_3, %get3A_8 : vector<400x128xf32>
    %get3A_9 = arith.constant 0 : index
    %get3A_10 = arith.constant 0 : index
    %get3A_11 = vector.load %arg3[%get3A_9, %get3A_10] : memref<400x8xf32, #tpu.memory_space<vmem>>, vector<400x1xf32>
    %mul3A = vector.broadcast %get3A_11 : vector<400x1xf32> to vector<400x128xf32>
    %mul3A_12 = arith.mulf %add3A, %mul3A : vector<400x128xf32>
    %get3A_13 = arith.constant 0 : index
    %get3A_14 = arith.constant 0 : index
    %get3A_15 = vector.load %arg1[%get3A_13, %get3A_14] : memref<400x128xf32, #tpu.memory_space<vmem>>, vector<400x128xf32>
    %get3A_16 = arith.constant 0 : index
    %get3A_17 = arith.constant 0 : index
    %get3A_18 = vector.load %arg4[%get3A_16, %get3A_17] : memref<128x64xf32, #tpu.memory_space<vmem>>, vector<128x64xf32>
    %dot_general3A = arith.constant dense<0.000000e+00> : vector<400x64xf32>
    %dot_general3A_19 = tpu.matmul %get3A_15, %get3A_18, %dot_general3A {dimension_numbers = #tpu.dot_dimension_numbers<[1], [0], [0], [1], [0, 0, 1, 1], [], []>, transpose_lhs_hint = false} : vector<400x128xf32>, vector<128x64xf32>, vector<400x64xf32> -> vector<400x64xf32>
    %get3A_20 = arith.constant 0 : index
    %get3A_21 = arith.constant 0 : index
    %get3A_22 = vector.load %arg5[%get3A_20, %get3A_21] : memref<128x64xf32, #tpu.memory_space<vmem>>, vector<128x64xf32>
    %dot_general3A_23 = arith.constant dense<0.000000e+00> : vector<400x64xf32>
    %dot_general3A_24 = tpu.matmul %mul3A_12, %get3A_22, %dot_general3A_23 {dimension_numbers = #tpu.dot_dimension_numbers<[1], [0], [0], [1], [0, 0, 1, 1], [], []>, transpose_lhs_hint = false} : vector<400x128xf32>, vector<128x64xf32>, vector<400x64xf32> -> vector<400x64xf32>
    %add3A_25 = arith.addf %dot_general3A_19, %dot_general3A_24 : vector<400x64xf32>
    %get3A_26 = arith.constant 0 : index
    %get3A_27 = arith.constant 0 : index
    %get3A_28 = vector.load %arg6[%get3A_26, %get3A_27] : memref<1x64xf32, #tpu.memory_space<vmem>>, vector<1x64xf32>
    %add3A_29 = vector.broadcast %get3A_28 : vector<1x64xf32> to vector<400x64xf32>
    %add3A_30 = arith.addf %add3A_25, %add3A_29 : vector<400x64xf32>
    %swap3A = arith.constant 0 : index
    %swap3A_31 = arith.constant 0 : index
    %swap3A_32 = vector.load %arg7[%swap3A, %swap3A_31] : memref<400x64xf32, #tpu.memory_space<vmem>>, vector<400x64xf32>
    tpu.vector_store %arg7[%swap3A, %swap3A_31], %add3A_30 {strides = array<i32>} : memref<400x64xf32, #tpu.memory_space<vmem>>, vector<400x64xf32>,
    return
  }
  func.func @transform_0(%arg0: i32) -> (i32, i32) {
    %c0_i32 = arith.constant 0 : i32
    %c0_i32_0 = arith.constant 0 : i32
    return %arg0, %c0_i32 : i32, i32
  }
  func.func @transform_1(%arg0: i32) -> (i32, i32, i32) {
    %c0_i32 = arith.constant 0 : i32
    %c0_i32_0 = arith.constant 0 : i32
    %c0_i32_1 = arith.constant 0 : i32
    return %c0_i32, %arg0, %c0_i32_0 : i32, i32, i32
  }
  func.func @transform_2(%arg0: i32) -> (i32, i32) {
    %c0_i32 = arith.constant 0 : i32
    %c0_i32_0 = arith.constant 0 : i32
    return %arg0, %c0_i32 : i32, i32
  }
  func.func @transform_3(%arg0: i32) -> (i32, i32) {
    %c0_i32 = arith.constant 0 : i32
    %c0_i32_0 = arith.constant 0 : i32
    %c0_i32_1 = arith.constant 0 : i32
    return %c0_i32, %c0_i32_0 : i32, i32
  }
  func.func @transform_4(%arg0: i32) -> (i32, i32) {
    %c0_i32 = arith.constant 0 : i32
    %c0_i32_0 = arith.constant 0 : i32
    %c0_i32_1 = arith.constant 0 : i32
    return %c0_i32, %c0_i32_0 : i32, i32
  }
  func.func @transform_5(%arg0: i32) -> (i32, i32) {
    %c0_i32 = arith.constant 0 : i32
    %c0_i32_0 = arith.constant 0 : i32
    %c0_i32_1 = arith.constant 0 : i32
    return %c0_i32, %c0_i32_0 : i32, i32
  }
  func.func @transform_6(%arg0: i32) -> (i32, i32) {
    %c0_i32 = arith.constant 0 : i32
    %c0_i32_0 = arith.constant 0 : i32
    return %arg0, %c0_i32 : i32, i32
  }
}

</mosaic_0001>

<sc_bundles>
// kernel: kernel.10.cloned.1.call-start
scs
__scs_entry_jumppad:
0x0: {  	(pc) =	sbr.rel $0x88, $3  }
0x1: {  	(tag) =	ssettag $0x0;
	lr =	simm.s32 $0x1  }
0x2: {  	[smem:$0x3F99] =	sst lr;
	_ =	strace $0xD0000000  }
0x3: {  	_ = 	snop  }
0x4: {  	_ = 	snop  }
0x5: {  	_ = 	snop  }
0x6: {  	_ = 	snop  }
0x7: {  	_ = 	snop  }
__scs_overlays_trampoline_lowered:
0x8: {  	[smem:$0x3FA8] =	sst s0  }
0x9: {  	[smem:$0x3FA9] =	sst s1  }
0xa: {  	[smem:$0x3FAA] =	sst s2  }
0xb: {  	[smem:$0x3FAB] =	sst s3  }
0xc: {  	[smem:$0x3FAC] =	sst s4  }
0xd: {  	[smem:$0x3FAD] =	sst s5  }
0xe: {  	[smem:$0x3FAE] =	sst s6  }
0xf: {  	[smem:$0x3FAF] =	sst s7  }
0x10: {  	[smem:$0x3FB0] =	sst s8  }
0x11: {  	[smem:$0x3FB1] =	sst s9;
	s0 =	simm.s32 @!p0 $0x0  }
0x12: {  	s1 =	sld [smem:$0x3F97];
	s0 =	simm.s32 @p0 $0x1  }
0x13: {  	[smem:$0x3FB2] =	sst s0;
	s0 =	simm.s32 @!p1 $0x0  }
0x14: {  	s2 =	sld [smem:$0x3F96];
	s0 =	simm.s32 @p1 $0x1  }
0x15: {  	[smem:$0x3FB3] =	sst s0;
	s0 =	simm.s32 @!p2 $0x0  }
0x16: {  	s3 =	sld [smem:$0x3FDB];
	s0 =	simm.s32 @p2 $0x1  }
0x17: {  	s4 =	simm.s32 $0x1BF5;
	[smem:$0x3FB5] =	sst s0  }
0x18: {  	s0 =	sld [smem:$0x3F98];
	_ =	swait.ge [sflag:s4], $0x0  }
0x19: {  	s7 =	sld [smem:$0x3F99]  }
0x1a: {  	s8 =	sadd.s32 $0xFFFFE003, lr  }
0x1b: {  	s9 =	sadd.s32 $0xFFFFFEF7, lr;
	s5 =	simm.s32 $0xFFFFFFFF;
	p2 =	slt.u32 s8, $0xFFFFF086  }
0x1c: {  	p1 =	slt.u32 s9, $0xF7A;
	s5 =	simm.s32 @!p2 $0x0  }
0x1d: {  	s5 =	simm.s32 @p1 $0x1;
	p0 =	seq.s32 s7, s2  }
0x1e: {  	s7 =	smul.u32 @!p0 $0xF7A, s2;
	p2 =	seq.s32 @!p0 s5, $0x0  }
0x1f: {  	s9 =	smul.u32 $0xF7A, s1;
	s8 =	simm.s32 @!p0 $0x1BF5;
	p2 =	por !p2, p0  }
0x20: {  	[sflag:s8] =	ssyncset.s32 @!p0 $0xFFFFF086;
	s6 =	sadd.s32 @!p0 s3, s7;
	s7 =	simm.s32 @!p0 $0x108  }
0x21: {  	s3 =	sadd.s32 s3, s9;
	s6 =	sadd.s32 @!p0 $0x88, s6;
	s7 =	simm.s32 @p2 $0x1082  }
0x22: {  	[simem:s7], [sflag:s8] =	dma.local @!p0 [hbm:s6], $0xF7A  }
0x23: {  	s9 =	sor.u32 $0xD0000000, s2;
	s6 =	simm.s32 $0x108;
	_ =	swait.ge @!p0 [sflag:s8], $0x0  }
0x24: {  	s3 =	sadd.s32 $0x88, s3;
	s6 =	simm.s32 @!p1 $0x1082;
	[sflag:s4] =	ssyncset.s32 $0xFFFFF086  }
0x25: {  	[simem:s6], [sflag:s4] =	dma.local [hbm:s3], $0xF7A  }
0x26: {  	[smem:$0x3F99] =	sst s1;
	(tag) =	ssettag s2;
	_ =	strace s9  }
0x27: {  	s1 =	sld [smem:$0x3FA9]  }
0x28: {  	s2 =	sld [smem:$0x3FAA]  }
0x29: {  	s4 =	sld [smem:$0x3FAC]  }
0x2a: {  	p0 =	seq.s32 s5, $0x0;
	s5 =	sld [smem:$0x3FAD]  }
0x2b: {  	s6 =	sld [smem:$0x3FAE]  }
0x2c: {  	s7 =	sld [smem:$0x3FAF]  }
0x2d: {  	s3 =	simm.s32 $0x108;
	s8 =	sld [smem:$0x3FB0]  }
0x2e: {  	s3 =	simm.s32 @!p0 $0x1082;
	s9 =	sld [smem:$0x3FB1]  }
0x2f: {  	lr =	sadd.s32 s0, s3;
	s0 =	sld [smem:$0x3FA8]  }
0x30: {  	s3 =	sld [smem:$0x3FAB]  }
0x31: {  	[smem:$0x3FB4] =	sst s10  }
0x32: {  	s10 =	sld [smem:$0x3FB2];
	_ =	sdelay $0x3  }
0x33: {  	p0 =	seq.s32 s10, $0x1;
	s10 =	sld [smem:$0x3FB4];
	_ =	sdelay $0x3  }
0x34: {  	[smem:$0x3FB4] =	sst s10  }
0x35: {  	s10 =	sld [smem:$0x3FB3];
	_ =	sdelay $0x3  }
0x36: {  	p1 =	seq.s32 s10, $0x1;
	s10 =	sld [smem:$0x3FB4];
	_ =	sdelay $0x3  }
0x37: {  	[smem:$0x3FB4] =	sst s10  }
0x38: {  	s10 =	sld [smem:$0x3FB5]  }
0x39: {  	_ = 	snop;
	(pc) =	sbr.ind lr, $3  }
0x3a: {  	_ = 	snop  }
0x3b: {  	_ = 	snop  }
0x3c: {  	p2 =	seq.s32 s10, $0x1;
	s10 =	sld [smem:$0x3FB4]  }
0x3d: {  	_ =	shalt  }
0x3e: {  	_ =	shalt  }
0x3f: {  	_ =	shalt  }
0x40: {  	_ =	shalt  }
0x41: {  	_ =	shalt  }
0x42: {  	_ =	shalt  }
0x43: {  	_ =	shalt  }
0x44: {  	_ =	shalt  }
0x45: {  	_ =	shalt  }
0x46: {  	_ =	shalt  }
0x47: {  	_ =	shalt  }
0x48: {  	_ =	shalt  }
0x49: {  	_ =	shalt  }
0x4a: {  	_ =	shalt  }
0x4b: {  	_ =	shalt  }
0x4c: {  	_ =	shalt  }
0x4d: {  	_ =	shalt  }
0x4e: {  	_ =	shalt  }
0x4f: {  	_ =	shalt  }
0x50: {  	_ =	shalt  }
0x51: {  	_ =	shalt  }
0x52: {  	_ =	shalt  }
0x53: {  	_ =	shalt  }
0x54: {  	_ =	shalt  }
0x55: {  	_ =	shalt  }
0x56: {  	_ =	shalt  }
0x57: {  	_ =	shalt  }
0x58: {  	_ =	shalt  }
0x59: {  	_ =	shalt  }
0x5a: {  	_ =	shalt  }
0x5b: {  	_ =	shalt  }
0x5c: {  	_ =	shalt  }
0x5d: {  	_ =	shalt  }
0x5e: {  	_ =	shalt  }
0x5f: {  	_ =	shalt  }
0x60: {  	_ =	shalt  }
0x61: {  	_ =	shalt  }
0x62: {  	_ =	shalt  }
0x63: {  	_ =	shalt  }
0x64: {  	_ =	shalt  }
0x65: {  	_ =	shalt  }
0x66: {  	_ =	shalt  }
0x67: {  	_ =	shalt  }
0x68: {  	_ =	shalt  }
0x69: {  	_ =	shalt  }
0x6a: {  	_ =	shalt  }
0x6b: {  	_ =	shalt  }
0x6c: {  	_ =	shalt  }
0x6d: {  	_ =	shalt  }
0x6e: {  	_ =	shalt  }
0x6f: {  	_ =	shalt  }
0x70: {  	_ =	shalt  }
0x71: {  	_ =	shalt  }
0x72: {  	_ =	shalt  }
0x73: {  	_ =	shalt  }
0x74: {  	_ =	shalt  }
0x75: {  	_ =	shalt  }
0x76: {  	_ =	shalt  }
0x77: {  	_ =	shalt  }
0x78: {  	_ =	shalt  }
0x79: {  	_ =	shalt  }
0x7a: {  	_ =	shalt  }
0x7b: {  	_ =	shalt  }
0x7c: {  	_ =	shalt  }
0x7d: {  	_ =	shalt  }
0x7e: {  	_ =	shalt  }
0x7f: {  	_ =	shalt  }
0x80: {  	_ =	shalt  }
0x81: {  	_ =	shalt  }
0x82: {  	_ =	shalt  }
0x83: {  	_ =	shalt  }
0x84: {  	_ =	shalt  }
0x85: {  	_ =	shalt  }
0x86: {  	_ =	shalt  }
0x87: {  	_ =	shalt  }
.Lfunc_end0:
.L_simem_size_0:
called_computation.1_lowered:
.L_overlay_start_0:
0x88: {  	s2 =	sld [smem:$0x3FD9]  }
0x89: {  	s3 =	sld [smem:$0x3FFE];
	_ =	sdelay $0x1  }
0x8a: {  	s1 =	srdreg.scid  }
0x8b: {  	s0 =	sand.u32 $0x1, s1  }
0x8c: {  	s17 =	sshll.u32 s0, $0xA;
	s2 =	sadd.s32 s3, s2  }
0x8d: {  	s2 =	sadd.s32 s2, s17  }
0x8e: {  	[smem:$0x3FC0] =	sst s2  }
0x8f: {  	_ = 	snop  }
0x90: {  	s2 =	sld [smem:$0x3FC9]  }
0x91: {  	s18 =	sld [smem:$0x3FD0];
	(tm) =	ssettm $0x1  }
0x92: {  	s4 =	sld [smem:$0x3FFB];
	_ =	sdelay $0x3  }
0x93: {  	_ =	strace s4  }
0x94: {  	s4 =	sld [smem:$0x3FFC];
	_ =	sdelay $0x3  }
0x95: {  	_ =	strace s4  }
0x96: {  	s4 =	sld [smem:$0x3FFD];
	_ =	sdelay $0x3  }
0x97: {  	_ =	strace s4  }
0x98: {  	_ =	strace $0x8FFFFFFF  }
0x99: {  	s19 =	sld [smem:$0x3FDB];
	_ =	sdelay $0x1  }
0x9a: {  	s5 =	simm.s32 $_scs_section_size  }
0x9b: {  	s6 =	simm.s32 $_size__tile_overlayer_lowered;
	s7 =	simm.s32 $_tile_overlayer_lowered  }
0x9c: {  	s22 =	simm.s32 $0x1BFF;
	s21 =	sshll.u32 s7, $0x1;
	s4 =	sadd.s32 s5, s19  }
0x9d: {  	s8 =	simm.s32 $0x0;
	s20 =	sshll.u32 s6, $0x1;
	s6 =	sadd.s32 s21, s4  }
0x9e: {  	[timem:s8], [sflag:s22] =	dma.local [hbm:s6], s20  }
0x9f: {  	_ =	swait.ge [sflag:s22], s20  }
0xa0: {  	s5 =	ssub.s32 $0x0, s20;
	[sflag:s22] =	ssyncset.done $0x0  }
0xa1: {  	[sflag:s22] =	ssyncadd.s32 s5;
	_ =	sdelay $0x1  }
0xa2: {  	s23 =	simm.s32 $0x1B8B  }
0xa3: {  	_ =	swait.ge [sflag:s23], $0x1  }
0xa4: {  	[sflag:s23] =	ssyncset.done $0x0  }
0xa5: {  	s25 =	simm.s32 $0x1B8E;
	s24 =	sld [smem:$0x3FFE];
	[sflag:s23] =	ssyncadd.s32 $0xFFFFFFFF  }
0xa6: {  	s26 =	simm.s32 $execute0_lowered;
	[smem:$0x3FD2] =	sst s25  }
0xa7: {  	s6 =	sshll.u32 s26, $0x1;
	_ =	strace $0x80000046;
	[dreg:$0x1] =	wrdreg $0xFFFFFFFF  }
0xa8: {  	s28 =	simm.s32 $_size_execute0_lowered;
	s4 =	sadd.s32 s4, s6;
	[dreg:$0x0] =	wrdreg $0x0  }
0xa9: {  	s6 =	sshll.u32 s28, $0x1;
	[dreg:$0x2] =	wrdreg s4  }
0xaa: {  	[dreg:$0x3] =	wrdreg s6  }
0xab: {  	[dreg:$0x4] =	wrdreg $0xC0  }
0xac: {  	_ =	task [dreg:s8], $0x5FFFF  }
0xad: {  	[dreg:$0x1] =	wrdreg $0xFFFFFFFF  }
0xae: {  	[dreg:$0x0] =	wrdreg $0x60  }
0xaf: {  	[dreg:$0x2] =	wrdreg s2  }
0xb0: {  	[dreg:$0x3] =	wrdreg s18  }
0xb1: {  	[dreg:$0x4] =	wrdreg s24  }
0xb2: {  	[dreg:$0x5] =	wrdreg $0x88000  }
0xb3: {  	[dreg:$0x6] =	wrdreg $0xA  }
0xb4: {  	_ =	task.clear_ibuf [dreg:s8], $0x7FFFF;
	_ =	strace $0x90000046  }
0xb5: {  	s29 =	simm.s32 $0xA;
	_ =	strace $0x80000048  }
0xb6: {  	_ =	swait.ge [sflag:s29], $0x1  }
0xb7: {  	[sflag:s29] =	ssyncadd.s32 $0xFFFFFFFF  }
0xb8: {  	_ =	strace $0x90000048  }
0xb9: {  	_ =	sfence  }
0xba: {  	s30 =	sld [smem:$0x0];
	_ =	sdelay $0x2  }
0xbb: {  	s31 =	sshll.u32 s1, $0xD;
	s1 =	sshrl.u32 s1, $0x2  }
0xbc: {  	s3 =	sand.u32 $0x4000, s31;
	s1 =	sadd.s32 s1, s30  }
0xbd: {  	s0 =	sor.u32 s3, s0;
	s1 =	sshll.u32 s1, $0x11  }
0xbe: {  	s0 =	sor.u32 s1, s0  }
0xbf: {  	s0 =	sadd.s32 $0x8F2B, s0  }
0xc0: {  	[sflag:s0] =	ssyncadd.remote.s32 $0x1  }
0xc1: {  	_ =	sfence.sel $0xFFFF  }
0xc2: {  	[dreg:$0x0] =	wrdreg $0xFFFFFFFF;
	(pc) =	sbr.abs _section_cstart, $3  }
0xc3: {  	[dreg:$0x1] =	wrdreg $0xFFFFFFFF  }
0xc4: {  	_ =	task.clear_ibuf [dreg:s8], $0x2FFFF;
	_ =	strace $0x9FFFFFFF  }
0xc5: {  	(tm) =	ssettm $0x7FFFFFFF  }
tec
execute0_lowered:
.L_overlay_start_1:
0x0: {  	(tag) =	ssettag $0x1  }
0x1: {  	s0 =	rddreg [dreg:$0x0]  }
0x2: {  	s1 =	rddreg [dreg:$0x1]  }
0x3: {  	s2 =	srdreg.scid;
	s5 =	rddreg [dreg:$0x2]  }
0x4: {  	s11 =	stileid.u32;
	s3 =	rddreg [dreg:$0x3];
	s4 =	simm.s32 $0x0  }
0x5: {  	s28 =	simm.s32 $0x100;
	s29 =	simm.s32 $0x500;
	s7 =	smul.u32 $0x2800, s11  }
0x6: {  	s30 =	simm.s32 $0x4;
	s31 =	simm.s32 $0x180;
	s18 =	smul.u32 $0x4F000, s11  }
0x7: {  	s2 =	sand.u32 $0x1, s2;
	[smem:$0x7FF] =	sst s4;
	s11 =	smul.u32 $0x13C00, s11  }
0x8: {  	s9 =	sadd.s32 $0xC800, s5;
	s6 =	smul.u32 $0x28000, s2;
	_ =	strace $0x80000047  }
0x9: {  	[dreg:$0x6] =	wrdreg s9;
	s19 =	ssub.s32 $0x2, s2;
	s2 =	smul.u32 $0x13C000, s2  }
0xa: {  	s10 =	sshrl.u32 s19, $0x1;
	s20 =	sadd.s32 $0x4000, s11;
	s12 =	sadd.s32 $0x8000, s11  }
0xb: {  	s13 =	sadd.s32 $0xC000, s11;
	s14 =	sadd.s32 $0x10000, s11;
	s6 =	sadd.s32 s7, s6  }
0xc: {  	s7 =	sshrl.u32 s18, $0x2;
	s9 =	ssub.s32 s19, s10;
	s15 =	sadd.s32 s20, s3  }
0xd: {  	s16 =	sadd.s32 s12, s3;
	s17 =	sadd.s32 s13, s3;
	s11 =	sadd.s32 s11, s2  }
0xe: {  	s18 =	sadd.s32 s14, s3;
	s21 =	sadd.s32 s2, s12;
	s23 =	sadd.s32 s2, s13  }
0xf: {  	s19 =	simm.s32 $0x5;
	s12 =	simm.s32 $0x680;
	s13 =	simm.s32 $0x300  }
0x10: {  	s6 =	sshrl.u32 s6, $0x3;
	s10 =	sadd.s32 s7, s3;
	[dreg:$0xb] =	wrdreg s18  }
0x11: {  	s11 =	sshrl.u32 s11, $0x3;
	s7 =	sadd.s32 s2, s20;
	s22 =	sshrl.u32 s21, $0x3  }
0x12: {  	s24 =	sshrl.u32 s23, $0x3;
	s2 =	sadd.s32 s2, s14;
	s26 =	smax.u32 s9, $0x1  }
0x13: {  	s9 =	smov.u32 s17;
	s18 =	simm.s32 $0x800;
	s20 =	simm.s32 $0x400  }
0x14: {  	s21 =	simm.s32 $0x80;
	s23 =	simm.s32 $0x4800;
	s14 =	simm.s32 $0x700  }
0x15: {  	s8 =	sadd.s32 s6, s5;
	s5 =	sadd.s32 $0xD000, s5;
	[dreg:$0x11] =	wrdreg s26  }
0x16: {  	s7 =	sshrl.u32 s7, $0x3;
	s2 =	sshrl.u32 s2, $0x3;
	[dreg:$0x7] =	wrdreg s10  }
0x17: {  	s17 =	sadd.s32 s6, s1;
	s6 =	simm.s32 $0x0;
	[dreg:$0xa] =	wrdreg s9  }
0x18: {  	s26 =	simm.s32 $0x3;
	s11 =	sadd.s32 s5, s11;
	[dreg:$0x12] =	wrdreg s6  }
0x19: {  	s1 =	simm.s32 $0x200;
	s7 =	sadd.s32 s5, s7;
	[dreg:$0xc] =	wrdreg s11  }
0x1a: {  	s25 =	sadd.s32 $0x2800, s8;
	s2 =	sadd.s32 s5, s2;
	[dreg:$0xd] =	wrdreg s7  }
0x1b: {  	s8 =	smov.u32 s16;
	s16 =	simm.s32 $0x780;
	[dreg:$0x10] =	wrdreg s2  }
0x1c: {  	s7 =	sadd.s32 s5, s22;
	[dreg:$0x5] =	wrdreg s25;
	s22 =	simm.s32 $0x1  }
0x1d: {  	s25 =	simm.s32 $0x480;
	s2 =	simm.s32 $0x580;
	[dreg:$0x9] =	wrdreg s8  }
0x1e: {  	s11 =	simm.s32 $0x280;
	[dreg:$0xe] =	wrdreg s7;
	s7 =	sadd.s32 s5, s24  }
0x1f: {  	s24 =	simm.s32 $0x2;
	[dreg:$0xf] =	wrdreg s7;
	s7 =	smov.u32 s15  }
0x20: {  	s5 =	simm.s32 $0x600;
	s15 =	simm.s32 $0x380;
	[dreg:$0x8] =	wrdreg s7  }
.LBB2_1:
0x21: {  	s6 =	rddreg [dreg:$0x6]  }
0x22: {  	[tilespmem:s18], [sflag:$0x5] =	stream.linear.gather [hbm4b:s6+s4], $0x4000, $0x38;
	[tilespmem:$0x1C400] =	vst v63  }
0x23: {  	_ =	swait.ge [sflag:s19], $0x4000  }
0x24: {  	[sflag:s19] =	ssyncset.done $0x0  }
0x25: {  	[sflag:s19] =	ssyncadd.s32 $0xFFFFC000  }
0x26: {  	[spmem:s10] =	stream.linear.scatter [tilespmem:s18], [sflag:$0x5], $0x4000, $0x38;
	[tilespmem:$0x1C400] =	vst v63  }
0x27: {  	_ =	swait.ge [sflag:s19], $0x4000  }
0x28: {  	[sflag:s19] =	ssyncset.done $0x0  }
0x29: {  	[sflag:s19] =	ssyncadd.s32 $0xFFFFC000  }
0x2a: {  	[spmem:s7] =	stream.linear.scatter [tilespmem:s18], [sflag:$0x5], $0x4000, $0x38;
	[tilespmem:$0x1C400] =	vst v63  }
0x2b: {  	_ =	swait.ge [sflag:s19], $0x4000  }
0x2c: {  	[sflag:s19] =	ssyncset.done $0x0  }
0x2d: {  	[sflag:s19] =	ssyncadd.s32 $0xFFFFC000  }
0x2e: {  	[spmem:s8] =	stream.linear.scatter [tilespmem:s18], [sflag:$0x5], $0x4000, $0x38;
	[tilespmem:$0x1C400] =	vst v63  }
0x2f: {  	_ =	swait.ge [sflag:s19], $0x4000  }
0x30: {  	[sflag:s19] =	ssyncset.done $0x0  }
0x31: {  	[sflag:s19] =	ssyncadd.s32 $0xFFFFC000  }
0x32: {  	[spmem:s9] =	stream.linear.scatter [tilespmem:s18], [sflag:$0x5], $0x4000, $0x38;
	[tilespmem:$0x1C400] =	vst v63  }
0x33: {  	_ =	swait.ge [sflag:s19], $0x4000  }
0x34: {  	[sflag:s19] =	ssyncset.done $0x0  }
0x35: {  	s8 =	rddreg [dreg:$0xb];
	[sflag:s19] =	ssyncadd.s32 $0xFFFFC000  }
0x36: {  	[spmem:s8] =	stream.linear.scatter [tilespmem:s18], [sflag:$0x5], $0x3C00, $0x38;
	[tilespmem:$0x1C400] =	vst v63  }
0x37: {  	_ =	swait.ge [sflag:s19], $0x3C00  }
0x38: {  	[sflag:s19] =	ssyncset.done $0x0  }
0x39: {  	[sflag:s19] =	ssyncadd.s32 $0xFFFFC400  }
0x3a: {  	s9 =	sadd.s32 $0x0, s17;
	[bflag:$0x0] =	sbarrier.arrive $0xFFFF  }
0x3b: {  	[tilespmem:s4], [sflag:$0x5] =	stream.linear.gather [hbm4b:s9+s4], $0x400, $0x38;
	[tilespmem:$0x1C400] =	vst v63  }
0x3c: {  	_ =	swait.ge [sflag:s19], $0x400  }
0x3d: {  	s10 =	rddreg [dreg:$0x5];
	[sflag:s19] =	ssyncset.done $0x0  }
0x3e: {  	[sflag:s19] =	ssyncadd.s32 $0xFFFFFC00;
	s7 =	sadd.s32 $0x0, s10  }
0x3f: {  	[tilespmem:s20], [sflag:$0x5] =	stream.linear.gather [hbm4b:s7+s4], $0x400, $0x38;
	[tilespmem:$0x1C400] =	vst v63  }
0x40: {  	_ =	swait.ge [sflag:s19], $0x400  }
0x41: {  	[sflag:s19] =	ssyncset.done $0x0  }
0x42: {  	[sflag:s19] =	ssyncadd.s32 $0xFFFFFC00  }
0x43: {  	[tilespmem:s18], [sflag:$0x1] =	stream.indirect.gather [hbm4b:s0+s21], $0x80, s4, s21, $0xb8;
	[tilespmem:$0x1C400] =	vst v63  }
0x44: {  	_ =	swait.ge [sflag:s22], $0x4000  }
0x45: {  	[sflag:s22] =	ssyncset.done $0x0  }
0x46: {  	[sflag:s22] =	ssyncadd.s32 $0xFFFFC000  }
0x47: {  	[spmem:s3] =	stream.indirect.scatter.add.f32 [tilespmem:s18], [sflag:$0x3], $0x80, s20, s21, $0xb8;
	[tilespmem:$0x1C400] =	vst v63  }
0x48: {  	_ = 	snop  }
0x49: {  	[tilespmem:s23], [sflag:$0x2] =	stream.indirect.gather [hbm4b:s0+s21], $0x80, s21, s21, $0xb8;
	[tilespmem:$0x1C400] =	vst v63  }
0x4a: {  	_ =	swait.ge [sflag:s24], $0x4000  }
0x4b: {  	[sflag:s24] =	ssyncset.done $0x0  }
0x4c: {  	[sflag:s24] =	ssyncadd.s32 $0xFFFFC000  }
0x4d: {  	[spmem:s3] =	stream.indirect.scatter.add.f32 [tilespmem:s23], [sflag:$0x4], $0x80, s25, s21, $0xb8;
	[tilespmem:$0x1C400] =	vst v63  }
0x4e: {  	_ =	swait.ge [sflag:s26], $0x4000  }
0x4f: {  	[sflag:s26] =	ssyncset.done $0x0  }
0x50: {  	[sflag:s26] =	ssyncadd.s32 $0xFFFFC000  }
0x51: {  	[tilespmem:s18], [sflag:$0x1] =	stream.indirect.gather [hbm4b:s0+s21], $0x80, s28, s21, $0xb8;
	[tilespmem:$0x1C400] =	vst v63  }
0x52: {  	_ =	swait.ge [sflag:s22], $0x4000  }
0x53: {  	[sflag:s22] =	ssyncset.done $0x0  }
0x54: {  	[sflag:s22] =	ssyncadd.s32 $0xFFFFC000  }
0x55: {  	[spmem:s3] =	stream.indirect.scatter.add.f32 [tilespmem:s18], [sflag:$0x3], $0x80, s29, s21, $0xb8;
	[tilespmem:$0x1C400] =	vst v63  }
0x56: {  	_ =	swait.ge [sflag:s30], $0x4000  }
0x57: {  	[sflag:s30] =	ssyncset.done $0x0  }
0x58: {  	[sflag:s30] =	ssyncadd.s32 $0xFFFFC000  }
0x59: {  	[tilespmem:s23], [sflag:$0x2] =	stream.indirect.gather [hbm4b:s0+s21], $0x80, s31, s21, $0xb8;
	[tilespmem:$0x1C400] =	vst v63  }
0x5a: {  	_ =	swait.ge [sflag:s24], $0x4000  }
0x5b: {  	[sflag:s24] =	ssyncset.done $0x0  }
0x5c: {  	[sflag:s24] =	ssyncadd.s32 $0xFFFFC000  }
0x5d: {  	[spmem:s3] =	stream.indirect.scatter.add.f32 [tilespmem:s23], [sflag:$0x4], $0x80, s2, s21, $0xb8;
	[tilespmem:$0x1C400] =	vst v63  }
0x5e: {  	_ =	swait.ge [sflag:s26], $0x4000  }
0x5f: {  	[sflag:s26] =	ssyncset.done $0x0  }
0x60: {  	[sflag:s26] =	ssyncadd.s32 $0xFFFFC000  }
0x61: {  	[tilespmem:s18], [sflag:$0x1] =	stream.indirect.gather [hbm4b:s0+s21], $0x80, s1, s21, $0xb8;
	[tilespmem:$0x1C400] =	vst v63  }
0x62: {  	_ =	swait.ge [sflag:s22], $0x4000  }
0x63: {  	[sflag:s22] =	ssyncset.done $0x0  }
0x64: {  	[sflag:s22] =	ssyncadd.s32 $0xFFFFC000  }
0x65: {  	[spmem:s3] =	stream.indirect.scatter.add.f32 [tilespmem:s18], [sflag:$0x3], $0x80, s5, s21, $0xb8;
	[tilespmem:$0x1C400] =	vst v63  }
0x66: {  	_ =	swait.ge [sflag:s30], $0x4000  }
0x67: {  	[sflag:s30] =	ssyncset.done $0x0  }
0x68: {  	[sflag:s30] =	ssyncadd.s32 $0xFFFFC000  }
0x69: {  	[tilespmem:s23], [sflag:$0x2] =	stream.indirect.gather [hbm4b:s0+s21], $0x80, s11, s21, $0xb8;
	[tilespmem:$0x1C400] =	vst v63  }
0x6a: {  	_ =	swait.ge [sflag:s24], $0x4000  }
0x6b: {  	[sflag:s24] =	ssyncset.done $0x0  }
0x6c: {  	[sflag:s24] =	ssyncadd.s32 $0xFFFFC000  }
0x6d: {  	[spmem:s3] =	stream.indirect.scatter.add.f32 [tilespmem:s23], [sflag:$0x4], $0x80, s12, s21, $0xb8;
	[tilespmem:$0x1C400] =	vst v63  }
0x6e: {  	_ =	swait.ge [sflag:s26], $0x4000  }
0x6f: {  	[sflag:s26] =	ssyncset.done $0x0  }
0x70: {  	[sflag:s26] =	ssyncadd.s32 $0xFFFFC000  }
0x71: {  	[tilespmem:s18], [sflag:$0x1] =	stream.indirect.gather [hbm4b:s0+s21], $0x80, s13, s21, $0xb8;
	[tilespmem:$0x1C400] =	vst v63  }
0x72: {  	_ =	swait.ge [sflag:s22], $0x4000  }
0x73: {  	[sflag:s22] =	ssyncset.done $0x0  }
0x74: {  	[sflag:s22] =	ssyncadd.s32 $0xFFFFC000  }
0x75: {  	[spmem:s3] =	stream.indirect.scatter.add.f32 [tilespmem:s18], [sflag:$0x3], $0x80, s14, s21, $0xb8;
	[tilespmem:$0x1C400] =	vst v63  }
0x76: {  	_ =	swait.ge [sflag:s30], $0x4000  }
0x77: {  	[sflag:s30] =	ssyncset.done $0x0  }
0x78: {  	[sflag:s30] =	ssyncadd.s32 $0xFFFFC000  }
0x79: {  	[tilespmem:s23], [sflag:$0x2] =	stream.indirect.gather [hbm4b:s0+s21], $0x80, s15, s21, $0xb8;
	[tilespmem:$0x1C400] =	vst v63  }
0x7a: {  	_ =	swait.ge [sflag:s24], $0x4000  }
0x7b: {  	[sflag:s24] =	ssyncset.done $0x0  }
0x7c: {  	[sflag:s24] =	ssyncadd.s32 $0xFFFFC000  }
0x7d: {  	[spmem:s3] =	stream.indirect.scatter.add.f32 [tilespmem:s23], [sflag:$0x4], $0x80, s16, s21, $0xb8;
	[tilespmem:$0x1C400] =	vst v63  }
0x7e: {  	_ =	swait.ge [sflag:s26], $0x4000  }
0x7f: {  	[sflag:s26] =	ssyncset.done $0x0  }
0x80: {  	[sflag:s26] =	ssyncadd.s32 $0xFFFFC000  }
0x81: {  	_ =	swait.ge [sflag:s30], $0x4000  }
0x82: {  	s8 =	simm.s32 $0x100;
	s7 =	simm.s32 $0x80;
	[sflag:s30] =	ssyncset.done $0x0  }
.LBB2_2:
0x83: {  	s10 =	sadd.s32 s7, s17;
	[sflag:s30] =	ssyncadd.s32 $0xFFFFC000  }
0x84: {  	[tilespmem:s4], [sflag:$0x5] =	stream.linear.gather [hbm4b:s10+s4], $0x400, $0x38;
	[tilespmem:$0x1C400] =	vst v63  }
0x85: {  	s6 =	smov.u32 s8;
	_ =	swait.ge [sflag:s19], $0x400  }
0x86: {  	s9 =	sadd.s32 $0x80, s8;
	s10 =	rddreg [dreg:$0x5];
	[sflag:s19] =	ssyncset.done $0x0  }
0x87: {  	p0 =	sne.s32 s8, $0x480;
	[sflag:s19] =	ssyncadd.s32 $0xFFFFFC00;
	s8 =	sadd.s32 s7, s10  }
0x88: {  	[tilespmem:s20], [sflag:$0x5] =	stream.linear.gather [hbm4b:s8+s4], $0x400, $0x38;
	[tilespmem:$0x1C400] =	vst v63  }
0x89: {  	_ =	swait.ge [sflag:s19], $0x400  }
0x8a: {  	[sflag:s19] =	ssyncset.done $0x0  }
0x8b: {  	[sflag:s19] =	ssyncadd.s32 $0xFFFFFC00  }
0x8c: {  	[tilespmem:s18], [sflag:$0x1] =	stream.indirect.gather [hbm4b:s0+s21], $0x80, s4, s21, $0xb8;
	[tilespmem:$0x1C400] =	vst v63  }
0x8d: {  	_ =	swait.ge [sflag:s22], $0x4000  }
0x8e: {  	[sflag:s22] =	ssyncset.done $0x0  }
0x8f: {  	[sflag:s22] =	ssyncadd.s32 $0xFFFFC000  }
0x90: {  	[spmem:s3] =	stream.indirect.scatter.add.f32 [tilespmem:s18], [sflag:$0x3], $0x80, s20, s21, $0xb8;
	[tilespmem:$0x1C400] =	vst v63  }
0x91: {  	_ = 	snop  }
0x92: {  	[tilespmem:s23], [sflag:$0x2] =	stream.indirect.gather [hbm4b:s0+s21], $0x80, s21, s21, $0xb8;
	[tilespmem:$0x1C400] =	vst v63  }
0x93: {  	_ =	swait.ge [sflag:s24], $0x4000  }
0x94: {  	[sflag:s24] =	ssyncset.done $0x0  }
0x95: {  	[sflag:s24] =	ssyncadd.s32 $0xFFFFC000  }
0x96: {  	[spmem:s3] =	stream.indirect.scatter.add.f32 [tilespmem:s23], [sflag:$0x4], $0x80, s25, s21, $0xb8;
	[tilespmem:$0x1C400] =	vst v63  }
0x97: {  	_ =	swait.ge [sflag:s26], $0x4000  }
0x98: {  	[sflag:s26] =	ssyncset.done $0x0  }
0x99: {  	[sflag:s26] =	ssyncadd.s32 $0xFFFFC000  }
0x9a: {  	[tilespmem:s18], [sflag:$0x1] =	stream.indirect.gather [hbm4b:s0+s21], $0x80, s28, s21, $0xb8;
	[tilespmem:$0x1C400] =	vst v63  }
0x9b: {  	_ =	swait.ge [sflag:s22], $0x4000  }
0x9c: {  	[sflag:s22] =	ssyncset.done $0x0  }
0x9d: {  	[sflag:s22] =	ssyncadd.s32 $0xFFFFC000  }
0x9e: {  	[spmem:s3] =	stream.indirect.scatter.add.f32 [tilespmem:s18], [sflag:$0x3], $0x80, s29, s21, $0xb8;
	[tilespmem:$0x1C400] =	vst v63  }
0x9f: {  	_ =	swait.ge [sflag:s30], $0x4000  }
0xa0: {  	[sflag:s30] =	ssyncset.done $0x0  }
0xa1: {  	[sflag:s30] =	ssyncadd.s32 $0xFFFFC000  }
0xa2: {  	[tilespmem:s23], [sflag:$0x2] =	stream.indirect.gather [hbm4b:s0+s21], $0x80, s31, s21, $0xb8;
	[tilespmem:$0x1C400] =	vst v63  }
0xa3: {  	_ =	swait.ge [sflag:s24], $0x4000  }
0xa4: {  	[sflag:s24] =	ssyncset.done $0x0  }
0xa5: {  	[sflag:s24] =	ssyncadd.s32 $0xFFFFC000  }
0xa6: {  	[spmem:s3] =	stream.indirect.scatter.add.f32 [tilespmem:s23], [sflag:$0x4], $0x80, s2, s21, $0xb8;
	[tilespmem:$0x1C400] =	vst v63  }
0xa7: {  	_ =	swait.ge [sflag:s26], $0x4000  }
0xa8: {  	[sflag:s26] =	ssyncset.done $0x0  }
0xa9: {  	[sflag:s26] =	ssyncadd.s32 $0xFFFFC000  }
0xaa: {  	[tilespmem:s18], [sflag:$0x1] =	stream.indirect.gather [hbm4b:s0+s21], $0x80, s1, s21, $0xb8;
	[tilespmem:$0x1C400] =	vst v63  }
0xab: {  	_ =	swait.ge [sflag:s22], $0x4000  }
0xac: {  	[sflag:s22] =	ssyncset.done $0x0  }
0xad: {  	[sflag:s22] =	ssyncadd.s32 $0xFFFFC000  }
0xae: {  	[spmem:s3] =	stream.indirect.scatter.add.f32 [tilespmem:s18], [sflag:$0x3], $0x80, s5, s21, $0xb8;
	[tilespmem:$0x1C400] =	vst v63  }
0xaf: {  	_ =	swait.ge [sflag:s30], $0x4000  }
0xb0: {  	[sflag:s30] =	ssyncset.done $0x0  }
0xb1: {  	[sflag:s30] =	ssyncadd.s32 $0xFFFFC000  }
0xb2: {  	[tilespmem:s23], [sflag:$0x2] =	stream.indirect.gather [hbm4b:s0+s21], $0x80, s11, s21, $0xb8;
	[tilespmem:$0x1C400] =	vst v63  }
0xb3: {  	_ =	swait.ge [sflag:s24], $0x4000  }
0xb4: {  	[sflag:s24] =	ssyncset.done $0x0  }
0xb5: {  	[sflag:s24] =	ssyncadd.s32 $0xFFFFC000  }
0xb6: {  	[spmem:s3] =	stream.indirect.scatter.add.f32 [tilespmem:s23], [sflag:$0x4], $0x80, s12, s21, $0xb8;
	[tilespmem:$0x1C400] =	vst v63  }
0xb7: {  	_ =	swait.ge [sflag:s26], $0x4000  }
0xb8: {  	[sflag:s26] =	ssyncset.done $0x0  }
0xb9: {  	[sflag:s26] =	ssyncadd.s32 $0xFFFFC000  }
0xba: {  	[tilespmem:s18], [sflag:$0x1] =	stream.indirect.gather [hbm4b:s0+s21], $0x80, s13, s21, $0xb8;
	[tilespmem:$0x1C400] =	vst v63  }
0xbb: {  	_ =	swait.ge [sflag:s22], $0x4000  }
0xbc: {  	[sflag:s22] =	ssyncset.done $0x0  }
0xbd: {  	[sflag:s22] =	ssyncadd.s32 $0xFFFFC000  }
0xbe: {  	[spmem:s3] =	stream.indirect.scatter.add.f32 [tilespmem:s18], [sflag:$0x3], $0x80, s14, s21, $0xb8;
	[tilespmem:$0x1C400] =	vst v63  }
0xbf: {  	_ =	swait.ge [sflag:s30], $0x4000  }
0xc0: {  	[sflag:s30] =	ssyncset.done $0x0  }
0xc1: {  	[sflag:s30] =	ssyncadd.s32 $0xFFFFC000  }
0xc2: {  	[tilespmem:s23], [sflag:$0x2] =	stream.indirect.gather [hbm4b:s0+s21], $0x80, s15, s21, $0xb8;
	[tilespmem:$0x1C400] =	vst v63  }
0xc3: {  	_ =	swait.ge [sflag:s24], $0x4000  }
0xc4: {  	[sflag:s24] =	ssyncset.done $0x0  }
0xc5: {  	[sflag:s24] =	ssyncadd.s32 $0xFFFFC000  }
0xc6: {  	[spmem:s3] =	stream.indirect.scatter.add.f32 [tilespmem:s23], [sflag:$0x4], $0x80, s16, s21, $0xb8;
	[tilespmem:$0x1C400] =	vst v63  }
.Ltmp0:
0xc7: {  	_ =	swait.ge [sflag:s26], $0x4000;
	(pc) =	sbr.rel @p0 .LBB2_2-.Ltmp0, $4  }
0xc8: {  	[sflag:s26] =	ssyncset.done $0x0  }
0xc9: {  	[sflag:s26] =	ssyncadd.s32 $0xFFFFC000  }
0xca: {  	_ =	swait.ge [sflag:s30], $0x4000  }
0xcb: {  	s7 =	smov.u32 s6;
	s8 =	smov.u32 s9;
	[sflag:s30] =	ssyncset.done $0x0  }
0xcc: {  	s6 =	sadd.s32 s7, s17;
	[sflag:s30] =	ssyncadd.s32 $0xFFFFC000  }
0xcd: {  	[tilespmem:s4], [sflag:$0x5] =	stream.linear.gather [hbm4b:s6+s4], $0x400, $0x38;
	[tilespmem:$0x1C400] =	vst v63  }
0xce: {  	_ =	swait.ge [sflag:s19], $0x400  }
0xcf: {  	s9 =	rddreg [dreg:$0x5];
	[sflag:s19] =	ssyncset.done $0x0  }
0xd0: {  	s6 =	sadd.s32 s7, s9;
	[sflag:s19] =	ssyncadd.s32 $0xFFFFFC00  }
0xd1: {  	[tilespmem:s20], [sflag:$0x5] =	stream.linear.gather [hbm4b:s6+s4], $0x400, $0x38;
	[tilespmem:$0x1C400] =	vst v63  }
0xd2: {  	_ =	swait.ge [sflag:s19], $0x400  }
0xd3: {  	[sflag:s19] =	ssyncset.done $0x0  }
0xd4: {  	[sflag:s19] =	ssyncadd.s32 $0xFFFFFC00  }
0xd5: {  	[tilespmem:s18], [sflag:$0x1] =	stream.indirect.gather [hbm4b:s0+s21], $0x80, s4, s21, $0xb8;
	[tilespmem:$0x1C400] =	vst v63  }
0xd6: {  	_ =	swait.ge [sflag:s22], $0x4000  }
0xd7: {  	[sflag:s22] =	ssyncset.done $0x0  }
0xd8: {  	[sflag:s22] =	ssyncadd.s32 $0xFFFFC000  }
0xd9: {  	[spmem:s3] =	stream.indirect.scatter.add.f32 [tilespmem:s18], [sflag:$0x3], $0x80, s20, s21, $0xb8;
	[tilespmem:$0x1C400] =	vst v63  }
0xda: {  	_ = 	snop  }
0xdb: {  	[tilespmem:s23], [sflag:$0x2] =	stream.indirect.gather [hbm4b:s0+s21], $0x80, s21, s21, $0xb8;
	[tilespmem:$0x1C400] =	vst v63  }
0xdc: {  	_ =	swait.ge [sflag:s24], $0x4000  }
0xdd: {  	[sflag:s24] =	ssyncset.done $0x0  }
0xde: {  	[sflag:s24] =	ssyncadd.s32 $0xFFFFC000  }
0xdf: {  	[spmem:s3] =	stream.indirect.scatter.add.f32 [tilespmem:s23], [sflag:$0x4], $0x80, s25, s21, $0xb8;
	[tilespmem:$0x1C400] =	vst v63  }
0xe0: {  	_ =	swait.ge [sflag:s26], $0x4000  }
0xe1: {  	[sflag:s26] =	ssyncset.done $0x0  }
0xe2: {  	[sflag:s26] =	ssyncadd.s32 $0xFFFFC000  }
0xe3: {  	[tilespmem:s18], [sflag:$0x1] =	stream.indirect.gather [hbm4b:s0+s21], $0x80, s28, s21, $0xb8;
	[tilespmem:$0x1C400] =	vst v63  }
0xe4: {  	_ =	swait.ge [sflag:s22], $0x4000  }
0xe5: {  	[sflag:s22] =	ssyncset.done $0x0  }
0xe6: {  	[sflag:s22] =	ssyncadd.s32 $0xFFFFC000  }
0xe7: {  	[spmem:s3] =	stream.indirect.scatter.add.f32 [tilespmem:s18], [sflag:$0x3], $0x80, s29, s21, $0xb8;
	[tilespmem:$0x1C400] =	vst v63  }
0xe8: {  	_ =	swait.ge [sflag:s30], $0x4000  }
0xe9: {  	[sflag:s30] =	ssyncset.done $0x0  }
0xea: {  	[sflag:s30] =	ssyncadd.s32 $0xFFFFC000  }
0xeb: {  	[tilespmem:s23], [sflag:$0x2] =	stream.indirect.gather [hbm4b:s0+s21], $0x80, s31, s21, $0xb8;
	[tilespmem:$0x1C400] =	vst v63  }
0xec: {  	_ =	swait.ge [sflag:s24], $0x4000  }
0xed: {  	[sflag:s24] =	ssyncset.done $0x0  }
0xee: {  	[sflag:s24] =	ssyncadd.s32 $0xFFFFC000  }
0xef: {  	[spmem:s3] =	stream.indirect.scatter.add.f32 [tilespmem:s23], [sflag:$0x4], $0x80, s2, s21, $0xb8;
	[tilespmem:$0x1C400] =	vst v63  }
0xf0: {  	_ =	swait.ge [sflag:s26], $0x4000  }
0xf1: {  	[sflag:s26] =	ssyncset.done $0x0  }
0xf2: {  	[sflag:s26] =	ssyncadd.s32 $0xFFFFC000  }
0xf3: {  	[tilespmem:s18], [sflag:$0x1] =	stream.indirect.gather [hbm4b:s0+s21], $0x80, s1, s21, $0xb8;
	[tilespmem:$0x1C400] =	vst v63  }
0xf4: {  	_ =	swait.ge [sflag:s22], $0x4000  }
0xf5: {  	[sflag:s22] =	ssyncset.done $0x0  }
0xf6: {  	[sflag:s22] =	ssyncadd.s32 $0xFFFFC000  }
0xf7: {  	[spmem:s3] =	stream.indirect.scatter.add.f32 [tilespmem:s18], [sflag:$0x3], $0x80, s5, s21, $0xb8;
	[tilespmem:$0x1C400] =	vst v63  }
0xf8: {  	_ =	swait.ge [sflag:s30], $0x4000  }
0xf9: {  	[sflag:s30] =	ssyncset.done $0x0  }
0xfa: {  	[sflag:s30] =	ssyncadd.s32 $0xFFFFC000  }
0xfb: {  	[tilespmem:s23], [sflag:$0x2] =	stream.indirect.gather [hbm4b:s0+s21], $0x80, s11, s21, $0xb8;
	[tilespmem:$0x1C400] =	vst v63  }
0xfc: {  	_ =	swait.ge [sflag:s24], $0x4000  }
0xfd: {  	[sflag:s24] =	ssyncset.done $0x0  }
0xfe: {  	[sflag:s24] =	ssyncadd.s32 $0xFFFFC000  }
0xff: {  	[spmem:s3] =	stream.indirect.scatter.add.f32 [tilespmem:s23], [sflag:$0x4], $0x80, s12, s21, $0xb8;
	[tilespmem:$0x1C400] =	vst v63  }
0x100: {  	_ =	swait.ge [sflag:s26], $0x4000  }
0x101: {  	[sflag:s26] =	ssyncset.done $0x0  }
0x102: {  	[sflag:s26] =	ssyncadd.s32 $0xFFFFC000  }
0x103: {  	[tilespmem:s18], [sflag:$0x1] =	stream.indirect.gather [hbm4b:s0+s21], $0x80, s13, s21, $0xb8;
	[tilespmem:$0x1C400] =	vst v63  }
0x104: {  	_ =	swait.ge [sflag:s22], $0x4000  }
0x105: {  	[sflag:s22] =	ssyncset.done $0x0  }
0x106: {  	[sflag:s22] =	ssyncadd.s32 $0xFFFFC000  }
0x107: {  	[spmem:s3] =	stream.indirect.scatter.add.f32 [tilespmem:s18], [sflag:$0x3], $0x80, s14, s21, $0xb8;
	[tilespmem:$0x1C400] =	vst v63  }
0x108: {  	_ =	swait.ge [sflag:s30], $0x4000  }
0x109: {  	[sflag:s30] =	ssyncset.done $0x0  }
0x10a: {  	[sflag:s30] =	ssyncadd.s32 $0xFFFFC000  }
0x10b: {  	[tilespmem:s23], [sflag:$0x2] =	stream.indirect.gather [hbm4b:s0+s21], $0x80, s15, s21, $0xb8;
	[tilespmem:$0x1C400] =	vst v63  }
0x10c: {  	_ =	swait.ge [sflag:s24], $0x4000  }
0x10d: {  	[sflag:s24] =	ssyncset.done $0x0  }
0x10e: {  	[sflag:s24] =	ssyncadd.s32 $0xFFFFC000  }
0x10f: {  	[spmem:s3] =	stream.indirect.scatter.add.f32 [tilespmem:s23], [sflag:$0x4], $0x80, s16, s21, $0xb8;
	[tilespmem:$0x1C400] =	vst v63  }
0x110: {  	_ =	swait.ge [sflag:s26], $0x4000  }
0x111: {  	[sflag:s26] =	ssyncset.done $0x0  }
0x112: {  	[sflag:s26] =	ssyncadd.s32 $0xFFFFC000  }
0x113: {  	_ =	swait.ge [sflag:s30], $0x4000  }
0x114: {  	[sflag:s30] =	ssyncset.done $0x0  }
0x115: {  	[sflag:s30] =	ssyncadd.s32 $0xFFFFC000  }
0x116: {  	[bflag:$0x0] =	sbarrier.arrive $0xFFFF  }
0x117: {  	s10 =	rddreg [dreg:$0x7]  }
0x118: {  	[tilespmem:s18], [sflag:$0x5] =	stream.linear.gather [spmem:s10], $0x4000, $0x38;
	[tilespmem:$0x1C400] =	vst v63  }
0x119: {  	_ =	swait.ge [sflag:s19], $0x4000  }
0x11a: {  	[sflag:s19] =	ssyncset.done $0x0  }
0x11b: {  	s7 =	rddreg [dreg:$0xc];
	[sflag:s19] =	ssyncadd.s32 $0xFFFFC000  }
0x11c: {  	[hbm4b:s7+s4] =	stream.linear.scatter [tilespmem:s18], [sflag:$0x5], $0x4000, $0x38;
	[tilespmem:$0x1C400] =	vst v63  }
0x11d: {  	_ =	swait.ge [sflag:s19], $0x4000  }
0x11e: {  	[sflag:s19] =	ssyncset.done $0x0  }
0x11f: {  	s7 =	rddreg [dreg:$0x8];
	[sflag:s19] =	ssyncadd.s32 $0xFFFFC000  }
0x120: {  	[tilespmem:s18], [sflag:$0x5] =	stream.linear.gather [spmem:s7], $0x4000, $0x38;
	[tilespmem:$0x1C400] =	vst v63  }
0x121: {  	_ =	swait.ge [sflag:s19], $0x4000  }
0x122: {  	[sflag:s19] =	ssyncset.done $0x0  }
0x123: {  	s8 =	rddreg [dreg:$0xd];
	[sflag:s19] =	ssyncadd.s32 $0xFFFFC000  }
0x124: {  	[hbm4b:s8+s4] =	stream.linear.scatter [tilespmem:s18], [sflag:$0x5], $0x4000, $0x38;
	[tilespmem:$0x1C400] =	vst v63  }
0x125: {  	_ =	swait.ge [sflag:s19], $0x4000  }
0x126: {  	[sflag:s19] =	ssyncset.done $0x0  }
0x127: {  	s8 =	rddreg [dreg:$0x9];
	[sflag:s19] =	ssyncadd.s32 $0xFFFFC000  }
0x128: {  	[tilespmem:s18], [sflag:$0x5] =	stream.linear.gather [spmem:s8], $0x4000, $0x38;
	[tilespmem:$0x1C400] =	vst v63  }
0x129: {  	_ =	swait.ge [sflag:s19], $0x4000  }
0x12a: {  	[sflag:s19] =	ssyncset.done $0x0  }
0x12b: {  	s9 =	rddreg [dreg:$0xe];
	[sflag:s19] =	ssyncadd.s32 $0xFFFFC000  }
0x12c: {  	[hbm4b:s9+s4] =	stream.linear.scatter [tilespmem:s18], [sflag:$0x5], $0x4000, $0x38;
	[tilespmem:$0x1C400] =	vst v63  }
0x12d: {  	_ =	swait.ge [sflag:s19], $0x4000  }
0x12e: {  	[sflag:s19] =	ssyncset.done $0x0  }
0x12f: {  	s9 =	rddreg [dreg:$0xa];
	[sflag:s19] =	ssyncadd.s32 $0xFFFFC000  }
0x130: {  	[tilespmem:s18], [sflag:$0x5] =	stream.linear.gather [spmem:s9], $0x4000, $0x38;
	[tilespmem:$0x1C400] =	vst v63  }
0x131: {  	_ =	swait.ge [sflag:s19], $0x4000  }
0x132: {  	[sflag:s19] =	ssyncset.done $0x0  }
0x133: {  	s10 =	rddreg [dreg:$0xf];
	[sflag:s19] =	ssyncadd.s32 $0xFFFFC000  }
0x134: {  	[hbm4b:s10+s4] =	stream.linear.scatter [tilespmem:s18], [sflag:$0x5], $0x4000, $0x38;
	[tilespmem:$0x1C400] =	vst v63  }
0x135: {  	_ =	swait.ge [sflag:s19], $0x4000  }
0x136: {  	[sflag:s19] =	ssyncset.done $0x0  }
0x137: {  	s10 =	rddreg [dreg:$0xb];
	[sflag:s19] =	ssyncadd.s32 $0xFFFFC000  }
0x138: {  	[tilespmem:s18], [sflag:$0x5] =	stream.linear.gather [spmem:s10], $0x3C00, $0x38;
	[tilespmem:$0x1C400] =	vst v63  }
0x139: {  	_ =	swait.ge [sflag:s19], $0x3C00  }
0x13a: {  	[sflag:s19] =	ssyncset.done $0x0  }
0x13b: {  	s10 =	rddreg [dreg:$0x10];
	[sflag:s19] =	ssyncadd.s32 $0xFFFFC400  }
0x13c: {  	[hbm4b:s10+s4] =	stream.linear.scatter [tilespmem:s18], [sflag:$0x5], $0x3C00, $0x38;
	[tilespmem:$0x1C400] =	vst v63  }
0x13d: {  	_ =	swait.ge [sflag:s19], $0x3C00  }
0x13e: {  	s10 =	rddreg [dreg:$0x12]  }
0x13f: {  	s6 =	rddreg [dreg:$0x11];
	s10 =	sadd.s32 $0x1, s10  }
0x140: {  	p0 =	sne.s32 s10, s6  }
.Ltmp1:
0x141: {  	_ = 	snop;
	(pc) =	sbr.rel @p0 .LBB2_1-.Ltmp1, $3  }
0x142: {  	_ =	sdelay $0x1  }
0x143: {  	[sflag:s19] =	ssyncset.done $0x0;
	[dreg:$0x12] =	wrdreg s10  }
0x144: {  	[sflag:s19] =	ssyncadd.s32 $0xFFFFC400;
	s10 =	rddreg [dreg:$0x7]  }
0x145: {  	_ =	sfence.sel $0x180000  }
0x146: {  	[bflag:$0x0] =	sbarrier.arrive $0xFFFF  }
0x147: {  	_ =	strace $0x90000047  }
0x148: {  	s0 =	stileid.u32;
	[bflag:$0x2] =	sbarrier.arrive $0xFFFF  }
0x149: {  	p0 =	sne.s32 s0, $0x0;
	s0 =	rddreg [dreg:$0x4]  }
0x14a: {  	s0 =	sadd.s32 @!p0 $0x100000, s0  }
0x14b: {  	[sflag:s0] =	ssyncadd.tile.s32 @!p0 $0x1;
	_ =	shalt  }
.Lfunc_end2:
_tile_overlayer_lowered:
.L_overlay_start_2:
0x14c: {  	(tag) =	ssettag $0x2  }
0x14d: {  	s0 =	rddreg [dreg:$0x0];
	s2 =	stileid.u32  }
0x14e: {  	s1 =	rddreg [dreg:$0x1];
	p0 =	sne.s32 s2, $0x0  }
0x14f: {  	s3 =	rddreg [dreg:$0x2];
	[bflag:$0x3] =	sbarrier.arrive $0xFFFF;
	s2 =	simm.s32 @!p0 $0x1C05  }
0x150: {  	[timem:s3], [sflag:s2] =	dma.local @!p0 [hbm:s0], s1  }
0x151: {  	s0 =	simm.s32 @!p0 $0x5  }
0x152: {  	_ =	swait.ge @!p0 [sflag:s0], s1  }
0x153: {  	s1 =	ssub.s32 @!p0 $0x0, s1;
	[sflag:s0] =	ssyncset.done @!p0 $0x0  }
0x154: {  	[sflag:s0] =	ssyncadd.s32 @!p0 s1  }
0x155: {  	[bflag:$0x3] =	sbarrier.arrive $0xFFFF  }
0x156: {  	_ =	shalt  }

// kernel: kernel.13.cloned.1.call-start
scs
__scs_entry_jumppad:
0x0: {  	(pc) =	sbr.rel $0x88, $3  }
0x1: {  	(tag) =	ssettag $0x0;
	lr =	simm.s32 $0x1  }
0x2: {  	[smem:$0x3F99] =	sst lr;
	_ =	strace $0xD0000000  }
0x3: {  	_ = 	snop  }
0x4: {  	_ = 	snop  }
0x5: {  	_ = 	snop  }
0x6: {  	_ = 	snop  }
0x7: {  	_ = 	snop  }
__scs_overlays_trampoline_lowered:
0x8: {  	[smem:$0x3FA8] =	sst s0  }
0x9: {  	[smem:$0x3FA9] =	sst s1  }
0xa: {  	[smem:$0x3FAA] =	sst s2  }
0xb: {  	[smem:$0x3FAB] =	sst s3  }
0xc: {  	[smem:$0x3FAC] =	sst s4  }
0xd: {  	[smem:$0x3FAD] =	sst s5  }
0xe: {  	[smem:$0x3FAE] =	sst s6  }
0xf: {  	[smem:$0x3FAF] =	sst s7  }
0x10: {  	[smem:$0x3FB0] =	sst s8  }
0x11: {  	[smem:$0x3FB1] =	sst s9;
	s0 =	simm.s32 @!p0 $0x0  }
0x12: {  	s1 =	sld [smem:$0x3F97];
	s0 =	simm.s32 @p0 $0x1  }
0x13: {  	[smem:$0x3FB2] =	sst s0;
	s0 =	simm.s32 @!p1 $0x0  }
0x14: {  	s2 =	sld [smem:$0x3F96];
	s0 =	simm.s32 @p1 $0x1  }
0x15: {  	[smem:$0x3FB3] =	sst s0;
	s0 =	simm.s32 @!p2 $0x0  }
0x16: {  	s3 =	sld [smem:$0x3FDB];
	s0 =	simm.s32 @p2 $0x1  }
0x17: {  	s4 =	simm.s32 $0x1BF5;
	[smem:$0x3FB5] =	sst s0  }
0x18: {  	s0 =	sld [smem:$0x3F98];
	_ =	swait.ge [sflag:s4], $0x0  }
0x19: {  	s7 =	sld [smem:$0x3F99]  }
0x1a: {  	s8 =	sadd.s32 $0xFFFFE003, lr  }
0x1b: {  	s9 =	sadd.s32 $0xFFFFFEF7, lr;
	s5 =	simm.s32 $0xFFFFFFFF;
	p2 =	slt.u32 s8, $0xFFFFF086  }
0x1c: {  	p1 =	slt.u32 s9, $0xF7A;
	s5 =	simm.s32 @!p2 $0x0  }
0x1d: {  	s5 =	simm.s32 @p1 $0x1;
	p0 =	seq.s32 s7, s2  }
0x1e: {  	s7 =	smul.u32 @!p0 $0xF7A, s2;
	p2 =	seq.s32 @!p0 s5, $0x0  }
0x1f: {  	s9 =	smul.u32 $0xF7A, s1;
	s8 =	simm.s32 @!p0 $0x1BF5;
	p2 =	por !p2, p0  }
0x20: {  	[sflag:s8] =	ssyncset.s32 @!p0 $0xFFFFF086;
	s6 =	sadd.s32 @!p0 s3, s7;
	s7 =	simm.s32 @!p0 $0x108  }
0x21: {  	s3 =	sadd.s32 s3, s9;
	s6 =	sadd.s32 @!p0 $0x88, s6;
	s7 =	simm.s32 @p2 $0x1082  }
0x22: {  	[simem:s7], [sflag:s8] =	dma.local @!p0 [hbm:s6], $0xF7A  }
0x23: {  	s9 =	sor.u32 $0xD0000000, s2;
	s6 =	simm.s32 $0x108;
	_ =	swait.ge @!p0 [sflag:s8], $0x0  }
0x24: {  	s3 =	sadd.s32 $0x88, s3;
	s6 =	simm.s32 @!p1 $0x1082;
	[sflag:s4] =	ssyncset.s32 $0xFFFFF086  }
0x25: {  	[simem:s6], [sflag:s4] =	dma.local [hbm:s3], $0xF7A  }
0x26: {  	[smem:$0x3F99] =	sst s1;
	(tag) =	ssettag s2;
	_ =	strace s9  }
0x27: {  	s1 =	sld [smem:$0x3FA9]  }
0x28: {  	s2 =	sld [smem:$0x3FAA]  }
0x29: {  	s4 =	sld [smem:$0x3FAC]  }
0x2a: {  	p0 =	seq.s32 s5, $0x0;
	s5 =	sld [smem:$0x3FAD]  }
0x2b: {  	s6 =	sld [smem:$0x3FAE]  }
0x2c: {  	s7 =	sld [smem:$0x3FAF]  }
0x2d: {  	s3 =	simm.s32 $0x108;
	s8 =	sld [smem:$0x3FB0]  }
0x2e: {  	s3 =	simm.s32 @!p0 $0x1082;
	s9 =	sld [smem:$0x3FB1]  }
0x2f: {  	lr =	sadd.s32 s0, s3;
	s0 =	sld [smem:$0x3FA8]  }
0x30: {  	s3 =	sld [smem:$0x3FAB]  }
0x31: {  	[smem:$0x3FB4] =	sst s10  }
0x32: {  	s10 =	sld [smem:$0x3FB2];
	_ =	sdelay $0x3  }
0x33: {  	p0 =	seq.s32 s10, $0x1;
	s10 =	sld [smem:$0x3FB4];
	_ =	sdelay $0x3  }
0x34: {  	[smem:$0x3FB4] =	sst s10  }
0x35: {  	s10 =	sld [smem:$0x3FB3];
	_ =	sdelay $0x3  }
0x36: {  	p1 =	seq.s32 s10, $0x1;
	s10 =	sld [smem:$0x3FB4];
	_ =	sdelay $0x3  }
0x37: {  	[smem:$0x3FB4] =	sst s10  }
0x38: {  	s10 =	sld [smem:$0x3FB5]  }
0x39: {  	_ = 	snop;
	(pc) =	sbr.ind lr, $3  }
0x3a: {  	_ = 	snop  }
0x3b: {  	_ = 	snop  }
0x3c: {  	p2 =	seq.s32 s10, $0x1;
	s10 =	sld [smem:$0x3FB4]  }
0x3d: {  	_ =	shalt  }
0x3e: {  	_ =	shalt  }
0x3f: {  	_ =	shalt  }
0x40: {  	_ =	shalt  }
0x41: {  	_ =	shalt  }
0x42: {  	_ =	shalt  }
0x43: {  	_ =	shalt  }
0x44: {  	_ =	shalt  }
0x45: {  	_ =	shalt  }
0x46: {  	_ =	shalt  }
0x47: {  	_ =	shalt  }
0x48: {  	_ =	shalt  }
0x49: {  	_ =	shalt  }
0x4a: {  	_ =	shalt  }
0x4b: {  	_ =	shalt  }
0x4c: {  	_ =	shalt  }
0x4d: {  	_ =	shalt  }
0x4e: {  	_ =	shalt  }
0x4f: {  	_ =	shalt  }
0x50: {  	_ =	shalt  }
0x51: {  	_ =	shalt  }
0x52: {  	_ =	shalt  }
0x53: {  	_ =	shalt  }
0x54: {  	_ =	shalt  }
0x55: {  	_ =	shalt  }
0x56: {  	_ =	shalt  }
0x57: {  	_ =	shalt  }
0x58: {  	_ =	shalt  }
0x59: {  	_ =	shalt  }
0x5a: {  	_ =	shalt  }
0x5b: {  	_ =	shalt  }
0x5c: {  	_ =	shalt  }
0x5d: {  	_ =	shalt  }
0x5e: {  	_ =	shalt  }
0x5f: {  	_ =	shalt  }
0x60: {  	_ =	shalt  }
0x61: {  	_ =	shalt  }
0x62: {  	_ =	shalt  }
0x63: {  	_ =	shalt  }
0x64: {  	_ =	shalt  }
0x65: {  	_ =	shalt  }
0x66: {  	_ =	shalt  }
0x67: {  	_ =	shalt  }
0x68: {  	_ =	shalt  }
0x69: {  	_ =	shalt  }
0x6a: {  	_ =	shalt  }
0x6b: {  	_ =	shalt  }
0x6c: {  	_ =	shalt  }
0x6d: {  	_ =	shalt  }
0x6e: {  	_ =	shalt  }
0x6f: {  	_ =	shalt  }
0x70: {  	_ =	shalt  }
0x71: {  	_ =	shalt  }
0x72: {  	_ =	shalt  }
0x73: {  	_ =	shalt  }
0x74: {  	_ =	shalt  }
0x75: {  	_ =	shalt  }
0x76: {  	_ =	shalt  }
0x77: {  	_ =	shalt  }
0x78: {  	_ =	shalt  }
0x79: {  	_ =	shalt  }
0x7a: {  	_ =	shalt  }
0x7b: {  	_ =	shalt  }
0x7c: {  	_ =	shalt  }
0x7d: {  	_ =	shalt  }
0x7e: {  	_ =	shalt  }
0x7f: {  	_ =	shalt  }
0x80: {  	_ =	shalt  }
0x81: {  	_ =	shalt  }
0x82: {  	_ =	shalt  }
0x83: {  	_ =	shalt  }
0x84: {  	_ =	shalt  }
0x85: {  	_ =	shalt  }
0x86: {  	_ =	shalt  }
0x87: {  	_ =	shalt  }
.Lfunc_end0:
.L_simem_size_0:
called_computation.2_lowered:
.L_overlay_start_0:
0x88: {  	s2 =	sld [smem:$0x3FD9]  }
0x89: {  	s3 =	sld [smem:$0x3FFE];
	_ =	sdelay $0x1  }
0x8a: {  	s1 =	srdreg.scid  }
0x8b: {  	s0 =	sand.u32 $0x1, s1  }
0x8c: {  	s17 =	sshll.u32 s0, $0xA;
	s2 =	sadd.s32 s3, s2  }
0x8d: {  	s2 =	sadd.s32 s2, s17  }
0x8e: {  	[smem:$0x3FC0] =	sst s2  }
0x8f: {  	_ = 	snop  }
0x90: {  	s2 =	sld [smem:$0x3FD0];
	(tm) =	ssettm $0x1  }
0x91: {  	s18 =	sld [smem:$0x3FFB];
	_ =	sdelay $0x3  }
0x92: {  	_ =	strace s18  }
0x93: {  	s3 =	sld [smem:$0x3FFC];
	_ =	sdelay $0x3  }
0x94: {  	_ =	strace s3  }
0x95: {  	s3 =	sld [smem:$0x3FFD];
	_ =	sdelay $0x3  }
0x96: {  	_ =	strace s3  }
0x97: {  	_ =	strace $0x8FFFFFFF  }
0x98: {  	s19 =	sld [smem:$0x3FDB];
	_ =	sdelay $0x1  }
0x99: {  	s4 =	simm.s32 $_scs_section_size  }
0x9a: {  	s5 =	simm.s32 $_size__tile_overlayer_lowered;
	s6 =	simm.s32 $_tile_overlayer_lowered  }
0x9b: {  	s22 =	simm.s32 $0x1BFF;
	s21 =	sshll.u32 s6, $0x1;
	s3 =	sadd.s32 s4, s19  }
0x9c: {  	s7 =	simm.s32 $0x0;
	s20 =	sshll.u32 s5, $0x1;
	s5 =	sadd.s32 s21, s3  }
0x9d: {  	[timem:s7], [sflag:s22] =	dma.local [hbm:s5], s20  }
0x9e: {  	_ =	swait.ge [sflag:s22], s20  }
0x9f: {  	s4 =	ssub.s32 $0x0, s20;
	[sflag:s22] =	ssyncset.done $0x0  }
0xa0: {  	[sflag:s22] =	ssyncadd.s32 s4;
	_ =	sdelay $0x1  }
0xa1: {  	s23 =	simm.s32 $0x1B8B  }
0xa2: {  	_ =	swait.ge [sflag:s23], $0x1  }
0xa3: {  	[sflag:s23] =	ssyncset.done $0x0  }
0xa4: {  	s25 =	simm.s32 $0x1B8E;
	s24 =	sld [smem:$0x3FFE];
	[sflag:s23] =	ssyncadd.s32 $0xFFFFFFFF  }
0xa5: {  	s26 =	simm.s32 $execute0_lowered;
	[smem:$0x3FD2] =	sst s25  }
0xa6: {  	s5 =	sshll.u32 s26, $0x1;
	_ =	strace $0x8000004C;
	[dreg:$0x1] =	wrdreg $0xFFFFFFFF  }
0xa7: {  	s28 =	simm.s32 $_size_execute0_lowered;
	s3 =	sadd.s32 s3, s5;
	[dreg:$0x0] =	wrdreg $0x0  }
0xa8: {  	s5 =	sshll.u32 s28, $0x1;
	[dreg:$0x2] =	wrdreg s3  }
0xa9: {  	[dreg:$0x3] =	wrdreg s5  }
0xaa: {  	[dreg:$0x4] =	wrdreg $0xC0  }
0xab: {  	_ =	task [dreg:s7], $0x5FFFF  }
0xac: {  	[dreg:$0x1] =	wrdreg $0xFFFFFFFF  }
0xad: {  	[dreg:$0x0] =	wrdreg $0x60  }
0xae: {  	[dreg:$0x2] =	wrdreg s24  }
0xaf: {  	[dreg:$0x3] =	wrdreg s2  }
0xb0: {  	[dreg:$0x4] =	wrdreg $0x88000  }
0xb1: {  	[dreg:$0x5] =	wrdreg $0x9  }
0xb2: {  	_ =	task.clear_ibuf [dreg:s7], $0x6FFFF;
	_ =	strace $0x9000004C  }
0xb3: {  	s29 =	simm.s32 $0x9;
	_ =	strace $0x8000004E  }
0xb4: {  	_ =	swait.ge [sflag:s29], $0x1  }
0xb5: {  	[sflag:s29] =	ssyncadd.s32 $0xFFFFFFFF  }
0xb6: {  	_ =	strace $0x9000004E  }
0xb7: {  	_ =	sfence  }
0xb8: {  	s30 =	sld [smem:$0x0];
	_ =	sdelay $0x2  }
0xb9: {  	s31 =	sshll.u32 s1, $0xD;
	s1 =	sshrl.u32 s1, $0x2  }
0xba: {  	s3 =	sand.u32 $0x4000, s31;
	s1 =	sadd.s32 s1, s30  }
0xbb: {  	s0 =	sor.u32 s3, s0;
	s1 =	sshll.u32 s1, $0x11  }
0xbc: {  	s0 =	sor.u32 s1, s0  }
0xbd: {  	s0 =	sadd.s32 $0x8F2B, s0  }
0xbe: {  	[sflag:s0] =	ssyncadd.remote.s32 $0x1  }
0xbf: {  	_ =	sfence.sel $0xFFFF  }
0xc0: {  	[dreg:$0x0] =	wrdreg $0xFFFFFFFF;
	(pc) =	sbr.abs _section_cstart, $3  }
0xc1: {  	[dreg:$0x1] =	wrdreg $0xFFFFFFFF  }
0xc2: {  	_ =	task.clear_ibuf [dreg:s7], $0x2FFFF;
	_ =	strace $0x9FFFFFFF  }
0xc3: {  	(tm) =	ssettm $0x7FFFFFFF  }
tec
execute0_lowered:
.L_overlay_start_1:
0x0: {  	(tag) =	ssettag $0x1  }
0x1: {  	s0 =	rddreg [dreg:$0x0]  }
0x2: {  	s1 =	rddreg [dreg:$0x1]  }
0x3: {  	s3 =	srdreg.scid;
	s11 =	stileid.u32  }
0x4: {  	s2 =	rddreg [dreg:$0x2];
	s28 =	simm.s32 $0x100;
	s6 =	smul.u32 $0x2800, s11  }
0x5: {  	s29 =	simm.s32 $0x500;
	s30 =	simm.s32 $0x4;
	s7 =	smul.u32 $0x4F000, s11  }
0x6: {  	s31 =	simm.s32 $0x180;
	s5 =	sand.u32 $0x1, s3;
	s11 =	smul.u32 $0x13C00, s11  }
0x7: {  	s3 =	simm.s32 $0x0;
	s9 =	sadd.s32 $0xC800, s0;
	s4 =	smul.u32 $0x28000, s5  }
0x8: {  	[smem:$0x7FF] =	sst s3;
	s19 =	ssub.s32 $0x2, s5;
	s5 =	smul.u32 $0x13C000, s5  }
0x9: {  	_ =	strace $0x8000004D;
	[dreg:$0x5] =	wrdreg s9;
	s10 =	sshrl.u32 s19, $0x1  }
0xa: {  	s7 =	sshrl.u32 s7, $0x2;
	s20 =	sadd.s32 $0x4000, s11;
	s12 =	sadd.s32 $0x8000, s11  }
0xb: {  	s13 =	sadd.s32 $0xC000, s11;
	s14 =	sadd.s32 $0x10000, s11;
	s6 =	sadd.s32 s6, s4  }
0xc: {  	s4 =	sadd.s32 $0xD000, s0;
	s9 =	ssub.s32 s19, s10;
	s10 =	sadd.s32 s7, s2  }
0xd: {  	s15 =	sadd.s32 s20, s2;
	s16 =	sadd.s32 s12, s2;
	s17 =	sadd.s32 s13, s2  }
0xe: {  	s11 =	sadd.s32 s11, s5;
	s18 =	sadd.s32 s14, s2;
	s7 =	sadd.s32 s5, s20  }
0xf: {  	s21 =	sadd.s32 s5, s12;
	s23 =	sadd.s32 s5, s13;
	s5 =	sadd.s32 s5, s14  }
0x10: {  	s19 =	simm.s32 $0x5;
	s20 =	simm.s32 $0x400;
	s12 =	simm.s32 $0x680  }
0x11: {  	s13 =	simm.s32 $0x300;
	s14 =	simm.s32 $0x700;
	s6 =	sshrl.u32 s6, $0x3  }
0x12: {  	[dreg:$0xa] =	wrdreg s18;
	s11 =	sshrl.u32 s11, $0x3;
	s7 =	sshrl.u32 s7, $0x3  }
0x13: {  	s22 =	sshrl.u32 s21, $0x3;
	s24 =	sshrl.u32 s23, $0x3;
	s5 =	sshrl.u32 s5, $0x3  }
0x14: {  	s26 =	smax.u32 s9, $0x1;
	s9 =	smov.u32 s17;
	s18 =	simm.s32 $0x800  }
0x15: {  	s21 =	simm.s32 $0x80;
	s23 =	simm.s32 $0x4800;
	[dreg:$0x6] =	wrdreg s10  }
0x16: {  	s8 =	sadd.s32 s6, s0;
	s0 =	sadd.s32 $0x34200, s0;
	[dreg:$0x10] =	wrdreg s26  }
0x17: {  	s17 =	sadd.s32 s6, s1;
	s6 =	simm.s32 $0x0;
	[dreg:$0x9] =	wrdreg s9  }
0x18: {  	s26 =	simm.s32 $0x3;
	s11 =	sadd.s32 s0, s11;
	[dreg:$0x11] =	wrdreg s6  }
0x19: {  	s1 =	simm.s32 $0x200;
	s7 =	sadd.s32 s0, s7;
	[dreg:$0xb] =	wrdreg s11  }
0x1a: {  	s25 =	sadd.s32 $0x2800, s8;
	s8 =	smov.u32 s16;
	[dreg:$0xc] =	wrdreg s7  }
0x1b: {  	s16 =	simm.s32 $0x780;
	s7 =	sadd.s32 s0, s22;
	[dreg:$0x4] =	wrdreg s25  }
0x1c: {  	s22 =	simm.s32 $0x1;
	s25 =	simm.s32 $0x480;
	[dreg:$0x8] =	wrdreg s8  }
0x1d: {  	s11 =	simm.s32 $0x280;
	[dreg:$0xd] =	wrdreg s7;
	s7 =	sadd.s32 s0, s24  }
0x1e: {  	s0 =	sadd.s32 s0, s5;
	s24 =	simm.s32 $0x2;
	[dreg:$0xe] =	wrdreg s7  }
0x1f: {  	s5 =	simm.s32 $0x600;
	[dreg:$0xf] =	wrdreg s0;
	s7 =	smov.u32 s15  }
0x20: {  	s0 =	simm.s32 $0x580;
	s15 =	simm.s32 $0x380;
	[dreg:$0x7] =	wrdreg s7  }
.LBB2_1:
0x21: {  	s6 =	rddreg [dreg:$0x5]  }
0x22: {  	[tilespmem:s18], [sflag:$0x5] =	stream.linear.gather [hbm4b:s6+s3], $0x4000, $0x38;
	[tilespmem:$0x1C400] =	vst v63  }
0x23: {  	_ =	swait.ge [sflag:s19], $0x4000  }
0x24: {  	[sflag:s19] =	ssyncset.done $0x0  }
0x25: {  	[sflag:s19] =	ssyncadd.s32 $0xFFFFC000  }
0x26: {  	[spmem:s10] =	stream.linear.scatter [tilespmem:s18], [sflag:$0x5], $0x4000, $0x38;
	[tilespmem:$0x1C400] =	vst v63  }
0x27: {  	_ =	swait.ge [sflag:s19], $0x4000  }
0x28: {  	[sflag:s19] =	ssyncset.done $0x0  }
0x29: {  	[sflag:s19] =	ssyncadd.s32 $0xFFFFC000  }
0x2a: {  	[spmem:s7] =	stream.linear.scatter [tilespmem:s18], [sflag:$0x5], $0x4000, $0x38;
	[tilespmem:$0x1C400] =	vst v63  }
0x2b: {  	_ =	swait.ge [sflag:s19], $0x4000  }
0x2c: {  	[sflag:s19] =	ssyncset.done $0x0  }
0x2d: {  	[sflag:s19] =	ssyncadd.s32 $0xFFFFC000  }
0x2e: {  	[spmem:s8] =	stream.linear.scatter [tilespmem:s18], [sflag:$0x5], $0x4000, $0x38;
	[tilespmem:$0x1C400] =	vst v63  }
0x2f: {  	_ =	swait.ge [sflag:s19], $0x4000  }
0x30: {  	[sflag:s19] =	ssyncset.done $0x0  }
0x31: {  	[sflag:s19] =	ssyncadd.s32 $0xFFFFC000  }
0x32: {  	[spmem:s9] =	stream.linear.scatter [tilespmem:s18], [sflag:$0x5], $0x4000, $0x38;
	[tilespmem:$0x1C400] =	vst v63  }
0x33: {  	_ =	swait.ge [sflag:s19], $0x4000  }
0x34: {  	[sflag:s19] =	ssyncset.done $0x0  }
0x35: {  	s8 =	rddreg [dreg:$0xa];
	[sflag:s19] =	ssyncadd.s32 $0xFFFFC000  }
0x36: {  	[spmem:s8] =	stream.linear.scatter [tilespmem:s18], [sflag:$0x5], $0x3C00, $0x38;
	[tilespmem:$0x1C400] =	vst v63  }
0x37: {  	_ =	swait.ge [sflag:s19], $0x3C00  }
0x38: {  	[sflag:s19] =	ssyncset.done $0x0  }
0x39: {  	[sflag:s19] =	ssyncadd.s32 $0xFFFFC400  }
0x3a: {  	s9 =	sadd.s32 $0x0, s17;
	[bflag:$0x0] =	sbarrier.arrive $0xFFFF  }
0x3b: {  	[tilespmem:s3], [sflag:$0x5] =	stream.linear.gather [hbm4b:s9+s3], $0x400, $0x38;
	[tilespmem:$0x1C400] =	vst v63  }
0x3c: {  	_ =	swait.ge [sflag:s19], $0x400  }
0x3d: {  	s10 =	rddreg [dreg:$0x4];
	[sflag:s19] =	ssyncset.done $0x0  }
0x3e: {  	[sflag:s19] =	ssyncadd.s32 $0xFFFFFC00;
	s7 =	sadd.s32 $0x0, s10  }
0x3f: {  	[tilespmem:s20], [sflag:$0x5] =	stream.linear.gather [hbm4b:s7+s3], $0x400, $0x38;
	[tilespmem:$0x1C400] =	vst v63  }
0x40: {  	_ =	swait.ge [sflag:s19], $0x400  }
0x41: {  	[sflag:s19] =	ssyncset.done $0x0  }
0x42: {  	[sflag:s19] =	ssyncadd.s32 $0xFFFFFC00  }
0x43: {  	[tilespmem:s18], [sflag:$0x1] =	stream.indirect.gather [hbm4b:s4+s21], $0x80, s3, s21, $0xb8;
	[tilespmem:$0x1C400] =	vst v63  }
0x44: {  	_ =	swait.ge [sflag:s22], $0x4000  }
0x45: {  	[sflag:s22] =	ssyncset.done $0x0  }
0x46: {  	[sflag:s22] =	ssyncadd.s32 $0xFFFFC000  }
0x47: {  	[spmem:s2] =	stream.indirect.scatter.add.f32 [tilespmem:s18], [sflag:$0x3], $0x80, s20, s21, $0xb8;
	[tilespmem:$0x1C400] =	vst v63  }
0x48: {  	_ = 	snop  }
0x49: {  	[tilespmem:s23], [sflag:$0x2] =	stream.indirect.gather [hbm4b:s4+s21], $0x80, s21, s21, $0xb8;
	[tilespmem:$0x1C400] =	vst v63  }
0x4a: {  	_ =	swait.ge [sflag:s24], $0x4000  }
0x4b: {  	[sflag:s24] =	ssyncset.done $0x0  }
0x4c: {  	[sflag:s24] =	ssyncadd.s32 $0xFFFFC000  }
0x4d: {  	[spmem:s2] =	stream.indirect.scatter.add.f32 [tilespmem:s23], [sflag:$0x4], $0x80, s25, s21, $0xb8;
	[tilespmem:$0x1C400] =	vst v63  }
0x4e: {  	_ =	swait.ge [sflag:s26], $0x4000  }
0x4f: {  	[sflag:s26] =	ssyncset.done $0x0  }
0x50: {  	[sflag:s26] =	ssyncadd.s32 $0xFFFFC000  }
0x51: {  	[tilespmem:s18], [sflag:$0x1] =	stream.indirect.gather [hbm4b:s4+s21], $0x80, s28, s21, $0xb8;
	[tilespmem:$0x1C400] =	vst v63  }
0x52: {  	_ =	swait.ge [sflag:s22], $0x4000  }
0x53: {  	[sflag:s22] =	ssyncset.done $0x0  }
0x54: {  	[sflag:s22] =	ssyncadd.s32 $0xFFFFC000  }
0x55: {  	[spmem:s2] =	stream.indirect.scatter.add.f32 [tilespmem:s18], [sflag:$0x3], $0x80, s29, s21, $0xb8;
	[tilespmem:$0x1C400] =	vst v63  }
0x56: {  	_ =	swait.ge [sflag:s30], $0x4000  }
0x57: {  	[sflag:s30] =	ssyncset.done $0x0  }
0x58: {  	[sflag:s30] =	ssyncadd.s32 $0xFFFFC000  }
0x59: {  	[tilespmem:s23], [sflag:$0x2] =	stream.indirect.gather [hbm4b:s4+s21], $0x80, s31, s21, $0xb8;
	[tilespmem:$0x1C400] =	vst v63  }
0x5a: {  	_ =	swait.ge [sflag:s24], $0x4000  }
0x5b: {  	[sflag:s24] =	ssyncset.done $0x0  }
0x5c: {  	[sflag:s24] =	ssyncadd.s32 $0xFFFFC000  }
0x5d: {  	[spmem:s2] =	stream.indirect.scatter.add.f32 [tilespmem:s23], [sflag:$0x4], $0x80, s0, s21, $0xb8;
	[tilespmem:$0x1C400] =	vst v63  }
0x5e: {  	_ =	swait.ge [sflag:s26], $0x4000  }
0x5f: {  	[sflag:s26] =	ssyncset.done $0x0  }
0x60: {  	[sflag:s26] =	ssyncadd.s32 $0xFFFFC000  }
0x61: {  	[tilespmem:s18], [sflag:$0x1] =	stream.indirect.gather [hbm4b:s4+s21], $0x80, s1, s21, $0xb8;
	[tilespmem:$0x1C400] =	vst v63  }
0x62: {  	_ =	swait.ge [sflag:s22], $0x4000  }
0x63: {  	[sflag:s22] =	ssyncset.done $0x0  }
0x64: {  	[sflag:s22] =	ssyncadd.s32 $0xFFFFC000  }
0x65: {  	[spmem:s2] =	stream.indirect.scatter.add.f32 [tilespmem:s18], [sflag:$0x3], $0x80, s5, s21, $0xb8;
	[tilespmem:$0x1C400] =	vst v63  }
0x66: {  	_ =	swait.ge [sflag:s30], $0x4000  }
0x67: {  	[sflag:s30] =	ssyncset.done $0x0  }
0x68: {  	[sflag:s30] =	ssyncadd.s32 $0xFFFFC000  }
0x69: {  	[tilespmem:s23], [sflag:$0x2] =	stream.indirect.gather [hbm4b:s4+s21], $0x80, s11, s21, $0xb8;
	[tilespmem:$0x1C400] =	vst v63  }
0x6a: {  	_ =	swait.ge [sflag:s24], $0x4000  }
0x6b: {  	[sflag:s24] =	ssyncset.done $0x0  }
0x6c: {  	[sflag:s24] =	ssyncadd.s32 $0xFFFFC000  }
0x6d: {  	[spmem:s2] =	stream.indirect.scatter.add.f32 [tilespmem:s23], [sflag:$0x4], $0x80, s12, s21, $0xb8;
	[tilespmem:$0x1C400] =	vst v63  }
0x6e: {  	_ =	swait.ge [sflag:s26], $0x4000  }
0x6f: {  	[sflag:s26] =	ssyncset.done $0x0  }
0x70: {  	[sflag:s26] =	ssyncadd.s32 $0xFFFFC000  }
0x71: {  	[tilespmem:s18], [sflag:$0x1] =	stream.indirect.gather [hbm4b:s4+s21], $0x80, s13, s21, $0xb8;
	[tilespmem:$0x1C400] =	vst v63  }
0x72: {  	_ =	swait.ge [sflag:s22], $0x4000  }
0x73: {  	[sflag:s22] =	ssyncset.done $0x0  }
0x74: {  	[sflag:s22] =	ssyncadd.s32 $0xFFFFC000  }
0x75: {  	[spmem:s2] =	stream.indirect.scatter.add.f32 [tilespmem:s18], [sflag:$0x3], $0x80, s14, s21, $0xb8;
	[tilespmem:$0x1C400] =	vst v63  }
0x76: {  	_ =	swait.ge [sflag:s30], $0x4000  }
0x77: {  	[sflag:s30] =	ssyncset.done $0x0  }
0x78: {  	[sflag:s30] =	ssyncadd.s32 $0xFFFFC000  }
0x79: {  	[tilespmem:s23], [sflag:$0x2] =	stream.indirect.gather [hbm4b:s4+s21], $0x80, s15, s21, $0xb8;
	[tilespmem:$0x1C400] =	vst v63  }
0x7a: {  	_ =	swait.ge [sflag:s24], $0x4000  }
0x7b: {  	[sflag:s24] =	ssyncset.done $0x0  }
0x7c: {  	[sflag:s24] =	ssyncadd.s32 $0xFFFFC000  }
0x7d: {  	[spmem:s2] =	stream.indirect.scatter.add.f32 [tilespmem:s23], [sflag:$0x4], $0x80, s16, s21, $0xb8;
	[tilespmem:$0x1C400] =	vst v63  }
0x7e: {  	_ =	swait.ge [sflag:s26], $0x4000  }
0x7f: {  	[sflag:s26] =	ssyncset.done $0x0  }
0x80: {  	[sflag:s26] =	ssyncadd.s32 $0xFFFFC000  }
0x81: {  	_ =	swait.ge [sflag:s30], $0x4000  }
0x82: {  	s8 =	simm.s32 $0x100;
	s7 =	simm.s32 $0x80;
	[sflag:s30] =	ssyncset.done $0x0  }
.LBB2_2:
0x83: {  	s10 =	sadd.s32 s7, s17;
	[sflag:s30] =	ssyncadd.s32 $0xFFFFC000  }
0x84: {  	[tilespmem:s3], [sflag:$0x5] =	stream.linear.gather [hbm4b:s10+s3], $0x400, $0x38;
	[tilespmem:$0x1C400] =	vst v63  }
0x85: {  	s6 =	smov.u32 s8;
	_ =	swait.ge [sflag:s19], $0x400  }
0x86: {  	s9 =	sadd.s32 $0x80, s8;
	s10 =	rddreg [dreg:$0x4];
	[sflag:s19] =	ssyncset.done $0x0  }
0x87: {  	p0 =	sne.s32 s8, $0x480;
	[sflag:s19] =	ssyncadd.s32 $0xFFFFFC00;
	s8 =	sadd.s32 s7, s10  }
0x88: {  	[tilespmem:s20], [sflag:$0x5] =	stream.linear.gather [hbm4b:s8+s3], $0x400, $0x38;
	[tilespmem:$0x1C400] =	vst v63  }
0x89: {  	_ =	swait.ge [sflag:s19], $0x400  }
0x8a: {  	[sflag:s19] =	ssyncset.done $0x0  }
0x8b: {  	[sflag:s19] =	ssyncadd.s32 $0xFFFFFC00  }
0x8c: {  	[tilespmem:s18], [sflag:$0x1] =	stream.indirect.gather [hbm4b:s4+s21], $0x80, s3, s21, $0xb8;
	[tilespmem:$0x1C400] =	vst v63  }
0x8d: {  	_ =	swait.ge [sflag:s22], $0x4000  }
0x8e: {  	[sflag:s22] =	ssyncset.done $0x0  }
0x8f: {  	[sflag:s22] =	ssyncadd.s32 $0xFFFFC000  }
0x90: {  	[spmem:s2] =	stream.indirect.scatter.add.f32 [tilespmem:s18], [sflag:$0x3], $0x80, s20, s21, $0xb8;
	[tilespmem:$0x1C400] =	vst v63  }
0x91: {  	_ = 	snop  }
0x92: {  	[tilespmem:s23], [sflag:$0x2] =	stream.indirect.gather [hbm4b:s4+s21], $0x80, s21, s21, $0xb8;
	[tilespmem:$0x1C400] =	vst v63  }
0x93: {  	_ =	swait.ge [sflag:s24], $0x4000  }
0x94: {  	[sflag:s24] =	ssyncset.done $0x0  }
0x95: {  	[sflag:s24] =	ssyncadd.s32 $0xFFFFC000  }
0x96: {  	[spmem:s2] =	stream.indirect.scatter.add.f32 [tilespmem:s23], [sflag:$0x4], $0x80, s25, s21, $0xb8;
	[tilespmem:$0x1C400] =	vst v63  }
0x97: {  	_ =	swait.ge [sflag:s26], $0x4000  }
0x98: {  	[sflag:s26] =	ssyncset.done $0x0  }
0x99: {  	[sflag:s26] =	ssyncadd.s32 $0xFFFFC000  }
0x9a: {  	[tilespmem:s18], [sflag:$0x1] =	stream.indirect.gather [hbm4b:s4+s21], $0x80, s28, s21, $0xb8;
	[tilespmem:$0x1C400] =	vst v63  }
0x9b: {  	_ =	swait.ge [sflag:s22], $0x4000  }
0x9c: {  	[sflag:s22] =	ssyncset.done $0x0  }
0x9d: {  	[sflag:s22] =	ssyncadd.s32 $0xFFFFC000  }
0x9e: {  	[spmem:s2] =	stream.indirect.scatter.add.f32 [tilespmem:s18], [sflag:$0x3], $0x80, s29, s21, $0xb8;
	[tilespmem:$0x1C400] =	vst v63  }
0x9f: {  	_ =	swait.ge [sflag:s30], $0x4000  }
0xa0: {  	[sflag:s30] =	ssyncset.done $0x0  }
0xa1: {  	[sflag:s30] =	ssyncadd.s32 $0xFFFFC000  }
0xa2: {  	[tilespmem:s23], [sflag:$0x2] =	stream.indirect.gather [hbm4b:s4+s21], $0x80, s31, s21, $0xb8;
	[tilespmem:$0x1C400] =	vst v63  }
0xa3: {  	_ =	swait.ge [sflag:s24], $0x4000  }
0xa4: {  	[sflag:s24] =	ssyncset.done $0x0  }
0xa5: {  	[sflag:s24] =	ssyncadd.s32 $0xFFFFC000  }
0xa6: {  	[spmem:s2] =	stream.indirect.scatter.add.f32 [tilespmem:s23], [sflag:$0x4], $0x80, s0, s21, $0xb8;
	[tilespmem:$0x1C400] =	vst v63  }
0xa7: {  	_ =	swait.ge [sflag:s26], $0x4000  }
0xa8: {  	[sflag:s26] =	ssyncset.done $0x0  }
0xa9: {  	[sflag:s26] =	ssyncadd.s32 $0xFFFFC000  }
0xaa: {  	[tilespmem:s18], [sflag:$0x1] =	stream.indirect.gather [hbm4b:s4+s21], $0x80, s1, s21, $0xb8;
	[tilespmem:$0x1C400] =	vst v63  }
0xab: {  	_ =	swait.ge [sflag:s22], $0x4000  }
0xac: {  	[sflag:s22] =	ssyncset.done $0x0  }
0xad: {  	[sflag:s22] =	ssyncadd.s32 $0xFFFFC000  }
0xae: {  	[spmem:s2] =	stream.indirect.scatter.add.f32 [tilespmem:s18], [sflag:$0x3], $0x80, s5, s21, $0xb8;
	[tilespmem:$0x1C400] =	vst v63  }
0xaf: {  	_ =	swait.ge [sflag:s30], $0x4000  }
0xb0: {  	[sflag:s30] =	ssyncset.done $0x0  }
0xb1: {  	[sflag:s30] =	ssyncadd.s32 $0xFFFFC000  }
0xb2: {  	[tilespmem:s23], [sflag:$0x2] =	stream.indirect.gather [hbm4b:s4+s21], $0x80, s11, s21, $0xb8;
	[tilespmem:$0x1C400] =	vst v63  }
0xb3: {  	_ =	swait.ge [sflag:s24], $0x4000  }
0xb4: {  	[sflag:s24] =	ssyncset.done $0x0  }
0xb5: {  	[sflag:s24] =	ssyncadd.s32 $0xFFFFC000  }
0xb6: {  	[spmem:s2] =	stream.indirect.scatter.add.f32 [tilespmem:s23], [sflag:$0x4], $0x80, s12, s21, $0xb8;
	[tilespmem:$0x1C400] =	vst v63  }
0xb7: {  	_ =	swait.ge [sflag:s26], $0x4000  }
0xb8: {  	[sflag:s26] =	ssyncset.done $0x0  }
0xb9: {  	[sflag:s26] =	ssyncadd.s32 $0xFFFFC000  }
0xba: {  	[tilespmem:s18], [sflag:$0x1] =	stream.indirect.gather [hbm4b:s4+s21], $0x80, s13, s21, $0xb8;
	[tilespmem:$0x1C400] =	vst v63  }
0xbb: {  	_ =	swait.ge [sflag:s22], $0x4000  }
0xbc: {  	[sflag:s22] =	ssyncset.done $0x0  }
0xbd: {  	[sflag:s22] =	ssyncadd.s32 $0xFFFFC000  }
0xbe: {  	[spmem:s2] =	stream.indirect.scatter.add.f32 [tilespmem:s18], [sflag:$0x3], $0x80, s14, s21, $0xb8;
	[tilespmem:$0x1C400] =	vst v63  }
0xbf: {  	_ =	swait.ge [sflag:s30], $0x4000  }
0xc0: {  	[sflag:s30] =	ssyncset.done $0x0  }
0xc1: {  	[sflag:s30] =	ssyncadd.s32 $0xFFFFC000  }
0xc2: {  	[tilespmem:s23], [sflag:$0x2] =	stream.indirect.gather [hbm4b:s4+s21], $0x80, s15, s21, $0xb8;
	[tilespmem:$0x1C400] =	vst v63  }
0xc3: {  	_ =	swait.ge [sflag:s24], $0x4000  }
0xc4: {  	[sflag:s24] =	ssyncset.done $0x0  }
0xc5: {  	[sflag:s24] =	ssyncadd.s32 $0xFFFFC000  }
0xc6: {  	[spmem:s2] =	stream.indirect.scatter.add.f32 [tilespmem:s23], [sflag:$0x4], $0x80, s16, s21, $0xb8;
	[tilespmem:$0x1C400] =	vst v63  }
.Ltmp0:
0xc7: {  	_ =	swait.ge [sflag:s26], $0x4000;
	(pc) =	sbr.rel @p0 .LBB2_2-.Ltmp0, $4  }
0xc8: {  	[sflag:s26] =	ssyncset.done $0x0  }
0xc9: {  	[sflag:s26] =	ssyncadd.s32 $0xFFFFC000  }
0xca: {  	_ =	swait.ge [sflag:s30], $0x4000  }
0xcb: {  	s7 =	smov.u32 s6;
	s8 =	smov.u32 s9;
	[sflag:s30] =	ssyncset.done $0x0  }
0xcc: {  	s6 =	sadd.s32 s7, s17;
	[sflag:s30] =	ssyncadd.s32 $0xFFFFC000  }
0xcd: {  	[tilespmem:s3], [sflag:$0x5] =	stream.linear.gather [hbm4b:s6+s3], $0x400, $0x38;
	[tilespmem:$0x1C400] =	vst v63  }
0xce: {  	_ =	swait.ge [sflag:s19], $0x400  }
0xcf: {  	s9 =	rddreg [dreg:$0x4];
	[sflag:s19] =	ssyncset.done $0x0  }
0xd0: {  	s6 =	sadd.s32 s7, s9;
	[sflag:s19] =	ssyncadd.s32 $0xFFFFFC00  }
0xd1: {  	[tilespmem:s20], [sflag:$0x5] =	stream.linear.gather [hbm4b:s6+s3], $0x400, $0x38;
	[tilespmem:$0x1C400] =	vst v63  }
0xd2: {  	_ =	swait.ge [sflag:s19], $0x400  }
0xd3: {  	[sflag:s19] =	ssyncset.done $0x0  }
0xd4: {  	[sflag:s19] =	ssyncadd.s32 $0xFFFFFC00  }
0xd5: {  	[tilespmem:s18], [sflag:$0x1] =	stream.indirect.gather [hbm4b:s4+s21], $0x80, s3, s21, $0xb8;
	[tilespmem:$0x1C400] =	vst v63  }
0xd6: {  	_ =	swait.ge [sflag:s22], $0x4000  }
0xd7: {  	[sflag:s22] =	ssyncset.done $0x0  }
0xd8: {  	[sflag:s22] =	ssyncadd.s32 $0xFFFFC000  }
0xd9: {  	[spmem:s2] =	stream.indirect.scatter.add.f32 [tilespmem:s18], [sflag:$0x3], $0x80, s20, s21, $0xb8;
	[tilespmem:$0x1C400] =	vst v63  }
0xda: {  	_ = 	snop  }
0xdb: {  	[tilespmem:s23], [sflag:$0x2] =	stream.indirect.gather [hbm4b:s4+s21], $0x80, s21, s21, $0xb8;
	[tilespmem:$0x1C400] =	vst v63  }
0xdc: {  	_ =	swait.ge [sflag:s24], $0x4000  }
0xdd: {  	[sflag:s24] =	ssyncset.done $0x0  }
0xde: {  	[sflag:s24] =	ssyncadd.s32 $0xFFFFC000  }
0xdf: {  	[spmem:s2] =	stream.indirect.scatter.add.f32 [tilespmem:s23], [sflag:$0x4], $0x80, s25, s21, $0xb8;
	[tilespmem:$0x1C400] =	vst v63  }
0xe0: {  	_ =	swait.ge [sflag:s26], $0x4000  }
0xe1: {  	[sflag:s26] =	ssyncset.done $0x0  }
0xe2: {  	[sflag:s26] =	ssyncadd.s32 $0xFFFFC000  }
0xe3: {  	[tilespmem:s18], [sflag:$0x1] =	stream.indirect.gather [hbm4b:s4+s21], $0x80, s28, s21, $0xb8;
	[tilespmem:$0x1C400] =	vst v63  }
0xe4: {  	_ =	swait.ge [sflag:s22], $0x4000  }
0xe5: {  	[sflag:s22] =	ssyncset.done $0x0  }
0xe6: {  	[sflag:s22] =	ssyncadd.s32 $0xFFFFC000  }
0xe7: {  	[spmem:s2] =	stream.indirect.scatter.add.f32 [tilespmem:s18], [sflag:$0x3], $0x80, s29, s21, $0xb8;
	[tilespmem:$0x1C400] =	vst v63  }
0xe8: {  	_ =	swait.ge [sflag:s30], $0x4000  }
0xe9: {  	[sflag:s30] =	ssyncset.done $0x0  }
0xea: {  	[sflag:s30] =	ssyncadd.s32 $0xFFFFC000  }
0xeb: {  	[tilespmem:s23], [sflag:$0x2] =	stream.indirect.gather [hbm4b:s4+s21], $0x80, s31, s21, $0xb8;
	[tilespmem:$0x1C400] =	vst v63  }
0xec: {  	_ =	swait.ge [sflag:s24], $0x4000  }
0xed: {  	[sflag:s24] =	ssyncset.done $0x0  }
0xee: {  	[sflag:s24] =	ssyncadd.s32 $0xFFFFC000  }
0xef: {  	[spmem:s2] =	stream.indirect.scatter.add.f32 [tilespmem:s23], [sflag:$0x4], $0x80, s0, s21, $0xb8;
	[tilespmem:$0x1C400] =	vst v63  }
0xf0: {  	_ =	swait.ge [sflag:s26], $0x4000  }
0xf1: {  	[sflag:s26] =	ssyncset.done $0x0  }
0xf2: {  	[sflag:s26] =	ssyncadd.s32 $0xFFFFC000  }
0xf3: {  	[tilespmem:s18], [sflag:$0x1] =	stream.indirect.gather [hbm4b:s4+s21], $0x80, s1, s21, $0xb8;
	[tilespmem:$0x1C400] =	vst v63  }
0xf4: {  	_ =	swait.ge [sflag:s22], $0x4000  }
0xf5: {  	[sflag:s22] =	ssyncset.done $0x0  }
0xf6: {  	[sflag:s22] =	ssyncadd.s32 $0xFFFFC000  }
0xf7: {  	[spmem:s2] =	stream.indirect.scatter.add.f32 [tilespmem:s18], [sflag:$0x3], $0x80, s5, s21, $0xb8;
	[tilespmem:$0x1C400] =	vst v63  }
0xf8: {  	_ =	swait.ge [sflag:s30], $0x4000  }
0xf9: {  	[sflag:s30] =	ssyncset.done $0x0  }
0xfa: {  	[sflag:s30] =	ssyncadd.s32 $0xFFFFC000  }
0xfb: {  	[tilespmem:s23], [sflag:$0x2] =	stream.indirect.gather [hbm4b:s4+s21], $0x80, s11, s21, $0xb8;
	[tilespmem:$0x1C400] =	vst v63  }
0xfc: {  	_ =	swait.ge [sflag:s24], $0x4000  }
0xfd: {  	[sflag:s24] =	ssyncset.done $0x0  }
0xfe: {  	[sflag:s24] =	ssyncadd.s32 $0xFFFFC000  }
0xff: {  	[spmem:s2] =	stream.indirect.scatter.add.f32 [tilespmem:s23], [sflag:$0x4], $0x80, s12, s21, $0xb8;
	[tilespmem:$0x1C400] =	vst v63  }
0x100: {  	_ =	swait.ge [sflag:s26], $0x4000  }
0x101: {  	[sflag:s26] =	ssyncset.done $0x0  }
0x102: {  	[sflag:s26] =	ssyncadd.s32 $0xFFFFC000  }
0x103: {  	[tilespmem:s18], [sflag:$0x1] =	stream.indirect.gather [hbm4b:s4+s21], $0x80, s13, s21, $0xb8;
	[tilespmem:$0x1C400] =	vst v63  }
0x104: {  	_ =	swait.ge [sflag:s22], $0x4000  }
0x105: {  	[sflag:s22] =	ssyncset.done $0x0  }
0x106: {  	[sflag:s22] =	ssyncadd.s32 $0xFFFFC000  }
0x107: {  	[spmem:s2] =	stream.indirect.scatter.add.f32 [tilespmem:s18], [sflag:$0x3], $0x80, s14, s21, $0xb8;
	[tilespmem:$0x1C400] =	vst v63  }
0x108: {  	_ =	swait.ge [sflag:s30], $0x4000  }
0x109: {  	[sflag:s30] =	ssyncset.done $0x0  }
0x10a: {  	[sflag:s30] =	ssyncadd.s32 $0xFFFFC000  }
0x10b: {  	[tilespmem:s23], [sflag:$0x2] =	stream.indirect.gather [hbm4b:s4+s21], $0x80, s15, s21, $0xb8;
	[tilespmem:$0x1C400] =	vst v63  }
0x10c: {  	_ =	swait.ge [sflag:s24], $0x4000  }
0x10d: {  	[sflag:s24] =	ssyncset.done $0x0  }
0x10e: {  	[sflag:s24] =	ssyncadd.s32 $0xFFFFC000  }
0x10f: {  	[spmem:s2] =	stream.indirect.scatter.add.f32 [tilespmem:s23], [sflag:$0x4], $0x80, s16, s21, $0xb8;
	[tilespmem:$0x1C400] =	vst v63  }
0x110: {  	_ =	swait.ge [sflag:s26], $0x4000  }
0x111: {  	[sflag:s26] =	ssyncset.done $0x0  }
0x112: {  	[sflag:s26] =	ssyncadd.s32 $0xFFFFC000  }
0x113: {  	_ =	swait.ge [sflag:s30], $0x4000  }
0x114: {  	[sflag:s30] =	ssyncset.done $0x0  }
0x115: {  	[sflag:s30] =	ssyncadd.s32 $0xFFFFC000  }
0x116: {  	[bflag:$0x0] =	sbarrier.arrive $0xFFFF  }
0x117: {  	s10 =	rddreg [dreg:$0x6]  }
0x118: {  	[tilespmem:s18], [sflag:$0x5] =	stream.linear.gather [spmem:s10], $0x4000, $0x38;
	[tilespmem:$0x1C400] =	vst v63  }
0x119: {  	_ =	swait.ge [sflag:s19], $0x4000  }
0x11a: {  	[sflag:s19] =	ssyncset.done $0x0  }
0x11b: {  	s7 =	rddreg [dreg:$0xb];
	[sflag:s19] =	ssyncadd.s32 $0xFFFFC000  }
0x11c: {  	[hbm4b:s7+s3] =	stream.linear.scatter [tilespmem:s18], [sflag:$0x5], $0x4000, $0x38;
	[tilespmem:$0x1C400] =	vst v63  }
0x11d: {  	_ =	swait.ge [sflag:s19], $0x4000  }
0x11e: {  	[sflag:s19] =	ssyncset.done $0x0  }
0x11f: {  	s7 =	rddreg [dreg:$0x7];
	[sflag:s19] =	ssyncadd.s32 $0xFFFFC000  }
0x120: {  	[tilespmem:s18], [sflag:$0x5] =	stream.linear.gather [spmem:s7], $0x4000, $0x38;
	[tilespmem:$0x1C400] =	vst v63  }
0x121: {  	_ =	swait.ge [sflag:s19], $0x4000  }
0x122: {  	[sflag:s19] =	ssyncset.done $0x0  }
0x123: {  	s8 =	rddreg [dreg:$0xc];
	[sflag:s19] =	ssyncadd.s32 $0xFFFFC000  }
0x124: {  	[hbm4b:s8+s3] =	stream.linear.scatter [tilespmem:s18], [sflag:$0x5], $0x4000, $0x38;
	[tilespmem:$0x1C400] =	vst v63  }
0x125: {  	_ =	swait.ge [sflag:s19], $0x4000  }
0x126: {  	[sflag:s19] =	ssyncset.done $0x0  }
0x127: {  	s8 =	rddreg [dreg:$0x8];
	[sflag:s19] =	ssyncadd.s32 $0xFFFFC000  }
0x128: {  	[tilespmem:s18], [sflag:$0x5] =	stream.linear.gather [spmem:s8], $0x4000, $0x38;
	[tilespmem:$0x1C400] =	vst v63  }
0x129: {  	_ =	swait.ge [sflag:s19], $0x4000  }
0x12a: {  	[sflag:s19] =	ssyncset.done $0x0  }
0x12b: {  	s9 =	rddreg [dreg:$0xd];
	[sflag:s19] =	ssyncadd.s32 $0xFFFFC000  }
0x12c: {  	[hbm4b:s9+s3] =	stream.linear.scatter [tilespmem:s18], [sflag:$0x5], $0x4000, $0x38;
	[tilespmem:$0x1C400] =	vst v63  }
0x12d: {  	_ =	swait.ge [sflag:s19], $0x4000  }
0x12e: {  	[sflag:s19] =	ssyncset.done $0x0  }
0x12f: {  	s9 =	rddreg [dreg:$0x9];
	[sflag:s19] =	ssyncadd.s32 $0xFFFFC000  }
0x130: {  	[tilespmem:s18], [sflag:$0x5] =	stream.linear.gather [spmem:s9], $0x4000, $0x38;
	[tilespmem:$0x1C400] =	vst v63  }
0x131: {  	_ =	swait.ge [sflag:s19], $0x4000  }
0x132: {  	[sflag:s19] =	ssyncset.done $0x0  }
0x133: {  	s10 =	rddreg [dreg:$0xe];
	[sflag:s19] =	ssyncadd.s32 $0xFFFFC000  }
0x134: {  	[hbm4b:s10+s3] =	stream.linear.scatter [tilespmem:s18], [sflag:$0x5], $0x4000, $0x38;
	[tilespmem:$0x1C400] =	vst v63  }
0x135: {  	_ =	swait.ge [sflag:s19], $0x4000  }
0x136: {  	[sflag:s19] =	ssyncset.done $0x0  }
0x137: {  	s10 =	rddreg [dreg:$0xa];
	[sflag:s19] =	ssyncadd.s32 $0xFFFFC000  }
0x138: {  	[tilespmem:s18], [sflag:$0x5] =	stream.linear.gather [spmem:s10], $0x3C00, $0x38;
	[tilespmem:$0x1C400] =	vst v63  }
0x139: {  	_ =	swait.ge [sflag:s19], $0x3C00  }
0x13a: {  	[sflag:s19] =	ssyncset.done $0x0  }
0x13b: {  	s10 =	rddreg [dreg:$0xf];
	[sflag:s19] =	ssyncadd.s32 $0xFFFFC400  }
0x13c: {  	[hbm4b:s10+s3] =	stream.linear.scatter [tilespmem:s18], [sflag:$0x5], $0x3C00, $0x38;
	[tilespmem:$0x1C400] =	vst v63  }
0x13d: {  	_ =	swait.ge [sflag:s19], $0x3C00  }
0x13e: {  	s10 =	rddreg [dreg:$0x11]  }
0x13f: {  	s6 =	rddreg [dreg:$0x10];
	s10 =	sadd.s32 $0x1, s10  }
0x140: {  	p0 =	sne.s32 s10, s6  }
.Ltmp1:
0x141: {  	_ = 	snop;
	(pc) =	sbr.rel @p0 .LBB2_1-.Ltmp1, $3  }
0x142: {  	_ =	sdelay $0x1  }
0x143: {  	[sflag:s19] =	ssyncset.done $0x0;
	[dreg:$0x11] =	wrdreg s10  }
0x144: {  	[sflag:s19] =	ssyncadd.s32 $0xFFFFC400;
	s10 =	rddreg [dreg:$0x6]  }
0x145: {  	_ =	sfence.sel $0x180000  }
0x146: {  	[bflag:$0x0] =	sbarrier.arrive $0xFFFF  }
0x147: {  	_ =	strace $0x9000004D  }
0x148: {  	s0 =	stileid.u32;
	[bflag:$0x2] =	sbarrier.arrive $0xFFFF  }
0x149: {  	p0 =	sne.s32 s0, $0x0;
	s0 =	rddreg [dreg:$0x3]  }
0x14a: {  	s0 =	sadd.s32 @!p0 $0x100000, s0  }
0x14b: {  	[sflag:s0] =	ssyncadd.tile.s32 @!p0 $0x1;
	_ =	shalt  }
.Lfunc_end2:
_tile_overlayer_lowered:
.L_overlay_start_2:
0x14c: {  	(tag) =	ssettag $0x2  }
0x14d: {  	s0 =	rddreg [dreg:$0x0];
	s2 =	stileid.u32  }
0x14e: {  	s1 =	rddreg [dreg:$0x1];
	p0 =	sne.s32 s2, $0x0  }
0x14f: {  	s3 =	rddreg [dreg:$0x2];
	[bflag:$0x3] =	sbarrier.arrive $0xFFFF;
	s2 =	simm.s32 @!p0 $0x1C05  }
0x150: {  	[timem:s3], [sflag:s2] =	dma.local @!p0 [hbm:s0], s1  }
0x151: {  	s0 =	simm.s32 @!p0 $0x5  }
0x152: {  	_ =	swait.ge @!p0 [sflag:s0], s1  }
0x153: {  	s1 =	ssub.s32 @!p0 $0x0, s1;
	[sflag:s0] =	ssyncset.done @!p0 $0x0  }
0x154: {  	[sflag:s0] =	ssyncadd.s32 @!p0 s1  }
0x155: {  	[bflag:$0x3] =	sbarrier.arrive $0xFFFF  }
0x156: {  	_ =	shalt  }

// kernel: kernel.7.cloned.1.call-start
scs
__scs_entry_jumppad:
0x0: {  	(pc) =	sbr.rel $0x88, $3  }
0x1: {  	(tag) =	ssettag $0x0;
	lr =	simm.s32 $0x1  }
0x2: {  	[smem:$0x3F99] =	sst lr;
	_ =	strace $0xD0000000  }
0x3: {  	_ = 	snop  }
0x4: {  	_ = 	snop  }
0x5: {  	_ = 	snop  }
0x6: {  	_ = 	snop  }
0x7: {  	_ = 	snop  }
__scs_overlays_trampoline_lowered:
0x8: {  	[smem:$0x3FA8] =	sst s0  }
0x9: {  	[smem:$0x3FA9] =	sst s1  }
0xa: {  	[smem:$0x3FAA] =	sst s2  }
0xb: {  	[smem:$0x3FAB] =	sst s3  }
0xc: {  	[smem:$0x3FAC] =	sst s4  }
0xd: {  	[smem:$0x3FAD] =	sst s5  }
0xe: {  	[smem:$0x3FAE] =	sst s6  }
0xf: {  	[smem:$0x3FAF] =	sst s7  }
0x10: {  	[smem:$0x3FB0] =	sst s8  }
0x11: {  	[smem:$0x3FB1] =	sst s9;
	s0 =	simm.s32 @!p0 $0x0  }
0x12: {  	s1 =	sld [smem:$0x3F97];
	s0 =	simm.s32 @p0 $0x1  }
0x13: {  	[smem:$0x3FB2] =	sst s0;
	s0 =	simm.s32 @!p1 $0x0  }
0x14: {  	s2 =	sld [smem:$0x3F96];
	s0 =	simm.s32 @p1 $0x1  }
0x15: {  	[smem:$0x3FB3] =	sst s0;
	s0 =	simm.s32 @!p2 $0x0  }
0x16: {  	s3 =	sld [smem:$0x3FDB];
	s0 =	simm.s32 @p2 $0x1  }
0x17: {  	s4 =	simm.s32 $0x1BF5;
	[smem:$0x3FB5] =	sst s0  }
0x18: {  	s0 =	sld [smem:$0x3F98];
	_ =	swait.ge [sflag:s4], $0x0  }
0x19: {  	s7 =	sld [smem:$0x3F99]  }
0x1a: {  	s8 =	sadd.s32 $0xFFFFE003, lr  }
0x1b: {  	s9 =	sadd.s32 $0xFFFFFEF7, lr;
	s5 =	simm.s32 $0xFFFFFFFF;
	p2 =	slt.u32 s8, $0xFFFFF086  }
0x1c: {  	p1 =	slt.u32 s9, $0xF7A;
	s5 =	simm.s32 @!p2 $0x0  }
0x1d: {  	s5 =	simm.s32 @p1 $0x1;
	p0 =	seq.s32 s7, s2  }
0x1e: {  	s7 =	smul.u32 @!p0 $0xF7A, s2;
	p2 =	seq.s32 @!p0 s5, $0x0  }
0x1f: {  	s9 =	smul.u32 $0xF7A, s1;
	s8 =	simm.s32 @!p0 $0x1BF5;
	p2 =	por !p2, p0  }
0x20: {  	[sflag:s8] =	ssyncset.s32 @!p0 $0xFFFFF086;
	s6 =	sadd.s32 @!p0 s3, s7;
	s7 =	simm.s32 @!p0 $0x108  }
0x21: {  	s3 =	sadd.s32 s3, s9;
	s6 =	sadd.s32 @!p0 $0x88, s6;
	s7 =	simm.s32 @p2 $0x1082  }
0x22: {  	[simem:s7], [sflag:s8] =	dma.local @!p0 [hbm:s6], $0xF7A  }
0x23: {  	s9 =	sor.u32 $0xD0000000, s2;
	s6 =	simm.s32 $0x108;
	_ =	swait.ge @!p0 [sflag:s8], $0x0  }
0x24: {  	s3 =	sadd.s32 $0x88, s3;
	s6 =	simm.s32 @!p1 $0x1082;
	[sflag:s4] =	ssyncset.s32 $0xFFFFF086  }
0x25: {  	[simem:s6], [sflag:s4] =	dma.local [hbm:s3], $0xF7A  }
0x26: {  	[smem:$0x3F99] =	sst s1;
	(tag) =	ssettag s2;
	_ =	strace s9  }
0x27: {  	s1 =	sld [smem:$0x3FA9]  }
0x28: {  	s2 =	sld [smem:$0x3FAA]  }
0x29: {  	s4 =	sld [smem:$0x3FAC]  }
0x2a: {  	p0 =	seq.s32 s5, $0x0;
	s5 =	sld [smem:$0x3FAD]  }
0x2b: {  	s6 =	sld [smem:$0x3FAE]  }
0x2c: {  	s7 =	sld [smem:$0x3FAF]  }
0x2d: {  	s3 =	simm.s32 $0x108;
	s8 =	sld [smem:$0x3FB0]  }
0x2e: {  	s3 =	simm.s32 @!p0 $0x1082;
	s9 =	sld [smem:$0x3FB1]  }
0x2f: {  	lr =	sadd.s32 s0, s3;
	s0 =	sld [smem:$0x3FA8]  }
0x30: {  	s3 =	sld [smem:$0x3FAB]  }
0x31: {  	[smem:$0x3FB4] =	sst s10  }
0x32: {  	s10 =	sld [smem:$0x3FB2];
	_ =	sdelay $0x3  }
0x33: {  	p0 =	seq.s32 s10, $0x1;
	s10 =	sld [smem:$0x3FB4];
	_ =	sdelay $0x3  }
0x34: {  	[smem:$0x3FB4] =	sst s10  }
0x35: {  	s10 =	sld [smem:$0x3FB3];
	_ =	sdelay $0x3  }
0x36: {  	p1 =	seq.s32 s10, $0x1;
	s10 =	sld [smem:$0x3FB4];
	_ =	sdelay $0x3  }
0x37: {  	[smem:$0x3FB4] =	sst s10  }
0x38: {  	s10 =	sld [smem:$0x3FB5]  }
0x39: {  	_ = 	snop;
	(pc) =	sbr.ind lr, $3  }
0x3a: {  	_ = 	snop  }
0x3b: {  	_ = 	snop  }
0x3c: {  	p2 =	seq.s32 s10, $0x1;
	s10 =	sld [smem:$0x3FB4]  }
0x3d: {  	_ =	shalt  }
0x3e: {  	_ =	shalt  }
0x3f: {  	_ =	shalt  }
0x40: {  	_ =	shalt  }
0x41: {  	_ =	shalt  }
0x42: {  	_ =	shalt  }
0x43: {  	_ =	shalt  }
0x44: {  	_ =	shalt  }
0x45: {  	_ =	shalt  }
0x46: {  	_ =	shalt  }
0x47: {  	_ =	shalt  }
0x48: {  	_ =	shalt  }
0x49: {  	_ =	shalt  }
0x4a: {  	_ =	shalt  }
0x4b: {  	_ =	shalt  }
0x4c: {  	_ =	shalt  }
0x4d: {  	_ =	shalt  }
0x4e: {  	_ =	shalt  }
0x4f: {  	_ =	shalt  }
0x50: {  	_ =	shalt  }
0x51: {  	_ =	shalt  }
0x52: {  	_ =	shalt  }
0x53: {  	_ =	shalt  }
0x54: {  	_ =	shalt  }
0x55: {  	_ =	shalt  }
0x56: {  	_ =	shalt  }
0x57: {  	_ =	shalt  }
0x58: {  	_ =	shalt  }
0x59: {  	_ =	shalt  }
0x5a: {  	_ =	shalt  }
0x5b: {  	_ =	shalt  }
0x5c: {  	_ =	shalt  }
0x5d: {  	_ =	shalt  }
0x5e: {  	_ =	shalt  }
0x5f: {  	_ =	shalt  }
0x60: {  	_ =	shalt  }
0x61: {  	_ =	shalt  }
0x62: {  	_ =	shalt  }
0x63: {  	_ =	shalt  }
0x64: {  	_ =	shalt  }
0x65: {  	_ =	shalt  }
0x66: {  	_ =	shalt  }
0x67: {  	_ =	shalt  }
0x68: {  	_ =	shalt  }
0x69: {  	_ =	shalt  }
0x6a: {  	_ =	shalt  }
0x6b: {  	_ =	shalt  }
0x6c: {  	_ =	shalt  }
0x6d: {  	_ =	shalt  }
0x6e: {  	_ =	shalt  }
0x6f: {  	_ =	shalt  }
0x70: {  	_ =	shalt  }
0x71: {  	_ =	shalt  }
0x72: {  	_ =	shalt  }
0x73: {  	_ =	shalt  }
0x74: {  	_ =	shalt  }
0x75: {  	_ =	shalt  }
0x76: {  	_ =	shalt  }
0x77: {  	_ =	shalt  }
0x78: {  	_ =	shalt  }
0x79: {  	_ =	shalt  }
0x7a: {  	_ =	shalt  }
0x7b: {  	_ =	shalt  }
0x7c: {  	_ =	shalt  }
0x7d: {  	_ =	shalt  }
0x7e: {  	_ =	shalt  }
0x7f: {  	_ =	shalt  }
0x80: {  	_ =	shalt  }
0x81: {  	_ =	shalt  }
0x82: {  	_ =	shalt  }
0x83: {  	_ =	shalt  }
0x84: {  	_ =	shalt  }
0x85: {  	_ =	shalt  }
0x86: {  	_ =	shalt  }
0x87: {  	_ =	shalt  }
.Lfunc_end0:
.L_simem_size_0:
called_computation_lowered:
.L_overlay_start_0:
0x88: {  	s2 =	sld [smem:$0x3FD9]  }
0x89: {  	s3 =	sld [smem:$0x3FFE];
	_ =	sdelay $0x1  }
0x8a: {  	s1 =	srdreg.scid  }
0x8b: {  	s0 =	sand.u32 $0x1, s1  }
0x8c: {  	s17 =	sshll.u32 s0, $0xA;
	s2 =	sadd.s32 s3, s2  }
0x8d: {  	s2 =	sadd.s32 s2, s17  }
0x8e: {  	[smem:$0x3FC0] =	sst s2  }
0x8f: {  	_ = 	snop  }
0x90: {  	(tm) =	ssettm $0x1  }
0x91: {  	s18 =	sld [smem:$0x3FFB];
	_ =	sdelay $0x3  }
0x92: {  	_ =	strace s18  }
0x93: {  	s2 =	sld [smem:$0x3FFC];
	_ =	sdelay $0x3  }
0x94: {  	_ =	strace s2  }
0x95: {  	s2 =	sld [smem:$0x3FFD];
	_ =	sdelay $0x3  }
0x96: {  	_ =	strace s2  }
0x97: {  	_ =	strace $0x8FFFFFFF  }
0x98: {  	s19 =	sld [smem:$0x3FDB];
	_ =	sdelay $0x1  }
0x99: {  	s20 =	simm.s32 $_scs_section_size  }
0x9a: {  	s4 =	simm.s32 $_size__tile_overlayer_lowered;
	s5 =	simm.s32 $_tile_overlayer_lowered  }
0x9b: {  	s6 =	simm.s32 $0x1BFF;
	s21 =	sshll.u32 s5, $0x1;
	s3 =	sadd.s32 s20, s19  }
0x9c: {  	s22 =	simm.s32 $0x0;
	s4 =	sshll.u32 s4, $0x1;
	s5 =	sadd.s32 s21, s3  }
0x9d: {  	[timem:s22], [sflag:s6] =	dma.local [hbm:s5], s4  }
0x9e: {  	_ =	swait.ge [sflag:s6], s4  }
0x9f: {  	s4 =	ssub.s32 $0x0, s4;
	[sflag:s6] =	ssyncset.done $0x0  }
0xa0: {  	[sflag:s6] =	ssyncadd.s32 s4;
	_ =	sdelay $0x1  }
0xa1: {  	s23 =	simm.s32 $0x1B8B  }
0xa2: {  	_ =	swait.ge [sflag:s23], $0x1  }
0xa3: {  	[sflag:s23] =	ssyncset.done $0x0  }
0xa4: {  	[sflag:s23] =	ssyncadd.s32 $0xFFFFFFFF  }
0xa5: {  	s4 =	sld [smem:$0x0]  }
0xa6: {  	s5 =	sand.u32 $0xFFFFFFFE, s1  }
0xa7: {  	p0 =	sne.s32 s1, s5  }
0xa8: {  	s5 =	sshll.u32 @p0 s5, $0xE  }
0xa9: {  	s5 =	sadd.s32 @p0 $0x11B8D, s5;
	s6 =	sshll.u32 @p0 s4, $0x11  }
0xaa: {  	s5 =	sor.u32 @p0 s6, s5  }
0xab: {  	[sflag:s5] =	ssyncadd.remote.s32 @p0 $0x1;
	_ =	sdelay $0x1  }
0xac: {  	s5 =	simm.s32 @p0 $0x1B8D  }
0xad: {  	_ =	swait.eq @p0 [sflag:s5], $0x1  }
0xae: {  	[sflag:s5] =	ssyncadd.s32 @p0 $0xFFFFFFFF  }
0xaf: {  	s6 =	sshll.u32 @!p0 s1, $0xE  }
0xb0: {  	s6 =	sor.u32 @!p0 $0x4000, s6;
	s5 =	simm.s32 @!p0 $0x1B8D  }
0xb1: {  	s4 =	sshll.u32 @!p0 s4, $0x11;
	s6 =	sadd.s32 @!p0 $0x11B8D, s6;
	_ =	swait.eq @!p0 [sflag:s5], $0x1  }
0xb2: {  	s4 =	sor.u32 @!p0 s4, s6;
	[sflag:s5] =	ssyncadd.s32 @!p0 $0xFFFFFFFF  }
0xb3: {  	s25 =	simm.s32 $0x1B8E;
	s24 =	sld [smem:$0x3FFE];
	[sflag:s4] =	ssyncadd.remote.s32 @!p0 $0x1  }
0xb4: {  	s26 =	simm.s32 $execute0_lowered;
	[smem:$0x3FD2] =	sst s25  }
0xb5: {  	s5 =	sshll.u32 s26, $0x1;
	_ =	strace $0x80000049;
	[dreg:$0x1] =	wrdreg $0xFFFFFFFF  }
0xb6: {  	s28 =	simm.s32 $_size_execute0_lowered;
	s3 =	sadd.s32 s3, s5;
	[dreg:$0x0] =	wrdreg $0x0  }
0xb7: {  	s5 =	sshll.u32 s28, $0x1;
	[dreg:$0x2] =	wrdreg s3  }
0xb8: {  	[dreg:$0x3] =	wrdreg s5  }
0xb9: {  	[dreg:$0x4] =	wrdreg $0xC0  }
0xba: {  	_ =	task [dreg:s22], $0x5FFFF  }
0xbb: {  	[dreg:$0x1] =	wrdreg $0xFFFFFFFF  }
0xbc: {  	[dreg:$0x0] =	wrdreg $0x60  }
0xbd: {  	[dreg:$0x2] =	wrdreg s24  }
0xbe: {  	[dreg:$0x3] =	wrdreg $0x44000  }
0xbf: {  	[dreg:$0x4] =	wrdreg $0x9  }
0xc0: {  	_ =	task.clear_ibuf [dreg:s22], $0x5FFFF;
	_ =	strace $0x90000049  }
0xc1: {  	s29 =	simm.s32 $0x9;
	_ =	strace $0x8000004B  }
0xc2: {  	_ =	swait.ge [sflag:s29], $0x1  }
0xc3: {  	[sflag:s29] =	ssyncadd.s32 $0xFFFFFFFF  }
0xc4: {  	_ =	strace $0x9000004B  }
0xc5: {  	_ =	sfence  }
0xc6: {  	s30 =	sld [smem:$0x0];
	_ =	sdelay $0x2  }
0xc7: {  	s31 =	sshll.u32 s1, $0xD;
	s1 =	sshrl.u32 s1, $0x2  }
0xc8: {  	s4 =	sand.u32 $0x4000, s31;
	s1 =	sadd.s32 s1, s30  }
0xc9: {  	s0 =	sor.u32 s4, s0;
	s1 =	sshll.u32 s1, $0x11  }
0xca: {  	s0 =	sor.u32 s1, s0  }
0xcb: {  	s0 =	sadd.s32 $0x8F2B, s0  }
0xcc: {  	[sflag:s0] =	ssyncadd.remote.s32 $0x1  }
0xcd: {  	_ =	sfence.sel $0xFFFF  }
0xce: {  	[dreg:$0x0] =	wrdreg $0xFFFFFFFF;
	(pc) =	sbr.abs _section_cstart, $3  }
0xcf: {  	[dreg:$0x1] =	wrdreg $0xFFFFFFFF  }
0xd0: {  	_ =	task.clear_ibuf [dreg:s22], $0x2FFFF;
	_ =	strace $0x9FFFFFFF  }
0xd1: {  	(tm) =	ssettm $0x7FFFFFFF  }
tec
execute0_lowered:
.L_overlay_start_1:
0x0: {  	(tag) =	ssettag $0x1  }
0x1: {  	s0 =	srdreg.scid  }
0x2: {  	s1 =	rddreg [dreg:$0x0];
	s24 =	stileid.u32  }
0x3: {  	s2 =	rddreg [dreg:$0x1];
	s3 =	simm.s32 $0x0;
	s20 =	simm.s32 $0x80  }
0x4: {  	s21 =	simm.s32 $0x100;
	s22 =	simm.s32 $0x180;
	s23 =	simm.s32 $0x200  }
0x5: {  	s28 =	simm.s32 $0x1;
	s29 =	simm.s32 $0x0;
	s5 =	smul.u32 $0x2800, s24  }
0x6: {  	s7 =	sand.u32 $0x1, s0;
	[smem:$0x7FF] =	sst s3;
	s6 =	smul.u32 $0x4F000, s24  }
0x7: {  	s10 =	smul.u32 $0x13C00, s24;
	s15 =	sadd.s32 $0x5D000, s1;
	s24 =	simm.s32 $0x280  }
0x8: {  	s4 =	smul.u32 $0x28000, s7;
	_ =	strace $0x8000004A;
	s25 =	ssub.s32 $0x2, s7  }
0x9: {  	s18 =	smul.u32 $0x13C000, s7;
	s8 =	sshrl.u32 s25, $0x1;
	s6 =	sshrl.u32 s6, $0x2  }
0xa: {  	s26 =	sadd.s32 $0x4000, s10;
	s13 =	sadd.s32 $0x8000, s10;
	s14 =	sadd.s32 $0xC000, s10  }
0xb: {  	s19 =	sadd.s32 $0x10000, s10;
	s4 =	sadd.s32 s5, s4;
	s16 =	ssub.s32 s25, s8  }
0xc: {  	s5 =	sadd.s32 $0x5C800, s1;
	s6 =	sadd.s32 s6, s2;
	s7 =	sadd.s32 s26, s2  }
0xd: {  	s8 =	sadd.s32 s13, s2;
	s9 =	sadd.s32 s14, s2;
	s11 =	sadd.s32 s10, s18  }
0xe: {  	s10 =	sadd.s32 s19, s2;
	s30 =	sadd.s32 s18, s13;
	s14 =	sadd.s32 s18, s14  }
0xf: {  	s25 =	simm.s32 $0x300;
	s4 =	sshrl.u32 s4, $0x3;
	s11 =	sshrl.u32 s11, $0x3  }
0x10: {  	s31 =	sshrl.u32 s14, $0x3;
	s16 =	smax.u32 s16, $0x1;
	s17 =	sadd.s32 s4, s1  }
0x11: {  	s4 =	sadd.s32 $0x5C000, s1;
	s1 =	sadd.s32 s18, s26;
	s11 =	sadd.s32 s15, s11  }
0x12: {  	s18 =	sadd.s32 s18, s19;
	s14 =	sadd.s32 s15, s31;
	s19 =	simm.s32 $0x2  }
0x13: {  	s26 =	simm.s32 $0x380;
	s1 =	sshrl.u32 s1, $0x3;
	s18 =	sshrl.u32 s18, $0x3  }
0x14: {  	s17 =	sadd.s32 $0x2800, s17;
	s12 =	sadd.s32 s15, s1;
	s1 =	sshrl.u32 s30, $0x3  }
0x15: {  	s13 =	sadd.s32 s15, s1;
	s15 =	sadd.s32 s15, s18;
	s18 =	simm.s32 $0x400  }
.LBB2_1:
0x16: {  	[tilespmem:s18], [sflag:$0x2] =	stream.linear.gather [hbm4b:s5+s3], $0x4000, $0x38;
	[tilespmem:$0x9300] =	vst v63  }
0x17: {  	_ =	swait.ge [sflag:s19], $0x4000  }
0x18: {  	[sflag:s19] =	ssyncset.done $0x0  }
0x19: {  	[sflag:s19] =	ssyncadd.s32 $0xFFFFC000  }
0x1a: {  	[spmem:s6] =	stream.linear.scatter [tilespmem:s18], [sflag:$0x2], $0x4000, $0x38;
	[tilespmem:$0x9300] =	vst v63  }
0x1b: {  	_ =	swait.ge [sflag:s19], $0x4000  }
0x1c: {  	[sflag:s19] =	ssyncset.done $0x0  }
0x1d: {  	[sflag:s19] =	ssyncadd.s32 $0xFFFFC000  }
0x1e: {  	[spmem:s7] =	stream.linear.scatter [tilespmem:s18], [sflag:$0x2], $0x4000, $0x38;
	[tilespmem:$0x9300] =	vst v63  }
0x1f: {  	_ =	swait.ge [sflag:s19], $0x4000  }
0x20: {  	[sflag:s19] =	ssyncset.done $0x0  }
0x21: {  	[sflag:s19] =	ssyncadd.s32 $0xFFFFC000  }
0x22: {  	[spmem:s8] =	stream.linear.scatter [tilespmem:s18], [sflag:$0x2], $0x4000, $0x38;
	[tilespmem:$0x9300] =	vst v63  }
0x23: {  	_ =	swait.ge [sflag:s19], $0x4000  }
0x24: {  	[sflag:s19] =	ssyncset.done $0x0  }
0x25: {  	[sflag:s19] =	ssyncadd.s32 $0xFFFFC000  }
0x26: {  	[spmem:s9] =	stream.linear.scatter [tilespmem:s18], [sflag:$0x2], $0x4000, $0x38;
	[tilespmem:$0x9300] =	vst v63  }
0x27: {  	_ =	swait.ge [sflag:s19], $0x4000  }
0x28: {  	[sflag:s19] =	ssyncset.done $0x0  }
0x29: {  	[sflag:s19] =	ssyncadd.s32 $0xFFFFC000  }
0x2a: {  	[spmem:s10] =	stream.linear.scatter [tilespmem:s18], [sflag:$0x2], $0x3C00, $0x38;
	[tilespmem:$0x9300] =	vst v63  }
0x2b: {  	_ =	swait.ge [sflag:s19], $0x3C00  }
0x2c: {  	[sflag:s19] =	ssyncset.done $0x0  }
0x2d: {  	[sflag:s19] =	ssyncadd.s32 $0xFFFFC400  }
0x2e: {  	[tilespmem:s18], [sflag:$0x2] =	stream.linear.gather [hbm4b:s4+s3], $0x4000, $0x38;
	[tilespmem:$0x9300] =	vst v63  }
0x2f: {  	_ =	swait.ge [sflag:s19], $0x4000  }
0x30: {  	[sflag:s19] =	ssyncset.done $0x0  }
0x31: {  	[sflag:s19] =	ssyncadd.s32 $0xFFFFC000  }
0x32: {  	s1 =	sadd.s32 $0x0, s17;
	[bflag:$0x0] =	sbarrier.arrive $0xFFFF  }
0x33: {  	[tilespmem:s3], [sflag:$0x2] =	stream.linear.gather [hbm4b:s1+s3], $0x400, $0x38;
	[tilespmem:$0x9300] =	vst v63  }
0x34: {  	_ =	swait.ge [sflag:s19], $0x400  }
0x35: {  	[sflag:s19] =	ssyncset.done $0x0  }
0x36: {  	[sflag:s19] =	ssyncadd.s32 $0xFFFFFC00  }
0x37: {  	[spmem:s2] =	stream.indirect.scatter.add.f32 [tilespmem:s18], [sflag:$0x1], $0x20, s3, s20, $0xb8;
	[tilespmem:$0x9300] =	vst v63  }
0x38: {  	_ = 	snop  }
0x39: {  	[spmem:s2] =	stream.indirect.scatter.add.f32 [tilespmem:s18], [sflag:$0x1], $0x20, s20, s20, $0xb8;
	[tilespmem:$0x9300] =	vst v63  }
0x3a: {  	_ = 	snop  }
0x3b: {  	[spmem:s2] =	stream.indirect.scatter.add.f32 [tilespmem:s18], [sflag:$0x1], $0x20, s21, s20, $0xb8;
	[tilespmem:$0x9300] =	vst v63  }
0x3c: {  	_ = 	snop  }
0x3d: {  	[spmem:s2] =	stream.indirect.scatter.add.f32 [tilespmem:s18], [sflag:$0x1], $0x20, s22, s20, $0xb8;
	[tilespmem:$0x9300] =	vst v63  }
0x3e: {  	_ = 	snop  }
0x3f: {  	[spmem:s2] =	stream.indirect.scatter.add.f32 [tilespmem:s18], [sflag:$0x1], $0x20, s23, s20, $0xb8;
	[tilespmem:$0x9300] =	vst v63  }
0x40: {  	_ = 	snop  }
0x41: {  	[spmem:s2] =	stream.indirect.scatter.add.f32 [tilespmem:s18], [sflag:$0x1], $0x20, s24, s20, $0xb8;
	[tilespmem:$0x9300] =	vst v63  }
0x42: {  	_ = 	snop  }
0x43: {  	[spmem:s2] =	stream.indirect.scatter.add.f32 [tilespmem:s18], [sflag:$0x1], $0x20, s25, s20, $0xb8;
	[tilespmem:$0x9300] =	vst v63  }
0x44: {  	_ = 	snop  }
0x45: {  	[spmem:s2] =	stream.indirect.scatter.add.f32 [tilespmem:s18], [sflag:$0x1], $0x20, s26, s20, $0xb8;
	[tilespmem:$0x9300] =	vst v63  }
0x46: {  	_ =	swait.ge [sflag:s28], $0x1000  }
0x47: {  	[sflag:s28] =	ssyncset.done $0x0  }
0x48: {  	[sflag:s28] =	ssyncadd.s32 $0xFFFFF000  }
0x49: {  	_ =	swait.ge [sflag:s28], $0x1000  }
0x4a: {  	[sflag:s28] =	ssyncset.done $0x0  }
0x4b: {  	[sflag:s28] =	ssyncadd.s32 $0xFFFFF000  }
0x4c: {  	_ =	swait.ge [sflag:s28], $0x1000  }
0x4d: {  	[sflag:s28] =	ssyncset.done $0x0  }
0x4e: {  	[sflag:s28] =	ssyncadd.s32 $0xFFFFF000  }
0x4f: {  	_ =	swait.ge [sflag:s28], $0x1000  }
0x50: {  	[sflag:s28] =	ssyncset.done $0x0  }
0x51: {  	[sflag:s28] =	ssyncadd.s32 $0xFFFFF000  }
0x52: {  	_ =	swait.ge [sflag:s28], $0x1000  }
0x53: {  	[sflag:s28] =	ssyncset.done $0x0  }
0x54: {  	[sflag:s28] =	ssyncadd.s32 $0xFFFFF000  }
0x55: {  	_ =	swait.ge [sflag:s28], $0x1000  }
0x56: {  	[sflag:s28] =	ssyncset.done $0x0  }
0x57: {  	[sflag:s28] =	ssyncadd.s32 $0xFFFFF000  }
0x58: {  	_ =	swait.ge [sflag:s28], $0x1000  }
0x59: {  	[sflag:s28] =	ssyncset.done $0x0  }
0x5a: {  	[sflag:s28] =	ssyncadd.s32 $0xFFFFF000  }
0x5b: {  	_ =	swait.ge [sflag:s28], $0x1000  }
0x5c: {  	s30 =	simm.s32 $0x80;
	s31 =	simm.s32 $0x100;
	[sflag:s28] =	ssyncset.done $0x0  }
.LBB2_2:
0x5d: {  	s0 =	sadd.s32 s30, s17  }
0x5e: {  	[sflag:s28] =	ssyncadd.s32 $0xFFFFF000;
	s30 =	smov.u32 s31;
	s1 =	sadd.s32 $0x80, s31  }
0x5f: {  	[tilespmem:s3], [sflag:$0x2] =	stream.linear.gather [hbm4b:s0+s3], $0x400, $0x38;
	[tilespmem:$0x9300] =	vst v63  }
0x60: {  	p0 =	sne.s32 s31, $0x480;
	_ =	swait.ge [sflag:s19], $0x400  }
0x61: {  	[sflag:s19] =	ssyncset.done $0x0  }
0x62: {  	[sflag:s19] =	ssyncadd.s32 $0xFFFFFC00  }
0x63: {  	[spmem:s2] =	stream.indirect.scatter.add.f32 [tilespmem:s18], [sflag:$0x1], $0x20, s3, s20, $0xb8;
	[tilespmem:$0x9300] =	vst v63  }
0x64: {  	_ = 	snop  }
0x65: {  	[spmem:s2] =	stream.indirect.scatter.add.f32 [tilespmem:s18], [sflag:$0x1], $0x20, s20, s20, $0xb8;
	[tilespmem:$0x9300] =	vst v63  }
0x66: {  	_ = 	snop  }
0x67: {  	[spmem:s2] =	stream.indirect.scatter.add.f32 [tilespmem:s18], [sflag:$0x1], $0x20, s21, s20, $0xb8;
	[tilespmem:$0x9300] =	vst v63  }
0x68: {  	_ = 	snop  }
0x69: {  	[spmem:s2] =	stream.indirect.scatter.add.f32 [tilespmem:s18], [sflag:$0x1], $0x20, s22, s20, $0xb8;
	[tilespmem:$0x9300] =	vst v63  }
0x6a: {  	_ = 	snop  }
0x6b: {  	[spmem:s2] =	stream.indirect.scatter.add.f32 [tilespmem:s18], [sflag:$0x1], $0x20, s23, s20, $0xb8;
	[tilespmem:$0x9300] =	vst v63  }
0x6c: {  	_ = 	snop  }
0x6d: {  	[spmem:s2] =	stream.indirect.scatter.add.f32 [tilespmem:s18], [sflag:$0x1], $0x20, s24, s20, $0xb8;
	[tilespmem:$0x9300] =	vst v63  }
0x6e: {  	_ = 	snop  }
0x6f: {  	[spmem:s2] =	stream.indirect.scatter.add.f32 [tilespmem:s18], [sflag:$0x1], $0x20, s25, s20, $0xb8;
	[tilespmem:$0x9300] =	vst v63  }
0x70: {  	_ = 	snop  }
0x71: {  	[spmem:s2] =	stream.indirect.scatter.add.f32 [tilespmem:s18], [sflag:$0x1], $0x20, s26, s20, $0xb8;
	[tilespmem:$0x9300] =	vst v63  }
0x72: {  	_ =	swait.ge [sflag:s28], $0x1000  }
0x73: {  	[sflag:s28] =	ssyncset.done $0x0  }
0x74: {  	[sflag:s28] =	ssyncadd.s32 $0xFFFFF000  }
0x75: {  	_ =	swait.ge [sflag:s28], $0x1000  }
0x76: {  	[sflag:s28] =	ssyncset.done $0x0  }
0x77: {  	[sflag:s28] =	ssyncadd.s32 $0xFFFFF000  }
0x78: {  	_ =	swait.ge [sflag:s28], $0x1000  }
0x79: {  	[sflag:s28] =	ssyncset.done $0x0  }
0x7a: {  	[sflag:s28] =	ssyncadd.s32 $0xFFFFF000  }
0x7b: {  	_ =	swait.ge [sflag:s28], $0x1000  }
0x7c: {  	[sflag:s28] =	ssyncset.done $0x0  }
0x7d: {  	[sflag:s28] =	ssyncadd.s32 $0xFFFFF000  }
0x7e: {  	_ =	swait.ge [sflag:s28], $0x1000  }
0x7f: {  	[sflag:s28] =	ssyncset.done $0x0  }
0x80: {  	[sflag:s28] =	ssyncadd.s32 $0xFFFFF000  }
0x81: {  	_ =	swait.ge [sflag:s28], $0x1000  }
0x82: {  	[sflag:s28] =	ssyncset.done $0x0  }
0x83: {  	[sflag:s28] =	ssyncadd.s32 $0xFFFFF000  }
.Ltmp0:
0x84: {  	_ =	swait.ge [sflag:s28], $0x1000;
	(pc) =	sbr.rel @p0 .LBB2_2-.Ltmp0, $4  }
0x85: {  	[sflag:s28] =	ssyncset.done $0x0  }
0x86: {  	[sflag:s28] =	ssyncadd.s32 $0xFFFFF000  }
0x87: {  	_ =	swait.ge [sflag:s28], $0x1000  }
0x88: {  	s31 =	smov.u32 s1;
	[sflag:s28] =	ssyncset.done $0x0  }
0x89: {  	s0 =	sadd.s32 s30, s17;
	[sflag:s28] =	ssyncadd.s32 $0xFFFFF000  }
0x8a: {  	[tilespmem:s3], [sflag:$0x2] =	stream.linear.gather [hbm4b:s0+s3], $0x400, $0x38;
	[tilespmem:$0x9300] =	vst v63  }
0x8b: {  	_ =	swait.ge [sflag:s19], $0x400  }
0x8c: {  	[sflag:s19] =	ssyncset.done $0x0  }
0x8d: {  	[sflag:s19] =	ssyncadd.s32 $0xFFFFFC00  }
0x8e: {  	[spmem:s2] =	stream.indirect.scatter.add.f32 [tilespmem:s18], [sflag:$0x1], $0x20, s3, s20, $0xb8;
	[tilespmem:$0x9300] =	vst v63  }
0x8f: {  	_ = 	snop  }
0x90: {  	[spmem:s2] =	stream.indirect.scatter.add.f32 [tilespmem:s18], [sflag:$0x1], $0x20, s20, s20, $0xb8;
	[tilespmem:$0x9300] =	vst v63  }
0x91: {  	_ = 	snop  }
0x92: {  	[spmem:s2] =	stream.indirect.scatter.add.f32 [tilespmem:s18], [sflag:$0x1], $0x20, s21, s20, $0xb8;
	[tilespmem:$0x9300] =	vst v63  }
0x93: {  	_ = 	snop  }
0x94: {  	[spmem:s2] =	stream.indirect.scatter.add.f32 [tilespmem:s18], [sflag:$0x1], $0x20, s22, s20, $0xb8;
	[tilespmem:$0x9300] =	vst v63  }
0x95: {  	_ = 	snop  }
0x96: {  	[spmem:s2] =	stream.indirect.scatter.add.f32 [tilespmem:s18], [sflag:$0x1], $0x20, s23, s20, $0xb8;
	[tilespmem:$0x9300] =	vst v63  }
0x97: {  	_ = 	snop  }
0x98: {  	[spmem:s2] =	stream.indirect.scatter.add.f32 [tilespmem:s18], [sflag:$0x1], $0x20, s24, s20, $0xb8;
	[tilespmem:$0x9300] =	vst v63  }
0x99: {  	_ = 	snop  }
0x9a: {  	[spmem:s2] =	stream.indirect.scatter.add.f32 [tilespmem:s18], [sflag:$0x1], $0x20, s25, s20, $0xb8;
	[tilespmem:$0x9300] =	vst v63  }
0x9b: {  	_ = 	snop  }
0x9c: {  	[spmem:s2] =	stream.indirect.scatter.add.f32 [tilespmem:s18], [sflag:$0x1], $0x20, s26, s20, $0xb8;
	[tilespmem:$0x9300] =	vst v63  }
0x9d: {  	_ =	swait.ge [sflag:s28], $0x1000  }
0x9e: {  	[sflag:s28] =	ssyncset.done $0x0  }
0x9f: {  	[sflag:s28] =	ssyncadd.s32 $0xFFFFF000  }
0xa0: {  	_ =	swait.ge [sflag:s28], $0x1000  }
0xa1: {  	[sflag:s28] =	ssyncset.done $0x0  }
0xa2: {  	[sflag:s28] =	ssyncadd.s32 $0xFFFFF000  }
0xa3: {  	_ =	swait.ge [sflag:s28], $0x1000  }
0xa4: {  	[sflag:s28] =	ssyncset.done $0x0  }
0xa5: {  	[sflag:s28] =	ssyncadd.s32 $0xFFFFF000  }
0xa6: {  	_ =	swait.ge [sflag:s28], $0x1000  }
0xa7: {  	[sflag:s28] =	ssyncset.done $0x0  }
0xa8: {  	[sflag:s28] =	ssyncadd.s32 $0xFFFFF000  }
0xa9: {  	_ =	swait.ge [sflag:s28], $0x1000  }
0xaa: {  	[sflag:s28] =	ssyncset.done $0x0  }
0xab: {  	[sflag:s28] =	ssyncadd.s32 $0xFFFFF000  }
0xac: {  	_ =	swait.ge [sflag:s28], $0x1000  }
0xad: {  	[sflag:s28] =	ssyncset.done $0x0  }
0xae: {  	[sflag:s28] =	ssyncadd.s32 $0xFFFFF000  }
0xaf: {  	_ =	swait.ge [sflag:s28], $0x1000  }
0xb0: {  	[sflag:s28] =	ssyncset.done $0x0  }
0xb1: {  	[sflag:s28] =	ssyncadd.s32 $0xFFFFF000  }
0xb2: {  	_ =	swait.ge [sflag:s28], $0x1000  }
0xb3: {  	[sflag:s28] =	ssyncset.done $0x0  }
0xb4: {  	[sflag:s28] =	ssyncadd.s32 $0xFFFFF000  }
0xb5: {  	[bflag:$0x0] =	sbarrier.arrive $0xFFFF  }
0xb6: {  	[tilespmem:s18], [sflag:$0x2] =	stream.linear.gather [spmem:s6], $0x4000, $0x38;
	[tilespmem:$0x9300] =	vst v63  }
0xb7: {  	_ =	swait.ge [sflag:s19], $0x4000  }
0xb8: {  	[sflag:s19] =	ssyncset.done $0x0  }
0xb9: {  	[sflag:s19] =	ssyncadd.s32 $0xFFFFC000  }
0xba: {  	[hbm4b:s11+s3] =	stream.linear.scatter [tilespmem:s18], [sflag:$0x2], $0x4000, $0x38;
	[tilespmem:$0x9300] =	vst v63  }
0xbb: {  	_ =	swait.ge [sflag:s19], $0x4000  }
0xbc: {  	[sflag:s19] =	ssyncset.done $0x0  }
0xbd: {  	[sflag:s19] =	ssyncadd.s32 $0xFFFFC000  }
0xbe: {  	[tilespmem:s18], [sflag:$0x2] =	stream.linear.gather [spmem:s7], $0x4000, $0x38;
	[tilespmem:$0x9300] =	vst v63  }
0xbf: {  	_ =	swait.ge [sflag:s19], $0x4000  }
0xc0: {  	[sflag:s19] =	ssyncset.done $0x0  }
0xc1: {  	[sflag:s19] =	ssyncadd.s32 $0xFFFFC000  }
0xc2: {  	[hbm4b:s12+s3] =	stream.linear.scatter [tilespmem:s18], [sflag:$0x2], $0x4000, $0x38;
	[tilespmem:$0x9300] =	vst v63  }
0xc3: {  	_ =	swait.ge [sflag:s19], $0x4000  }
0xc4: {  	[sflag:s19] =	ssyncset.done $0x0  }
0xc5: {  	[sflag:s19] =	ssyncadd.s32 $0xFFFFC000  }
0xc6: {  	[tilespmem:s18], [sflag:$0x2] =	stream.linear.gather [spmem:s8], $0x4000, $0x38;
	[tilespmem:$0x9300] =	vst v63  }
0xc7: {  	_ =	swait.ge [sflag:s19], $0x4000  }
0xc8: {  	[sflag:s19] =	ssyncset.done $0x0  }
0xc9: {  	[sflag:s19] =	ssyncadd.s32 $0xFFFFC000  }
0xca: {  	[hbm4b:s13+s3] =	stream.linear.scatter [tilespmem:s18], [sflag:$0x2], $0x4000, $0x38;
	[tilespmem:$0x9300] =	vst v63  }
0xcb: {  	_ =	swait.ge [sflag:s19], $0x4000  }
0xcc: {  	[sflag:s19] =	ssyncset.done $0x0  }
0xcd: {  	[sflag:s19] =	ssyncadd.s32 $0xFFFFC000  }
0xce: {  	[tilespmem:s18], [sflag:$0x2] =	stream.linear.gather [spmem:s9], $0x4000, $0x38;
	[tilespmem:$0x9300] =	vst v63  }
0xcf: {  	_ =	swait.ge [sflag:s19], $0x4000  }
0xd0: {  	[sflag:s19] =	ssyncset.done $0x0  }
0xd1: {  	[sflag:s19] =	ssyncadd.s32 $0xFFFFC000  }
0xd2: {  	[hbm4b:s14+s3] =	stream.linear.scatter [tilespmem:s18], [sflag:$0x2], $0x4000, $0x38;
	[tilespmem:$0x9300] =	vst v63  }
0xd3: {  	_ =	swait.ge [sflag:s19], $0x4000  }
0xd4: {  	[sflag:s19] =	ssyncset.done $0x0  }
0xd5: {  	[sflag:s19] =	ssyncadd.s32 $0xFFFFC000  }
0xd6: {  	[tilespmem:s18], [sflag:$0x2] =	stream.linear.gather [spmem:s10], $0x3C00, $0x38;
	[tilespmem:$0x9300] =	vst v63  }
0xd7: {  	s29 =	sadd.s32 $0x1, s29;
	_ =	swait.ge [sflag:s19], $0x3C00  }
0xd8: {  	p0 =	sne.s32 s29, s16;
	[sflag:s19] =	ssyncset.done $0x0  }
.Ltmp1:
0xd9: {  	[sflag:s19] =	ssyncadd.s32 $0xFFFFC400;
	(pc) =	sbr.rel @p0 .LBB2_1-.Ltmp1, $4  }
0xda: {  	[hbm4b:s15+s3] =	stream.linear.scatter [tilespmem:s18], [sflag:$0x2], $0x3C00, $0x38;
	[tilespmem:$0x9300] =	vst v63  }
0xdb: {  	_ =	swait.ge [sflag:s19], $0x3C00  }
0xdc: {  	[sflag:s19] =	ssyncset.done $0x0  }
0xdd: {  	[sflag:s19] =	ssyncadd.s32 $0xFFFFC400  }
0xde: {  	_ =	sfence.sel $0x180000  }
0xdf: {  	[bflag:$0x0] =	sbarrier.arrive $0xFFFF  }
0xe0: {  	_ =	strace $0x9000004A  }
0xe1: {  	s0 =	stileid.u32;
	[bflag:$0x2] =	sbarrier.arrive $0xFFFF  }
0xe2: {  	p0 =	sne.s32 s0, $0x0;
	s0 =	rddreg [dreg:$0x2]  }
0xe3: {  	s0 =	sadd.s32 @!p0 $0x100000, s0  }
0xe4: {  	[sflag:s0] =	ssyncadd.tile.s32 @!p0 $0x1;
	_ =	shalt  }
.Lfunc_end2:
_tile_overlayer_lowered:
.L_overlay_start_2:
0xe5: {  	(tag) =	ssettag $0x2  }
0xe6: {  	s0 =	rddreg [dreg:$0x0];
	s2 =	stileid.u32  }
0xe7: {  	s1 =	rddreg [dreg:$0x1];
	p0 =	sne.s32 s2, $0x0  }
0xe8: {  	s3 =	rddreg [dreg:$0x2];
	[bflag:$0x3] =	sbarrier.arrive $0xFFFF;
	s2 =	simm.s32 @!p0 $0x1C02  }
0xe9: {  	[timem:s3], [sflag:s2] =	dma.local @!p0 [hbm:s0], s1  }
0xea: {  	s0 =	simm.s32 @!p0 $0x2  }
0xeb: {  	_ =	swait.ge @!p0 [sflag:s0], s1  }
0xec: {  	s1 =	ssub.s32 @!p0 $0x0, s1;
	[sflag:s0] =	ssyncset.done @!p0 $0x0  }
0xed: {  	[sflag:s0] =	ssyncadd.s32 @!p0 s1  }
0xee: {  	[bflag:$0x3] =	sbarrier.arrive $0xFFFF  }
0xef: {  	_ =	shalt  }

</sc_bundles>
